<compile_context>
chip_gen: v7x
topology: tpu7x:2x2x1
jax: 0.10.2.dev20260603
libtpu: 0.0.44.dev20260713+nightly
codegen_flags: <defaults>
</compile_context>

<pallas_src>
import functools

import jax
import jax.numpy as jnp
from jax import lax
from jax.experimental import pallas as pl
from jax.experimental.pallas import tpu as pltpu
from jax.experimental.pallas import tpu_sc as plsc

NSEG = 1024
LANES = 16
NCORES = 2
NSUB = 16
CPP = 6
NPASS = 2


@functools.lru_cache(maxsize=None)
def _build(nbatch, nchan, npix, chunk):
    assert npix % (2 * chunk) == 0 and chunk % (2 * LANES) == 0
    nworkers = NCORES * NSUB
    groups = nworkers // nbatch
    ch_per_group = nchan // groups
    assert ch_per_group == CPP * NPASS
    nchunks = npix // chunk
    vregs = chunk // LANES

    mesh = plsc.VectorSubcoreMesh(
        core_axis_name="c", subcore_axis_name="s",
        num_cores=NCORES, num_subcores=NSUB)

    def body(img, spx, out, lab0, val0, lab1, val1, res, sem0, sem1, *accs):
        cid = lax.axis_index("c")
        sid = lax.axis_index("s")
        wid = sid * NCORES + cid
        b = wid // groups
        grp = wid % groups
        ch_base = grp * ch_per_group

        lane = lax.iota(jnp.int32, LANES)
        neg = jnp.full((LANES,), -jnp.inf, dtype=jnp.float32)

        for p in range(NPASS):
            ch0 = ch_base + p * CPP

            def init_body(k, carry):
                for a in accs:
                    a[k, pl.ds(0, LANES)] = neg
                return carry
            lax.fori_loop(0, NSEG, init_body, 0)

            def copies(t, lb_buf, vl_buf, sem):
                off = t * chunk
                return (
                    pltpu.make_async_copy(
                        spx.at[b, pl.ds(off, chunk)], lb_buf, sem),
                    pltpu.make_async_copy(
                        img.at[b, pl.ds(ch0, CPP), pl.ds(off, chunk)],
                        vl_buf, sem),
                )

            def start(t, lb_buf, vl_buf, sem):
                for d in copies(t, lb_buf, vl_buf, sem):
                    d.start()

            def wait(t, lb_buf, vl_buf, sem):
                for d in copies(t, lb_buf, vl_buf, sem):
                    d.wait()

            def compute(lab, val, unroll=4):
                def inner(i, c2):
                    base = unroll * i * LANES
                    prev_lb = None
                    prev_news = None
                    for h in range(unroll):
                        off = base + h * LANES
                        lb = lab[pl.ds(off, LANES)]
                        vs = [val[c, pl.ds(off, LANES)]
                              for c in range(CPP)]
                        if prev_news is not None:
                            for c in range(CPP):
                                plsc.store_scatter(
                                    accs[c], [prev_lb, lane], prev_news[c])
                        curs = [plsc.load_gather(accs[c], [lb, lane])
                                for c in range(CPP)]
                        prev_news = [jnp.maximum(curs[c], vs[c])
                                     for c in range(CPP)]
                        prev_lb = lb
                    for c in range(CPP):
                        plsc.store_scatter(accs[c], [prev_lb, lane],
                                           prev_news[c])
                    return c2
                lax.fori_loop(0, vregs // unroll, inner, 0)

            start(0, lab0, val0, sem0)

            def chunk_body(u, carry):
                t0 = 2 * u
                wait(t0, lab0, val0, sem0)
                start(t0 + 1, lab1, val1, sem1)
                compute(lab0, val0)
                wait(t0 + 1, lab1, val1, sem1)

                @pl.when(u + 1 < nchunks // 2)
                def _():
                    start(t0 + 2, lab0, val0, sem0)
                compute(lab1, val1)
                return carry
            lax.fori_loop(0, nchunks // 2, chunk_body, 0)

            for c in range(CPP):
                a = accs[c]

                def red_blk(kb, carry, a=a):
                    row = kb * LANES + lane
                    m = plsc.load_gather(a, [row, lane])
                    for j in range(1, LANES):
                        col = jnp.bitwise_and(lane + j, LANES - 1)
                        g = plsc.load_gather(a, [row, col])
                        m = jnp.maximum(m, g)
                    res[pl.ds(kb * LANES, LANES)] = m
                    return carry
                lax.fori_loop(0, NSEG // LANES, red_blk, 0)
                pltpu.sync_copy(res, out.at[b, ch0 + c])

    run = pl.kernel(
        body,
        out_type=jax.ShapeDtypeStruct((nbatch, nchan, NSEG), jnp.float32),
        mesh=mesh,
        compiler_params=pltpu.CompilerParams(
            use_tc_tiling_on_sc=False, needs_layout_passes=False),
        scratch_types=[
            pltpu.VMEM((chunk,), jnp.int32),
            pltpu.VMEM((CPP, chunk), jnp.float32),
            pltpu.VMEM((chunk,), jnp.int32),
            pltpu.VMEM((CPP, chunk), jnp.float32),
            pltpu.VMEM((NSEG,), jnp.float32),
            pltpu.SemaphoreType.DMA,
            pltpu.SemaphoreType.DMA,
        ] + [pltpu.VMEM((NSEG, LANES), jnp.float32)] * CPP,
    )
    return run


def kernel(img, spx):
    B, C, H, W = img.shape
    imgf = img.reshape(B, C, H * W)
    spxf = spx.reshape(B, H * W).astype(jnp.int32)
    run = _build(B, C, H * W, 2048)
    return run(imgf, spxf)

# --- scband reference (transcript-rebuilt; emitter-appended) ---
"""Pipeline reference for scband-sup-pix-pool-48112223650028 (READ-ONLY COPY).

The authoritative reference and input builder live on the scoring server;
editing this copy changes nothing except your own understanding.
"""

import jax, jax.numpy as jnp
import numpy as np

K = 1024  # number of superpixels; original computes K = len(unique(spx)); with randint labels in [0, K) over 147k pixels all K labels occur


def setup_inputs(seed: int = 0) -> dict:
    key = jax.random.key(seed)
    k1, k2 = jax.random.split(key)
    img = jax.random.normal(k1, (4, 96, 384, 384), dtype=jnp.float32)
    spx = jax.random.randint(k2, (4, 384, 384), 0, K, dtype=jnp.int32)
    return {"img": img, "spx": spx}


def reference(img, spx):
    # Superpixel max-pooling: for each batch b and channel c, take the max of
    # img[b, c] over all pixels sharing the same superpixel label spx[b].
    # Output: [B, C, K]
    B, C, H, W = img.shape
    flat = img.reshape(B, C, H * W)
    seg = spx.reshape(B, H * W).astype(jnp.int32)

    def pool_channel(x, s):
        # x: [H*W] float, s: [H*W] int -> [K]
        return jax.ops.segment_max(x, s, num_segments=K)

    def pool_image(xc, s):
        # xc: [C, H*W], s: [H*W] -> [C, K]
        return jax.vmap(lambda x: pool_channel(x, s))(xc)

    pooled = jax.vmap(pool_image)(flat, seg)  # [B, C, K]
    return pooled

if __name__ == "__main__":
    import jax
    _d = setup_inputs()
    print(jax.jit(kernel)(*tuple(_d.values())))

</pallas_src>

<mosaic_0001>
#map = affine_map<(d0, d1) -> (0, 0, 0)>
#map1 = affine_map<(d0, d1) -> (0, 0)>
module attributes {stable_mosaic.version = 14 : i64} {
  func.func @body(%arg0: i32, %arg1: i32, %arg2: memref<4x96x147456xf32, #tpu.memory_space<hbm>>, %arg3: memref<4x147456xi32, #tpu.memory_space<hbm>>, %arg4: memref<4x96x1024xf32, #tpu.memory_space<hbm>>, %arg5: memref<2048xi32, #tpu.memory_space<vmem>>, %arg6: memref<6x2048xf32, #tpu.memory_space<vmem>>, %arg7: memref<2048xi32, #tpu.memory_space<vmem>>, %arg8: memref<6x2048xf32, #tpu.memory_space<vmem>>, %arg9: memref<1024xf32, #tpu.memory_space<vmem>>, %arg10: memref<!tpu.dma_semaphore, #tpu.memory_space<semaphore_mem>>, %arg11: memref<!tpu.dma_semaphore, #tpu.memory_space<semaphore_mem>>, %arg12: memref<1024x16xf32, #tpu.memory_space<vmem>>, %arg13: memref<1024x16xf32, #tpu.memory_space<vmem>>, %arg14: memref<1024x16xf32, #tpu.memory_space<vmem>>, %arg15: memref<1024x16xf32, #tpu.memory_space<vmem>>, %arg16: memref<1024x16xf32, #tpu.memory_space<vmem>>, %arg17: memref<1024x16xf32, #tpu.memory_space<vmem>>) attributes {dimension_semantics = [#tpu.dimension_semantics<core_parallel>, #tpu.dimension_semantics<subcore_parallel>], iteration_bounds = array<i64: 2, 16>, scalar_prefetch = 0 : i64, scratch_operands = 13 : i64, tpu.core_type = #tpu.core_type<sc_vector_subcore>, window_params = [{transform_indices = #map}, {transform_indices = #map1}, {transform_indices = #map}]} {
    %mul3A = arith.constant 2 : i32
    %mul3A_0 = arith.muli %arg1, %mul3A : i32
    %add3A = arith.addi %mul3A_0, %arg0 : i32
    %jit3A = arith.constant 8 : i32
    %div3A = arith.divsi %add3A, %jit3A : i32
    %sign3A = arith.constant 0 : i32
    %sign3A_1 = arith.cmpi sgt, %add3A, %sign3A : i32
    %sign3A_2 = arith.extui %sign3A_1 : i1 to i32
    %sign3A_3 = arith.constant 0 : i32
    %sign3A_4 = arith.cmpi slt, %add3A, %sign3A_3 : i32
    %sign3A_5 = arith.extui %sign3A_4 : i1 to i32
    %sign3A_6 = arith.subi %sign3A_2, %sign3A_5 : i32
    %sign3A_7 = arith.constant 0 : i32
    %sign3A_8 = arith.cmpi sgt, %jit3A, %sign3A_7 : i32
    %sign3A_9 = arith.extui %sign3A_8 : i1 to i32
    %sign3A_10 = arith.constant 0 : i32
    %sign3A_11 = arith.cmpi slt, %jit3A, %sign3A_10 : i32
    %sign3A_12 = arith.extui %sign3A_11 : i1 to i32
    %sign3A_13 = arith.subi %sign3A_9, %sign3A_12 : i32
    %ne3A = arith.cmpi ne, %sign3A_6, %sign3A_13 : i32
    %rem3A = arith.remsi %add3A, %jit3A : i32
    %ne3A_14 = arith.constant 0 : i32
    %ne3A_15 = arith.cmpi ne, %rem3A, %ne3A_14 : i32
    %and3A = arith.andi %ne3A, %ne3A_15 : i1
    %sub3A = arith.constant 1 : i32
    %sub3A_16 = arith.subi %div3A, %sub3A : i32
    %select_n3A = arith.select %and3A, %sub3A_16, %div3A : i32
    %jit3A_17 = arith.constant 8 : i32
    %eq3A = arith.constant 0 : i32
    %eq3A_18 = arith.cmpi eq, %jit3A_17, %eq3A : i32
    %jit3A_19 = arith.constant 1 : i32
    %select_n3A_20 = arith.select %eq3A_18, %jit3A_19, %jit3A_17 : i32
    %rem3A_21 = arith.remsi %add3A, %select_n3A_20 : i32
    %ne3A_22 = arith.constant 0 : i32
    %ne3A_23 = arith.cmpi ne, %rem3A_21, %ne3A_22 : i32
    %lt3A = arith.constant 0 : i32
    %lt3A_24 = arith.cmpi slt, %rem3A_21, %lt3A : i32
    %lt3A_25 = arith.constant 0 : i32
    %lt3A_26 = arith.cmpi slt, %select_n3A_20, %lt3A_25 : i32
    %ne3A_27 = arith.xori %lt3A_24, %lt3A_26 : i1
    %and3A_28 = arith.andi %ne3A_27, %ne3A_23 : i1
    %add3A_29 = arith.addi %rem3A_21, %select_n3A_20 : i32
    %select_n3A_30 = arith.select %and3A_28, %add3A_29, %rem3A_21 : i32
    %mul3A_31 = arith.constant 12 : i32
    %mul3A_32 = arith.muli %select_n3A_30, %mul3A_31 : i32
    %iota3A = tpu.iota {dimensions = array<i32: 0>} : vector<16xi32>
    %broadcast_in_dim3A = arith.constant 0xFF800000 : f32
    %broadcast_in_dim3A_33 = vector.broadcast %broadcast_in_dim3A : f32 to vector<16xf32>
    %add3A_34 = arith.constant 0 : i32
    %add3A_35 = arith.addi %mul3A_32, %add3A_34 : i32
    %scan3A = arith.constant 0 : i32
    %scan3A_36 = arith.constant 0 : i32
    %scan3A_37 = arith.constant 1024 : i32
    %scan3A_38 = arith.addi %scan3A_36, %scan3A_37 : i32
    %scan3A_39 = arith.constant 1 : i32
    scf.for %scan3A_180 = %scan3A_36 to %scan3A_38 step %scan3A_39  : i32 {
      %swap3A = arith.index_cast %scan3A_180 : i32 to index
      %swap3A_181 = arith.constant 0 : index
      %swap3A_182 = tpu.vector_load %arg12[%swap3A, %swap3A_181] {strides = array<i32>} : memref<1024x16xf32, #tpu.memory_space<vmem>>, vector<16xf32>,
      tpu.vector_store %arg12[%swap3A, %swap3A_181], %broadcast_in_dim3A_33 {strides = array<i32>} : memref<1024x16xf32, #tpu.memory_space<vmem>>, vector<16xf32>,
      %swap3A_183 = arith.index_cast %scan3A_180 : i32 to index
      %swap3A_184 = arith.constant 0 : index
      %swap3A_185 = tpu.vector_load %arg13[%swap3A_183, %swap3A_184] {strides = array<i32>} : memref<1024x16xf32, #tpu.memory_space<vmem>>, vector<16xf32>,
      tpu.vector_store %arg13[%swap3A_183, %swap3A_184], %broadcast_in_dim3A_33 {strides = array<i32>} : memref<1024x16xf32, #tpu.memory_space<vmem>>, vector<16xf32>,
      %swap3A_186 = arith.index_cast %scan3A_180 : i32 to index
      %swap3A_187 = arith.constant 0 : index
      %swap3A_188 = tpu.vector_load %arg14[%swap3A_186, %swap3A_187] {strides = array<i32>} : memref<1024x16xf32, #tpu.memory_space<vmem>>, vector<16xf32>,
      tpu.vector_store %arg14[%swap3A_186, %swap3A_187], %broadcast_in_dim3A_33 {strides = array<i32>} : memref<1024x16xf32, #tpu.memory_space<vmem>>, vector<16xf32>,
      %swap3A_189 = arith.index_cast %scan3A_180 : i32 to index
      %swap3A_190 = arith.constant 0 : index
      %swap3A_191 = tpu.vector_load %arg15[%swap3A_189, %swap3A_190] {strides = array<i32>} : memref<1024x16xf32, #tpu.memory_space<vmem>>, vector<16xf32>,
      tpu.vector_store %arg15[%swap3A_189, %swap3A_190], %broadcast_in_dim3A_33 {strides = array<i32>} : memref<1024x16xf32, #tpu.memory_space<vmem>>, vector<16xf32>,
      %swap3A_192 = arith.index_cast %scan3A_180 : i32 to index
      %swap3A_193 = arith.constant 0 : index
      %swap3A_194 = tpu.vector_load %arg16[%swap3A_192, %swap3A_193] {strides = array<i32>} : memref<1024x16xf32, #tpu.memory_space<vmem>>, vector<16xf32>,
      tpu.vector_store %arg16[%swap3A_192, %swap3A_193], %broadcast_in_dim3A_33 {strides = array<i32>} : memref<1024x16xf32, #tpu.memory_space<vmem>>, vector<16xf32>,
      %swap3A_195 = arith.index_cast %scan3A_180 : i32 to index
      %swap3A_196 = arith.constant 0 : index
      %swap3A_197 = tpu.vector_load %arg17[%swap3A_195, %swap3A_196] {strides = array<i32>} : memref<1024x16xf32, #tpu.memory_space<vmem>>, vector<16xf32>,
      tpu.vector_store %arg17[%swap3A_195, %swap3A_196], %broadcast_in_dim3A_33 {strides = array<i32>} : memref<1024x16xf32, #tpu.memory_space<vmem>>, vector<16xf32>,
    }
    %scan3A_40 = arith.constant 1024 : i32
    %dma_start3A = arith.constant 0 : i32
    %dma_start3A_41 = tpu.memref_slice %arg3[%select_n3A, %dma_start3A] : memref<4x147456xi32, #tpu.memory_space<hbm>> -> memref<1x2048xi32, #tpu.memory_space<hbm>>
    %dma_start3A_42 = tpu.memref_squeeze %dma_start3A_41 : memref<1x2048xi32, #tpu.memory_space<hbm>> -> memref<2048xi32, #tpu.memory_space<hbm>>
    %dma_start3A_43 = arith.constant 0 : i32
    %dma_start3A_44 = tpu.memref_slice %arg3[%select_n3A, %dma_start3A_43] : memref<4x147456xi32, #tpu.memory_space<hbm>> -> memref<1x2048xi32, #tpu.memory_space<hbm>>
    %dma_start3A_45 = tpu.memref_squeeze %dma_start3A_44 : memref<1x2048xi32, #tpu.memory_space<hbm>> -> memref<2048xi32, #tpu.memory_space<hbm>>
    tpu.enqueue_dma source(%dma_start3A_45 : memref<2048xi32, #tpu.memory_space<hbm>>) target(%arg5 : memref<2048xi32, #tpu.memory_space<vmem>>) target_semaphore(%arg10 : memref<!tpu.dma_semaphore, #tpu.memory_space<semaphore_mem>>)
    %dma_start3A_46 = arith.constant 0 : i32
    %dma_start3A_47 = tpu.memref_slice %arg2[%select_n3A, %add3A_35, %dma_start3A_46] : memref<4x96x147456xf32, #tpu.memory_space<hbm>> -> memref<1x6x2048xf32, #tpu.memory_space<hbm>>
    %dma_start3A_48 = tpu.memref_squeeze %dma_start3A_47 : memref<1x6x2048xf32, #tpu.memory_space<hbm>> -> memref<6x2048xf32, #tpu.memory_space<hbm>>
    %dma_start3A_49 = arith.constant 0 : i32
    %dma_start3A_50 = tpu.memref_slice %arg2[%select_n3A, %add3A_35, %dma_start3A_49] : memref<4x96x147456xf32, #tpu.memory_space<hbm>> -> memref<1x6x2048xf32, #tpu.memory_space<hbm>>
    %dma_start3A_51 = tpu.memref_squeeze %dma_start3A_50 : memref<1x6x2048xf32, #tpu.memory_space<hbm>> -> memref<6x2048xf32, #tpu.memory_space<hbm>>
    tpu.enqueue_dma source(%dma_start3A_51 : memref<6x2048xf32, #tpu.memory_space<hbm>>) target(%arg6 : memref<6x2048xf32, #tpu.memory_space<vmem>>) target_semaphore(%arg10 : memref<!tpu.dma_semaphore, #tpu.memory_space<semaphore_mem>>)
    %scan3A_52 = arith.constant 0 : i32
    %scan3A_53 = arith.constant 0 : i32
    %scan3A_54 = arith.constant 36 : i32
    %scan3A_55 = arith.addi %scan3A_53, %scan3A_54 : i32
    %scan3A_56 = arith.constant 1 : i32
    scf.for %scan3A_180 = %scan3A_53 to %scan3A_55 step %scan3A_56  : i32 {
      %mul3A_181 = arith.constant 2 : i32
      %mul3A_182 = arith.muli %mul3A_181, %scan3A_180 : i32
      %mul3A_183 = arith.constant 2048 : i32
      %mul3A_184 = arith.muli %mul3A_182, %mul3A_183 : i32
      %dma_wait3A = tpu.memref_slice %arg3[%select_n3A, %mul3A_184] : memref<4x147456xi32, #tpu.memory_space<hbm>> -> memref<1x2048xi32, #tpu.memory_space<hbm>>
      %dma_wait3A_185 = tpu.memref_squeeze %dma_wait3A : memref<1x2048xi32, #tpu.memory_space<hbm>> -> memref<2048xi32, #tpu.memory_space<hbm>>
      %dma_wait3A_186 = tpu.memref_slice %arg3[%select_n3A, %mul3A_184] : memref<4x147456xi32, #tpu.memory_space<hbm>> -> memref<1x2048xi32, #tpu.memory_space<hbm>>
      %dma_wait3A_187 = tpu.memref_squeeze %dma_wait3A_186 : memref<1x2048xi32, #tpu.memory_space<hbm>> -> memref<2048xi32, #tpu.memory_space<hbm>>
      tpu.wait_dma2 semaphore(%arg10 : memref<!tpu.dma_semaphore, #tpu.memory_space<semaphore_mem>>) src(%dma_wait3A_187 : memref<2048xi32, #tpu.memory_space<hbm>>) dst(%arg5 : memref<2048xi32, #tpu.memory_space<vmem>>)
      %dma_wait3A_188 = tpu.memref_slice %arg2[%select_n3A, %add3A_35, %mul3A_184] : memref<4x96x147456xf32, #tpu.memory_space<hbm>> -> memref<1x6x2048xf32, #tpu.memory_space<hbm>>
      %dma_wait3A_189 = tpu.memref_squeeze %dma_wait3A_188 : memref<1x6x2048xf32, #tpu.memory_space<hbm>> -> memref<6x2048xf32, #tpu.memory_space<hbm>>
      %dma_wait3A_190 = tpu.memref_slice %arg2[%select_n3A, %add3A_35, %mul3A_184] : memref<4x96x147456xf32, #tpu.memory_space<hbm>> -> memref<1x6x2048xf32, #tpu.memory_space<hbm>>
      %dma_wait3A_191 = tpu.memref_squeeze %dma_wait3A_190 : memref<1x6x2048xf32, #tpu.memory_space<hbm>> -> memref<6x2048xf32, #tpu.memory_space<hbm>>
      tpu.wait_dma2 semaphore(%arg10 : memref<!tpu.dma_semaphore, #tpu.memory_space<semaphore_mem>>) src(%dma_wait3A_191 : memref<6x2048xf32, #tpu.memory_space<hbm>>) dst(%arg6 : memref<6x2048xf32, #tpu.memory_space<vmem>>)
      %add3A_192 = arith.constant 1 : i32
      %add3A_193 = arith.addi %mul3A_182, %add3A_192 : i32
      %mul3A_194 = arith.constant 2048 : i32
      %mul3A_195 = arith.muli %add3A_193, %mul3A_194 : i32
      %dma_start3A_196 = tpu.memref_slice %arg3[%select_n3A, %mul3A_195] : memref<4x147456xi32, #tpu.memory_space<hbm>> -> memref<1x2048xi32, #tpu.memory_space<hbm>>
      %dma_start3A_197 = tpu.memref_squeeze %dma_start3A_196 : memref<1x2048xi32, #tpu.memory_space<hbm>> -> memref<2048xi32, #tpu.memory_space<hbm>>
      %dma_start3A_198 = tpu.memref_slice %arg3[%select_n3A, %mul3A_195] : memref<4x147456xi32, #tpu.memory_space<hbm>> -> memref<1x2048xi32, #tpu.memory_space<hbm>>
      %dma_start3A_199 = tpu.memref_squeeze %dma_start3A_198 : memref<1x2048xi32, #tpu.memory_space<hbm>> -> memref<2048xi32, #tpu.memory_space<hbm>>
      tpu.enqueue_dma source(%dma_start3A_199 : memref<2048xi32, #tpu.memory_space<hbm>>) target(%arg7 : memref<2048xi32, #tpu.memory_space<vmem>>) target_semaphore(%arg11 : memref<!tpu.dma_semaphore, #tpu.memory_space<semaphore_mem>>)
      %dma_start3A_200 = tpu.memref_slice %arg2[%select_n3A, %add3A_35, %mul3A_195] : memref<4x96x147456xf32, #tpu.memory_space<hbm>> -> memref<1x6x2048xf32, #tpu.memory_space<hbm>>
      %dma_start3A_201 = tpu.memref_squeeze %dma_start3A_200 : memref<1x6x2048xf32, #tpu.memory_space<hbm>> -> memref<6x2048xf32, #tpu.memory_space<hbm>>
      %dma_start3A_202 = tpu.memref_slice %arg2[%select_n3A, %add3A_35, %mul3A_195] : memref<4x96x147456xf32, #tpu.memory_space<hbm>> -> memref<1x6x2048xf32, #tpu.memory_space<hbm>>
      %dma_start3A_203 = tpu.memref_squeeze %dma_start3A_202 : memref<1x6x2048xf32, #tpu.memory_space<hbm>> -> memref<6x2048xf32, #tpu.memory_space<hbm>>
      tpu.enqueue_dma source(%dma_start3A_203 : memref<6x2048xf32, #tpu.memory_space<hbm>>) target(%arg8 : memref<6x2048xf32, #tpu.memory_space<vmem>>) target_semaphore(%arg11 : memref<!tpu.dma_semaphore, #tpu.memory_space<semaphore_mem>>)
      %scan3A_204 = arith.constant 0 : i32
      %scan3A_205 = arith.constant 0 : i32
      %scan3A_206 = arith.constant 32 : i32
      %scan3A_207 = arith.addi %scan3A_205, %scan3A_206 : i32
      %scan3A_208 = arith.constant 1 : i32
      scf.for %scan3A_233 = %scan3A_205 to %scan3A_207 step %scan3A_208  : i32 {
        %mul3A_234 = arith.constant 4 : i32
        %mul3A_235 = arith.muli %mul3A_234, %scan3A_233 : i32
        %mul3A_236 = arith.constant 16 : i32
        %mul3A_237 = arith.muli %mul3A_235, %mul3A_236 : i32
        %add3A_238 = arith.constant 0 : i32
        %add3A_239 = arith.addi %mul3A_237, %add3A_238 : i32
        %get3A = arith.index_cast %add3A_239 : i32 to index
        %get3A_240 = tpu.vector_load %arg5[%get3A] {strides = array<i32>} : memref<2048xi32, #tpu.memory_space<vmem>>, vector<16xi32>,
        %get3A_241 = arith.constant 0 : i32
        %get3A_242 = arith.index_cast %get3A_241 : i32 to index
        %get3A_243 = arith.index_cast %add3A_239 : i32 to index
        %get3A_244 = tpu.vector_load %arg6[%get3A_242, %get3A_243] {strides = array<i32>} : memref<6x2048xf32, #tpu.memory_space<vmem>>, vector<16xf32>,
        %get3A_245 = arith.constant 1 : i32
        %get3A_246 = arith.index_cast %get3A_245 : i32 to index
        %get3A_247 = arith.index_cast %add3A_239 : i32 to index
        %get3A_248 = tpu.vector_load %arg6[%get3A_246, %get3A_247] {strides = array<i32>} : memref<6x2048xf32, #tpu.memory_space<vmem>>, vector<16xf32>,
        %get3A_249 = arith.constant 2 : i32
        %get3A_250 = arith.index_cast %get3A_249 : i32 to index
        %get3A_251 = arith.index_cast %add3A_239 : i32 to index
        %get3A_252 = tpu.vector_load %arg6[%get3A_250, %get3A_251] {strides = array<i32>} : memref<6x2048xf32, #tpu.memory_space<vmem>>, vector<16xf32>,
        %get3A_253 = arith.constant 3 : i32
        %get3A_254 = arith.index_cast %get3A_253 : i32 to index
        %get3A_255 = arith.index_cast %add3A_239 : i32 to index
        %get3A_256 = tpu.vector_load %arg6[%get3A_254, %get3A_255] {strides = array<i32>} : memref<6x2048xf32, #tpu.memory_space<vmem>>, vector<16xf32>,
        %get3A_257 = arith.constant 4 : i32
        %get3A_258 = arith.index_cast %get3A_257 : i32 to index
        %get3A_259 = arith.index_cast %add3A_239 : i32 to index
        %get3A_260 = tpu.vector_load %arg6[%get3A_258, %get3A_259] {strides = array<i32>} : memref<6x2048xf32, #tpu.memory_space<vmem>>, vector<16xf32>,
        %get3A_261 = arith.constant 5 : i32
        %get3A_262 = arith.index_cast %get3A_261 : i32 to index
        %get3A_263 = arith.index_cast %add3A_239 : i32 to index
        %get3A_264 = tpu.vector_load %arg6[%get3A_262, %get3A_263] {strides = array<i32>} : memref<6x2048xf32, #tpu.memory_space<vmem>>, vector<16xf32>,
        %gather3A = tpu.vector_load_idx %arg12[%get3A_240, %iota3A] : memref<1024x16xf32, #tpu.memory_space<vmem>>[vector<16xi32>, vector<16xi32>], vector<16xf32>,
        %gather3A_265 = tpu.vector_load_idx %arg13[%get3A_240, %iota3A] : memref<1024x16xf32, #tpu.memory_space<vmem>>[vector<16xi32>, vector<16xi32>], vector<16xf32>,
        %gather3A_266 = tpu.vector_load_idx %arg14[%get3A_240, %iota3A] : memref<1024x16xf32, #tpu.memory_space<vmem>>[vector<16xi32>, vector<16xi32>], vector<16xf32>,
        %gather3A_267 = tpu.vector_load_idx %arg15[%get3A_240, %iota3A] : memref<1024x16xf32, #tpu.memory_space<vmem>>[vector<16xi32>, vector<16xi32>], vector<16xf32>,
        %gather3A_268 = tpu.vector_load_idx %arg16[%get3A_240, %iota3A] : memref<1024x16xf32, #tpu.memory_space<vmem>>[vector<16xi32>, vector<16xi32>], vector<16xf32>,
        %gather3A_269 = tpu.vector_load_idx %arg17[%get3A_240, %iota3A] : memref<1024x16xf32, #tpu.memory_space<vmem>>[vector<16xi32>, vector<16xi32>], vector<16xf32>,
        %max3A = arith.maximumf %gather3A, %get3A_244 : vector<16xf32>
        %max3A_270 = arith.maximumf %gather3A_265, %get3A_248 : vector<16xf32>
        %max3A_271 = arith.maximumf %gather3A_266, %get3A_252 : vector<16xf32>
        %max3A_272 = arith.maximumf %gather3A_267, %get3A_256 : vector<16xf32>
        %max3A_273 = arith.maximumf %gather3A_268, %get3A_260 : vector<16xf32>
        %max3A_274 = arith.maximumf %gather3A_269, %get3A_264 : vector<16xf32>
        %add3A_275 = arith.constant 16 : i32
        %add3A_276 = arith.addi %mul3A_237, %add3A_275 : i32
        %get3A_277 = arith.index_cast %add3A_276 : i32 to index
        %get3A_278 = tpu.vector_load %arg5[%get3A_277] {strides = array<i32>} : memref<2048xi32, #tpu.memory_space<vmem>>, vector<16xi32>,
        %get3A_279 = arith.constant 0 : i32
        %get3A_280 = arith.index_cast %get3A_279 : i32 to index
        %get3A_281 = arith.index_cast %add3A_276 : i32 to index
        %get3A_282 = tpu.vector_load %arg6[%get3A_280, %get3A_281] {strides = array<i32>} : memref<6x2048xf32, #tpu.memory_space<vmem>>, vector<16xf32>,
        %get3A_283 = arith.constant 1 : i32
        %get3A_284 = arith.index_cast %get3A_283 : i32 to index
        %get3A_285 = arith.index_cast %add3A_276 : i32 to index
        %get3A_286 = tpu.vector_load %arg6[%get3A_284, %get3A_285] {strides = array<i32>} : memref<6x2048xf32, #tpu.memory_space<vmem>>, vector<16xf32>,
        %get3A_287 = arith.constant 2 : i32
        %get3A_288 = arith.index_cast %get3A_287 : i32 to index
        %get3A_289 = arith.index_cast %add3A_276 : i32 to index
        %get3A_290 = tpu.vector_load %arg6[%get3A_288, %get3A_289] {strides = array<i32>} : memref<6x2048xf32, #tpu.memory_space<vmem>>, vector<16xf32>,
        %get3A_291 = arith.constant 3 : i32
        %get3A_292 = arith.index_cast %get3A_291 : i32 to index
        %get3A_293 = arith.index_cast %add3A_276 : i32 to index
        %get3A_294 = tpu.vector_load %arg6[%get3A_292, %get3A_293] {strides = array<i32>} : memref<6x2048xf32, #tpu.memory_space<vmem>>, vector<16xf32>,
        %get3A_295 = arith.constant 4 : i32
        %get3A_296 = arith.index_cast %get3A_295 : i32 to index
        %get3A_297 = arith.index_cast %add3A_276 : i32 to index
        %get3A_298 = tpu.vector_load %arg6[%get3A_296, %get3A_297] {strides = array<i32>} : memref<6x2048xf32, #tpu.memory_space<vmem>>, vector<16xf32>,
        %get3A_299 = arith.constant 5 : i32
        %get3A_300 = arith.index_cast %get3A_299 : i32 to index
        %get3A_301 = arith.index_cast %add3A_276 : i32 to index
        %get3A_302 = tpu.vector_load %arg6[%get3A_300, %get3A_301] {strides = array<i32>} : memref<6x2048xf32, #tpu.memory_space<vmem>>, vector<16xf32>,
        tpu.vector_store_idx %arg12[%get3A_240, %iota3A], %max3A : memref<1024x16xf32, #tpu.memory_space<vmem>>[vector<16xi32>, vector<16xi32>], vector<16xf32>,
        tpu.vector_store_idx %arg13[%get3A_240, %iota3A], %max3A_270 : memref<1024x16xf32, #tpu.memory_space<vmem>>[vector<16xi32>, vector<16xi32>], vector<16xf32>,
        tpu.vector_store_idx %arg14[%get3A_240, %iota3A], %max3A_271 : memref<1024x16xf32, #tpu.memory_space<vmem>>[vector<16xi32>, vector<16xi32>], vector<16xf32>,
        tpu.vector_store_idx %arg15[%get3A_240, %iota3A], %max3A_272 : memref<1024x16xf32, #tpu.memory_space<vmem>>[vector<16xi32>, vector<16xi32>], vector<16xf32>,
        tpu.vector_store_idx %arg16[%get3A_240, %iota3A], %max3A_273 : memref<1024x16xf32, #tpu.memory_space<vmem>>[vector<16xi32>, vector<16xi32>], vector<16xf32>,
        tpu.vector_store_idx %arg17[%get3A_240, %iota3A], %max3A_274 : memref<1024x16xf32, #tpu.memory_space<vmem>>[vector<16xi32>, vector<16xi32>], vector<16xf32>,
        %gather3A_303 = tpu.vector_load_idx %arg12[%get3A_278, %iota3A] : memref<1024x16xf32, #tpu.memory_space<vmem>>[vector<16xi32>, vector<16xi32>], vector<16xf32>,
        %gather3A_304 = tpu.vector_load_idx %arg13[%get3A_278, %iota3A] : memref<1024x16xf32, #tpu.memory_space<vmem>>[vector<16xi32>, vector<16xi32>], vector<16xf32>,
        %gather3A_305 = tpu.vector_load_idx %arg14[%get3A_278, %iota3A] : memref<1024x16xf32, #tpu.memory_space<vmem>>[vector<16xi32>, vector<16xi32>], vector<16xf32>,
        %gather3A_306 = tpu.vector_load_idx %arg15[%get3A_278, %iota3A] : memref<1024x16xf32, #tpu.memory_space<vmem>>[vector<16xi32>, vector<16xi32>], vector<16xf32>,
        %gather3A_307 = tpu.vector_load_idx %arg16[%get3A_278, %iota3A] : memref<1024x16xf32, #tpu.memory_space<vmem>>[vector<16xi32>, vector<16xi32>], vector<16xf32>,
        %gather3A_308 = tpu.vector_load_idx %arg17[%get3A_278, %iota3A] : memref<1024x16xf32, #tpu.memory_space<vmem>>[vector<16xi32>, vector<16xi32>], vector<16xf32>,
        %max3A_309 = arith.maximumf %gather3A_303, %get3A_282 : vector<16xf32>
        %max3A_310 = arith.maximumf %gather3A_304, %get3A_286 : vector<16xf32>
        %max3A_311 = arith.maximumf %gather3A_305, %get3A_290 : vector<16xf32>
        %max3A_312 = arith.maximumf %gather3A_306, %get3A_294 : vector<16xf32>
        %max3A_313 = arith.maximumf %gather3A_307, %get3A_298 : vector<16xf32>
        %max3A_314 = arith.maximumf %gather3A_308, %get3A_302 : vector<16xf32>
        %add3A_315 = arith.constant 32 : i32
        %add3A_316 = arith.addi %mul3A_237, %add3A_315 : i32
        %get3A_317 = arith.index_cast %add3A_316 : i32 to index
        %get3A_318 = tpu.vector_load %arg5[%get3A_317] {strides = array<i32>} : memref<2048xi32, #tpu.memory_space<vmem>>, vector<16xi32>,
        %get3A_319 = arith.constant 0 : i32
        %get3A_320 = arith.index_cast %get3A_319 : i32 to index
        %get3A_321 = arith.index_cast %add3A_316 : i32 to index
        %get3A_322 = tpu.vector_load %arg6[%get3A_320, %get3A_321] {strides = array<i32>} : memref<6x2048xf32, #tpu.memory_space<vmem>>, vector<16xf32>,
        %get3A_323 = arith.constant 1 : i32
        %get3A_324 = arith.index_cast %get3A_323 : i32 to index
        %get3A_325 = arith.index_cast %add3A_316 : i32 to index
        %get3A_326 = tpu.vector_load %arg6[%get3A_324, %get3A_325] {strides = array<i32>} : memref<6x2048xf32, #tpu.memory_space<vmem>>, vector<16xf32>,
        %get3A_327 = arith.constant 2 : i32
        %get3A_328 = arith.index_cast %get3A_327 : i32 to index
        %get3A_329 = arith.index_cast %add3A_316 : i32 to index
        %get3A_330 = tpu.vector_load %arg6[%get3A_328, %get3A_329] {strides = array<i32>} : memref<6x2048xf32, #tpu.memory_space<vmem>>, vector<16xf32>,
        %get3A_331 = arith.constant 3 : i32
        %get3A_332 = arith.index_cast %get3A_331 : i32 to index
        %get3A_333 = arith.index_cast %add3A_316 : i32 to index
        %get3A_334 = tpu.vector_load %arg6[%get3A_332, %get3A_333] {strides = array<i32>} : memref<6x2048xf32, #tpu.memory_space<vmem>>, vector<16xf32>,
        %get3A_335 = arith.constant 4 : i32
        %get3A_336 = arith.index_cast %get3A_335 : i32 to index
        %get3A_337 = arith.index_cast %add3A_316 : i32 to index
        %get3A_338 = tpu.vector_load %arg6[%get3A_336, %get3A_337] {strides = array<i32>} : memref<6x2048xf32, #tpu.memory_space<vmem>>, vector<16xf32>,
        %get3A_339 = arith.constant 5 : i32
        %get3A_340 = arith.index_cast %get3A_339 : i32 to index
        %get3A_341 = arith.index_cast %add3A_316 : i32 to index
        %get3A_342 = tpu.vector_load %arg6[%get3A_340, %get3A_341] {strides = array<i32>} : memref<6x2048xf32, #tpu.memory_space<vmem>>, vector<16xf32>,
        tpu.vector_store_idx %arg12[%get3A_278, %iota3A], %max3A_309 : memref<1024x16xf32, #tpu.memory_space<vmem>>[vector<16xi32>, vector<16xi32>], vector<16xf32>,
        tpu.vector_store_idx %arg13[%get3A_278, %iota3A], %max3A_310 : memref<1024x16xf32, #tpu.memory_space<vmem>>[vector<16xi32>, vector<16xi32>], vector<16xf32>,
        tpu.vector_store_idx %arg14[%get3A_278, %iota3A], %max3A_311 : memref<1024x16xf32, #tpu.memory_space<vmem>>[vector<16xi32>, vector<16xi32>], vector<16xf32>,
        tpu.vector_store_idx %arg15[%get3A_278, %iota3A], %max3A_312 : memref<1024x16xf32, #tpu.memory_space<vmem>>[vector<16xi32>, vector<16xi32>], vector<16xf32>,
        tpu.vector_store_idx %arg16[%get3A_278, %iota3A], %max3A_313 : memref<1024x16xf32, #tpu.memory_space<vmem>>[vector<16xi32>, vector<16xi32>], vector<16xf32>,
        tpu.vector_store_idx %arg17[%get3A_278, %iota3A], %max3A_314 : memref<1024x16xf32, #tpu.memory_space<vmem>>[vector<16xi32>, vector<16xi32>], vector<16xf32>,
        %gather3A_343 = tpu.vector_load_idx %arg12[%get3A_318, %iota3A] : memref<1024x16xf32, #tpu.memory_space<vmem>>[vector<16xi32>, vector<16xi32>], vector<16xf32>,
        %gather3A_344 = tpu.vector_load_idx %arg13[%get3A_318, %iota3A] : memref<1024x16xf32, #tpu.memory_space<vmem>>[vector<16xi32>, vector<16xi32>], vector<16xf32>,
        %gather3A_345 = tpu.vector_load_idx %arg14[%get3A_318, %iota3A] : memref<1024x16xf32, #tpu.memory_space<vmem>>[vector<16xi32>, vector<16xi32>], vector<16xf32>,
        %gather3A_346 = tpu.vector_load_idx %arg15[%get3A_318, %iota3A] : memref<1024x16xf32, #tpu.memory_space<vmem>>[vector<16xi32>, vector<16xi32>], vector<16xf32>,
        %gather3A_347 = tpu.vector_load_idx %arg16[%get3A_318, %iota3A] : memref<1024x16xf32, #tpu.memory_space<vmem>>[vector<16xi32>, vector<16xi32>], vector<16xf32>,
        %gather3A_348 = tpu.vector_load_idx %arg17[%get3A_318, %iota3A] : memref<1024x16xf32, #tpu.memory_space<vmem>>[vector<16xi32>, vector<16xi32>], vector<16xf32>,
        %max3A_349 = arith.maximumf %gather3A_343, %get3A_322 : vector<16xf32>
        %max3A_350 = arith.maximumf %gather3A_344, %get3A_326 : vector<16xf32>
        %max3A_351 = arith.maximumf %gather3A_345, %get3A_330 : vector<16xf32>
        %max3A_352 = arith.maximumf %gather3A_346, %get3A_334 : vector<16xf32>
        %max3A_353 = arith.maximumf %gather3A_347, %get3A_338 : vector<16xf32>
        %max3A_354 = arith.maximumf %gather3A_348, %get3A_342 : vector<16xf32>
        %add3A_355 = arith.constant 48 : i32
        %add3A_356 = arith.addi %mul3A_237, %add3A_355 : i32
        %get3A_357 = arith.index_cast %add3A_356 : i32 to index
        %get3A_358 = tpu.vector_load %arg5[%get3A_357] {strides = array<i32>} : memref<2048xi32, #tpu.memory_space<vmem>>, vector<16xi32>,
        %get3A_359 = arith.constant 0 : i32
        %get3A_360 = arith.index_cast %get3A_359 : i32 to index
        %get3A_361 = arith.index_cast %add3A_356 : i32 to index
        %get3A_362 = tpu.vector_load %arg6[%get3A_360, %get3A_361] {strides = array<i32>} : memref<6x2048xf32, #tpu.memory_space<vmem>>, vector<16xf32>,
        %get3A_363 = arith.constant 1 : i32
        %get3A_364 = arith.index_cast %get3A_363 : i32 to index
        %get3A_365 = arith.index_cast %add3A_356 : i32 to index
        %get3A_366 = tpu.vector_load %arg6[%get3A_364, %get3A_365] {strides = array<i32>} : memref<6x2048xf32, #tpu.memory_space<vmem>>, vector<16xf32>,
        %get3A_367 = arith.constant 2 : i32
        %get3A_368 = arith.index_cast %get3A_367 : i32 to index
        %get3A_369 = arith.index_cast %add3A_356 : i32 to index
        %get3A_370 = tpu.vector_load %arg6[%get3A_368, %get3A_369] {strides = array<i32>} : memref<6x2048xf32, #tpu.memory_space<vmem>>, vector<16xf32>,
        %get3A_371 = arith.constant 3 : i32
        %get3A_372 = arith.index_cast %get3A_371 : i32 to index
        %get3A_373 = arith.index_cast %add3A_356 : i32 to index
        %get3A_374 = tpu.vector_load %arg6[%get3A_372, %get3A_373] {strides = array<i32>} : memref<6x2048xf32, #tpu.memory_space<vmem>>, vector<16xf32>,
        %get3A_375 = arith.constant 4 : i32
        %get3A_376 = arith.index_cast %get3A_375 : i32 to index
        %get3A_377 = arith.index_cast %add3A_356 : i32 to index
        %get3A_378 = tpu.vector_load %arg6[%get3A_376, %get3A_377] {strides = array<i32>} : memref<6x2048xf32, #tpu.memory_space<vmem>>, vector<16xf32>,
        %get3A_379 = arith.constant 5 : i32
        %get3A_380 = arith.index_cast %get3A_379 : i32 to index
        %get3A_381 = arith.index_cast %add3A_356 : i32 to index
        %get3A_382 = tpu.vector_load %arg6[%get3A_380, %get3A_381] {strides = array<i32>} : memref<6x2048xf32, #tpu.memory_space<vmem>>, vector<16xf32>,
        tpu.vector_store_idx %arg12[%get3A_318, %iota3A], %max3A_349 : memref<1024x16xf32, #tpu.memory_space<vmem>>[vector<16xi32>, vector<16xi32>], vector<16xf32>,
        tpu.vector_store_idx %arg13[%get3A_318, %iota3A], %max3A_350 : memref<1024x16xf32, #tpu.memory_space<vmem>>[vector<16xi32>, vector<16xi32>], vector<16xf32>,
        tpu.vector_store_idx %arg14[%get3A_318, %iota3A], %max3A_351 : memref<1024x16xf32, #tpu.memory_space<vmem>>[vector<16xi32>, vector<16xi32>], vector<16xf32>,
        tpu.vector_store_idx %arg15[%get3A_318, %iota3A], %max3A_352 : memref<1024x16xf32, #tpu.memory_space<vmem>>[vector<16xi32>, vector<16xi32>], vector<16xf32>,
        tpu.vector_store_idx %arg16[%get3A_318, %iota3A], %max3A_353 : memref<1024x16xf32, #tpu.memory_space<vmem>>[vector<16xi32>, vector<16xi32>], vector<16xf32>,
        tpu.vector_store_idx %arg17[%get3A_318, %iota3A], %max3A_354 : memref<1024x16xf32, #tpu.memory_space<vmem>>[vector<16xi32>, vector<16xi32>], vector<16xf32>,
        %gather3A_383 = tpu.vector_load_idx %arg12[%get3A_358, %iota3A] : memref<1024x16xf32, #tpu.memory_space<vmem>>[vector<16xi32>, vector<16xi32>], vector<16xf32>,
        %gather3A_384 = tpu.vector_load_idx %arg13[%get3A_358, %iota3A] : memref<1024x16xf32, #tpu.memory_space<vmem>>[vector<16xi32>, vector<16xi32>], vector<16xf32>,
        %gather3A_385 = tpu.vector_load_idx %arg14[%get3A_358, %iota3A] : memref<1024x16xf32, #tpu.memory_space<vmem>>[vector<16xi32>, vector<16xi32>], vector<16xf32>,
        %gather3A_386 = tpu.vector_load_idx %arg15[%get3A_358, %iota3A] : memref<1024x16xf32, #tpu.memory_space<vmem>>[vector<16xi32>, vector<16xi32>], vector<16xf32>,
        %gather3A_387 = tpu.vector_load_idx %arg16[%get3A_358, %iota3A] : memref<1024x16xf32, #tpu.memory_space<vmem>>[vector<16xi32>, vector<16xi32>], vector<16xf32>,
        %gather3A_388 = tpu.vector_load_idx %arg17[%get3A_358, %iota3A] : memref<1024x16xf32, #tpu.memory_space<vmem>>[vector<16xi32>, vector<16xi32>], vector<16xf32>,
        %max3A_389 = arith.maximumf %gather3A_383, %get3A_362 : vector<16xf32>
        %max3A_390 = arith.maximumf %gather3A_384, %get3A_366 : vector<16xf32>
        %max3A_391 = arith.maximumf %gather3A_385, %get3A_370 : vector<16xf32>
        %max3A_392 = arith.maximumf %gather3A_386, %get3A_374 : vector<16xf32>
        %max3A_393 = arith.maximumf %gather3A_387, %get3A_378 : vector<16xf32>
        %max3A_394 = arith.maximumf %gather3A_388, %get3A_382 : vector<16xf32>
        tpu.vector_store_idx %arg12[%get3A_358, %iota3A], %max3A_389 : memref<1024x16xf32, #tpu.memory_space<vmem>>[vector<16xi32>, vector<16xi32>], vector<16xf32>,
        tpu.vector_store_idx %arg13[%get3A_358, %iota3A], %max3A_390 : memref<1024x16xf32, #tpu.memory_space<vmem>>[vector<16xi32>, vector<16xi32>], vector<16xf32>,
        tpu.vector_store_idx %arg14[%get3A_358, %iota3A], %max3A_391 : memref<1024x16xf32, #tpu.memory_space<vmem>>[vector<16xi32>, vector<16xi32>], vector<16xf32>,
        tpu.vector_store_idx %arg15[%get3A_358, %iota3A], %max3A_392 : memref<1024x16xf32, #tpu.memory_space<vmem>>[vector<16xi32>, vector<16xi32>], vector<16xf32>,
        tpu.vector_store_idx %arg16[%get3A_358, %iota3A], %max3A_393 : memref<1024x16xf32, #tpu.memory_space<vmem>>[vector<16xi32>, vector<16xi32>], vector<16xf32>,
        tpu.vector_store_idx %arg17[%get3A_358, %iota3A], %max3A_394 : memref<1024x16xf32, #tpu.memory_space<vmem>>[vector<16xi32>, vector<16xi32>], vector<16xf32>,
      }
      %scan3A_209 = arith.constant 32 : i32
      %add3A_210 = arith.constant 1 : i32
      %add3A_211 = arith.addi %mul3A_182, %add3A_210 : i32
      %mul3A_212 = arith.constant 2048 : i32
      %mul3A_213 = arith.muli %add3A_211, %mul3A_212 : i32
      %dma_wait3A_214 = tpu.memref_slice %arg3[%select_n3A, %mul3A_213] : memref<4x147456xi32, #tpu.memory_space<hbm>> -> memref<1x2048xi32, #tpu.memory_space<hbm>>
      %dma_wait3A_215 = tpu.memref_squeeze %dma_wait3A_214 : memref<1x2048xi32, #tpu.memory_space<hbm>> -> memref<2048xi32, #tpu.memory_space<hbm>>
      %dma_wait3A_216 = tpu.memref_slice %arg3[%select_n3A, %mul3A_213] : memref<4x147456xi32, #tpu.memory_space<hbm>> -> memref<1x2048xi32, #tpu.memory_space<hbm>>
      %dma_wait3A_217 = tpu.memref_squeeze %dma_wait3A_216 : memref<1x2048xi32, #tpu.memory_space<hbm>> -> memref<2048xi32, #tpu.memory_space<hbm>>
      tpu.wait_dma2 semaphore(%arg11 : memref<!tpu.dma_semaphore, #tpu.memory_space<semaphore_mem>>) src(%dma_wait3A_217 : memref<2048xi32, #tpu.memory_space<hbm>>) dst(%arg7 : memref<2048xi32, #tpu.memory_space<vmem>>)
      %dma_wait3A_218 = tpu.memref_slice %arg2[%select_n3A, %add3A_35, %mul3A_213] : memref<4x96x147456xf32, #tpu.memory_space<hbm>> -> memref<1x6x2048xf32, #tpu.memory_space<hbm>>
      %dma_wait3A_219 = tpu.memref_squeeze %dma_wait3A_218 : memref<1x6x2048xf32, #tpu.memory_space<hbm>> -> memref<6x2048xf32, #tpu.memory_space<hbm>>
      %dma_wait3A_220 = tpu.memref_slice %arg2[%select_n3A, %add3A_35, %mul3A_213] : memref<4x96x147456xf32, #tpu.memory_space<hbm>> -> memref<1x6x2048xf32, #tpu.memory_space<hbm>>
      %dma_wait3A_221 = tpu.memref_squeeze %dma_wait3A_220 : memref<1x6x2048xf32, #tpu.memory_space<hbm>> -> memref<6x2048xf32, #tpu.memory_space<hbm>>
      tpu.wait_dma2 semaphore(%arg11 : memref<!tpu.dma_semaphore, #tpu.memory_space<semaphore_mem>>) src(%dma_wait3A_221 : memref<6x2048xf32, #tpu.memory_space<hbm>>) dst(%arg8 : memref<6x2048xf32, #tpu.memory_space<vmem>>)
      %add3A_222 = arith.constant 1 : i32
      %add3A_223 = arith.addi %scan3A_180, %add3A_222 : i32
      %lt3A_224 = arith.constant 36 : i32
      %lt3A_225 = arith.cmpi slt, %add3A_223, %lt3A_224 : i32
      %convert_element_type3A = arith.extui %lt3A_225 : i1 to i32
      %cond3A = arith.constant 0 : i32
      %cond3A_226 = arith.cmpi ne, %convert_element_type3A, %cond3A : i32
      scf.if %cond3A_226 {
        %add3A_233 = arith.constant 2 : i32
        %add3A_234 = arith.addi %mul3A_182, %add3A_233 : i32
        %mul3A_235 = arith.constant 2048 : i32
        %mul3A_236 = arith.muli %add3A_234, %mul3A_235 : i32
        %dma_start3A_237 = tpu.memref_slice %arg3[%select_n3A, %mul3A_236] : memref<4x147456xi32, #tpu.memory_space<hbm>> -> memref<1x2048xi32, #tpu.memory_space<hbm>>
        %dma_start3A_238 = tpu.memref_squeeze %dma_start3A_237 : memref<1x2048xi32, #tpu.memory_space<hbm>> -> memref<2048xi32, #tpu.memory_space<hbm>>
        %dma_start3A_239 = tpu.memref_slice %arg3[%select_n3A, %mul3A_236] : memref<4x147456xi32, #tpu.memory_space<hbm>> -> memref<1x2048xi32, #tpu.memory_space<hbm>>
        %dma_start3A_240 = tpu.memref_squeeze %dma_start3A_239 : memref<1x2048xi32, #tpu.memory_space<hbm>> -> memref<2048xi32, #tpu.memory_space<hbm>>
        tpu.enqueue_dma source(%dma_start3A_240 : memref<2048xi32, #tpu.memory_space<hbm>>) target(%arg5 : memref<2048xi32, #tpu.memory_space<vmem>>) target_semaphore(%arg10 : memref<!tpu.dma_semaphore, #tpu.memory_space<semaphore_mem>>)
        %dma_start3A_241 = tpu.memref_slice %arg2[%select_n3A, %add3A_35, %mul3A_236] : memref<4x96x147456xf32, #tpu.memory_space<hbm>> -> memref<1x6x2048xf32, #tpu.memory_space<hbm>>
        %dma_start3A_242 = tpu.memref_squeeze %dma_start3A_241 : memref<1x6x2048xf32, #tpu.memory_space<hbm>> -> memref<6x2048xf32, #tpu.memory_space<hbm>>
        %dma_start3A_243 = tpu.memref_slice %arg2[%select_n3A, %add3A_35, %mul3A_236] : memref<4x96x147456xf32, #tpu.memory_space<hbm>> -> memref<1x6x2048xf32, #tpu.memory_space<hbm>>
        %dma_start3A_244 = tpu.memref_squeeze %dma_start3A_243 : memref<1x6x2048xf32, #tpu.memory_space<hbm>> -> memref<6x2048xf32, #tpu.memory_space<hbm>>
        tpu.enqueue_dma source(%dma_start3A_244 : memref<6x2048xf32, #tpu.memory_space<hbm>>) target(%arg6 : memref<6x2048xf32, #tpu.memory_space<vmem>>) target_semaphore(%arg10 : memref<!tpu.dma_semaphore, #tpu.memory_space<semaphore_mem>>)
      } else {
      }
      %scan3A_227 = arith.constant 0 : i32
      %scan3A_228 = arith.constant 0 : i32
      %scan3A_229 = arith.constant 32 : i32
      %scan3A_230 = arith.addi %scan3A_228, %scan3A_229 : i32
      %scan3A_231 = arith.constant 1 : i32
      scf.for %scan3A_233 = %scan3A_228 to %scan3A_230 step %scan3A_231  : i32 {
        %mul3A_234 = arith.constant 4 : i32
        %mul3A_235 = arith.muli %mul3A_234, %scan3A_233 : i32
        %mul3A_236 = arith.constant 16 : i32
        %mul3A_237 = arith.muli %mul3A_235, %mul3A_236 : i32
        %add3A_238 = arith.constant 0 : i32
        %add3A_239 = arith.addi %mul3A_237, %add3A_238 : i32
        %get3A = arith.index_cast %add3A_239 : i32 to index
        %get3A_240 = tpu.vector_load %arg7[%get3A] {strides = array<i32>} : memref<2048xi32, #tpu.memory_space<vmem>>, vector<16xi32>,
        %get3A_241 = arith.constant 0 : i32
        %get3A_242 = arith.index_cast %get3A_241 : i32 to index
        %get3A_243 = arith.index_cast %add3A_239 : i32 to index
        %get3A_244 = tpu.vector_load %arg8[%get3A_242, %get3A_243] {strides = array<i32>} : memref<6x2048xf32, #tpu.memory_space<vmem>>, vector<16xf32>,
        %get3A_245 = arith.constant 1 : i32
        %get3A_246 = arith.index_cast %get3A_245 : i32 to index
        %get3A_247 = arith.index_cast %add3A_239 : i32 to index
        %get3A_248 = tpu.vector_load %arg8[%get3A_246, %get3A_247] {strides = array<i32>} : memref<6x2048xf32, #tpu.memory_space<vmem>>, vector<16xf32>,
        %get3A_249 = arith.constant 2 : i32
        %get3A_250 = arith.index_cast %get3A_249 : i32 to index
        %get3A_251 = arith.index_cast %add3A_239 : i32 to index
        %get3A_252 = tpu.vector_load %arg8[%get3A_250, %get3A_251] {strides = array<i32>} : memref<6x2048xf32, #tpu.memory_space<vmem>>, vector<16xf32>,
        %get3A_253 = arith.constant 3 : i32
        %get3A_254 = arith.index_cast %get3A_253 : i32 to index
        %get3A_255 = arith.index_cast %add3A_239 : i32 to index
        %get3A_256 = tpu.vector_load %arg8[%get3A_254, %get3A_255] {strides = array<i32>} : memref<6x2048xf32, #tpu.memory_space<vmem>>, vector<16xf32>,
        %get3A_257 = arith.constant 4 : i32
        %get3A_258 = arith.index_cast %get3A_257 : i32 to index
        %get3A_259 = arith.index_cast %add3A_239 : i32 to index
        %get3A_260 = tpu.vector_load %arg8[%get3A_258, %get3A_259] {strides = array<i32>} : memref<6x2048xf32, #tpu.memory_space<vmem>>, vector<16xf32>,
        %get3A_261 = arith.constant 5 : i32
        %get3A_262 = arith.index_cast %get3A_261 : i32 to index
        %get3A_263 = arith.index_cast %add3A_239 : i32 to index
        %get3A_264 = tpu.vector_load %arg8[%get3A_262, %get3A_263] {strides = array<i32>} : memref<6x2048xf32, #tpu.memory_space<vmem>>, vector<16xf32>,
        %gather3A = tpu.vector_load_idx %arg12[%get3A_240, %iota3A] : memref<1024x16xf32, #tpu.memory_space<vmem>>[vector<16xi32>, vector<16xi32>], vector<16xf32>,
        %gather3A_265 = tpu.vector_load_idx %arg13[%get3A_240, %iota3A] : memref<1024x16xf32, #tpu.memory_space<vmem>>[vector<16xi32>, vector<16xi32>], vector<16xf32>,
        %gather3A_266 = tpu.vector_load_idx %arg14[%get3A_240, %iota3A] : memref<1024x16xf32, #tpu.memory_space<vmem>>[vector<16xi32>, vector<16xi32>], vector<16xf32>,
        %gather3A_267 = tpu.vector_load_idx %arg15[%get3A_240, %iota3A] : memref<1024x16xf32, #tpu.memory_space<vmem>>[vector<16xi32>, vector<16xi32>], vector<16xf32>,
        %gather3A_268 = tpu.vector_load_idx %arg16[%get3A_240, %iota3A] : memref<1024x16xf32, #tpu.memory_space<vmem>>[vector<16xi32>, vector<16xi32>], vector<16xf32>,
        %gather3A_269 = tpu.vector_load_idx %arg17[%get3A_240, %iota3A] : memref<1024x16xf32, #tpu.memory_space<vmem>>[vector<16xi32>, vector<16xi32>], vector<16xf32>,
        %max3A = arith.maximumf %gather3A, %get3A_244 : vector<16xf32>
        %max3A_270 = arith.maximumf %gather3A_265, %get3A_248 : vector<16xf32>
        %max3A_271 = arith.maximumf %gather3A_266, %get3A_252 : vector<16xf32>
        %max3A_272 = arith.maximumf %gather3A_267, %get3A_256 : vector<16xf32>
        %max3A_273 = arith.maximumf %gather3A_268, %get3A_260 : vector<16xf32>
        %max3A_274 = arith.maximumf %gather3A_269, %get3A_264 : vector<16xf32>
        %add3A_275 = arith.constant 16 : i32
        %add3A_276 = arith.addi %mul3A_237, %add3A_275 : i32
        %get3A_277 = arith.index_cast %add3A_276 : i32 to index
        %get3A_278 = tpu.vector_load %arg7[%get3A_277] {strides = array<i32>} : memref<2048xi32, #tpu.memory_space<vmem>>, vector<16xi32>,
        %get3A_279 = arith.constant 0 : i32
        %get3A_280 = arith.index_cast %get3A_279 : i32 to index
        %get3A_281 = arith.index_cast %add3A_276 : i32 to index
        %get3A_282 = tpu.vector_load %arg8[%get3A_280, %get3A_281] {strides = array<i32>} : memref<6x2048xf32, #tpu.memory_space<vmem>>, vector<16xf32>,
        %get3A_283 = arith.constant 1 : i32
        %get3A_284 = arith.index_cast %get3A_283 : i32 to index
        %get3A_285 = arith.index_cast %add3A_276 : i32 to index
        %get3A_286 = tpu.vector_load %arg8[%get3A_284, %get3A_285] {strides = array<i32>} : memref<6x2048xf32, #tpu.memory_space<vmem>>, vector<16xf32>,
        %get3A_287 = arith.constant 2 : i32
        %get3A_288 = arith.index_cast %get3A_287 : i32 to index
        %get3A_289 = arith.index_cast %add3A_276 : i32 to index
        %get3A_290 = tpu.vector_load %arg8[%get3A_288, %get3A_289] {strides = array<i32>} : memref<6x2048xf32, #tpu.memory_space<vmem>>, vector<16xf32>,
        %get3A_291 = arith.constant 3 : i32
        %get3A_292 = arith.index_cast %get3A_291 : i32 to index
        %get3A_293 = arith.index_cast %add3A_276 : i32 to index
        %get3A_294 = tpu.vector_load %arg8[%get3A_292, %get3A_293] {strides = array<i32>} : memref<6x2048xf32, #tpu.memory_space<vmem>>, vector<16xf32>,
        %get3A_295 = arith.constant 4 : i32
        %get3A_296 = arith.index_cast %get3A_295 : i32 to index
        %get3A_297 = arith.index_cast %add3A_276 : i32 to index
        %get3A_298 = tpu.vector_load %arg8[%get3A_296, %get3A_297] {strides = array<i32>} : memref<6x2048xf32, #tpu.memory_space<vmem>>, vector<16xf32>,
        %get3A_299 = arith.constant 5 : i32
        %get3A_300 = arith.index_cast %get3A_299 : i32 to index
        %get3A_301 = arith.index_cast %add3A_276 : i32 to index
        %get3A_302 = tpu.vector_load %arg8[%get3A_300, %get3A_301] {strides = array<i32>} : memref<6x2048xf32, #tpu.memory_space<vmem>>, vector<16xf32>,
        tpu.vector_store_idx %arg12[%get3A_240, %iota3A], %max3A : memref<1024x16xf32, #tpu.memory_space<vmem>>[vector<16xi32>, vector<16xi32>], vector<16xf32>,
        tpu.vector_store_idx %arg13[%get3A_240, %iota3A], %max3A_270 : memref<1024x16xf32, #tpu.memory_space<vmem>>[vector<16xi32>, vector<16xi32>], vector<16xf32>,
        tpu.vector_store_idx %arg14[%get3A_240, %iota3A], %max3A_271 : memref<1024x16xf32, #tpu.memory_space<vmem>>[vector<16xi32>, vector<16xi32>], vector<16xf32>,
        tpu.vector_store_idx %arg15[%get3A_240, %iota3A], %max3A_272 : memref<1024x16xf32, #tpu.memory_space<vmem>>[vector<16xi32>, vector<16xi32>], vector<16xf32>,
        tpu.vector_store_idx %arg16[%get3A_240, %iota3A], %max3A_273 : memref<1024x16xf32, #tpu.memory_space<vmem>>[vector<16xi32>, vector<16xi32>], vector<16xf32>,
        tpu.vector_store_idx %arg17[%get3A_240, %iota3A], %max3A_274 : memref<1024x16xf32, #tpu.memory_space<vmem>>[vector<16xi32>, vector<16xi32>], vector<16xf32>,
        %gather3A_303 = tpu.vector_load_idx %arg12[%get3A_278, %iota3A] : memref<1024x16xf32, #tpu.memory_space<vmem>>[vector<16xi32>, vector<16xi32>], vector<16xf32>,
        %gather3A_304 = tpu.vector_load_idx %arg13[%get3A_278, %iota3A] : memref<1024x16xf32, #tpu.memory_space<vmem>>[vector<16xi32>, vector<16xi32>], vector<16xf32>,
        %gather3A_305 = tpu.vector_load_idx %arg14[%get3A_278, %iota3A] : memref<1024x16xf32, #tpu.memory_space<vmem>>[vector<16xi32>, vector<16xi32>], vector<16xf32>,
        %gather3A_306 = tpu.vector_load_idx %arg15[%get3A_278, %iota3A] : memref<1024x16xf32, #tpu.memory_space<vmem>>[vector<16xi32>, vector<16xi32>], vector<16xf32>,
        %gather3A_307 = tpu.vector_load_idx %arg16[%get3A_278, %iota3A] : memref<1024x16xf32, #tpu.memory_space<vmem>>[vector<16xi32>, vector<16xi32>], vector<16xf32>,
        %gather3A_308 = tpu.vector_load_idx %arg17[%get3A_278, %iota3A] : memref<1024x16xf32, #tpu.memory_space<vmem>>[vector<16xi32>, vector<16xi32>], vector<16xf32>,
        %max3A_309 = arith.maximumf %gather3A_303, %get3A_282 : vector<16xf32>
        %max3A_310 = arith.maximumf %gather3A_304, %get3A_286 : vector<16xf32>
        %max3A_311 = arith.maximumf %gather3A_305, %get3A_290 : vector<16xf32>
        %max3A_312 = arith.maximumf %gather3A_306, %get3A_294 : vector<16xf32>
        %max3A_313 = arith.maximumf %gather3A_307, %get3A_298 : vector<16xf32>
        %max3A_314 = arith.maximumf %gather3A_308, %get3A_302 : vector<16xf32>
        %add3A_315 = arith.constant 32 : i32
        %add3A_316 = arith.addi %mul3A_237, %add3A_315 : i32
        %get3A_317 = arith.index_cast %add3A_316 : i32 to index
        %get3A_318 = tpu.vector_load %arg7[%get3A_317] {strides = array<i32>} : memref<2048xi32, #tpu.memory_space<vmem>>, vector<16xi32>,
        %get3A_319 = arith.constant 0 : i32
        %get3A_320 = arith.index_cast %get3A_319 : i32 to index
        %get3A_321 = arith.index_cast %add3A_316 : i32 to index
        %get3A_322 = tpu.vector_load %arg8[%get3A_320, %get3A_321] {strides = array<i32>} : memref<6x2048xf32, #tpu.memory_space<vmem>>, vector<16xf32>,
        %get3A_323 = arith.constant 1 : i32
        %get3A_324 = arith.index_cast %get3A_323 : i32 to index
        %get3A_325 = arith.index_cast %add3A_316 : i32 to index
        %get3A_326 = tpu.vector_load %arg8[%get3A_324, %get3A_325] {strides = array<i32>} : memref<6x2048xf32, #tpu.memory_space<vmem>>, vector<16xf32>,
        %get3A_327 = arith.constant 2 : i32
        %get3A_328 = arith.index_cast %get3A_327 : i32 to index
        %get3A_329 = arith.index_cast %add3A_316 : i32 to index
        %get3A_330 = tpu.vector_load %arg8[%get3A_328, %get3A_329] {strides = array<i32>} : memref<6x2048xf32, #tpu.memory_space<vmem>>, vector<16xf32>,
        %get3A_331 = arith.constant 3 : i32
        %get3A_332 = arith.index_cast %get3A_331 : i32 to index
        %get3A_333 = arith.index_cast %add3A_316 : i32 to index
        %get3A_334 = tpu.vector_load %arg8[%get3A_332, %get3A_333] {strides = array<i32>} : memref<6x2048xf32, #tpu.memory_space<vmem>>, vector<16xf32>,
        %get3A_335 = arith.constant 4 : i32
        %get3A_336 = arith.index_cast %get3A_335 : i32 to index
        %get3A_337 = arith.index_cast %add3A_316 : i32 to index
        %get3A_338 = tpu.vector_load %arg8[%get3A_336, %get3A_337] {strides = array<i32>} : memref<6x2048xf32, #tpu.memory_space<vmem>>, vector<16xf32>,
        %get3A_339 = arith.constant 5 : i32
        %get3A_340 = arith.index_cast %get3A_339 : i32 to index
        %get3A_341 = arith.index_cast %add3A_316 : i32 to index
        %get3A_342 = tpu.vector_load %arg8[%get3A_340, %get3A_341] {strides = array<i32>} : memref<6x2048xf32, #tpu.memory_space<vmem>>, vector<16xf32>,
        tpu.vector_store_idx %arg12[%get3A_278, %iota3A], %max3A_309 : memref<1024x16xf32, #tpu.memory_space<vmem>>[vector<16xi32>, vector<16xi32>], vector<16xf32>,
        tpu.vector_store_idx %arg13[%get3A_278, %iota3A], %max3A_310 : memref<1024x16xf32, #tpu.memory_space<vmem>>[vector<16xi32>, vector<16xi32>], vector<16xf32>,
        tpu.vector_store_idx %arg14[%get3A_278, %iota3A], %max3A_311 : memref<1024x16xf32, #tpu.memory_space<vmem>>[vector<16xi32>, vector<16xi32>], vector<16xf32>,
        tpu.vector_store_idx %arg15[%get3A_278, %iota3A], %max3A_312 : memref<1024x16xf32, #tpu.memory_space<vmem>>[vector<16xi32>, vector<16xi32>], vector<16xf32>,
        tpu.vector_store_idx %arg16[%get3A_278, %iota3A], %max3A_313 : memref<1024x16xf32, #tpu.memory_space<vmem>>[vector<16xi32>, vector<16xi32>], vector<16xf32>,
        tpu.vector_store_idx %arg17[%get3A_278, %iota3A], %max3A_314 : memref<1024x16xf32, #tpu.memory_space<vmem>>[vector<16xi32>, vector<16xi32>], vector<16xf32>,
        %gather3A_343 = tpu.vector_load_idx %arg12[%get3A_318, %iota3A] : memref<1024x16xf32, #tpu.memory_space<vmem>>[vector<16xi32>, vector<16xi32>], vector<16xf32>,
        %gather3A_344 = tpu.vector_load_idx %arg13[%get3A_318, %iota3A] : memref<1024x16xf32, #tpu.memory_space<vmem>>[vector<16xi32>, vector<16xi32>], vector<16xf32>,
        %gather3A_345 = tpu.vector_load_idx %arg14[%get3A_318, %iota3A] : memref<1024x16xf32, #tpu.memory_space<vmem>>[vector<16xi32>, vector<16xi32>], vector<16xf32>,
        %gather3A_346 = tpu.vector_load_idx %arg15[%get3A_318, %iota3A] : memref<1024x16xf32, #tpu.memory_space<vmem>>[vector<16xi32>, vector<16xi32>], vector<16xf32>,
        %gather3A_347 = tpu.vector_load_idx %arg16[%get3A_318, %iota3A] : memref<1024x16xf32, #tpu.memory_space<vmem>>[vector<16xi32>, vector<16xi32>], vector<16xf32>,
        %gather3A_348 = tpu.vector_load_idx %arg17[%get3A_318, %iota3A] : memref<1024x16xf32, #tpu.memory_space<vmem>>[vector<16xi32>, vector<16xi32>], vector<16xf32>,
        %max3A_349 = arith.maximumf %gather3A_343, %get3A_322 : vector<16xf32>
        %max3A_350 = arith.maximumf %gather3A_344, %get3A_326 : vector<16xf32>
        %max3A_351 = arith.maximumf %gather3A_345, %get3A_330 : vector<16xf32>
        %max3A_352 = arith.maximumf %gather3A_346, %get3A_334 : vector<16xf32>
        %max3A_353 = arith.maximumf %gather3A_347, %get3A_338 : vector<16xf32>
        %max3A_354 = arith.maximumf %gather3A_348, %get3A_342 : vector<16xf32>
        %add3A_355 = arith.constant 48 : i32
        %add3A_356 = arith.addi %mul3A_237, %add3A_355 : i32
        %get3A_357 = arith.index_cast %add3A_356 : i32 to index
        %get3A_358 = tpu.vector_load %arg7[%get3A_357] {strides = array<i32>} : memref<2048xi32, #tpu.memory_space<vmem>>, vector<16xi32>,
        %get3A_359 = arith.constant 0 : i32
        %get3A_360 = arith.index_cast %get3A_359 : i32 to index
        %get3A_361 = arith.index_cast %add3A_356 : i32 to index
        %get3A_362 = tpu.vector_load %arg8[%get3A_360, %get3A_361] {strides = array<i32>} : memref<6x2048xf32, #tpu.memory_space<vmem>>, vector<16xf32>,
        %get3A_363 = arith.constant 1 : i32
        %get3A_364 = arith.index_cast %get3A_363 : i32 to index
        %get3A_365 = arith.index_cast %add3A_356 : i32 to index
        %get3A_366 = tpu.vector_load %arg8[%get3A_364, %get3A_365] {strides = array<i32>} : memref<6x2048xf32, #tpu.memory_space<vmem>>, vector<16xf32>,
        %get3A_367 = arith.constant 2 : i32
        %get3A_368 = arith.index_cast %get3A_367 : i32 to index
        %get3A_369 = arith.index_cast %add3A_356 : i32 to index
        %get3A_370 = tpu.vector_load %arg8[%get3A_368, %get3A_369] {strides = array<i32>} : memref<6x2048xf32, #tpu.memory_space<vmem>>, vector<16xf32>,
        %get3A_371 = arith.constant 3 : i32
        %get3A_372 = arith.index_cast %get3A_371 : i32 to index
        %get3A_373 = arith.index_cast %add3A_356 : i32 to index
        %get3A_374 = tpu.vector_load %arg8[%get3A_372, %get3A_373] {strides = array<i32>} : memref<6x2048xf32, #tpu.memory_space<vmem>>, vector<16xf32>,
        %get3A_375 = arith.constant 4 : i32
        %get3A_376 = arith.index_cast %get3A_375 : i32 to index
        %get3A_377 = arith.index_cast %add3A_356 : i32 to index
        %get3A_378 = tpu.vector_load %arg8[%get3A_376, %get3A_377] {strides = array<i32>} : memref<6x2048xf32, #tpu.memory_space<vmem>>, vector<16xf32>,
        %get3A_379 = arith.constant 5 : i32
        %get3A_380 = arith.index_cast %get3A_379 : i32 to index
        %get3A_381 = arith.index_cast %add3A_356 : i32 to index
        %get3A_382 = tpu.vector_load %arg8[%get3A_380, %get3A_381] {strides = array<i32>} : memref<6x2048xf32, #tpu.memory_space<vmem>>, vector<16xf32>,
        tpu.vector_store_idx %arg12[%get3A_318, %iota3A], %max3A_349 : memref<1024x16xf32, #tpu.memory_space<vmem>>[vector<16xi32>, vector<16xi32>], vector<16xf32>,
        tpu.vector_store_idx %arg13[%get3A_318, %iota3A], %max3A_350 : memref<1024x16xf32, #tpu.memory_space<vmem>>[vector<16xi32>, vector<16xi32>], vector<16xf32>,
        tpu.vector_store_idx %arg14[%get3A_318, %iota3A], %max3A_351 : memref<1024x16xf32, #tpu.memory_space<vmem>>[vector<16xi32>, vector<16xi32>], vector<16xf32>,
        tpu.vector_store_idx %arg15[%get3A_318, %iota3A], %max3A_352 : memref<1024x16xf32, #tpu.memory_space<vmem>>[vector<16xi32>, vector<16xi32>], vector<16xf32>,
        tpu.vector_store_idx %arg16[%get3A_318, %iota3A], %max3A_353 : memref<1024x16xf32, #tpu.memory_space<vmem>>[vector<16xi32>, vector<16xi32>], vector<16xf32>,
        tpu.vector_store_idx %arg17[%get3A_318, %iota3A], %max3A_354 : memref<1024x16xf32, #tpu.memory_space<vmem>>[vector<16xi32>, vector<16xi32>], vector<16xf32>,
        %gather3A_383 = tpu.vector_load_idx %arg12[%get3A_358, %iota3A] : memref<1024x16xf32, #tpu.memory_space<vmem>>[vector<16xi32>, vector<16xi32>], vector<16xf32>,
        %gather3A_384 = tpu.vector_load_idx %arg13[%get3A_358, %iota3A] : memref<1024x16xf32, #tpu.memory_space<vmem>>[vector<16xi32>, vector<16xi32>], vector<16xf32>,
        %gather3A_385 = tpu.vector_load_idx %arg14[%get3A_358, %iota3A] : memref<1024x16xf32, #tpu.memory_space<vmem>>[vector<16xi32>, vector<16xi32>], vector<16xf32>,
        %gather3A_386 = tpu.vector_load_idx %arg15[%get3A_358, %iota3A] : memref<1024x16xf32, #tpu.memory_space<vmem>>[vector<16xi32>, vector<16xi32>], vector<16xf32>,
        %gather3A_387 = tpu.vector_load_idx %arg16[%get3A_358, %iota3A] : memref<1024x16xf32, #tpu.memory_space<vmem>>[vector<16xi32>, vector<16xi32>], vector<16xf32>,
        %gather3A_388 = tpu.vector_load_idx %arg17[%get3A_358, %iota3A] : memref<1024x16xf32, #tpu.memory_space<vmem>>[vector<16xi32>, vector<16xi32>], vector<16xf32>,
        %max3A_389 = arith.maximumf %gather3A_383, %get3A_362 : vector<16xf32>
        %max3A_390 = arith.maximumf %gather3A_384, %get3A_366 : vector<16xf32>
        %max3A_391 = arith.maximumf %gather3A_385, %get3A_370 : vector<16xf32>
        %max3A_392 = arith.maximumf %gather3A_386, %get3A_374 : vector<16xf32>
        %max3A_393 = arith.maximumf %gather3A_387, %get3A_378 : vector<16xf32>
        %max3A_394 = arith.maximumf %gather3A_388, %get3A_382 : vector<16xf32>
        tpu.vector_store_idx %arg12[%get3A_358, %iota3A], %max3A_389 : memref<1024x16xf32, #tpu.memory_space<vmem>>[vector<16xi32>, vector<16xi32>], vector<16xf32>,
        tpu.vector_store_idx %arg13[%get3A_358, %iota3A], %max3A_390 : memref<1024x16xf32, #tpu.memory_space<vmem>>[vector<16xi32>, vector<16xi32>], vector<16xf32>,
        tpu.vector_store_idx %arg14[%get3A_358, %iota3A], %max3A_391 : memref<1024x16xf32, #tpu.memory_space<vmem>>[vector<16xi32>, vector<16xi32>], vector<16xf32>,
        tpu.vector_store_idx %arg15[%get3A_358, %iota3A], %max3A_392 : memref<1024x16xf32, #tpu.memory_space<vmem>>[vector<16xi32>, vector<16xi32>], vector<16xf32>,
        tpu.vector_store_idx %arg16[%get3A_358, %iota3A], %max3A_393 : memref<1024x16xf32, #tpu.memory_space<vmem>>[vector<16xi32>, vector<16xi32>], vector<16xf32>,
        tpu.vector_store_idx %arg17[%get3A_358, %iota3A], %max3A_394 : memref<1024x16xf32, #tpu.memory_space<vmem>>[vector<16xi32>, vector<16xi32>], vector<16xf32>,
      }
      %scan3A_232 = arith.constant 32 : i32
    }
    %scan3A_57 = arith.constant 36 : i32
    %scan3A_58 = arith.constant 0 : i32
    %scan3A_59 = arith.constant 0 : i32
    %scan3A_60 = arith.constant 64 : i32
    %scan3A_61 = arith.addi %scan3A_59, %scan3A_60 : i32
    %scan3A_62 = arith.constant 1 : i32
    scf.for %scan3A_180 = %scan3A_59 to %scan3A_61 step %scan3A_62  : i32 {
      %mul3A_181 = arith.constant 16 : i32
      %mul3A_182 = arith.muli %scan3A_180, %mul3A_181 : i32
      %add3A_183 = vector.broadcast %mul3A_182 : i32 to vector<16xi32>
      %add3A_184 = arith.addi %add3A_183, %iota3A : vector<16xi32>
      %gather3A = tpu.vector_load_idx %arg12[%add3A_184, %iota3A] : memref<1024x16xf32, #tpu.memory_space<vmem>>[vector<16xi32>, vector<16xi32>], vector<16xf32>,
      %add3A_185 = arith.constant 1 : i32
      %add3A_186 = vector.broadcast %add3A_185 : i32 to vector<16xi32>
      %add3A_187 = arith.addi %iota3A, %add3A_186 : vector<16xi32>
      %and3A_188 = arith.constant 15 : i32
      %and3A_189 = vector.broadcast %and3A_188 : i32 to vector<16xi32>
      %and3A_190 = arith.andi %add3A_187, %and3A_189 : vector<16xi32>
      %gather3A_191 = tpu.vector_load_idx %arg12[%add3A_184, %and3A_190] : memref<1024x16xf32, #tpu.memory_space<vmem>>[vector<16xi32>, vector<16xi32>], vector<16xf32>,
      %max3A = arith.maximumf %gather3A, %gather3A_191 : vector<16xf32>
      %add3A_192 = arith.constant 2 : i32
      %add3A_193 = vector.broadcast %add3A_192 : i32 to vector<16xi32>
      %add3A_194 = arith.addi %iota3A, %add3A_193 : vector<16xi32>
      %and3A_195 = arith.constant 15 : i32
      %and3A_196 = vector.broadcast %and3A_195 : i32 to vector<16xi32>
      %and3A_197 = arith.andi %add3A_194, %and3A_196 : vector<16xi32>
      %gather3A_198 = tpu.vector_load_idx %arg12[%add3A_184, %and3A_197] : memref<1024x16xf32, #tpu.memory_space<vmem>>[vector<16xi32>, vector<16xi32>], vector<16xf32>,
      %max3A_199 = arith.maximumf %max3A, %gather3A_198 : vector<16xf32>
      %add3A_200 = arith.constant 3 : i32
      %add3A_201 = vector.broadcast %add3A_200 : i32 to vector<16xi32>
      %add3A_202 = arith.addi %iota3A, %add3A_201 : vector<16xi32>
      %and3A_203 = arith.constant 15 : i32
      %and3A_204 = vector.broadcast %and3A_203 : i32 to vector<16xi32>
      %and3A_205 = arith.andi %add3A_202, %and3A_204 : vector<16xi32>
      %gather3A_206 = tpu.vector_load_idx %arg12[%add3A_184, %and3A_205] : memref<1024x16xf32, #tpu.memory_space<vmem>>[vector<16xi32>, vector<16xi32>], vector<16xf32>,
      %max3A_207 = arith.maximumf %max3A_199, %gather3A_206 : vector<16xf32>
      %add3A_208 = arith.constant 4 : i32
      %add3A_209 = vector.broadcast %add3A_208 : i32 to vector<16xi32>
      %add3A_210 = arith.addi %iota3A, %add3A_209 : vector<16xi32>
      %and3A_211 = arith.constant 15 : i32
      %and3A_212 = vector.broadcast %and3A_211 : i32 to vector<16xi32>
      %and3A_213 = arith.andi %add3A_210, %and3A_212 : vector<16xi32>
      %gather3A_214 = tpu.vector_load_idx %arg12[%add3A_184, %and3A_213] : memref<1024x16xf32, #tpu.memory_space<vmem>>[vector<16xi32>, vector<16xi32>], vector<16xf32>,
      %max3A_215 = arith.maximumf %max3A_207, %gather3A_214 : vector<16xf32>
      %add3A_216 = arith.constant 5 : i32
      %add3A_217 = vector.broadcast %add3A_216 : i32 to vector<16xi32>
      %add3A_218 = arith.addi %iota3A, %add3A_217 : vector<16xi32>
      %and3A_219 = arith.constant 15 : i32
      %and3A_220 = vector.broadcast %and3A_219 : i32 to vector<16xi32>
      %and3A_221 = arith.andi %add3A_218, %and3A_220 : vector<16xi32>
      %gather3A_222 = tpu.vector_load_idx %arg12[%add3A_184, %and3A_221] : memref<1024x16xf32, #tpu.memory_space<vmem>>[vector<16xi32>, vector<16xi32>], vector<16xf32>,
      %max3A_223 = arith.maximumf %max3A_215, %gather3A_222 : vector<16xf32>
      %add3A_224 = arith.constant 6 : i32
      %add3A_225 = vector.broadcast %add3A_224 : i32 to vector<16xi32>
      %add3A_226 = arith.addi %iota3A, %add3A_225 : vector<16xi32>
      %and3A_227 = arith.constant 15 : i32
      %and3A_228 = vector.broadcast %and3A_227 : i32 to vector<16xi32>
      %and3A_229 = arith.andi %add3A_226, %and3A_228 : vector<16xi32>
      %gather3A_230 = tpu.vector_load_idx %arg12[%add3A_184, %and3A_229] : memref<1024x16xf32, #tpu.memory_space<vmem>>[vector<16xi32>, vector<16xi32>], vector<16xf32>,
      %max3A_231 = arith.maximumf %max3A_223, %gather3A_230 : vector<16xf32>
      %add3A_232 = arith.constant 7 : i32
      %add3A_233 = vector.broadcast %add3A_232 : i32 to vector<16xi32>
      %add3A_234 = arith.addi %iota3A, %add3A_233 : vector<16xi32>
      %and3A_235 = arith.constant 15 : i32
      %and3A_236 = vector.broadcast %and3A_235 : i32 to vector<16xi32>
      %and3A_237 = arith.andi %add3A_234, %and3A_236 : vector<16xi32>
      %gather3A_238 = tpu.vector_load_idx %arg12[%add3A_184, %and3A_237] : memref<1024x16xf32, #tpu.memory_space<vmem>>[vector<16xi32>, vector<16xi32>], vector<16xf32>,
      %max3A_239 = arith.maximumf %max3A_231, %gather3A_238 : vector<16xf32>
      %add3A_240 = arith.constant 8 : i32
      %add3A_241 = vector.broadcast %add3A_240 : i32 to vector<16xi32>
      %add3A_242 = arith.addi %iota3A, %add3A_241 : vector<16xi32>
      %and3A_243 = arith.constant 15 : i32
      %and3A_244 = vector.broadcast %and3A_243 : i32 to vector<16xi32>
      %and3A_245 = arith.andi %add3A_242, %and3A_244 : vector<16xi32>
      %gather3A_246 = tpu.vector_load_idx %arg12[%add3A_184, %and3A_245] : memref<1024x16xf32, #tpu.memory_space<vmem>>[vector<16xi32>, vector<16xi32>], vector<16xf32>,
      %max3A_247 = arith.maximumf %max3A_239, %gather3A_246 : vector<16xf32>
      %add3A_248 = arith.constant 9 : i32
      %add3A_249 = vector.broadcast %add3A_248 : i32 to vector<16xi32>
      %add3A_250 = arith.addi %iota3A, %add3A_249 : vector<16xi32>
      %and3A_251 = arith.constant 15 : i32
      %and3A_252 = vector.broadcast %and3A_251 : i32 to vector<16xi32>
      %and3A_253 = arith.andi %add3A_250, %and3A_252 : vector<16xi32>
      %gather3A_254 = tpu.vector_load_idx %arg12[%add3A_184, %and3A_253] : memref<1024x16xf32, #tpu.memory_space<vmem>>[vector<16xi32>, vector<16xi32>], vector<16xf32>,
      %max3A_255 = arith.maximumf %max3A_247, %gather3A_254 : vector<16xf32>
      %add3A_256 = arith.constant 10 : i32
      %add3A_257 = vector.broadcast %add3A_256 : i32 to vector<16xi32>
      %add3A_258 = arith.addi %iota3A, %add3A_257 : vector<16xi32>
      %and3A_259 = arith.constant 15 : i32
      %and3A_260 = vector.broadcast %and3A_259 : i32 to vector<16xi32>
      %and3A_261 = arith.andi %add3A_258, %and3A_260 : vector<16xi32>
      %gather3A_262 = tpu.vector_load_idx %arg12[%add3A_184, %and3A_261] : memref<1024x16xf32, #tpu.memory_space<vmem>>[vector<16xi32>, vector<16xi32>], vector<16xf32>,
      %max3A_263 = arith.maximumf %max3A_255, %gather3A_262 : vector<16xf32>
      %add3A_264 = arith.constant 11 : i32
      %add3A_265 = vector.broadcast %add3A_264 : i32 to vector<16xi32>
      %add3A_266 = arith.addi %iota3A, %add3A_265 : vector<16xi32>
      %and3A_267 = arith.constant 15 : i32
      %and3A_268 = vector.broadcast %and3A_267 : i32 to vector<16xi32>
      %and3A_269 = arith.andi %add3A_266, %and3A_268 : vector<16xi32>
      %gather3A_270 = tpu.vector_load_idx %arg12[%add3A_184, %and3A_269] : memref<1024x16xf32, #tpu.memory_space<vmem>>[vector<16xi32>, vector<16xi32>], vector<16xf32>,
      %max3A_271 = arith.maximumf %max3A_263, %gather3A_270 : vector<16xf32>
      %add3A_272 = arith.constant 12 : i32
      %add3A_273 = vector.broadcast %add3A_272 : i32 to vector<16xi32>
      %add3A_274 = arith.addi %iota3A, %add3A_273 : vector<16xi32>
      %and3A_275 = arith.constant 15 : i32
      %and3A_276 = vector.broadcast %and3A_275 : i32 to vector<16xi32>
      %and3A_277 = arith.andi %add3A_274, %and3A_276 : vector<16xi32>
      %gather3A_278 = tpu.vector_load_idx %arg12[%add3A_184, %and3A_277] : memref<1024x16xf32, #tpu.memory_space<vmem>>[vector<16xi32>, vector<16xi32>], vector<16xf32>,
      %max3A_279 = arith.maximumf %max3A_271, %gather3A_278 : vector<16xf32>
      %add3A_280 = arith.constant 13 : i32
      %add3A_281 = vector.broadcast %add3A_280 : i32 to vector<16xi32>
      %add3A_282 = arith.addi %iota3A, %add3A_281 : vector<16xi32>
      %and3A_283 = arith.constant 15 : i32
      %and3A_284 = vector.broadcast %and3A_283 : i32 to vector<16xi32>
      %and3A_285 = arith.andi %add3A_282, %and3A_284 : vector<16xi32>
      %gather3A_286 = tpu.vector_load_idx %arg12[%add3A_184, %and3A_285] : memref<1024x16xf32, #tpu.memory_space<vmem>>[vector<16xi32>, vector<16xi32>], vector<16xf32>,
      %max3A_287 = arith.maximumf %max3A_279, %gather3A_286 : vector<16xf32>
      %add3A_288 = arith.constant 14 : i32
      %add3A_289 = vector.broadcast %add3A_288 : i32 to vector<16xi32>
      %add3A_290 = arith.addi %iota3A, %add3A_289 : vector<16xi32>
      %and3A_291 = arith.constant 15 : i32
      %and3A_292 = vector.broadcast %and3A_291 : i32 to vector<16xi32>
      %and3A_293 = arith.andi %add3A_290, %and3A_292 : vector<16xi32>
      %gather3A_294 = tpu.vector_load_idx %arg12[%add3A_184, %and3A_293] : memref<1024x16xf32, #tpu.memory_space<vmem>>[vector<16xi32>, vector<16xi32>], vector<16xf32>,
      %max3A_295 = arith.maximumf %max3A_287, %gather3A_294 : vector<16xf32>
      %add3A_296 = arith.constant 15 : i32
      %add3A_297 = vector.broadcast %add3A_296 : i32 to vector<16xi32>
      %add3A_298 = arith.addi %iota3A, %add3A_297 : vector<16xi32>
      %and3A_299 = arith.constant 15 : i32
      %and3A_300 = vector.broadcast %and3A_299 : i32 to vector<16xi32>
      %and3A_301 = arith.andi %add3A_298, %and3A_300 : vector<16xi32>
      %gather3A_302 = tpu.vector_load_idx %arg12[%add3A_184, %and3A_301] : memref<1024x16xf32, #tpu.memory_space<vmem>>[vector<16xi32>, vector<16xi32>], vector<16xf32>,
      %max3A_303 = arith.maximumf %max3A_295, %gather3A_302 : vector<16xf32>
      %mul3A_304 = arith.constant 16 : i32
      %mul3A_305 = arith.muli %scan3A_180, %mul3A_304 : i32
      %swap3A = arith.index_cast %mul3A_305 : i32 to index
      %swap3A_306 = tpu.vector_load %arg9[%swap3A] {strides = array<i32>} : memref<1024xf32, #tpu.memory_space<vmem>>, vector<16xf32>,
      tpu.vector_store %arg9[%swap3A], %max3A_303 {strides = array<i32>} : memref<1024xf32, #tpu.memory_space<vmem>>, vector<16xf32>,
    }
    %scan3A_63 = arith.constant 64 : i32
    %add3A_64 = arith.constant 0 : i32
    %add3A_65 = arith.addi %add3A_35, %add3A_64 : i32
    "tpu.region"() ({
      %run_scoped3A = tpu.sem_alloc : memref<!tpu.dma_semaphore, #tpu.memory_space<semaphore_mem>>
      %dma_start3A_180 = arith.constant 0 : i32
      %dma_start3A_181 = tpu.memref_slice %arg4[%select_n3A, %add3A_65, %dma_start3A_180] : memref<4x96x1024xf32, #tpu.memory_space<hbm>> -> memref<1x1x1024xf32, #tpu.memory_space<hbm>>
      %dma_start3A_182 = tpu.memref_squeeze %dma_start3A_181 : memref<1x1x1024xf32, #tpu.memory_space<hbm>> -> memref<1024xf32, #tpu.memory_space<hbm>>
      %dma_start3A_183 = arith.constant 0 : i32
      %dma_start3A_184 = tpu.memref_slice %arg4[%select_n3A, %add3A_65, %dma_start3A_183] : memref<4x96x1024xf32, #tpu.memory_space<hbm>> -> memref<1x1x1024xf32, #tpu.memory_space<hbm>>
      %dma_start3A_185 = tpu.memref_squeeze %dma_start3A_184 : memref<1x1x1024xf32, #tpu.memory_space<hbm>> -> memref<1024xf32, #tpu.memory_space<hbm>>
      tpu.enqueue_dma source(%arg9 : memref<1024xf32, #tpu.memory_space<vmem>>) target(%dma_start3A_185 : memref<1024xf32, #tpu.memory_space<hbm>>) target_semaphore(%run_scoped3A : memref<!tpu.dma_semaphore, #tpu.memory_space<semaphore_mem>>)
      %dma_wait3A = arith.constant 0 : i32
      %dma_wait3A_186 = tpu.memref_slice %arg4[%select_n3A, %add3A_65, %dma_wait3A] : memref<4x96x1024xf32, #tpu.memory_space<hbm>> -> memref<1x1x1024xf32, #tpu.memory_space<hbm>>
      %dma_wait3A_187 = tpu.memref_squeeze %dma_wait3A_186 : memref<1x1x1024xf32, #tpu.memory_space<hbm>> -> memref<1024xf32, #tpu.memory_space<hbm>>
      %dma_wait3A_188 = arith.constant 0 : i32
      %dma_wait3A_189 = tpu.memref_slice %arg4[%select_n3A, %add3A_65, %dma_wait3A_188] : memref<4x96x1024xf32, #tpu.memory_space<hbm>> -> memref<1x1x1024xf32, #tpu.memory_space<hbm>>
      %dma_wait3A_190 = tpu.memref_squeeze %dma_wait3A_189 : memref<1x1x1024xf32, #tpu.memory_space<hbm>> -> memref<1024xf32, #tpu.memory_space<hbm>>
      tpu.wait_dma2 semaphore(%run_scoped3A : memref<!tpu.dma_semaphore, #tpu.memory_space<semaphore_mem>>) src(%arg9 : memref<1024xf32, #tpu.memory_space<vmem>>) dst(%dma_wait3A_190 : memref<1024xf32, #tpu.memory_space<hbm>>)
      tpu.yield
    }) : () -> ()
    %scan3A_66 = arith.constant 0 : i32
    %scan3A_67 = arith.constant 0 : i32
    %scan3A_68 = arith.constant 64 : i32
    %scan3A_69 = arith.addi %scan3A_67, %scan3A_68 : i32
    %scan3A_70 = arith.constant 1 : i32
    scf.for %scan3A_180 = %scan3A_67 to %scan3A_69 step %scan3A_70  : i32 {
      %mul3A_181 = arith.constant 16 : i32
      %mul3A_182 = arith.muli %scan3A_180, %mul3A_181 : i32
      %add3A_183 = vector.broadcast %mul3A_182 : i32 to vector<16xi32>
      %add3A_184 = arith.addi %add3A_183, %iota3A : vector<16xi32>
      %gather3A = tpu.vector_load_idx %arg13[%add3A_184, %iota3A] : memref<1024x16xf32, #tpu.memory_space<vmem>>[vector<16xi32>, vector<16xi32>], vector<16xf32>,
      %add3A_185 = arith.constant 1 : i32
      %add3A_186 = vector.broadcast %add3A_185 : i32 to vector<16xi32>
      %add3A_187 = arith.addi %iota3A, %add3A_186 : vector<16xi32>
      %and3A_188 = arith.constant 15 : i32
      %and3A_189 = vector.broadcast %and3A_188 : i32 to vector<16xi32>
      %and3A_190 = arith.andi %add3A_187, %and3A_189 : vector<16xi32>
      %gather3A_191 = tpu.vector_load_idx %arg13[%add3A_184, %and3A_190] : memref<1024x16xf32, #tpu.memory_space<vmem>>[vector<16xi32>, vector<16xi32>], vector<16xf32>,
      %max3A = arith.maximumf %gather3A, %gather3A_191 : vector<16xf32>
      %add3A_192 = arith.constant 2 : i32
      %add3A_193 = vector.broadcast %add3A_192 : i32 to vector<16xi32>
      %add3A_194 = arith.addi %iota3A, %add3A_193 : vector<16xi32>
      %and3A_195 = arith.constant 15 : i32
      %and3A_196 = vector.broadcast %and3A_195 : i32 to vector<16xi32>
      %and3A_197 = arith.andi %add3A_194, %and3A_196 : vector<16xi32>
      %gather3A_198 = tpu.vector_load_idx %arg13[%add3A_184, %and3A_197] : memref<1024x16xf32, #tpu.memory_space<vmem>>[vector<16xi32>, vector<16xi32>], vector<16xf32>,
      %max3A_199 = arith.maximumf %max3A, %gather3A_198 : vector<16xf32>
      %add3A_200 = arith.constant 3 : i32
      %add3A_201 = vector.broadcast %add3A_200 : i32 to vector<16xi32>
      %add3A_202 = arith.addi %iota3A, %add3A_201 : vector<16xi32>
      %and3A_203 = arith.constant 15 : i32
      %and3A_204 = vector.broadcast %and3A_203 : i32 to vector<16xi32>
      %and3A_205 = arith.andi %add3A_202, %and3A_204 : vector<16xi32>
      %gather3A_206 = tpu.vector_load_idx %arg13[%add3A_184, %and3A_205] : memref<1024x16xf32, #tpu.memory_space<vmem>>[vector<16xi32>, vector<16xi32>], vector<16xf32>,
      %max3A_207 = arith.maximumf %max3A_199, %gather3A_206 : vector<16xf32>
      %add3A_208 = arith.constant 4 : i32
      %add3A_209 = vector.broadcast %add3A_208 : i32 to vector<16xi32>
      %add3A_210 = arith.addi %iota3A, %add3A_209 : vector<16xi32>
      %and3A_211 = arith.constant 15 : i32
      %and3A_212 = vector.broadcast %and3A_211 : i32 to vector<16xi32>
      %and3A_213 = arith.andi %add3A_210, %and3A_212 : vector<16xi32>
      %gather3A_214 = tpu.vector_load_idx %arg13[%add3A_184, %and3A_213] : memref<1024x16xf32, #tpu.memory_space<vmem>>[vector<16xi32>, vector<16xi32>], vector<16xf32>,
      %max3A_215 = arith.maximumf %max3A_207, %gather3A_214 : vector<16xf32>
      %add3A_216 = arith.constant 5 : i32
      %add3A_217 = vector.broadcast %add3A_216 : i32 to vector<16xi32>
      %add3A_218 = arith.addi %iota3A, %add3A_217 : vector<16xi32>
      %and3A_219 = arith.constant 15 : i32
      %and3A_220 = vector.broadcast %and3A_219 : i32 to vector<16xi32>
      %and3A_221 = arith.andi %add3A_218, %and3A_220 : vector<16xi32>
      %gather3A_222 = tpu.vector_load_idx %arg13[%add3A_184, %and3A_221] : memref<1024x16xf32, #tpu.memory_space<vmem>>[vector<16xi32>, vector<16xi32>], vector<16xf32>,
      %max3A_223 = arith.maximumf %max3A_215, %gather3A_222 : vector<16xf32>
      %add3A_224 = arith.constant 6 : i32
      %add3A_225 = vector.broadcast %add3A_224 : i32 to vector<16xi32>
      %add3A_226 = arith.addi %iota3A, %add3A_225 : vector<16xi32>
      %and3A_227 = arith.constant 15 : i32
      %and3A_228 = vector.broadcast %and3A_227 : i32 to vector<16xi32>
      %and3A_229 = arith.andi %add3A_226, %and3A_228 : vector<16xi32>
      %gather3A_230 = tpu.vector_load_idx %arg13[%add3A_184, %and3A_229] : memref<1024x16xf32, #tpu.memory_space<vmem>>[vector<16xi32>, vector<16xi32>], vector<16xf32>,
      %max3A_231 = arith.maximumf %max3A_223, %gather3A_230 : vector<16xf32>
      %add3A_232 = arith.constant 7 : i32
      %add3A_233 = vector.broadcast %add3A_232 : i32 to vector<16xi32>
      %add3A_234 = arith.addi %iota3A, %add3A_233 : vector<16xi32>
      %and3A_235 = arith.constant 15 : i32
      %and3A_236 = vector.broadcast %and3A_235 : i32 to vector<16xi32>
      %and3A_237 = arith.andi %add3A_234, %and3A_236 : vector<16xi32>
      %gather3A_238 = tpu.vector_load_idx %arg13[%add3A_184, %and3A_237] : memref<1024x16xf32, #tpu.memory_space<vmem>>[vector<16xi32>, vector<16xi32>], vector<16xf32>,
      %max3A_239 = arith.maximumf %max3A_231, %gather3A_238 : vector<16xf32>
      %add3A_240 = arith.constant 8 : i32
      %add3A_241 = vector.broadcast %add3A_240 : i32 to vector<16xi32>
      %add3A_242 = arith.addi %iota3A, %add3A_241 : vector<16xi32>
      %and3A_243 = arith.constant 15 : i32
      %and3A_244 = vector.broadcast %and3A_243 : i32 to vector<16xi32>
      %and3A_245 = arith.andi %add3A_242, %and3A_244 : vector<16xi32>
      %gather3A_246 = tpu.vector_load_idx %arg13[%add3A_184, %and3A_245] : memref<1024x16xf32, #tpu.memory_space<vmem>>[vector<16xi32>, vector<16xi32>], vector<16xf32>,
      %max3A_247 = arith.maximumf %max3A_239, %gather3A_246 : vector<16xf32>
      %add3A_248 = arith.constant 9 : i32
      %add3A_249 = vector.broadcast %add3A_248 : i32 to vector<16xi32>
      %add3A_250 = arith.addi %iota3A, %add3A_249 : vector<16xi32>
      %and3A_251 = arith.constant 15 : i32
      %and3A_252 = vector.broadcast %and3A_251 : i32 to vector<16xi32>
      %and3A_253 = arith.andi %add3A_250, %and3A_252 : vector<16xi32>
      %gather3A_254 = tpu.vector_load_idx %arg13[%add3A_184, %and3A_253] : memref<1024x16xf32, #tpu.memory_space<vmem>>[vector<16xi32>, vector<16xi32>], vector<16xf32>,
      %max3A_255 = arith.maximumf %max3A_247, %gather3A_254 : vector<16xf32>
      %add3A_256 = arith.constant 10 : i32
      %add3A_257 = vector.broadcast %add3A_256 : i32 to vector<16xi32>
      %add3A_258 = arith.addi %iota3A, %add3A_257 : vector<16xi32>
      %and3A_259 = arith.constant 15 : i32
      %and3A_260 = vector.broadcast %and3A_259 : i32 to vector<16xi32>
      %and3A_261 = arith.andi %add3A_258, %and3A_260 : vector<16xi32>
      %gather3A_262 = tpu.vector_load_idx %arg13[%add3A_184, %and3A_261] : memref<1024x16xf32, #tpu.memory_space<vmem>>[vector<16xi32>, vector<16xi32>], vector<16xf32>,
      %max3A_263 = arith.maximumf %max3A_255, %gather3A_262 : vector<16xf32>
      %add3A_264 = arith.constant 11 : i32
      %add3A_265 = vector.broadcast %add3A_264 : i32 to vector<16xi32>
      %add3A_266 = arith.addi %iota3A, %add3A_265 : vector<16xi32>
      %and3A_267 = arith.constant 15 : i32
      %and3A_268 = vector.broadcast %and3A_267 : i32 to vector<16xi32>
      %and3A_269 = arith.andi %add3A_266, %and3A_268 : vector<16xi32>
      %gather3A_270 = tpu.vector_load_idx %arg13[%add3A_184, %and3A_269] : memref<1024x16xf32, #tpu.memory_space<vmem>>[vector<16xi32>, vector<16xi32>], vector<16xf32>,
      %max3A_271 = arith.maximumf %max3A_263, %gather3A_270 : vector<16xf32>
      %add3A_272 = arith.constant 12 : i32
      %add3A_273 = vector.broadcast %add3A_272 : i32 to vector<16xi32>
      %add3A_274 = arith.addi %iota3A, %add3A_273 : vector<16xi32>
      %and3A_275 = arith.constant 15 : i32
      %and3A_276 = vector.broadcast %and3A_275 : i32 to vector<16xi32>
      %and3A_277 = arith.andi %add3A_274, %and3A_276 : vector<16xi32>
      %gather3A_278 = tpu.vector_load_idx %arg13[%add3A_184, %and3A_277] : memref<1024x16xf32, #tpu.memory_space<vmem>>[vector<16xi32>, vector<16xi32>], vector<16xf32>,
      %max3A_279 = arith.maximumf %max3A_271, %gather3A_278 : vector<16xf32>
      %add3A_280 = arith.constant 13 : i32
      %add3A_281 = vector.broadcast %add3A_280 : i32 to vector<16xi32>
      %add3A_282 = arith.addi %iota3A, %add3A_281 : vector<16xi32>
      %and3A_283 = arith.constant 15 : i32
      %and3A_284 = vector.broadcast %and3A_283 : i32 to vector<16xi32>
      %and3A_285 = arith.andi %add3A_282, %and3A_284 : vector<16xi32>
      %gather3A_286 = tpu.vector_load_idx %arg13[%add3A_184, %and3A_285] : memref<1024x16xf32, #tpu.memory_space<vmem>>[vector<16xi32>, vector<16xi32>], vector<16xf32>,
      %max3A_287 = arith.maximumf %max3A_279, %gather3A_286 : vector<16xf32>
      %add3A_288 = arith.constant 14 : i32
      %add3A_289 = vector.broadcast %add3A_288 : i32 to vector<16xi32>
      %add3A_290 = arith.addi %iota3A, %add3A_289 : vector<16xi32>
      %and3A_291 = arith.constant 15 : i32
      %and3A_292 = vector.broadcast %and3A_291 : i32 to vector<16xi32>
      %and3A_293 = arith.andi %add3A_290, %and3A_292 : vector<16xi32>
      %gather3A_294 = tpu.vector_load_idx %arg13[%add3A_184, %and3A_293] : memref<1024x16xf32, #tpu.memory_space<vmem>>[vector<16xi32>, vector<16xi32>], vector<16xf32>,
      %max3A_295 = arith.maximumf %max3A_287, %gather3A_294 : vector<16xf32>
      %add3A_296 = arith.constant 15 : i32
      %add3A_297 = vector.broadcast %add3A_296 : i32 to vector<16xi32>
      %add3A_298 = arith.addi %iota3A, %add3A_297 : vector<16xi32>
      %and3A_299 = arith.constant 15 : i32
      %and3A_300 = vector.broadcast %and3A_299 : i32 to vector<16xi32>
      %and3A_301 = arith.andi %add3A_298, %and3A_300 : vector<16xi32>
      %gather3A_302 = tpu.vector_load_idx %arg13[%add3A_184, %and3A_301] : memref<1024x16xf32, #tpu.memory_space<vmem>>[vector<16xi32>, vector<16xi32>], vector<16xf32>,
      %max3A_303 = arith.maximumf %max3A_295, %gather3A_302 : vector<16xf32>
      %mul3A_304 = arith.constant 16 : i32
      %mul3A_305 = arith.muli %scan3A_180, %mul3A_304 : i32
      %swap3A = arith.index_cast %mul3A_305 : i32 to index
      %swap3A_306 = tpu.vector_load %arg9[%swap3A] {strides = array<i32>} : memref<1024xf32, #tpu.memory_space<vmem>>, vector<16xf32>,
      tpu.vector_store %arg9[%swap3A], %max3A_303 {strides = array<i32>} : memref<1024xf32, #tpu.memory_space<vmem>>, vector<16xf32>,
    }
    %scan3A_71 = arith.constant 64 : i32
    %add3A_72 = arith.constant 1 : i32
    %add3A_73 = arith.addi %add3A_35, %add3A_72 : i32
    "tpu.region"() ({
      %run_scoped3A = tpu.sem_alloc : memref<!tpu.dma_semaphore, #tpu.memory_space<semaphore_mem>>
      %dma_start3A_180 = arith.constant 0 : i32
      %dma_start3A_181 = tpu.memref_slice %arg4[%select_n3A, %add3A_73, %dma_start3A_180] : memref<4x96x1024xf32, #tpu.memory_space<hbm>> -> memref<1x1x1024xf32, #tpu.memory_space<hbm>>
      %dma_start3A_182 = tpu.memref_squeeze %dma_start3A_181 : memref<1x1x1024xf32, #tpu.memory_space<hbm>> -> memref<1024xf32, #tpu.memory_space<hbm>>
      %dma_start3A_183 = arith.constant 0 : i32
      %dma_start3A_184 = tpu.memref_slice %arg4[%select_n3A, %add3A_73, %dma_start3A_183] : memref<4x96x1024xf32, #tpu.memory_space<hbm>> -> memref<1x1x1024xf32, #tpu.memory_space<hbm>>
      %dma_start3A_185 = tpu.memref_squeeze %dma_start3A_184 : memref<1x1x1024xf32, #tpu.memory_space<hbm>> -> memref<1024xf32, #tpu.memory_space<hbm>>
      tpu.enqueue_dma source(%arg9 : memref<1024xf32, #tpu.memory_space<vmem>>) target(%dma_start3A_185 : memref<1024xf32, #tpu.memory_space<hbm>>) target_semaphore(%run_scoped3A : memref<!tpu.dma_semaphore, #tpu.memory_space<semaphore_mem>>)
      %dma_wait3A = arith.constant 0 : i32
      %dma_wait3A_186 = tpu.memref_slice %arg4[%select_n3A, %add3A_73, %dma_wait3A] : memref<4x96x1024xf32, #tpu.memory_space<hbm>> -> memref<1x1x1024xf32, #tpu.memory_space<hbm>>
      %dma_wait3A_187 = tpu.memref_squeeze %dma_wait3A_186 : memref<1x1x1024xf32, #tpu.memory_space<hbm>> -> memref<1024xf32, #tpu.memory_space<hbm>>
      %dma_wait3A_188 = arith.constant 0 : i32
      %dma_wait3A_189 = tpu.memref_slice %arg4[%select_n3A, %add3A_73, %dma_wait3A_188] : memref<4x96x1024xf32, #tpu.memory_space<hbm>> -> memref<1x1x1024xf32, #tpu.memory_space<hbm>>
      %dma_wait3A_190 = tpu.memref_squeeze %dma_wait3A_189 : memref<1x1x1024xf32, #tpu.memory_space<hbm>> -> memref<1024xf32, #tpu.memory_space<hbm>>
      tpu.wait_dma2 semaphore(%run_scoped3A : memref<!tpu.dma_semaphore, #tpu.memory_space<semaphore_mem>>) src(%arg9 : memref<1024xf32, #tpu.memory_space<vmem>>) dst(%dma_wait3A_190 : memref<1024xf32, #tpu.memory_space<hbm>>)
      tpu.yield
    }) : () -> ()
    %scan3A_74 = arith.constant 0 : i32
    %scan3A_75 = arith.constant 0 : i32
    %scan3A_76 = arith.constant 64 : i32
    %scan3A_77 = arith.addi %scan3A_75, %scan3A_76 : i32
    %scan3A_78 = arith.constant 1 : i32
    scf.for %scan3A_180 = %scan3A_75 to %scan3A_77 step %scan3A_78  : i32 {
      %mul3A_181 = arith.constant 16 : i32
      %mul3A_182 = arith.muli %scan3A_180, %mul3A_181 : i32
      %add3A_183 = vector.broadcast %mul3A_182 : i32 to vector<16xi32>
      %add3A_184 = arith.addi %add3A_183, %iota3A : vector<16xi32>
      %gather3A = tpu.vector_load_idx %arg14[%add3A_184, %iota3A] : memref<1024x16xf32, #tpu.memory_space<vmem>>[vector<16xi32>, vector<16xi32>], vector<16xf32>,
      %add3A_185 = arith.constant 1 : i32
      %add3A_186 = vector.broadcast %add3A_185 : i32 to vector<16xi32>
      %add3A_187 = arith.addi %iota3A, %add3A_186 : vector<16xi32>
      %and3A_188 = arith.constant 15 : i32
      %and3A_189 = vector.broadcast %and3A_188 : i32 to vector<16xi32>
      %and3A_190 = arith.andi %add3A_187, %and3A_189 : vector<16xi32>
      %gather3A_191 = tpu.vector_load_idx %arg14[%add3A_184, %and3A_190] : memref<1024x16xf32, #tpu.memory_space<vmem>>[vector<16xi32>, vector<16xi32>], vector<16xf32>,
      %max3A = arith.maximumf %gather3A, %gather3A_191 : vector<16xf32>
      %add3A_192 = arith.constant 2 : i32
      %add3A_193 = vector.broadcast %add3A_192 : i32 to vector<16xi32>
      %add3A_194 = arith.addi %iota3A, %add3A_193 : vector<16xi32>
      %and3A_195 = arith.constant 15 : i32
      %and3A_196 = vector.broadcast %and3A_195 : i32 to vector<16xi32>
      %and3A_197 = arith.andi %add3A_194, %and3A_196 : vector<16xi32>
      %gather3A_198 = tpu.vector_load_idx %arg14[%add3A_184, %and3A_197] : memref<1024x16xf32, #tpu.memory_space<vmem>>[vector<16xi32>, vector<16xi32>], vector<16xf32>,
      %max3A_199 = arith.maximumf %max3A, %gather3A_198 : vector<16xf32>
      %add3A_200 = arith.constant 3 : i32
      %add3A_201 = vector.broadcast %add3A_200 : i32 to vector<16xi32>
      %add3A_202 = arith.addi %iota3A, %add3A_201 : vector<16xi32>
      %and3A_203 = arith.constant 15 : i32
      %and3A_204 = vector.broadcast %and3A_203 : i32 to vector<16xi32>
      %and3A_205 = arith.andi %add3A_202, %and3A_204 : vector<16xi32>
      %gather3A_206 = tpu.vector_load_idx %arg14[%add3A_184, %and3A_205] : memref<1024x16xf32, #tpu.memory_space<vmem>>[vector<16xi32>, vector<16xi32>], vector<16xf32>,
      %max3A_207 = arith.maximumf %max3A_199, %gather3A_206 : vector<16xf32>
      %add3A_208 = arith.constant 4 : i32
      %add3A_209 = vector.broadcast %add3A_208 : i32 to vector<16xi32>
      %add3A_210 = arith.addi %iota3A, %add3A_209 : vector<16xi32>
      %and3A_211 = arith.constant 15 : i32
      %and3A_212 = vector.broadcast %and3A_211 : i32 to vector<16xi32>
      %and3A_213 = arith.andi %add3A_210, %and3A_212 : vector<16xi32>
      %gather3A_214 = tpu.vector_load_idx %arg14[%add3A_184, %and3A_213] : memref<1024x16xf32, #tpu.memory_space<vmem>>[vector<16xi32>, vector<16xi32>], vector<16xf32>,
      %max3A_215 = arith.maximumf %max3A_207, %gather3A_214 : vector<16xf32>
      %add3A_216 = arith.constant 5 : i32
      %add3A_217 = vector.broadcast %add3A_216 : i32 to vector<16xi32>
      %add3A_218 = arith.addi %iota3A, %add3A_217 : vector<16xi32>
      %and3A_219 = arith.constant 15 : i32
      %and3A_220 = vector.broadcast %and3A_219 : i32 to vector<16xi32>
      %and3A_221 = arith.andi %add3A_218, %and3A_220 : vector<16xi32>
      %gather3A_222 = tpu.vector_load_idx %arg14[%add3A_184, %and3A_221] : memref<1024x16xf32, #tpu.memory_space<vmem>>[vector<16xi32>, vector<16xi32>], vector<16xf32>,
      %max3A_223 = arith.maximumf %max3A_215, %gather3A_222 : vector<16xf32>
      %add3A_224 = arith.constant 6 : i32
      %add3A_225 = vector.broadcast %add3A_224 : i32 to vector<16xi32>
      %add3A_226 = arith.addi %iota3A, %add3A_225 : vector<16xi32>
      %and3A_227 = arith.constant 15 : i32
      %and3A_228 = vector.broadcast %and3A_227 : i32 to vector<16xi32>
      %and3A_229 = arith.andi %add3A_226, %and3A_228 : vector<16xi32>
      %gather3A_230 = tpu.vector_load_idx %arg14[%add3A_184, %and3A_229] : memref<1024x16xf32, #tpu.memory_space<vmem>>[vector<16xi32>, vector<16xi32>], vector<16xf32>,
      %max3A_231 = arith.maximumf %max3A_223, %gather3A_230 : vector<16xf32>
      %add3A_232 = arith.constant 7 : i32
      %add3A_233 = vector.broadcast %add3A_232 : i32 to vector<16xi32>
      %add3A_234 = arith.addi %iota3A, %add3A_233 : vector<16xi32>
      %and3A_235 = arith.constant 15 : i32
      %and3A_236 = vector.broadcast %and3A_235 : i32 to vector<16xi32>
      %and3A_237 = arith.andi %add3A_234, %and3A_236 : vector<16xi32>
      %gather3A_238 = tpu.vector_load_idx %arg14[%add3A_184, %and3A_237] : memref<1024x16xf32, #tpu.memory_space<vmem>>[vector<16xi32>, vector<16xi32>], vector<16xf32>,
      %max3A_239 = arith.maximumf %max3A_231, %gather3A_238 : vector<16xf32>
      %add3A_240 = arith.constant 8 : i32
      %add3A_241 = vector.broadcast %add3A_240 : i32 to vector<16xi32>
      %add3A_242 = arith.addi %iota3A, %add3A_241 : vector<16xi32>
      %and3A_243 = arith.constant 15 : i32
      %and3A_244 = vector.broadcast %and3A_243 : i32 to vector<16xi32>
      %and3A_245 = arith.andi %add3A_242, %and3A_244 : vector<16xi32>
      %gather3A_246 = tpu.vector_load_idx %arg14[%add3A_184, %and3A_245] : memref<1024x16xf32, #tpu.memory_space<vmem>>[vector<16xi32>, vector<16xi32>], vector<16xf32>,
      %max3A_247 = arith.maximumf %max3A_239, %gather3A_246 : vector<16xf32>
      %add3A_248 = arith.constant 9 : i32
      %add3A_249 = vector.broadcast %add3A_248 : i32 to vector<16xi32>
      %add3A_250 = arith.addi %iota3A, %add3A_249 : vector<16xi32>
      %and3A_251 = arith.constant 15 : i32
      %and3A_252 = vector.broadcast %and3A_251 : i32 to vector<16xi32>
      %and3A_253 = arith.andi %add3A_250, %and3A_252 : vector<16xi32>
      %gather3A_254 = tpu.vector_load_idx %arg14[%add3A_184, %and3A_253] : memref<1024x16xf32, #tpu.memory_space<vmem>>[vector<16xi32>, vector<16xi32>], vector<16xf32>,
      %max3A_255 = arith.maximumf %max3A_247, %gather3A_254 : vector<16xf32>
      %add3A_256 = arith.constant 10 : i32
      %add3A_257 = vector.broadcast %add3A_256 : i32 to vector<16xi32>
      %add3A_258 = arith.addi %iota3A, %add3A_257 : vector<16xi32>
      %and3A_259 = arith.constant 15 : i32
      %and3A_260 = vector.broadcast %and3A_259 : i32 to vector<16xi32>
      %and3A_261 = arith.andi %add3A_258, %and3A_260 : vector<16xi32>
      %gather3A_262 = tpu.vector_load_idx %arg14[%add3A_184, %and3A_261] : memref<1024x16xf32, #tpu.memory_space<vmem>>[vector<16xi32>, vector<16xi32>], vector<16xf32>,
      %max3A_263 = arith.maximumf %max3A_255, %gather3A_262 : vector<16xf32>
      %add3A_264 = arith.constant 11 : i32
      %add3A_265 = vector.broadcast %add3A_264 : i32 to vector<16xi32>
      %add3A_266 = arith.addi %iota3A, %add3A_265 : vector<16xi32>
      %and3A_267 = arith.constant 15 : i32
      %and3A_268 = vector.broadcast %and3A_267 : i32 to vector<16xi32>
      %and3A_269 = arith.andi %add3A_266, %and3A_268 : vector<16xi32>
      %gather3A_270 = tpu.vector_load_idx %arg14[%add3A_184, %and3A_269] : memref<1024x16xf32, #tpu.memory_space<vmem>>[vector<16xi32>, vector<16xi32>], vector<16xf32>,
      %max3A_271 = arith.maximumf %max3A_263, %gather3A_270 : vector<16xf32>
      %add3A_272 = arith.constant 12 : i32
      %add3A_273 = vector.broadcast %add3A_272 : i32 to vector<16xi32>
      %add3A_274 = arith.addi %iota3A, %add3A_273 : vector<16xi32>
      %and3A_275 = arith.constant 15 : i32
      %and3A_276 = vector.broadcast %and3A_275 : i32 to vector<16xi32>
      %and3A_277 = arith.andi %add3A_274, %and3A_276 : vector<16xi32>
      %gather3A_278 = tpu.vector_load_idx %arg14[%add3A_184, %and3A_277] : memref<1024x16xf32, #tpu.memory_space<vmem>>[vector<16xi32>, vector<16xi32>], vector<16xf32>,
      %max3A_279 = arith.maximumf %max3A_271, %gather3A_278 : vector<16xf32>
      %add3A_280 = arith.constant 13 : i32
      %add3A_281 = vector.broadcast %add3A_280 : i32 to vector<16xi32>
      %add3A_282 = arith.addi %iota3A, %add3A_281 : vector<16xi32>
      %and3A_283 = arith.constant 15 : i32
      %and3A_284 = vector.broadcast %and3A_283 : i32 to vector<16xi32>
      %and3A_285 = arith.andi %add3A_282, %and3A_284 : vector<16xi32>
      %gather3A_286 = tpu.vector_load_idx %arg14[%add3A_184, %and3A_285] : memref<1024x16xf32, #tpu.memory_space<vmem>>[vector<16xi32>, vector<16xi32>], vector<16xf32>,
      %max3A_287 = arith.maximumf %max3A_279, %gather3A_286 : vector<16xf32>
      %add3A_288 = arith.constant 14 : i32
      %add3A_289 = vector.broadcast %add3A_288 : i32 to vector<16xi32>
      %add3A_290 = arith.addi %iota3A, %add3A_289 : vector<16xi32>
      %and3A_291 = arith.constant 15 : i32
      %and3A_292 = vector.broadcast %and3A_291 : i32 to vector<16xi32>
      %and3A_293 = arith.andi %add3A_290, %and3A_292 : vector<16xi32>
      %gather3A_294 = tpu.vector_load_idx %arg14[%add3A_184, %and3A_293] : memref<1024x16xf32, #tpu.memory_space<vmem>>[vector<16xi32>, vector<16xi32>], vector<16xf32>,
      %max3A_295 = arith.maximumf %max3A_287, %gather3A_294 : vector<16xf32>
      %add3A_296 = arith.constant 15 : i32
      %add3A_297 = vector.broadcast %add3A_296 : i32 to vector<16xi32>
      %add3A_298 = arith.addi %iota3A, %add3A_297 : vector<16xi32>
      %and3A_299 = arith.constant 15 : i32
      %and3A_300 = vector.broadcast %and3A_299 : i32 to vector<16xi32>
      %and3A_301 = arith.andi %add3A_298, %and3A_300 : vector<16xi32>
      %gather3A_302 = tpu.vector_load_idx %arg14[%add3A_184, %and3A_301] : memref<1024x16xf32, #tpu.memory_space<vmem>>[vector<16xi32>, vector<16xi32>], vector<16xf32>,
      %max3A_303 = arith.maximumf %max3A_295, %gather3A_302 : vector<16xf32>
      %mul3A_304 = arith.constant 16 : i32
      %mul3A_305 = arith.muli %scan3A_180, %mul3A_304 : i32
      %swap3A = arith.index_cast %mul3A_305 : i32 to index
      %swap3A_306 = tpu.vector_load %arg9[%swap3A] {strides = array<i32>} : memref<1024xf32, #tpu.memory_space<vmem>>, vector<16xf32>,
      tpu.vector_store %arg9[%swap3A], %max3A_303 {strides = array<i32>} : memref<1024xf32, #tpu.memory_space<vmem>>, vector<16xf32>,
    }
    %scan3A_79 = arith.constant 64 : i32
    %add3A_80 = arith.constant 2 : i32
    %add3A_81 = arith.addi %add3A_35, %add3A_80 : i32
    "tpu.region"() ({
      %run_scoped3A = tpu.sem_alloc : memref<!tpu.dma_semaphore, #tpu.memory_space<semaphore_mem>>
      %dma_start3A_180 = arith.constant 0 : i32
      %dma_start3A_181 = tpu.memref_slice %arg4[%select_n3A, %add3A_81, %dma_start3A_180] : memref<4x96x1024xf32, #tpu.memory_space<hbm>> -> memref<1x1x1024xf32, #tpu.memory_space<hbm>>
      %dma_start3A_182 = tpu.memref_squeeze %dma_start3A_181 : memref<1x1x1024xf32, #tpu.memory_space<hbm>> -> memref<1024xf32, #tpu.memory_space<hbm>>
      %dma_start3A_183 = arith.constant 0 : i32
      %dma_start3A_184 = tpu.memref_slice %arg4[%select_n3A, %add3A_81, %dma_start3A_183] : memref<4x96x1024xf32, #tpu.memory_space<hbm>> -> memref<1x1x1024xf32, #tpu.memory_space<hbm>>
      %dma_start3A_185 = tpu.memref_squeeze %dma_start3A_184 : memref<1x1x1024xf32, #tpu.memory_space<hbm>> -> memref<1024xf32, #tpu.memory_space<hbm>>
      tpu.enqueue_dma source(%arg9 : memref<1024xf32, #tpu.memory_space<vmem>>) target(%dma_start3A_185 : memref<1024xf32, #tpu.memory_space<hbm>>) target_semaphore(%run_scoped3A : memref<!tpu.dma_semaphore, #tpu.memory_space<semaphore_mem>>)
      %dma_wait3A = arith.constant 0 : i32
      %dma_wait3A_186 = tpu.memref_slice %arg4[%select_n3A, %add3A_81, %dma_wait3A] : memref<4x96x1024xf32, #tpu.memory_space<hbm>> -> memref<1x1x1024xf32, #tpu.memory_space<hbm>>
      %dma_wait3A_187 = tpu.memref_squeeze %dma_wait3A_186 : memref<1x1x1024xf32, #tpu.memory_space<hbm>> -> memref<1024xf32, #tpu.memory_space<hbm>>
      %dma_wait3A_188 = arith.constant 0 : i32
      %dma_wait3A_189 = tpu.memref_slice %arg4[%select_n3A, %add3A_81, %dma_wait3A_188] : memref<4x96x1024xf32, #tpu.memory_space<hbm>> -> memref<1x1x1024xf32, #tpu.memory_space<hbm>>
      %dma_wait3A_190 = tpu.memref_squeeze %dma_wait3A_189 : memref<1x1x1024xf32, #tpu.memory_space<hbm>> -> memref<1024xf32, #tpu.memory_space<hbm>>
      tpu.wait_dma2 semaphore(%run_scoped3A : memref<!tpu.dma_semaphore, #tpu.memory_space<semaphore_mem>>) src(%arg9 : memref<1024xf32, #tpu.memory_space<vmem>>) dst(%dma_wait3A_190 : memref<1024xf32, #tpu.memory_space<hbm>>)
      tpu.yield
    }) : () -> ()
    %scan3A_82 = arith.constant 0 : i32
    %scan3A_83 = arith.constant 0 : i32
    %scan3A_84 = arith.constant 64 : i32
    %scan3A_85 = arith.addi %scan3A_83, %scan3A_84 : i32
    %scan3A_86 = arith.constant 1 : i32
    scf.for %scan3A_180 = %scan3A_83 to %scan3A_85 step %scan3A_86  : i32 {
      %mul3A_181 = arith.constant 16 : i32
      %mul3A_182 = arith.muli %scan3A_180, %mul3A_181 : i32
      %add3A_183 = vector.broadcast %mul3A_182 : i32 to vector<16xi32>
      %add3A_184 = arith.addi %add3A_183, %iota3A : vector<16xi32>
      %gather3A = tpu.vector_load_idx %arg15[%add3A_184, %iota3A] : memref<1024x16xf32, #tpu.memory_space<vmem>>[vector<16xi32>, vector<16xi32>], vector<16xf32>,
      %add3A_185 = arith.constant 1 : i32
      %add3A_186 = vector.broadcast %add3A_185 : i32 to vector<16xi32>
      %add3A_187 = arith.addi %iota3A, %add3A_186 : vector<16xi32>
      %and3A_188 = arith.constant 15 : i32
      %and3A_189 = vector.broadcast %and3A_188 : i32 to vector<16xi32>
      %and3A_190 = arith.andi %add3A_187, %and3A_189 : vector<16xi32>
      %gather3A_191 = tpu.vector_load_idx %arg15[%add3A_184, %and3A_190] : memref<1024x16xf32, #tpu.memory_space<vmem>>[vector<16xi32>, vector<16xi32>], vector<16xf32>,
      %max3A = arith.maximumf %gather3A, %gather3A_191 : vector<16xf32>
      %add3A_192 = arith.constant 2 : i32
      %add3A_193 = vector.broadcast %add3A_192 : i32 to vector<16xi32>
      %add3A_194 = arith.addi %iota3A, %add3A_193 : vector<16xi32>
      %and3A_195 = arith.constant 15 : i32
      %and3A_196 = vector.broadcast %and3A_195 : i32 to vector<16xi32>
      %and3A_197 = arith.andi %add3A_194, %and3A_196 : vector<16xi32>
      %gather3A_198 = tpu.vector_load_idx %arg15[%add3A_184, %and3A_197] : memref<1024x16xf32, #tpu.memory_space<vmem>>[vector<16xi32>, vector<16xi32>], vector<16xf32>,
      %max3A_199 = arith.maximumf %max3A, %gather3A_198 : vector<16xf32>
      %add3A_200 = arith.constant 3 : i32
      %add3A_201 = vector.broadcast %add3A_200 : i32 to vector<16xi32>
      %add3A_202 = arith.addi %iota3A, %add3A_201 : vector<16xi32>
      %and3A_203 = arith.constant 15 : i32
      %and3A_204 = vector.broadcast %and3A_203 : i32 to vector<16xi32>
      %and3A_205 = arith.andi %add3A_202, %and3A_204 : vector<16xi32>
      %gather3A_206 = tpu.vector_load_idx %arg15[%add3A_184, %and3A_205] : memref<1024x16xf32, #tpu.memory_space<vmem>>[vector<16xi32>, vector<16xi32>], vector<16xf32>,
      %max3A_207 = arith.maximumf %max3A_199, %gather3A_206 : vector<16xf32>
      %add3A_208 = arith.constant 4 : i32
      %add3A_209 = vector.broadcast %add3A_208 : i32 to vector<16xi32>
      %add3A_210 = arith.addi %iota3A, %add3A_209 : vector<16xi32>
      %and3A_211 = arith.constant 15 : i32
      %and3A_212 = vector.broadcast %and3A_211 : i32 to vector<16xi32>
      %and3A_213 = arith.andi %add3A_210, %and3A_212 : vector<16xi32>
      %gather3A_214 = tpu.vector_load_idx %arg15[%add3A_184, %and3A_213] : memref<1024x16xf32, #tpu.memory_space<vmem>>[vector<16xi32>, vector<16xi32>], vector<16xf32>,
      %max3A_215 = arith.maximumf %max3A_207, %gather3A_214 : vector<16xf32>
      %add3A_216 = arith.constant 5 : i32
      %add3A_217 = vector.broadcast %add3A_216 : i32 to vector<16xi32>
      %add3A_218 = arith.addi %iota3A, %add3A_217 : vector<16xi32>
      %and3A_219 = arith.constant 15 : i32
      %and3A_220 = vector.broadcast %and3A_219 : i32 to vector<16xi32>
      %and3A_221 = arith.andi %add3A_218, %and3A_220 : vector<16xi32>
      %gather3A_222 = tpu.vector_load_idx %arg15[%add3A_184, %and3A_221] : memref<1024x16xf32, #tpu.memory_space<vmem>>[vector<16xi32>, vector<16xi32>], vector<16xf32>,
      %max3A_223 = arith.maximumf %max3A_215, %gather3A_222 : vector<16xf32>
      %add3A_224 = arith.constant 6 : i32
      %add3A_225 = vector.broadcast %add3A_224 : i32 to vector<16xi32>
      %add3A_226 = arith.addi %iota3A, %add3A_225 : vector<16xi32>
      %and3A_227 = arith.constant 15 : i32
      %and3A_228 = vector.broadcast %and3A_227 : i32 to vector<16xi32>
      %and3A_229 = arith.andi %add3A_226, %and3A_228 : vector<16xi32>
      %gather3A_230 = tpu.vector_load_idx %arg15[%add3A_184, %and3A_229] : memref<1024x16xf32, #tpu.memory_space<vmem>>[vector<16xi32>, vector<16xi32>], vector<16xf32>,
      %max3A_231 = arith.maximumf %max3A_223, %gather3A_230 : vector<16xf32>
      %add3A_232 = arith.constant 7 : i32
      %add3A_233 = vector.broadcast %add3A_232 : i32 to vector<16xi32>
      %add3A_234 = arith.addi %iota3A, %add3A_233 : vector<16xi32>
      %and3A_235 = arith.constant 15 : i32
      %and3A_236 = vector.broadcast %and3A_235 : i32 to vector<16xi32>
      %and3A_237 = arith.andi %add3A_234, %and3A_236 : vector<16xi32>
      %gather3A_238 = tpu.vector_load_idx %arg15[%add3A_184, %and3A_237] : memref<1024x16xf32, #tpu.memory_space<vmem>>[vector<16xi32>, vector<16xi32>], vector<16xf32>,
      %max3A_239 = arith.maximumf %max3A_231, %gather3A_238 : vector<16xf32>
      %add3A_240 = arith.constant 8 : i32
      %add3A_241 = vector.broadcast %add3A_240 : i32 to vector<16xi32>
      %add3A_242 = arith.addi %iota3A, %add3A_241 : vector<16xi32>
      %and3A_243 = arith.constant 15 : i32
      %and3A_244 = vector.broadcast %and3A_243 : i32 to vector<16xi32>
      %and3A_245 = arith.andi %add3A_242, %and3A_244 : vector<16xi32>
      %gather3A_246 = tpu.vector_load_idx %arg15[%add3A_184, %and3A_245] : memref<1024x16xf32, #tpu.memory_space<vmem>>[vector<16xi32>, vector<16xi32>], vector<16xf32>,
      %max3A_247 = arith.maximumf %max3A_239, %gather3A_246 : vector<16xf32>
      %add3A_248 = arith.constant 9 : i32
      %add3A_249 = vector.broadcast %add3A_248 : i32 to vector<16xi32>
      %add3A_250 = arith.addi %iota3A, %add3A_249 : vector<16xi32>
      %and3A_251 = arith.constant 15 : i32
      %and3A_252 = vector.broadcast %and3A_251 : i32 to vector<16xi32>
      %and3A_253 = arith.andi %add3A_250, %and3A_252 : vector<16xi32>
      %gather3A_254 = tpu.vector_load_idx %arg15[%add3A_184, %and3A_253] : memref<1024x16xf32, #tpu.memory_space<vmem>>[vector<16xi32>, vector<16xi32>], vector<16xf32>,
      %max3A_255 = arith.maximumf %max3A_247, %gather3A_254 : vector<16xf32>
      %add3A_256 = arith.constant 10 : i32
      %add3A_257 = vector.broadcast %add3A_256 : i32 to vector<16xi32>
      %add3A_258 = arith.addi %iota3A, %add3A_257 : vector<16xi32>
      %and3A_259 = arith.constant 15 : i32
      %and3A_260 = vector.broadcast %and3A_259 : i32 to vector<16xi32>
      %and3A_261 = arith.andi %add3A_258, %and3A_260 : vector<16xi32>
      %gather3A_262 = tpu.vector_load_idx %arg15[%add3A_184, %and3A_261] : memref<1024x16xf32, #tpu.memory_space<vmem>>[vector<16xi32>, vector<16xi32>], vector<16xf32>,
      %max3A_263 = arith.maximumf %max3A_255, %gather3A_262 : vector<16xf32>
      %add3A_264 = arith.constant 11 : i32
      %add3A_265 = vector.broadcast %add3A_264 : i32 to vector<16xi32>
      %add3A_266 = arith.addi %iota3A, %add3A_265 : vector<16xi32>
      %and3A_267 = arith.constant 15 : i32
      %and3A_268 = vector.broadcast %and3A_267 : i32 to vector<16xi32>
      %and3A_269 = arith.andi %add3A_266, %and3A_268 : vector<16xi32>
      %gather3A_270 = tpu.vector_load_idx %arg15[%add3A_184, %and3A_269] : memref<1024x16xf32, #tpu.memory_space<vmem>>[vector<16xi32>, vector<16xi32>], vector<16xf32>,
      %max3A_271 = arith.maximumf %max3A_263, %gather3A_270 : vector<16xf32>
      %add3A_272 = arith.constant 12 : i32
      %add3A_273 = vector.broadcast %add3A_272 : i32 to vector<16xi32>
      %add3A_274 = arith.addi %iota3A, %add3A_273 : vector<16xi32>
      %and3A_275 = arith.constant 15 : i32
      %and3A_276 = vector.broadcast %and3A_275 : i32 to vector<16xi32>
      %and3A_277 = arith.andi %add3A_274, %and3A_276 : vector<16xi32>
      %gather3A_278 = tpu.vector_load_idx %arg15[%add3A_184, %and3A_277] : memref<1024x16xf32, #tpu.memory_space<vmem>>[vector<16xi32>, vector<16xi32>], vector<16xf32>,
      %max3A_279 = arith.maximumf %max3A_271, %gather3A_278 : vector<16xf32>
      %add3A_280 = arith.constant 13 : i32
      %add3A_281 = vector.broadcast %add3A_280 : i32 to vector<16xi32>
      %add3A_282 = arith.addi %iota3A, %add3A_281 : vector<16xi32>
      %and3A_283 = arith.constant 15 : i32
      %and3A_284 = vector.broadcast %and3A_283 : i32 to vector<16xi32>
      %and3A_285 = arith.andi %add3A_282, %and3A_284 : vector<16xi32>
      %gather3A_286 = tpu.vector_load_idx %arg15[%add3A_184, %and3A_285] : memref<1024x16xf32, #tpu.memory_space<vmem>>[vector<16xi32>, vector<16xi32>], vector<16xf32>,
      %max3A_287 = arith.maximumf %max3A_279, %gather3A_286 : vector<16xf32>
      %add3A_288 = arith.constant 14 : i32
      %add3A_289 = vector.broadcast %add3A_288 : i32 to vector<16xi32>
      %add3A_290 = arith.addi %iota3A, %add3A_289 : vector<16xi32>
      %and3A_291 = arith.constant 15 : i32
      %and3A_292 = vector.broadcast %and3A_291 : i32 to vector<16xi32>
      %and3A_293 = arith.andi %add3A_290, %and3A_292 : vector<16xi32>
      %gather3A_294 = tpu.vector_load_idx %arg15[%add3A_184, %and3A_293] : memref<1024x16xf32, #tpu.memory_space<vmem>>[vector<16xi32>, vector<16xi32>], vector<16xf32>,
      %max3A_295 = arith.maximumf %max3A_287, %gather3A_294 : vector<16xf32>
      %add3A_296 = arith.constant 15 : i32
      %add3A_297 = vector.broadcast %add3A_296 : i32 to vector<16xi32>
      %add3A_298 = arith.addi %iota3A, %add3A_297 : vector<16xi32>
      %and3A_299 = arith.constant 15 : i32
      %and3A_300 = vector.broadcast %and3A_299 : i32 to vector<16xi32>
      %and3A_301 = arith.andi %add3A_298, %and3A_300 : vector<16xi32>
      %gather3A_302 = tpu.vector_load_idx %arg15[%add3A_184, %and3A_301] : memref<1024x16xf32, #tpu.memory_space<vmem>>[vector<16xi32>, vector<16xi32>], vector<16xf32>,
      %max3A_303 = arith.maximumf %max3A_295, %gather3A_302 : vector<16xf32>
      %mul3A_304 = arith.constant 16 : i32
      %mul3A_305 = arith.muli %scan3A_180, %mul3A_304 : i32
      %swap3A = arith.index_cast %mul3A_305 : i32 to index
      %swap3A_306 = tpu.vector_load %arg9[%swap3A] {strides = array<i32>} : memref<1024xf32, #tpu.memory_space<vmem>>, vector<16xf32>,
      tpu.vector_store %arg9[%swap3A], %max3A_303 {strides = array<i32>} : memref<1024xf32, #tpu.memory_space<vmem>>, vector<16xf32>,
    }
    %scan3A_87 = arith.constant 64 : i32
    %add3A_88 = arith.constant 3 : i32
    %add3A_89 = arith.addi %add3A_35, %add3A_88 : i32
    "tpu.region"() ({
      %run_scoped3A = tpu.sem_alloc : memref<!tpu.dma_semaphore, #tpu.memory_space<semaphore_mem>>
      %dma_start3A_180 = arith.constant 0 : i32
      %dma_start3A_181 = tpu.memref_slice %arg4[%select_n3A, %add3A_89, %dma_start3A_180] : memref<4x96x1024xf32, #tpu.memory_space<hbm>> -> memref<1x1x1024xf32, #tpu.memory_space<hbm>>
      %dma_start3A_182 = tpu.memref_squeeze %dma_start3A_181 : memref<1x1x1024xf32, #tpu.memory_space<hbm>> -> memref<1024xf32, #tpu.memory_space<hbm>>
      %dma_start3A_183 = arith.constant 0 : i32
      %dma_start3A_184 = tpu.memref_slice %arg4[%select_n3A, %add3A_89, %dma_start3A_183] : memref<4x96x1024xf32, #tpu.memory_space<hbm>> -> memref<1x1x1024xf32, #tpu.memory_space<hbm>>
      %dma_start3A_185 = tpu.memref_squeeze %dma_start3A_184 : memref<1x1x1024xf32, #tpu.memory_space<hbm>> -> memref<1024xf32, #tpu.memory_space<hbm>>
      tpu.enqueue_dma source(%arg9 : memref<1024xf32, #tpu.memory_space<vmem>>) target(%dma_start3A_185 : memref<1024xf32, #tpu.memory_space<hbm>>) target_semaphore(%run_scoped3A : memref<!tpu.dma_semaphore, #tpu.memory_space<semaphore_mem>>)
      %dma_wait3A = arith.constant 0 : i32
      %dma_wait3A_186 = tpu.memref_slice %arg4[%select_n3A, %add3A_89, %dma_wait3A] : memref<4x96x1024xf32, #tpu.memory_space<hbm>> -> memref<1x1x1024xf32, #tpu.memory_space<hbm>>
      %dma_wait3A_187 = tpu.memref_squeeze %dma_wait3A_186 : memref<1x1x1024xf32, #tpu.memory_space<hbm>> -> memref<1024xf32, #tpu.memory_space<hbm>>
      %dma_wait3A_188 = arith.constant 0 : i32
      %dma_wait3A_189 = tpu.memref_slice %arg4[%select_n3A, %add3A_89, %dma_wait3A_188] : memref<4x96x1024xf32, #tpu.memory_space<hbm>> -> memref<1x1x1024xf32, #tpu.memory_space<hbm>>
      %dma_wait3A_190 = tpu.memref_squeeze %dma_wait3A_189 : memref<1x1x1024xf32, #tpu.memory_space<hbm>> -> memref<1024xf32, #tpu.memory_space<hbm>>
      tpu.wait_dma2 semaphore(%run_scoped3A : memref<!tpu.dma_semaphore, #tpu.memory_space<semaphore_mem>>) src(%arg9 : memref<1024xf32, #tpu.memory_space<vmem>>) dst(%dma_wait3A_190 : memref<1024xf32, #tpu.memory_space<hbm>>)
      tpu.yield
    }) : () -> ()
    %scan3A_90 = arith.constant 0 : i32
    %scan3A_91 = arith.constant 0 : i32
    %scan3A_92 = arith.constant 64 : i32
    %scan3A_93 = arith.addi %scan3A_91, %scan3A_92 : i32
    %scan3A_94 = arith.constant 1 : i32
    scf.for %scan3A_180 = %scan3A_91 to %scan3A_93 step %scan3A_94  : i32 {
      %mul3A_181 = arith.constant 16 : i32
      %mul3A_182 = arith.muli %scan3A_180, %mul3A_181 : i32
      %add3A_183 = vector.broadcast %mul3A_182 : i32 to vector<16xi32>
      %add3A_184 = arith.addi %add3A_183, %iota3A : vector<16xi32>
      %gather3A = tpu.vector_load_idx %arg16[%add3A_184, %iota3A] : memref<1024x16xf32, #tpu.memory_space<vmem>>[vector<16xi32>, vector<16xi32>], vector<16xf32>,
      %add3A_185 = arith.constant 1 : i32
      %add3A_186 = vector.broadcast %add3A_185 : i32 to vector<16xi32>
      %add3A_187 = arith.addi %iota3A, %add3A_186 : vector<16xi32>
      %and3A_188 = arith.constant 15 : i32
      %and3A_189 = vector.broadcast %and3A_188 : i32 to vector<16xi32>
      %and3A_190 = arith.andi %add3A_187, %and3A_189 : vector<16xi32>
      %gather3A_191 = tpu.vector_load_idx %arg16[%add3A_184, %and3A_190] : memref<1024x16xf32, #tpu.memory_space<vmem>>[vector<16xi32>, vector<16xi32>], vector<16xf32>,
      %max3A = arith.maximumf %gather3A, %gather3A_191 : vector<16xf32>
      %add3A_192 = arith.constant 2 : i32
      %add3A_193 = vector.broadcast %add3A_192 : i32 to vector<16xi32>
      %add3A_194 = arith.addi %iota3A, %add3A_193 : vector<16xi32>
      %and3A_195 = arith.constant 15 : i32
      %and3A_196 = vector.broadcast %and3A_195 : i32 to vector<16xi32>
      %and3A_197 = arith.andi %add3A_194, %and3A_196 : vector<16xi32>
      %gather3A_198 = tpu.vector_load_idx %arg16[%add3A_184, %and3A_197] : memref<1024x16xf32, #tpu.memory_space<vmem>>[vector<16xi32>, vector<16xi32>], vector<16xf32>,
      %max3A_199 = arith.maximumf %max3A, %gather3A_198 : vector<16xf32>
      %add3A_200 = arith.constant 3 : i32
      %add3A_201 = vector.broadcast %add3A_200 : i32 to vector<16xi32>
      %add3A_202 = arith.addi %iota3A, %add3A_201 : vector<16xi32>
      %and3A_203 = arith.constant 15 : i32
      %and3A_204 = vector.broadcast %and3A_203 : i32 to vector<16xi32>
      %and3A_205 = arith.andi %add3A_202, %and3A_204 : vector<16xi32>
      %gather3A_206 = tpu.vector_load_idx %arg16[%add3A_184, %and3A_205] : memref<1024x16xf32, #tpu.memory_space<vmem>>[vector<16xi32>, vector<16xi32>], vector<16xf32>,
      %max3A_207 = arith.maximumf %max3A_199, %gather3A_206 : vector<16xf32>
      %add3A_208 = arith.constant 4 : i32
      %add3A_209 = vector.broadcast %add3A_208 : i32 to vector<16xi32>
      %add3A_210 = arith.addi %iota3A, %add3A_209 : vector<16xi32>
      %and3A_211 = arith.constant 15 : i32
      %and3A_212 = vector.broadcast %and3A_211 : i32 to vector<16xi32>
      %and3A_213 = arith.andi %add3A_210, %and3A_212 : vector<16xi32>
      %gather3A_214 = tpu.vector_load_idx %arg16[%add3A_184, %and3A_213] : memref<1024x16xf32, #tpu.memory_space<vmem>>[vector<16xi32>, vector<16xi32>], vector<16xf32>,
      %max3A_215 = arith.maximumf %max3A_207, %gather3A_214 : vector<16xf32>
      %add3A_216 = arith.constant 5 : i32
      %add3A_217 = vector.broadcast %add3A_216 : i32 to vector<16xi32>
      %add3A_218 = arith.addi %iota3A, %add3A_217 : vector<16xi32>
      %and3A_219 = arith.constant 15 : i32
      %and3A_220 = vector.broadcast %and3A_219 : i32 to vector<16xi32>
      %and3A_221 = arith.andi %add3A_218, %and3A_220 : vector<16xi32>
      %gather3A_222 = tpu.vector_load_idx %arg16[%add3A_184, %and3A_221] : memref<1024x16xf32, #tpu.memory_space<vmem>>[vector<16xi32>, vector<16xi32>], vector<16xf32>,
      %max3A_223 = arith.maximumf %max3A_215, %gather3A_222 : vector<16xf32>
      %add3A_224 = arith.constant 6 : i32
      %add3A_225 = vector.broadcast %add3A_224 : i32 to vector<16xi32>
      %add3A_226 = arith.addi %iota3A, %add3A_225 : vector<16xi32>
      %and3A_227 = arith.constant 15 : i32
      %and3A_228 = vector.broadcast %and3A_227 : i32 to vector<16xi32>
      %and3A_229 = arith.andi %add3A_226, %and3A_228 : vector<16xi32>
      %gather3A_230 = tpu.vector_load_idx %arg16[%add3A_184, %and3A_229] : memref<1024x16xf32, #tpu.memory_space<vmem>>[vector<16xi32>, vector<16xi32>], vector<16xf32>,
      %max3A_231 = arith.maximumf %max3A_223, %gather3A_230 : vector<16xf32>
      %add3A_232 = arith.constant 7 : i32
      %add3A_233 = vector.broadcast %add3A_232 : i32 to vector<16xi32>
      %add3A_234 = arith.addi %iota3A, %add3A_233 : vector<16xi32>
      %and3A_235 = arith.constant 15 : i32
      %and3A_236 = vector.broadcast %and3A_235 : i32 to vector<16xi32>
      %and3A_237 = arith.andi %add3A_234, %and3A_236 : vector<16xi32>
      %gather3A_238 = tpu.vector_load_idx %arg16[%add3A_184, %and3A_237] : memref<1024x16xf32, #tpu.memory_space<vmem>>[vector<16xi32>, vector<16xi32>], vector<16xf32>,
      %max3A_239 = arith.maximumf %max3A_231, %gather3A_238 : vector<16xf32>
      %add3A_240 = arith.constant 8 : i32
      %add3A_241 = vector.broadcast %add3A_240 : i32 to vector<16xi32>
      %add3A_242 = arith.addi %iota3A, %add3A_241 : vector<16xi32>
      %and3A_243 = arith.constant 15 : i32
      %and3A_244 = vector.broadcast %and3A_243 : i32 to vector<16xi32>
      %and3A_245 = arith.andi %add3A_242, %and3A_244 : vector<16xi32>
      %gather3A_246 = tpu.vector_load_idx %arg16[%add3A_184, %and3A_245] : memref<1024x16xf32, #tpu.memory_space<vmem>>[vector<16xi32>, vector<16xi32>], vector<16xf32>,
      %max3A_247 = arith.maximumf %max3A_239, %gather3A_246 : vector<16xf32>
      %add3A_248 = arith.constant 9 : i32
      %add3A_249 = vector.broadcast %add3A_248 : i32 to vector<16xi32>
      %add3A_250 = arith.addi %iota3A, %add3A_249 : vector<16xi32>
      %and3A_251 = arith.constant 15 : i32
      %and3A_252 = vector.broadcast %and3A_251 : i32 to vector<16xi32>
      %and3A_253 = arith.andi %add3A_250, %and3A_252 : vector<16xi32>
      %gather3A_254 = tpu.vector_load_idx %arg16[%add3A_184, %and3A_253] : memref<1024x16xf32, #tpu.memory_space<vmem>>[vector<16xi32>, vector<16xi32>], vector<16xf32>,
      %max3A_255 = arith.maximumf %max3A_247, %gather3A_254 : vector<16xf32>
      %add3A_256 = arith.constant 10 : i32
      %add3A_257 = vector.broadcast %add3A_256 : i32 to vector<16xi32>
      %add3A_258 = arith.addi %iota3A, %add3A_257 : vector<16xi32>
      %and3A_259 = arith.constant 15 : i32
      %and3A_260 = vector.broadcast %and3A_259 : i32 to vector<16xi32>
      %and3A_261 = arith.andi %add3A_258, %and3A_260 : vector<16xi32>
      %gather3A_262 = tpu.vector_load_idx %arg16[%add3A_184, %and3A_261] : memref<1024x16xf32, #tpu.memory_space<vmem>>[vector<16xi32>, vector<16xi32>], vector<16xf32>,
      %max3A_263 = arith.maximumf %max3A_255, %gather3A_262 : vector<16xf32>
      %add3A_264 = arith.constant 11 : i32
      %add3A_265 = vector.broadcast %add3A_264 : i32 to vector<16xi32>
      %add3A_266 = arith.addi %iota3A, %add3A_265 : vector<16xi32>
      %and3A_267 = arith.constant 15 : i32
      %and3A_268 = vector.broadcast %and3A_267 : i32 to vector<16xi32>
      %and3A_269 = arith.andi %add3A_266, %and3A_268 : vector<16xi32>
      %gather3A_270 = tpu.vector_load_idx %arg16[%add3A_184, %and3A_269] : memref<1024x16xf32, #tpu.memory_space<vmem>>[vector<16xi32>, vector<16xi32>], vector<16xf32>,
      %max3A_271 = arith.maximumf %max3A_263, %gather3A_270 : vector<16xf32>
      %add3A_272 = arith.constant 12 : i32
      %add3A_273 = vector.broadcast %add3A_272 : i32 to vector<16xi32>
      %add3A_274 = arith.addi %iota3A, %add3A_273 : vector<16xi32>
      %and3A_275 = arith.constant 15 : i32
      %and3A_276 = vector.broadcast %and3A_275 : i32 to vector<16xi32>
      %and3A_277 = arith.andi %add3A_274, %and3A_276 : vector<16xi32>
      %gather3A_278 = tpu.vector_load_idx %arg16[%add3A_184, %and3A_277] : memref<1024x16xf32, #tpu.memory_space<vmem>>[vector<16xi32>, vector<16xi32>], vector<16xf32>,
      %max3A_279 = arith.maximumf %max3A_271, %gather3A_278 : vector<16xf32>
      %add3A_280 = arith.constant 13 : i32
      %add3A_281 = vector.broadcast %add3A_280 : i32 to vector<16xi32>
      %add3A_282 = arith.addi %iota3A, %add3A_281 : vector<16xi32>
      %and3A_283 = arith.constant 15 : i32
      %and3A_284 = vector.broadcast %and3A_283 : i32 to vector<16xi32>
      %and3A_285 = arith.andi %add3A_282, %and3A_284 : vector<16xi32>
      %gather3A_286 = tpu.vector_load_idx %arg16[%add3A_184, %and3A_285] : memref<1024x16xf32, #tpu.memory_space<vmem>>[vector<16xi32>, vector<16xi32>], vector<16xf32>,
      %max3A_287 = arith.maximumf %max3A_279, %gather3A_286 : vector<16xf32>
      %add3A_288 = arith.constant 14 : i32
      %add3A_289 = vector.broadcast %add3A_288 : i32 to vector<16xi32>
      %add3A_290 = arith.addi %iota3A, %add3A_289 : vector<16xi32>
      %and3A_291 = arith.constant 15 : i32
      %and3A_292 = vector.broadcast %and3A_291 : i32 to vector<16xi32>
      %and3A_293 = arith.andi %add3A_290, %and3A_292 : vector<16xi32>
      %gather3A_294 = tpu.vector_load_idx %arg16[%add3A_184, %and3A_293] : memref<1024x16xf32, #tpu.memory_space<vmem>>[vector<16xi32>, vector<16xi32>], vector<16xf32>,
      %max3A_295 = arith.maximumf %max3A_287, %gather3A_294 : vector<16xf32>
      %add3A_296 = arith.constant 15 : i32
      %add3A_297 = vector.broadcast %add3A_296 : i32 to vector<16xi32>
      %add3A_298 = arith.addi %iota3A, %add3A_297 : vector<16xi32>
      %and3A_299 = arith.constant 15 : i32
      %and3A_300 = vector.broadcast %and3A_299 : i32 to vector<16xi32>
      %and3A_301 = arith.andi %add3A_298, %and3A_300 : vector<16xi32>
      %gather3A_302 = tpu.vector_load_idx %arg16[%add3A_184, %and3A_301] : memref<1024x16xf32, #tpu.memory_space<vmem>>[vector<16xi32>, vector<16xi32>], vector<16xf32>,
      %max3A_303 = arith.maximumf %max3A_295, %gather3A_302 : vector<16xf32>
      %mul3A_304 = arith.constant 16 : i32
      %mul3A_305 = arith.muli %scan3A_180, %mul3A_304 : i32
      %swap3A = arith.index_cast %mul3A_305 : i32 to index
      %swap3A_306 = tpu.vector_load %arg9[%swap3A] {strides = array<i32>} : memref<1024xf32, #tpu.memory_space<vmem>>, vector<16xf32>,
      tpu.vector_store %arg9[%swap3A], %max3A_303 {strides = array<i32>} : memref<1024xf32, #tpu.memory_space<vmem>>, vector<16xf32>,
    }
    %scan3A_95 = arith.constant 64 : i32
    %add3A_96 = arith.constant 4 : i32
    %add3A_97 = arith.addi %add3A_35, %add3A_96 : i32
    "tpu.region"() ({
      %run_scoped3A = tpu.sem_alloc : memref<!tpu.dma_semaphore, #tpu.memory_space<semaphore_mem>>
      %dma_start3A_180 = arith.constant 0 : i32
      %dma_start3A_181 = tpu.memref_slice %arg4[%select_n3A, %add3A_97, %dma_start3A_180] : memref<4x96x1024xf32, #tpu.memory_space<hbm>> -> memref<1x1x1024xf32, #tpu.memory_space<hbm>>
      %dma_start3A_182 = tpu.memref_squeeze %dma_start3A_181 : memref<1x1x1024xf32, #tpu.memory_space<hbm>> -> memref<1024xf32, #tpu.memory_space<hbm>>
      %dma_start3A_183 = arith.constant 0 : i32
      %dma_start3A_184 = tpu.memref_slice %arg4[%select_n3A, %add3A_97, %dma_start3A_183] : memref<4x96x1024xf32, #tpu.memory_space<hbm>> -> memref<1x1x1024xf32, #tpu.memory_space<hbm>>
      %dma_start3A_185 = tpu.memref_squeeze %dma_start3A_184 : memref<1x1x1024xf32, #tpu.memory_space<hbm>> -> memref<1024xf32, #tpu.memory_space<hbm>>
      tpu.enqueue_dma source(%arg9 : memref<1024xf32, #tpu.memory_space<vmem>>) target(%dma_start3A_185 : memref<1024xf32, #tpu.memory_space<hbm>>) target_semaphore(%run_scoped3A : memref<!tpu.dma_semaphore, #tpu.memory_space<semaphore_mem>>)
      %dma_wait3A = arith.constant 0 : i32
      %dma_wait3A_186 = tpu.memref_slice %arg4[%select_n3A, %add3A_97, %dma_wait3A] : memref<4x96x1024xf32, #tpu.memory_space<hbm>> -> memref<1x1x1024xf32, #tpu.memory_space<hbm>>
      %dma_wait3A_187 = tpu.memref_squeeze %dma_wait3A_186 : memref<1x1x1024xf32, #tpu.memory_space<hbm>> -> memref<1024xf32, #tpu.memory_space<hbm>>
      %dma_wait3A_188 = arith.constant 0 : i32
      %dma_wait3A_189 = tpu.memref_slice %arg4[%select_n3A, %add3A_97, %dma_wait3A_188] : memref<4x96x1024xf32, #tpu.memory_space<hbm>> -> memref<1x1x1024xf32, #tpu.memory_space<hbm>>
      %dma_wait3A_190 = tpu.memref_squeeze %dma_wait3A_189 : memref<1x1x1024xf32, #tpu.memory_space<hbm>> -> memref<1024xf32, #tpu.memory_space<hbm>>
      tpu.wait_dma2 semaphore(%run_scoped3A : memref<!tpu.dma_semaphore, #tpu.memory_space<semaphore_mem>>) src(%arg9 : memref<1024xf32, #tpu.memory_space<vmem>>) dst(%dma_wait3A_190 : memref<1024xf32, #tpu.memory_space<hbm>>)
      tpu.yield
    }) : () -> ()
    %scan3A_98 = arith.constant 0 : i32
    %scan3A_99 = arith.constant 0 : i32
    %scan3A_100 = arith.constant 64 : i32
    %scan3A_101 = arith.addi %scan3A_99, %scan3A_100 : i32
    %scan3A_102 = arith.constant 1 : i32
    scf.for %scan3A_180 = %scan3A_99 to %scan3A_101 step %scan3A_102  : i32 {
      %mul3A_181 = arith.constant 16 : i32
      %mul3A_182 = arith.muli %scan3A_180, %mul3A_181 : i32
      %add3A_183 = vector.broadcast %mul3A_182 : i32 to vector<16xi32>
      %add3A_184 = arith.addi %add3A_183, %iota3A : vector<16xi32>
      %gather3A = tpu.vector_load_idx %arg17[%add3A_184, %iota3A] : memref<1024x16xf32, #tpu.memory_space<vmem>>[vector<16xi32>, vector<16xi32>], vector<16xf32>,
      %add3A_185 = arith.constant 1 : i32
      %add3A_186 = vector.broadcast %add3A_185 : i32 to vector<16xi32>
      %add3A_187 = arith.addi %iota3A, %add3A_186 : vector<16xi32>
      %and3A_188 = arith.constant 15 : i32
      %and3A_189 = vector.broadcast %and3A_188 : i32 to vector<16xi32>
      %and3A_190 = arith.andi %add3A_187, %and3A_189 : vector<16xi32>
      %gather3A_191 = tpu.vector_load_idx %arg17[%add3A_184, %and3A_190] : memref<1024x16xf32, #tpu.memory_space<vmem>>[vector<16xi32>, vector<16xi32>], vector<16xf32>,
      %max3A = arith.maximumf %gather3A, %gather3A_191 : vector<16xf32>
      %add3A_192 = arith.constant 2 : i32
      %add3A_193 = vector.broadcast %add3A_192 : i32 to vector<16xi32>
      %add3A_194 = arith.addi %iota3A, %add3A_193 : vector<16xi32>
      %and3A_195 = arith.constant 15 : i32
      %and3A_196 = vector.broadcast %and3A_195 : i32 to vector<16xi32>
      %and3A_197 = arith.andi %add3A_194, %and3A_196 : vector<16xi32>
      %gather3A_198 = tpu.vector_load_idx %arg17[%add3A_184, %and3A_197] : memref<1024x16xf32, #tpu.memory_space<vmem>>[vector<16xi32>, vector<16xi32>], vector<16xf32>,
      %max3A_199 = arith.maximumf %max3A, %gather3A_198 : vector<16xf32>
      %add3A_200 = arith.constant 3 : i32
      %add3A_201 = vector.broadcast %add3A_200 : i32 to vector<16xi32>
      %add3A_202 = arith.addi %iota3A, %add3A_201 : vector<16xi32>
      %and3A_203 = arith.constant 15 : i32
      %and3A_204 = vector.broadcast %and3A_203 : i32 to vector<16xi32>
      %and3A_205 = arith.andi %add3A_202, %and3A_204 : vector<16xi32>
      %gather3A_206 = tpu.vector_load_idx %arg17[%add3A_184, %and3A_205] : memref<1024x16xf32, #tpu.memory_space<vmem>>[vector<16xi32>, vector<16xi32>], vector<16xf32>,
      %max3A_207 = arith.maximumf %max3A_199, %gather3A_206 : vector<16xf32>
      %add3A_208 = arith.constant 4 : i32
      %add3A_209 = vector.broadcast %add3A_208 : i32 to vector<16xi32>
      %add3A_210 = arith.addi %iota3A, %add3A_209 : vector<16xi32>
      %and3A_211 = arith.constant 15 : i32
      %and3A_212 = vector.broadcast %and3A_211 : i32 to vector<16xi32>
      %and3A_213 = arith.andi %add3A_210, %and3A_212 : vector<16xi32>
      %gather3A_214 = tpu.vector_load_idx %arg17[%add3A_184, %and3A_213] : memref<1024x16xf32, #tpu.memory_space<vmem>>[vector<16xi32>, vector<16xi32>], vector<16xf32>,
      %max3A_215 = arith.maximumf %max3A_207, %gather3A_214 : vector<16xf32>
      %add3A_216 = arith.constant 5 : i32
      %add3A_217 = vector.broadcast %add3A_216 : i32 to vector<16xi32>
      %add3A_218 = arith.addi %iota3A, %add3A_217 : vector<16xi32>
      %and3A_219 = arith.constant 15 : i32
      %and3A_220 = vector.broadcast %and3A_219 : i32 to vector<16xi32>
      %and3A_221 = arith.andi %add3A_218, %and3A_220 : vector<16xi32>
      %gather3A_222 = tpu.vector_load_idx %arg17[%add3A_184, %and3A_221] : memref<1024x16xf32, #tpu.memory_space<vmem>>[vector<16xi32>, vector<16xi32>], vector<16xf32>,
      %max3A_223 = arith.maximumf %max3A_215, %gather3A_222 : vector<16xf32>
      %add3A_224 = arith.constant 6 : i32
      %add3A_225 = vector.broadcast %add3A_224 : i32 to vector<16xi32>
      %add3A_226 = arith.addi %iota3A, %add3A_225 : vector<16xi32>
      %and3A_227 = arith.constant 15 : i32
      %and3A_228 = vector.broadcast %and3A_227 : i32 to vector<16xi32>
      %and3A_229 = arith.andi %add3A_226, %and3A_228 : vector<16xi32>
      %gather3A_230 = tpu.vector_load_idx %arg17[%add3A_184, %and3A_229] : memref<1024x16xf32, #tpu.memory_space<vmem>>[vector<16xi32>, vector<16xi32>], vector<16xf32>,
      %max3A_231 = arith.maximumf %max3A_223, %gather3A_230 : vector<16xf32>
      %add3A_232 = arith.constant 7 : i32
      %add3A_233 = vector.broadcast %add3A_232 : i32 to vector<16xi32>
      %add3A_234 = arith.addi %iota3A, %add3A_233 : vector<16xi32>
      %and3A_235 = arith.constant 15 : i32
      %and3A_236 = vector.broadcast %and3A_235 : i32 to vector<16xi32>
      %and3A_237 = arith.andi %add3A_234, %and3A_236 : vector<16xi32>
      %gather3A_238 = tpu.vector_load_idx %arg17[%add3A_184, %and3A_237] : memref<1024x16xf32, #tpu.memory_space<vmem>>[vector<16xi32>, vector<16xi32>], vector<16xf32>,
      %max3A_239 = arith.maximumf %max3A_231, %gather3A_238 : vector<16xf32>
      %add3A_240 = arith.constant 8 : i32
      %add3A_241 = vector.broadcast %add3A_240 : i32 to vector<16xi32>
      %add3A_242 = arith.addi %iota3A, %add3A_241 : vector<16xi32>
      %and3A_243 = arith.constant 15 : i32
      %and3A_244 = vector.broadcast %and3A_243 : i32 to vector<16xi32>
      %and3A_245 = arith.andi %add3A_242, %and3A_244 : vector<16xi32>
      %gather3A_246 = tpu.vector_load_idx %arg17[%add3A_184, %and3A_245] : memref<1024x16xf32, #tpu.memory_space<vmem>>[vector<16xi32>, vector<16xi32>], vector<16xf32>,
      %max3A_247 = arith.maximumf %max3A_239, %gather3A_246 : vector<16xf32>
      %add3A_248 = arith.constant 9 : i32
      %add3A_249 = vector.broadcast %add3A_248 : i32 to vector<16xi32>
      %add3A_250 = arith.addi %iota3A, %add3A_249 : vector<16xi32>
      %and3A_251 = arith.constant 15 : i32
      %and3A_252 = vector.broadcast %and3A_251 : i32 to vector<16xi32>
      %and3A_253 = arith.andi %add3A_250, %and3A_252 : vector<16xi32>
      %gather3A_254 = tpu.vector_load_idx %arg17[%add3A_184, %and3A_253] : memref<1024x16xf32, #tpu.memory_space<vmem>>[vector<16xi32>, vector<16xi32>], vector<16xf32>,
      %max3A_255 = arith.maximumf %max3A_247, %gather3A_254 : vector<16xf32>
      %add3A_256 = arith.constant 10 : i32
      %add3A_257 = vector.broadcast %add3A_256 : i32 to vector<16xi32>
      %add3A_258 = arith.addi %iota3A, %add3A_257 : vector<16xi32>
      %and3A_259 = arith.constant 15 : i32
      %and3A_260 = vector.broadcast %and3A_259 : i32 to vector<16xi32>
      %and3A_261 = arith.andi %add3A_258, %and3A_260 : vector<16xi32>
      %gather3A_262 = tpu.vector_load_idx %arg17[%add3A_184, %and3A_261] : memref<1024x16xf32, #tpu.memory_space<vmem>>[vector<16xi32>, vector<16xi32>], vector<16xf32>,
      %max3A_263 = arith.maximumf %max3A_255, %gather3A_262 : vector<16xf32>
      %add3A_264 = arith.constant 11 : i32
      %add3A_265 = vector.broadcast %add3A_264 : i32 to vector<16xi32>
      %add3A_266 = arith.addi %iota3A, %add3A_265 : vector<16xi32>
      %and3A_267 = arith.constant 15 : i32
      %and3A_268 = vector.broadcast %and3A_267 : i32 to vector<16xi32>
      %and3A_269 = arith.andi %add3A_266, %and3A_268 : vector<16xi32>
      %gather3A_270 = tpu.vector_load_idx %arg17[%add3A_184, %and3A_269] : memref<1024x16xf32, #tpu.memory_space<vmem>>[vector<16xi32>, vector<16xi32>], vector<16xf32>,
      %max3A_271 = arith.maximumf %max3A_263, %gather3A_270 : vector<16xf32>
      %add3A_272 = arith.constant 12 : i32
      %add3A_273 = vector.broadcast %add3A_272 : i32 to vector<16xi32>
      %add3A_274 = arith.addi %iota3A, %add3A_273 : vector<16xi32>
      %and3A_275 = arith.constant 15 : i32
      %and3A_276 = vector.broadcast %and3A_275 : i32 to vector<16xi32>
      %and3A_277 = arith.andi %add3A_274, %and3A_276 : vector<16xi32>
      %gather3A_278 = tpu.vector_load_idx %arg17[%add3A_184, %and3A_277] : memref<1024x16xf32, #tpu.memory_space<vmem>>[vector<16xi32>, vector<16xi32>], vector<16xf32>,
      %max3A_279 = arith.maximumf %max3A_271, %gather3A_278 : vector<16xf32>
      %add3A_280 = arith.constant 13 : i32
      %add3A_281 = vector.broadcast %add3A_280 : i32 to vector<16xi32>
      %add3A_282 = arith.addi %iota3A, %add3A_281 : vector<16xi32>
      %and3A_283 = arith.constant 15 : i32
      %and3A_284 = vector.broadcast %and3A_283 : i32 to vector<16xi32>
      %and3A_285 = arith.andi %add3A_282, %and3A_284 : vector<16xi32>
      %gather3A_286 = tpu.vector_load_idx %arg17[%add3A_184, %and3A_285] : memref<1024x16xf32, #tpu.memory_space<vmem>>[vector<16xi32>, vector<16xi32>], vector<16xf32>,
      %max3A_287 = arith.maximumf %max3A_279, %gather3A_286 : vector<16xf32>
      %add3A_288 = arith.constant 14 : i32
      %add3A_289 = vector.broadcast %add3A_288 : i32 to vector<16xi32>
      %add3A_290 = arith.addi %iota3A, %add3A_289 : vector<16xi32>
      %and3A_291 = arith.constant 15 : i32
      %and3A_292 = vector.broadcast %and3A_291 : i32 to vector<16xi32>
      %and3A_293 = arith.andi %add3A_290, %and3A_292 : vector<16xi32>
      %gather3A_294 = tpu.vector_load_idx %arg17[%add3A_184, %and3A_293] : memref<1024x16xf32, #tpu.memory_space<vmem>>[vector<16xi32>, vector<16xi32>], vector<16xf32>,
      %max3A_295 = arith.maximumf %max3A_287, %gather3A_294 : vector<16xf32>
      %add3A_296 = arith.constant 15 : i32
      %add3A_297 = vector.broadcast %add3A_296 : i32 to vector<16xi32>
      %add3A_298 = arith.addi %iota3A, %add3A_297 : vector<16xi32>
      %and3A_299 = arith.constant 15 : i32
      %and3A_300 = vector.broadcast %and3A_299 : i32 to vector<16xi32>
      %and3A_301 = arith.andi %add3A_298, %and3A_300 : vector<16xi32>
      %gather3A_302 = tpu.vector_load_idx %arg17[%add3A_184, %and3A_301] : memref<1024x16xf32, #tpu.memory_space<vmem>>[vector<16xi32>, vector<16xi32>], vector<16xf32>,
      %max3A_303 = arith.maximumf %max3A_295, %gather3A_302 : vector<16xf32>
      %mul3A_304 = arith.constant 16 : i32
      %mul3A_305 = arith.muli %scan3A_180, %mul3A_304 : i32
      %swap3A = arith.index_cast %mul3A_305 : i32 to index
      %swap3A_306 = tpu.vector_load %arg9[%swap3A] {strides = array<i32>} : memref<1024xf32, #tpu.memory_space<vmem>>, vector<16xf32>,
      tpu.vector_store %arg9[%swap3A], %max3A_303 {strides = array<i32>} : memref<1024xf32, #tpu.memory_space<vmem>>, vector<16xf32>,
    }
    %scan3A_103 = arith.constant 64 : i32
    %add3A_104 = arith.constant 5 : i32
    %add3A_105 = arith.addi %add3A_35, %add3A_104 : i32
    "tpu.region"() ({
      %run_scoped3A = tpu.sem_alloc : memref<!tpu.dma_semaphore, #tpu.memory_space<semaphore_mem>>
      %dma_start3A_180 = arith.constant 0 : i32
      %dma_start3A_181 = tpu.memref_slice %arg4[%select_n3A, %add3A_105, %dma_start3A_180] : memref<4x96x1024xf32, #tpu.memory_space<hbm>> -> memref<1x1x1024xf32, #tpu.memory_space<hbm>>
      %dma_start3A_182 = tpu.memref_squeeze %dma_start3A_181 : memref<1x1x1024xf32, #tpu.memory_space<hbm>> -> memref<1024xf32, #tpu.memory_space<hbm>>
      %dma_start3A_183 = arith.constant 0 : i32
      %dma_start3A_184 = tpu.memref_slice %arg4[%select_n3A, %add3A_105, %dma_start3A_183] : memref<4x96x1024xf32, #tpu.memory_space<hbm>> -> memref<1x1x1024xf32, #tpu.memory_space<hbm>>
      %dma_start3A_185 = tpu.memref_squeeze %dma_start3A_184 : memref<1x1x1024xf32, #tpu.memory_space<hbm>> -> memref<1024xf32, #tpu.memory_space<hbm>>
      tpu.enqueue_dma source(%arg9 : memref<1024xf32, #tpu.memory_space<vmem>>) target(%dma_start3A_185 : memref<1024xf32, #tpu.memory_space<hbm>>) target_semaphore(%run_scoped3A : memref<!tpu.dma_semaphore, #tpu.memory_space<semaphore_mem>>)
      %dma_wait3A = arith.constant 0 : i32
      %dma_wait3A_186 = tpu.memref_slice %arg4[%select_n3A, %add3A_105, %dma_wait3A] : memref<4x96x1024xf32, #tpu.memory_space<hbm>> -> memref<1x1x1024xf32, #tpu.memory_space<hbm>>
      %dma_wait3A_187 = tpu.memref_squeeze %dma_wait3A_186 : memref<1x1x1024xf32, #tpu.memory_space<hbm>> -> memref<1024xf32, #tpu.memory_space<hbm>>
      %dma_wait3A_188 = arith.constant 0 : i32
      %dma_wait3A_189 = tpu.memref_slice %arg4[%select_n3A, %add3A_105, %dma_wait3A_188] : memref<4x96x1024xf32, #tpu.memory_space<hbm>> -> memref<1x1x1024xf32, #tpu.memory_space<hbm>>
      %dma_wait3A_190 = tpu.memref_squeeze %dma_wait3A_189 : memref<1x1x1024xf32, #tpu.memory_space<hbm>> -> memref<1024xf32, #tpu.memory_space<hbm>>
      tpu.wait_dma2 semaphore(%run_scoped3A : memref<!tpu.dma_semaphore, #tpu.memory_space<semaphore_mem>>) src(%arg9 : memref<1024xf32, #tpu.memory_space<vmem>>) dst(%dma_wait3A_190 : memref<1024xf32, #tpu.memory_space<hbm>>)
      tpu.yield
    }) : () -> ()
    %add3A_106 = arith.constant 6 : i32
    %add3A_107 = arith.addi %mul3A_32, %add3A_106 : i32
    %scan3A_108 = arith.constant 0 : i32
    %scan3A_109 = arith.constant 0 : i32
    %scan3A_110 = arith.constant 1024 : i32
    %scan3A_111 = arith.addi %scan3A_109, %scan3A_110 : i32
    %scan3A_112 = arith.constant 1 : i32
    scf.for %scan3A_180 = %scan3A_109 to %scan3A_111 step %scan3A_112  : i32 {
      %swap3A = arith.index_cast %scan3A_180 : i32 to index
      %swap3A_181 = arith.constant 0 : index
      %swap3A_182 = tpu.vector_load %arg12[%swap3A, %swap3A_181] {strides = array<i32>} : memref<1024x16xf32, #tpu.memory_space<vmem>>, vector<16xf32>,
      tpu.vector_store %arg12[%swap3A, %swap3A_181], %broadcast_in_dim3A_33 {strides = array<i32>} : memref<1024x16xf32, #tpu.memory_space<vmem>>, vector<16xf32>,
      %swap3A_183 = arith.index_cast %scan3A_180 : i32 to index
      %swap3A_184 = arith.constant 0 : index
      %swap3A_185 = tpu.vector_load %arg13[%swap3A_183, %swap3A_184] {strides = array<i32>} : memref<1024x16xf32, #tpu.memory_space<vmem>>, vector<16xf32>,
      tpu.vector_store %arg13[%swap3A_183, %swap3A_184], %broadcast_in_dim3A_33 {strides = array<i32>} : memref<1024x16xf32, #tpu.memory_space<vmem>>, vector<16xf32>,
      %swap3A_186 = arith.index_cast %scan3A_180 : i32 to index
      %swap3A_187 = arith.constant 0 : index
      %swap3A_188 = tpu.vector_load %arg14[%swap3A_186, %swap3A_187] {strides = array<i32>} : memref<1024x16xf32, #tpu.memory_space<vmem>>, vector<16xf32>,
      tpu.vector_store %arg14[%swap3A_186, %swap3A_187], %broadcast_in_dim3A_33 {strides = array<i32>} : memref<1024x16xf32, #tpu.memory_space<vmem>>, vector<16xf32>,
      %swap3A_189 = arith.index_cast %scan3A_180 : i32 to index
      %swap3A_190 = arith.constant 0 : index
      %swap3A_191 = tpu.vector_load %arg15[%swap3A_189, %swap3A_190] {strides = array<i32>} : memref<1024x16xf32, #tpu.memory_space<vmem>>, vector<16xf32>,
      tpu.vector_store %arg15[%swap3A_189, %swap3A_190], %broadcast_in_dim3A_33 {strides = array<i32>} : memref<1024x16xf32, #tpu.memory_space<vmem>>, vector<16xf32>,
      %swap3A_192 = arith.index_cast %scan3A_180 : i32 to index
      %swap3A_193 = arith.constant 0 : index
      %swap3A_194 = tpu.vector_load %arg16[%swap3A_192, %swap3A_193] {strides = array<i32>} : memref<1024x16xf32, #tpu.memory_space<vmem>>, vector<16xf32>,
      tpu.vector_store %arg16[%swap3A_192, %swap3A_193], %broadcast_in_dim3A_33 {strides = array<i32>} : memref<1024x16xf32, #tpu.memory_space<vmem>>, vector<16xf32>,
      %swap3A_195 = arith.index_cast %scan3A_180 : i32 to index
      %swap3A_196 = arith.constant 0 : index
      %swap3A_197 = tpu.vector_load %arg17[%swap3A_195, %swap3A_196] {strides = array<i32>} : memref<1024x16xf32, #tpu.memory_space<vmem>>, vector<16xf32>,
      tpu.vector_store %arg17[%swap3A_195, %swap3A_196], %broadcast_in_dim3A_33 {strides = array<i32>} : memref<1024x16xf32, #tpu.memory_space<vmem>>, vector<16xf32>,
    }
    %scan3A_113 = arith.constant 1024 : i32
    %dma_start3A_114 = arith.constant 0 : i32
    %dma_start3A_115 = tpu.memref_slice %arg3[%select_n3A, %dma_start3A_114] : memref<4x147456xi32, #tpu.memory_space<hbm>> -> memref<1x2048xi32, #tpu.memory_space<hbm>>
    %dma_start3A_116 = tpu.memref_squeeze %dma_start3A_115 : memref<1x2048xi32, #tpu.memory_space<hbm>> -> memref<2048xi32, #tpu.memory_space<hbm>>
    %dma_start3A_117 = arith.constant 0 : i32
    %dma_start3A_118 = tpu.memref_slice %arg3[%select_n3A, %dma_start3A_117] : memref<4x147456xi32, #tpu.memory_space<hbm>> -> memref<1x2048xi32, #tpu.memory_space<hbm>>
    %dma_start3A_119 = tpu.memref_squeeze %dma_start3A_118 : memref<1x2048xi32, #tpu.memory_space<hbm>> -> memref<2048xi32, #tpu.memory_space<hbm>>
    tpu.enqueue_dma source(%dma_start3A_119 : memref<2048xi32, #tpu.memory_space<hbm>>) target(%arg5 : memref<2048xi32, #tpu.memory_space<vmem>>) target_semaphore(%arg10 : memref<!tpu.dma_semaphore, #tpu.memory_space<semaphore_mem>>)
    %dma_start3A_120 = arith.constant 0 : i32
    %dma_start3A_121 = tpu.memref_slice %arg2[%select_n3A, %add3A_107, %dma_start3A_120] : memref<4x96x147456xf32, #tpu.memory_space<hbm>> -> memref<1x6x2048xf32, #tpu.memory_space<hbm>>
    %dma_start3A_122 = tpu.memref_squeeze %dma_start3A_121 : memref<1x6x2048xf32, #tpu.memory_space<hbm>> -> memref<6x2048xf32, #tpu.memory_space<hbm>>
    %dma_start3A_123 = arith.constant 0 : i32
    %dma_start3A_124 = tpu.memref_slice %arg2[%select_n3A, %add3A_107, %dma_start3A_123] : memref<4x96x147456xf32, #tpu.memory_space<hbm>> -> memref<1x6x2048xf32, #tpu.memory_space<hbm>>
    %dma_start3A_125 = tpu.memref_squeeze %dma_start3A_124 : memref<1x6x2048xf32, #tpu.memory_space<hbm>> -> memref<6x2048xf32, #tpu.memory_space<hbm>>
    tpu.enqueue_dma source(%dma_start3A_125 : memref<6x2048xf32, #tpu.memory_space<hbm>>) target(%arg6 : memref<6x2048xf32, #tpu.memory_space<vmem>>) target_semaphore(%arg10 : memref<!tpu.dma_semaphore, #tpu.memory_space<semaphore_mem>>)
    %scan3A_126 = arith.constant 0 : i32
    %scan3A_127 = arith.constant 0 : i32
    %scan3A_128 = arith.constant 36 : i32
    %scan3A_129 = arith.addi %scan3A_127, %scan3A_128 : i32
    %scan3A_130 = arith.constant 1 : i32
    scf.for %scan3A_180 = %scan3A_127 to %scan3A_129 step %scan3A_130  : i32 {
      %mul3A_181 = arith.constant 2 : i32
      %mul3A_182 = arith.muli %mul3A_181, %scan3A_180 : i32
      %mul3A_183 = arith.constant 2048 : i32
      %mul3A_184 = arith.muli %mul3A_182, %mul3A_183 : i32
      %dma_wait3A = tpu.memref_slice %arg3[%select_n3A, %mul3A_184] : memref<4x147456xi32, #tpu.memory_space<hbm>> -> memref<1x2048xi32, #tpu.memory_space<hbm>>
      %dma_wait3A_185 = tpu.memref_squeeze %dma_wait3A : memref<1x2048xi32, #tpu.memory_space<hbm>> -> memref<2048xi32, #tpu.memory_space<hbm>>
      %dma_wait3A_186 = tpu.memref_slice %arg3[%select_n3A, %mul3A_184] : memref<4x147456xi32, #tpu.memory_space<hbm>> -> memref<1x2048xi32, #tpu.memory_space<hbm>>
      %dma_wait3A_187 = tpu.memref_squeeze %dma_wait3A_186 : memref<1x2048xi32, #tpu.memory_space<hbm>> -> memref<2048xi32, #tpu.memory_space<hbm>>
      tpu.wait_dma2 semaphore(%arg10 : memref<!tpu.dma_semaphore, #tpu.memory_space<semaphore_mem>>) src(%dma_wait3A_187 : memref<2048xi32, #tpu.memory_space<hbm>>) dst(%arg5 : memref<2048xi32, #tpu.memory_space<vmem>>)
      %dma_wait3A_188 = tpu.memref_slice %arg2[%select_n3A, %add3A_107, %mul3A_184] : memref<4x96x147456xf32, #tpu.memory_space<hbm>> -> memref<1x6x2048xf32, #tpu.memory_space<hbm>>
      %dma_wait3A_189 = tpu.memref_squeeze %dma_wait3A_188 : memref<1x6x2048xf32, #tpu.memory_space<hbm>> -> memref<6x2048xf32, #tpu.memory_space<hbm>>
      %dma_wait3A_190 = tpu.memref_slice %arg2[%select_n3A, %add3A_107, %mul3A_184] : memref<4x96x147456xf32, #tpu.memory_space<hbm>> -> memref<1x6x2048xf32, #tpu.memory_space<hbm>>
      %dma_wait3A_191 = tpu.memref_squeeze %dma_wait3A_190 : memref<1x6x2048xf32, #tpu.memory_space<hbm>> -> memref<6x2048xf32, #tpu.memory_space<hbm>>
      tpu.wait_dma2 semaphore(%arg10 : memref<!tpu.dma_semaphore, #tpu.memory_space<semaphore_mem>>) src(%dma_wait3A_191 : memref<6x2048xf32, #tpu.memory_space<hbm>>) dst(%arg6 : memref<6x2048xf32, #tpu.memory_space<vmem>>)
      %add3A_192 = arith.constant 1 : i32
      %add3A_193 = arith.addi %mul3A_182, %add3A_192 : i32
      %mul3A_194 = arith.constant 2048 : i32
      %mul3A_195 = arith.muli %add3A_193, %mul3A_194 : i32
      %dma_start3A_196 = tpu.memref_slice %arg3[%select_n3A, %mul3A_195] : memref<4x147456xi32, #tpu.memory_space<hbm>> -> memref<1x2048xi32, #tpu.memory_space<hbm>>
      %dma_start3A_197 = tpu.memref_squeeze %dma_start3A_196 : memref<1x2048xi32, #tpu.memory_space<hbm>> -> memref<2048xi32, #tpu.memory_space<hbm>>
      %dma_start3A_198 = tpu.memref_slice %arg3[%select_n3A, %mul3A_195] : memref<4x147456xi32, #tpu.memory_space<hbm>> -> memref<1x2048xi32, #tpu.memory_space<hbm>>
      %dma_start3A_199 = tpu.memref_squeeze %dma_start3A_198 : memref<1x2048xi32, #tpu.memory_space<hbm>> -> memref<2048xi32, #tpu.memory_space<hbm>>
      tpu.enqueue_dma source(%dma_start3A_199 : memref<2048xi32, #tpu.memory_space<hbm>>) target(%arg7 : memref<2048xi32, #tpu.memory_space<vmem>>) target_semaphore(%arg11 : memref<!tpu.dma_semaphore, #tpu.memory_space<semaphore_mem>>)
      %dma_start3A_200 = tpu.memref_slice %arg2[%select_n3A, %add3A_107, %mul3A_195] : memref<4x96x147456xf32, #tpu.memory_space<hbm>> -> memref<1x6x2048xf32, #tpu.memory_space<hbm>>
      %dma_start3A_201 = tpu.memref_squeeze %dma_start3A_200 : memref<1x6x2048xf32, #tpu.memory_space<hbm>> -> memref<6x2048xf32, #tpu.memory_space<hbm>>
      %dma_start3A_202 = tpu.memref_slice %arg2[%select_n3A, %add3A_107, %mul3A_195] : memref<4x96x147456xf32, #tpu.memory_space<hbm>> -> memref<1x6x2048xf32, #tpu.memory_space<hbm>>
      %dma_start3A_203 = tpu.memref_squeeze %dma_start3A_202 : memref<1x6x2048xf32, #tpu.memory_space<hbm>> -> memref<6x2048xf32, #tpu.memory_space<hbm>>
      tpu.enqueue_dma source(%dma_start3A_203 : memref<6x2048xf32, #tpu.memory_space<hbm>>) target(%arg8 : memref<6x2048xf32, #tpu.memory_space<vmem>>) target_semaphore(%arg11 : memref<!tpu.dma_semaphore, #tpu.memory_space<semaphore_mem>>)
      %scan3A_204 = arith.constant 0 : i32
      %scan3A_205 = arith.constant 0 : i32
      %scan3A_206 = arith.constant 32 : i32
      %scan3A_207 = arith.addi %scan3A_205, %scan3A_206 : i32
      %scan3A_208 = arith.constant 1 : i32
      scf.for %scan3A_233 = %scan3A_205 to %scan3A_207 step %scan3A_208  : i32 {
        %mul3A_234 = arith.constant 4 : i32
        %mul3A_235 = arith.muli %mul3A_234, %scan3A_233 : i32
        %mul3A_236 = arith.constant 16 : i32
        %mul3A_237 = arith.muli %mul3A_235, %mul3A_236 : i32
        %add3A_238 = arith.constant 0 : i32
        %add3A_239 = arith.addi %mul3A_237, %add3A_238 : i32
        %get3A = arith.index_cast %add3A_239 : i32 to index
        %get3A_240 = tpu.vector_load %arg5[%get3A] {strides = array<i32>} : memref<2048xi32, #tpu.memory_space<vmem>>, vector<16xi32>,
        %get3A_241 = arith.constant 0 : i32
        %get3A_242 = arith.index_cast %get3A_241 : i32 to index
        %get3A_243 = arith.index_cast %add3A_239 : i32 to index
        %get3A_244 = tpu.vector_load %arg6[%get3A_242, %get3A_243] {strides = array<i32>} : memref<6x2048xf32, #tpu.memory_space<vmem>>, vector<16xf32>,
        %get3A_245 = arith.constant 1 : i32
        %get3A_246 = arith.index_cast %get3A_245 : i32 to index
        %get3A_247 = arith.index_cast %add3A_239 : i32 to index
        %get3A_248 = tpu.vector_load %arg6[%get3A_246, %get3A_247] {strides = array<i32>} : memref<6x2048xf32, #tpu.memory_space<vmem>>, vector<16xf32>,
        %get3A_249 = arith.constant 2 : i32
        %get3A_250 = arith.index_cast %get3A_249 : i32 to index
        %get3A_251 = arith.index_cast %add3A_239 : i32 to index
        %get3A_252 = tpu.vector_load %arg6[%get3A_250, %get3A_251] {strides = array<i32>} : memref<6x2048xf32, #tpu.memory_space<vmem>>, vector<16xf32>,
        %get3A_253 = arith.constant 3 : i32
        %get3A_254 = arith.index_cast %get3A_253 : i32 to index
        %get3A_255 = arith.index_cast %add3A_239 : i32 to index
        %get3A_256 = tpu.vector_load %arg6[%get3A_254, %get3A_255] {strides = array<i32>} : memref<6x2048xf32, #tpu.memory_space<vmem>>, vector<16xf32>,
        %get3A_257 = arith.constant 4 : i32
        %get3A_258 = arith.index_cast %get3A_257 : i32 to index
        %get3A_259 = arith.index_cast %add3A_239 : i32 to index
        %get3A_260 = tpu.vector_load %arg6[%get3A_258, %get3A_259] {strides = array<i32>} : memref<6x2048xf32, #tpu.memory_space<vmem>>, vector<16xf32>,
        %get3A_261 = arith.constant 5 : i32
        %get3A_262 = arith.index_cast %get3A_261 : i32 to index
        %get3A_263 = arith.index_cast %add3A_239 : i32 to index
        %get3A_264 = tpu.vector_load %arg6[%get3A_262, %get3A_263] {strides = array<i32>} : memref<6x2048xf32, #tpu.memory_space<vmem>>, vector<16xf32>,
        %gather3A = tpu.vector_load_idx %arg12[%get3A_240, %iota3A] : memref<1024x16xf32, #tpu.memory_space<vmem>>[vector<16xi32>, vector<16xi32>], vector<16xf32>,
        %gather3A_265 = tpu.vector_load_idx %arg13[%get3A_240, %iota3A] : memref<1024x16xf32, #tpu.memory_space<vmem>>[vector<16xi32>, vector<16xi32>], vector<16xf32>,
        %gather3A_266 = tpu.vector_load_idx %arg14[%get3A_240, %iota3A] : memref<1024x16xf32, #tpu.memory_space<vmem>>[vector<16xi32>, vector<16xi32>], vector<16xf32>,
        %gather3A_267 = tpu.vector_load_idx %arg15[%get3A_240, %iota3A] : memref<1024x16xf32, #tpu.memory_space<vmem>>[vector<16xi32>, vector<16xi32>], vector<16xf32>,
        %gather3A_268 = tpu.vector_load_idx %arg16[%get3A_240, %iota3A] : memref<1024x16xf32, #tpu.memory_space<vmem>>[vector<16xi32>, vector<16xi32>], vector<16xf32>,
        %gather3A_269 = tpu.vector_load_idx %arg17[%get3A_240, %iota3A] : memref<1024x16xf32, #tpu.memory_space<vmem>>[vector<16xi32>, vector<16xi32>], vector<16xf32>,
        %max3A = arith.maximumf %gather3A, %get3A_244 : vector<16xf32>
        %max3A_270 = arith.maximumf %gather3A_265, %get3A_248 : vector<16xf32>
        %max3A_271 = arith.maximumf %gather3A_266, %get3A_252 : vector<16xf32>
        %max3A_272 = arith.maximumf %gather3A_267, %get3A_256 : vector<16xf32>
        %max3A_273 = arith.maximumf %gather3A_268, %get3A_260 : vector<16xf32>
        %max3A_274 = arith.maximumf %gather3A_269, %get3A_264 : vector<16xf32>
        %add3A_275 = arith.constant 16 : i32
        %add3A_276 = arith.addi %mul3A_237, %add3A_275 : i32
        %get3A_277 = arith.index_cast %add3A_276 : i32 to index
        %get3A_278 = tpu.vector_load %arg5[%get3A_277] {strides = array<i32>} : memref<2048xi32, #tpu.memory_space<vmem>>, vector<16xi32>,
        %get3A_279 = arith.constant 0 : i32
        %get3A_280 = arith.index_cast %get3A_279 : i32 to index
        %get3A_281 = arith.index_cast %add3A_276 : i32 to index
        %get3A_282 = tpu.vector_load %arg6[%get3A_280, %get3A_281] {strides = array<i32>} : memref<6x2048xf32, #tpu.memory_space<vmem>>, vector<16xf32>,
        %get3A_283 = arith.constant 1 : i32
        %get3A_284 = arith.index_cast %get3A_283 : i32 to index
        %get3A_285 = arith.index_cast %add3A_276 : i32 to index
        %get3A_286 = tpu.vector_load %arg6[%get3A_284, %get3A_285] {strides = array<i32>} : memref<6x2048xf32, #tpu.memory_space<vmem>>, vector<16xf32>,
        %get3A_287 = arith.constant 2 : i32
        %get3A_288 = arith.index_cast %get3A_287 : i32 to index
        %get3A_289 = arith.index_cast %add3A_276 : i32 to index
        %get3A_290 = tpu.vector_load %arg6[%get3A_288, %get3A_289] {strides = array<i32>} : memref<6x2048xf32, #tpu.memory_space<vmem>>, vector<16xf32>,
        %get3A_291 = arith.constant 3 : i32
        %get3A_292 = arith.index_cast %get3A_291 : i32 to index
        %get3A_293 = arith.index_cast %add3A_276 : i32 to index
        %get3A_294 = tpu.vector_load %arg6[%get3A_292, %get3A_293] {strides = array<i32>} : memref<6x2048xf32, #tpu.memory_space<vmem>>, vector<16xf32>,
        %get3A_295 = arith.constant 4 : i32
        %get3A_296 = arith.index_cast %get3A_295 : i32 to index
        %get3A_297 = arith.index_cast %add3A_276 : i32 to index
        %get3A_298 = tpu.vector_load %arg6[%get3A_296, %get3A_297] {strides = array<i32>} : memref<6x2048xf32, #tpu.memory_space<vmem>>, vector<16xf32>,
        %get3A_299 = arith.constant 5 : i32
        %get3A_300 = arith.index_cast %get3A_299 : i32 to index
        %get3A_301 = arith.index_cast %add3A_276 : i32 to index
        %get3A_302 = tpu.vector_load %arg6[%get3A_300, %get3A_301] {strides = array<i32>} : memref<6x2048xf32, #tpu.memory_space<vmem>>, vector<16xf32>,
        tpu.vector_store_idx %arg12[%get3A_240, %iota3A], %max3A : memref<1024x16xf32, #tpu.memory_space<vmem>>[vector<16xi32>, vector<16xi32>], vector<16xf32>,
        tpu.vector_store_idx %arg13[%get3A_240, %iota3A], %max3A_270 : memref<1024x16xf32, #tpu.memory_space<vmem>>[vector<16xi32>, vector<16xi32>], vector<16xf32>,
        tpu.vector_store_idx %arg14[%get3A_240, %iota3A], %max3A_271 : memref<1024x16xf32, #tpu.memory_space<vmem>>[vector<16xi32>, vector<16xi32>], vector<16xf32>,
        tpu.vector_store_idx %arg15[%get3A_240, %iota3A], %max3A_272 : memref<1024x16xf32, #tpu.memory_space<vmem>>[vector<16xi32>, vector<16xi32>], vector<16xf32>,
        tpu.vector_store_idx %arg16[%get3A_240, %iota3A], %max3A_273 : memref<1024x16xf32, #tpu.memory_space<vmem>>[vector<16xi32>, vector<16xi32>], vector<16xf32>,
        tpu.vector_store_idx %arg17[%get3A_240, %iota3A], %max3A_274 : memref<1024x16xf32, #tpu.memory_space<vmem>>[vector<16xi32>, vector<16xi32>], vector<16xf32>,
        %gather3A_303 = tpu.vector_load_idx %arg12[%get3A_278, %iota3A] : memref<1024x16xf32, #tpu.memory_space<vmem>>[vector<16xi32>, vector<16xi32>], vector<16xf32>,
        %gather3A_304 = tpu.vector_load_idx %arg13[%get3A_278, %iota3A] : memref<1024x16xf32, #tpu.memory_space<vmem>>[vector<16xi32>, vector<16xi32>], vector<16xf32>,
        %gather3A_305 = tpu.vector_load_idx %arg14[%get3A_278, %iota3A] : memref<1024x16xf32, #tpu.memory_space<vmem>>[vector<16xi32>, vector<16xi32>], vector<16xf32>,
        %gather3A_306 = tpu.vector_load_idx %arg15[%get3A_278, %iota3A] : memref<1024x16xf32, #tpu.memory_space<vmem>>[vector<16xi32>, vector<16xi32>], vector<16xf32>,
        %gather3A_307 = tpu.vector_load_idx %arg16[%get3A_278, %iota3A] : memref<1024x16xf32, #tpu.memory_space<vmem>>[vector<16xi32>, vector<16xi32>], vector<16xf32>,
        %gather3A_308 = tpu.vector_load_idx %arg17[%get3A_278, %iota3A] : memref<1024x16xf32, #tpu.memory_space<vmem>>[vector<16xi32>, vector<16xi32>], vector<16xf32>,
        %max3A_309 = arith.maximumf %gather3A_303, %get3A_282 : vector<16xf32>
        %max3A_310 = arith.maximumf %gather3A_304, %get3A_286 : vector<16xf32>
        %max3A_311 = arith.maximumf %gather3A_305, %get3A_290 : vector<16xf32>
        %max3A_312 = arith.maximumf %gather3A_306, %get3A_294 : vector<16xf32>
        %max3A_313 = arith.maximumf %gather3A_307, %get3A_298 : vector<16xf32>
        %max3A_314 = arith.maximumf %gather3A_308, %get3A_302 : vector<16xf32>
        %add3A_315 = arith.constant 32 : i32
        %add3A_316 = arith.addi %mul3A_237, %add3A_315 : i32
        %get3A_317 = arith.index_cast %add3A_316 : i32 to index
        %get3A_318 = tpu.vector_load %arg5[%get3A_317] {strides = array<i32>} : memref<2048xi32, #tpu.memory_space<vmem>>, vector<16xi32>,
        %get3A_319 = arith.constant 0 : i32
        %get3A_320 = arith.index_cast %get3A_319 : i32 to index
        %get3A_321 = arith.index_cast %add3A_316 : i32 to index
        %get3A_322 = tpu.vector_load %arg6[%get3A_320, %get3A_321] {strides = array<i32>} : memref<6x2048xf32, #tpu.memory_space<vmem>>, vector<16xf32>,
        %get3A_323 = arith.constant 1 : i32
        %get3A_324 = arith.index_cast %get3A_323 : i32 to index
        %get3A_325 = arith.index_cast %add3A_316 : i32 to index
        %get3A_326 = tpu.vector_load %arg6[%get3A_324, %get3A_325] {strides = array<i32>} : memref<6x2048xf32, #tpu.memory_space<vmem>>, vector<16xf32>,
        %get3A_327 = arith.constant 2 : i32
        %get3A_328 = arith.index_cast %get3A_327 : i32 to index
        %get3A_329 = arith.index_cast %add3A_316 : i32 to index
        %get3A_330 = tpu.vector_load %arg6[%get3A_328, %get3A_329] {strides = array<i32>} : memref<6x2048xf32, #tpu.memory_space<vmem>>, vector<16xf32>,
        %get3A_331 = arith.constant 3 : i32
        %get3A_332 = arith.index_cast %get3A_331 : i32 to index
        %get3A_333 = arith.index_cast %add3A_316 : i32 to index
        %get3A_334 = tpu.vector_load %arg6[%get3A_332, %get3A_333] {strides = array<i32>} : memref<6x2048xf32, #tpu.memory_space<vmem>>, vector<16xf32>,
        %get3A_335 = arith.constant 4 : i32
        %get3A_336 = arith.index_cast %get3A_335 : i32 to index
        %get3A_337 = arith.index_cast %add3A_316 : i32 to index
        %get3A_338 = tpu.vector_load %arg6[%get3A_336, %get3A_337] {strides = array<i32>} : memref<6x2048xf32, #tpu.memory_space<vmem>>, vector<16xf32>,
        %get3A_339 = arith.constant 5 : i32
        %get3A_340 = arith.index_cast %get3A_339 : i32 to index
        %get3A_341 = arith.index_cast %add3A_316 : i32 to index
        %get3A_342 = tpu.vector_load %arg6[%get3A_340, %get3A_341] {strides = array<i32>} : memref<6x2048xf32, #tpu.memory_space<vmem>>, vector<16xf32>,
        tpu.vector_store_idx %arg12[%get3A_278, %iota3A], %max3A_309 : memref<1024x16xf32, #tpu.memory_space<vmem>>[vector<16xi32>, vector<16xi32>], vector<16xf32>,
        tpu.vector_store_idx %arg13[%get3A_278, %iota3A], %max3A_310 : memref<1024x16xf32, #tpu.memory_space<vmem>>[vector<16xi32>, vector<16xi32>], vector<16xf32>,
        tpu.vector_store_idx %arg14[%get3A_278, %iota3A], %max3A_311 : memref<1024x16xf32, #tpu.memory_space<vmem>>[vector<16xi32>, vector<16xi32>], vector<16xf32>,
        tpu.vector_store_idx %arg15[%get3A_278, %iota3A], %max3A_312 : memref<1024x16xf32, #tpu.memory_space<vmem>>[vector<16xi32>, vector<16xi32>], vector<16xf32>,
        tpu.vector_store_idx %arg16[%get3A_278, %iota3A], %max3A_313 : memref<1024x16xf32, #tpu.memory_space<vmem>>[vector<16xi32>, vector<16xi32>], vector<16xf32>,
        tpu.vector_store_idx %arg17[%get3A_278, %iota3A], %max3A_314 : memref<1024x16xf32, #tpu.memory_space<vmem>>[vector<16xi32>, vector<16xi32>], vector<16xf32>,
        %gather3A_343 = tpu.vector_load_idx %arg12[%get3A_318, %iota3A] : memref<1024x16xf32, #tpu.memory_space<vmem>>[vector<16xi32>, vector<16xi32>], vector<16xf32>,
        %gather3A_344 = tpu.vector_load_idx %arg13[%get3A_318, %iota3A] : memref<1024x16xf32, #tpu.memory_space<vmem>>[vector<16xi32>, vector<16xi32>], vector<16xf32>,
        %gather3A_345 = tpu.vector_load_idx %arg14[%get3A_318, %iota3A] : memref<1024x16xf32, #tpu.memory_space<vmem>>[vector<16xi32>, vector<16xi32>], vector<16xf32>,
        %gather3A_346 = tpu.vector_load_idx %arg15[%get3A_318, %iota3A] : memref<1024x16xf32, #tpu.memory_space<vmem>>[vector<16xi32>, vector<16xi32>], vector<16xf32>,
        %gather3A_347 = tpu.vector_load_idx %arg16[%get3A_318, %iota3A] : memref<1024x16xf32, #tpu.memory_space<vmem>>[vector<16xi32>, vector<16xi32>], vector<16xf32>,
        %gather3A_348 = tpu.vector_load_idx %arg17[%get3A_318, %iota3A] : memref<1024x16xf32, #tpu.memory_space<vmem>>[vector<16xi32>, vector<16xi32>], vector<16xf32>,
        %max3A_349 = arith.maximumf %gather3A_343, %get3A_322 : vector<16xf32>
        %max3A_350 = arith.maximumf %gather3A_344, %get3A_326 : vector<16xf32>
        %max3A_351 = arith.maximumf %gather3A_345, %get3A_330 : vector<16xf32>
        %max3A_352 = arith.maximumf %gather3A_346, %get3A_334 : vector<16xf32>
        %max3A_353 = arith.maximumf %gather3A_347, %get3A_338 : vector<16xf32>
        %max3A_354 = arith.maximumf %gather3A_348, %get3A_342 : vector<16xf32>
        %add3A_355 = arith.constant 48 : i32
        %add3A_356 = arith.addi %mul3A_237, %add3A_355 : i32
        %get3A_357 = arith.index_cast %add3A_356 : i32 to index
        %get3A_358 = tpu.vector_load %arg5[%get3A_357] {strides = array<i32>} : memref<2048xi32, #tpu.memory_space<vmem>>, vector<16xi32>,
        %get3A_359 = arith.constant 0 : i32
        %get3A_360 = arith.index_cast %get3A_359 : i32 to index
        %get3A_361 = arith.index_cast %add3A_356 : i32 to index
        %get3A_362 = tpu.vector_load %arg6[%get3A_360, %get3A_361] {strides = array<i32>} : memref<6x2048xf32, #tpu.memory_space<vmem>>, vector<16xf32>,
        %get3A_363 = arith.constant 1 : i32
        %get3A_364 = arith.index_cast %get3A_363 : i32 to index
        %get3A_365 = arith.index_cast %add3A_356 : i32 to index
        %get3A_366 = tpu.vector_load %arg6[%get3A_364, %get3A_365] {strides = array<i32>} : memref<6x2048xf32, #tpu.memory_space<vmem>>, vector<16xf32>,
        %get3A_367 = arith.constant 2 : i32
        %get3A_368 = arith.index_cast %get3A_367 : i32 to index
        %get3A_369 = arith.index_cast %add3A_356 : i32 to index
        %get3A_370 = tpu.vector_load %arg6[%get3A_368, %get3A_369] {strides = array<i32>} : memref<6x2048xf32, #tpu.memory_space<vmem>>, vector<16xf32>,
        %get3A_371 = arith.constant 3 : i32
        %get3A_372 = arith.index_cast %get3A_371 : i32 to index
        %get3A_373 = arith.index_cast %add3A_356 : i32 to index
        %get3A_374 = tpu.vector_load %arg6[%get3A_372, %get3A_373] {strides = array<i32>} : memref<6x2048xf32, #tpu.memory_space<vmem>>, vector<16xf32>,
        %get3A_375 = arith.constant 4 : i32
        %get3A_376 = arith.index_cast %get3A_375 : i32 to index
        %get3A_377 = arith.index_cast %add3A_356 : i32 to index
        %get3A_378 = tpu.vector_load %arg6[%get3A_376, %get3A_377] {strides = array<i32>} : memref<6x2048xf32, #tpu.memory_space<vmem>>, vector<16xf32>,
        %get3A_379 = arith.constant 5 : i32
        %get3A_380 = arith.index_cast %get3A_379 : i32 to index
        %get3A_381 = arith.index_cast %add3A_356 : i32 to index
        %get3A_382 = tpu.vector_load %arg6[%get3A_380, %get3A_381] {strides = array<i32>} : memref<6x2048xf32, #tpu.memory_space<vmem>>, vector<16xf32>,
        tpu.vector_store_idx %arg12[%get3A_318, %iota3A], %max3A_349 : memref<1024x16xf32, #tpu.memory_space<vmem>>[vector<16xi32>, vector<16xi32>], vector<16xf32>,
        tpu.vector_store_idx %arg13[%get3A_318, %iota3A], %max3A_350 : memref<1024x16xf32, #tpu.memory_space<vmem>>[vector<16xi32>, vector<16xi32>], vector<16xf32>,
        tpu.vector_store_idx %arg14[%get3A_318, %iota3A], %max3A_351 : memref<1024x16xf32, #tpu.memory_space<vmem>>[vector<16xi32>, vector<16xi32>], vector<16xf32>,
        tpu.vector_store_idx %arg15[%get3A_318, %iota3A], %max3A_352 : memref<1024x16xf32, #tpu.memory_space<vmem>>[vector<16xi32>, vector<16xi32>], vector<16xf32>,
        tpu.vector_store_idx %arg16[%get3A_318, %iota3A], %max3A_353 : memref<1024x16xf32, #tpu.memory_space<vmem>>[vector<16xi32>, vector<16xi32>], vector<16xf32>,
        tpu.vector_store_idx %arg17[%get3A_318, %iota3A], %max3A_354 : memref<1024x16xf32, #tpu.memory_space<vmem>>[vector<16xi32>, vector<16xi32>], vector<16xf32>,
        %gather3A_383 = tpu.vector_load_idx %arg12[%get3A_358, %iota3A] : memref<1024x16xf32, #tpu.memory_space<vmem>>[vector<16xi32>, vector<16xi32>], vector<16xf32>,
        %gather3A_384 = tpu.vector_load_idx %arg13[%get3A_358, %iota3A] : memref<1024x16xf32, #tpu.memory_space<vmem>>[vector<16xi32>, vector<16xi32>], vector<16xf32>,
        %gather3A_385 = tpu.vector_load_idx %arg14[%get3A_358, %iota3A] : memref<1024x16xf32, #tpu.memory_space<vmem>>[vector<16xi32>, vector<16xi32>], vector<16xf32>,
        %gather3A_386 = tpu.vector_load_idx %arg15[%get3A_358, %iota3A] : memref<1024x16xf32, #tpu.memory_space<vmem>>[vector<16xi32>, vector<16xi32>], vector<16xf32>,
        %gather3A_387 = tpu.vector_load_idx %arg16[%get3A_358, %iota3A] : memref<1024x16xf32, #tpu.memory_space<vmem>>[vector<16xi32>, vector<16xi32>], vector<16xf32>,
        %gather3A_388 = tpu.vector_load_idx %arg17[%get3A_358, %iota3A] : memref<1024x16xf32, #tpu.memory_space<vmem>>[vector<16xi32>, vector<16xi32>], vector<16xf32>,
        %max3A_389 = arith.maximumf %gather3A_383, %get3A_362 : vector<16xf32>
        %max3A_390 = arith.maximumf %gather3A_384, %get3A_366 : vector<16xf32>
        %max3A_391 = arith.maximumf %gather3A_385, %get3A_370 : vector<16xf32>
        %max3A_392 = arith.maximumf %gather3A_386, %get3A_374 : vector<16xf32>
        %max3A_393 = arith.maximumf %gather3A_387, %get3A_378 : vector<16xf32>
        %max3A_394 = arith.maximumf %gather3A_388, %get3A_382 : vector<16xf32>
        tpu.vector_store_idx %arg12[%get3A_358, %iota3A], %max3A_389 : memref<1024x16xf32, #tpu.memory_space<vmem>>[vector<16xi32>, vector<16xi32>], vector<16xf32>,
        tpu.vector_store_idx %arg13[%get3A_358, %iota3A], %max3A_390 : memref<1024x16xf32, #tpu.memory_space<vmem>>[vector<16xi32>, vector<16xi32>], vector<16xf32>,
        tpu.vector_store_idx %arg14[%get3A_358, %iota3A], %max3A_391 : memref<1024x16xf32, #tpu.memory_space<vmem>>[vector<16xi32>, vector<16xi32>], vector<16xf32>,
        tpu.vector_store_idx %arg15[%get3A_358, %iota3A], %max3A_392 : memref<1024x16xf32, #tpu.memory_space<vmem>>[vector<16xi32>, vector<16xi32>], vector<16xf32>,
        tpu.vector_store_idx %arg16[%get3A_358, %iota3A], %max3A_393 : memref<1024x16xf32, #tpu.memory_space<vmem>>[vector<16xi32>, vector<16xi32>], vector<16xf32>,
        tpu.vector_store_idx %arg17[%get3A_358, %iota3A], %max3A_394 : memref<1024x16xf32, #tpu.memory_space<vmem>>[vector<16xi32>, vector<16xi32>], vector<16xf32>,
      }
      %scan3A_209 = arith.constant 32 : i32
      %add3A_210 = arith.constant 1 : i32
      %add3A_211 = arith.addi %mul3A_182, %add3A_210 : i32
      %mul3A_212 = arith.constant 2048 : i32
      %mul3A_213 = arith.muli %add3A_211, %mul3A_212 : i32
      %dma_wait3A_214 = tpu.memref_slice %arg3[%select_n3A, %mul3A_213] : memref<4x147456xi32, #tpu.memory_space<hbm>> -> memref<1x2048xi32, #tpu.memory_space<hbm>>
      %dma_wait3A_215 = tpu.memref_squeeze %dma_wait3A_214 : memref<1x2048xi32, #tpu.memory_space<hbm>> -> memref<2048xi32, #tpu.memory_space<hbm>>
      %dma_wait3A_216 = tpu.memref_slice %arg3[%select_n3A, %mul3A_213] : memref<4x147456xi32, #tpu.memory_space<hbm>> -> memref<1x2048xi32, #tpu.memory_space<hbm>>
      %dma_wait3A_217 = tpu.memref_squeeze %dma_wait3A_216 : memref<1x2048xi32, #tpu.memory_space<hbm>> -> memref<2048xi32, #tpu.memory_space<hbm>>
      tpu.wait_dma2 semaphore(%arg11 : memref<!tpu.dma_semaphore, #tpu.memory_space<semaphore_mem>>) src(%dma_wait3A_217 : memref<2048xi32, #tpu.memory_space<hbm>>) dst(%arg7 : memref<2048xi32, #tpu.memory_space<vmem>>)
      %dma_wait3A_218 = tpu.memref_slice %arg2[%select_n3A, %add3A_107, %mul3A_213] : memref<4x96x147456xf32, #tpu.memory_space<hbm>> -> memref<1x6x2048xf32, #tpu.memory_space<hbm>>
      %dma_wait3A_219 = tpu.memref_squeeze %dma_wait3A_218 : memref<1x6x2048xf32, #tpu.memory_space<hbm>> -> memref<6x2048xf32, #tpu.memory_space<hbm>>
      %dma_wait3A_220 = tpu.memref_slice %arg2[%select_n3A, %add3A_107, %mul3A_213] : memref<4x96x147456xf32, #tpu.memory_space<hbm>> -> memref<1x6x2048xf32, #tpu.memory_space<hbm>>
      %dma_wait3A_221 = tpu.memref_squeeze %dma_wait3A_220 : memref<1x6x2048xf32, #tpu.memory_space<hbm>> -> memref<6x2048xf32, #tpu.memory_space<hbm>>
      tpu.wait_dma2 semaphore(%arg11 : memref<!tpu.dma_semaphore, #tpu.memory_space<semaphore_mem>>) src(%dma_wait3A_221 : memref<6x2048xf32, #tpu.memory_space<hbm>>) dst(%arg8 : memref<6x2048xf32, #tpu.memory_space<vmem>>)
      %add3A_222 = arith.constant 1 : i32
      %add3A_223 = arith.addi %scan3A_180, %add3A_222 : i32
      %lt3A_224 = arith.constant 36 : i32
      %lt3A_225 = arith.cmpi slt, %add3A_223, %lt3A_224 : i32
      %convert_element_type3A = arith.extui %lt3A_225 : i1 to i32
      %cond3A = arith.constant 0 : i32
      %cond3A_226 = arith.cmpi ne, %convert_element_type3A, %cond3A : i32
      scf.if %cond3A_226 {
        %add3A_233 = arith.constant 2 : i32
        %add3A_234 = arith.addi %mul3A_182, %add3A_233 : i32
        %mul3A_235 = arith.constant 2048 : i32
        %mul3A_236 = arith.muli %add3A_234, %mul3A_235 : i32
        %dma_start3A_237 = tpu.memref_slice %arg3[%select_n3A, %mul3A_236] : memref<4x147456xi32, #tpu.memory_space<hbm>> -> memref<1x2048xi32, #tpu.memory_space<hbm>>
        %dma_start3A_238 = tpu.memref_squeeze %dma_start3A_237 : memref<1x2048xi32, #tpu.memory_space<hbm>> -> memref<2048xi32, #tpu.memory_space<hbm>>
        %dma_start3A_239 = tpu.memref_slice %arg3[%select_n3A, %mul3A_236] : memref<4x147456xi32, #tpu.memory_space<hbm>> -> memref<1x2048xi32, #tpu.memory_space<hbm>>
        %dma_start3A_240 = tpu.memref_squeeze %dma_start3A_239 : memref<1x2048xi32, #tpu.memory_space<hbm>> -> memref<2048xi32, #tpu.memory_space<hbm>>
        tpu.enqueue_dma source(%dma_start3A_240 : memref<2048xi32, #tpu.memory_space<hbm>>) target(%arg5 : memref<2048xi32, #tpu.memory_space<vmem>>) target_semaphore(%arg10 : memref<!tpu.dma_semaphore, #tpu.memory_space<semaphore_mem>>)
        %dma_start3A_241 = tpu.memref_slice %arg2[%select_n3A, %add3A_107, %mul3A_236] : memref<4x96x147456xf32, #tpu.memory_space<hbm>> -> memref<1x6x2048xf32, #tpu.memory_space<hbm>>
        %dma_start3A_242 = tpu.memref_squeeze %dma_start3A_241 : memref<1x6x2048xf32, #tpu.memory_space<hbm>> -> memref<6x2048xf32, #tpu.memory_space<hbm>>
        %dma_start3A_243 = tpu.memref_slice %arg2[%select_n3A, %add3A_107, %mul3A_236] : memref<4x96x147456xf32, #tpu.memory_space<hbm>> -> memref<1x6x2048xf32, #tpu.memory_space<hbm>>
        %dma_start3A_244 = tpu.memref_squeeze %dma_start3A_243 : memref<1x6x2048xf32, #tpu.memory_space<hbm>> -> memref<6x2048xf32, #tpu.memory_space<hbm>>
        tpu.enqueue_dma source(%dma_start3A_244 : memref<6x2048xf32, #tpu.memory_space<hbm>>) target(%arg6 : memref<6x2048xf32, #tpu.memory_space<vmem>>) target_semaphore(%arg10 : memref<!tpu.dma_semaphore, #tpu.memory_space<semaphore_mem>>)
      } else {
      }
      %scan3A_227 = arith.constant 0 : i32
      %scan3A_228 = arith.constant 0 : i32
      %scan3A_229 = arith.constant 32 : i32
      %scan3A_230 = arith.addi %scan3A_228, %scan3A_229 : i32
      %scan3A_231 = arith.constant 1 : i32
      scf.for %scan3A_233 = %scan3A_228 to %scan3A_230 step %scan3A_231  : i32 {
        %mul3A_234 = arith.constant 4 : i32
        %mul3A_235 = arith.muli %mul3A_234, %scan3A_233 : i32
        %mul3A_236 = arith.constant 16 : i32
        %mul3A_237 = arith.muli %mul3A_235, %mul3A_236 : i32
        %add3A_238 = arith.constant 0 : i32
        %add3A_239 = arith.addi %mul3A_237, %add3A_238 : i32
        %get3A = arith.index_cast %add3A_239 : i32 to index
        %get3A_240 = tpu.vector_load %arg7[%get3A] {strides = array<i32>} : memref<2048xi32, #tpu.memory_space<vmem>>, vector<16xi32>,
        %get3A_241 = arith.constant 0 : i32
        %get3A_242 = arith.index_cast %get3A_241 : i32 to index
        %get3A_243 = arith.index_cast %add3A_239 : i32 to index
        %get3A_244 = tpu.vector_load %arg8[%get3A_242, %get3A_243] {strides = array<i32>} : memref<6x2048xf32, #tpu.memory_space<vmem>>, vector<16xf32>,
        %get3A_245 = arith.constant 1 : i32
        %get3A_246 = arith.index_cast %get3A_245 : i32 to index
        %get3A_247 = arith.index_cast %add3A_239 : i32 to index
        %get3A_248 = tpu.vector_load %arg8[%get3A_246, %get3A_247] {strides = array<i32>} : memref<6x2048xf32, #tpu.memory_space<vmem>>, vector<16xf32>,
        %get3A_249 = arith.constant 2 : i32
        %get3A_250 = arith.index_cast %get3A_249 : i32 to index
        %get3A_251 = arith.index_cast %add3A_239 : i32 to index
        %get3A_252 = tpu.vector_load %arg8[%get3A_250, %get3A_251] {strides = array<i32>} : memref<6x2048xf32, #tpu.memory_space<vmem>>, vector<16xf32>,
        %get3A_253 = arith.constant 3 : i32
        %get3A_254 = arith.index_cast %get3A_253 : i32 to index
        %get3A_255 = arith.index_cast %add3A_239 : i32 to index
        %get3A_256 = tpu.vector_load %arg8[%get3A_254, %get3A_255] {strides = array<i32>} : memref<6x2048xf32, #tpu.memory_space<vmem>>, vector<16xf32>,
        %get3A_257 = arith.constant 4 : i32
        %get3A_258 = arith.index_cast %get3A_257 : i32 to index
        %get3A_259 = arith.index_cast %add3A_239 : i32 to index
        %get3A_260 = tpu.vector_load %arg8[%get3A_258, %get3A_259] {strides = array<i32>} : memref<6x2048xf32, #tpu.memory_space<vmem>>, vector<16xf32>,
        %get3A_261 = arith.constant 5 : i32
        %get3A_262 = arith.index_cast %get3A_261 : i32 to index
        %get3A_263 = arith.index_cast %add3A_239 : i32 to index
        %get3A_264 = tpu.vector_load %arg8[%get3A_262, %get3A_263] {strides = array<i32>} : memref<6x2048xf32, #tpu.memory_space<vmem>>, vector<16xf32>,
        %gather3A = tpu.vector_load_idx %arg12[%get3A_240, %iota3A] : memref<1024x16xf32, #tpu.memory_space<vmem>>[vector<16xi32>, vector<16xi32>], vector<16xf32>,
        %gather3A_265 = tpu.vector_load_idx %arg13[%get3A_240, %iota3A] : memref<1024x16xf32, #tpu.memory_space<vmem>>[vector<16xi32>, vector<16xi32>], vector<16xf32>,
        %gather3A_266 = tpu.vector_load_idx %arg14[%get3A_240, %iota3A] : memref<1024x16xf32, #tpu.memory_space<vmem>>[vector<16xi32>, vector<16xi32>], vector<16xf32>,
        %gather3A_267 = tpu.vector_load_idx %arg15[%get3A_240, %iota3A] : memref<1024x16xf32, #tpu.memory_space<vmem>>[vector<16xi32>, vector<16xi32>], vector<16xf32>,
        %gather3A_268 = tpu.vector_load_idx %arg16[%get3A_240, %iota3A] : memref<1024x16xf32, #tpu.memory_space<vmem>>[vector<16xi32>, vector<16xi32>], vector<16xf32>,
        %gather3A_269 = tpu.vector_load_idx %arg17[%get3A_240, %iota3A] : memref<1024x16xf32, #tpu.memory_space<vmem>>[vector<16xi32>, vector<16xi32>], vector<16xf32>,
        %max3A = arith.maximumf %gather3A, %get3A_244 : vector<16xf32>
        %max3A_270 = arith.maximumf %gather3A_265, %get3A_248 : vector<16xf32>
        %max3A_271 = arith.maximumf %gather3A_266, %get3A_252 : vector<16xf32>
        %max3A_272 = arith.maximumf %gather3A_267, %get3A_256 : vector<16xf32>
        %max3A_273 = arith.maximumf %gather3A_268, %get3A_260 : vector<16xf32>
        %max3A_274 = arith.maximumf %gather3A_269, %get3A_264 : vector<16xf32>
        %add3A_275 = arith.constant 16 : i32
        %add3A_276 = arith.addi %mul3A_237, %add3A_275 : i32
        %get3A_277 = arith.index_cast %add3A_276 : i32 to index
        %get3A_278 = tpu.vector_load %arg7[%get3A_277] {strides = array<i32>} : memref<2048xi32, #tpu.memory_space<vmem>>, vector<16xi32>,
        %get3A_279 = arith.constant 0 : i32
        %get3A_280 = arith.index_cast %get3A_279 : i32 to index
        %get3A_281 = arith.index_cast %add3A_276 : i32 to index
        %get3A_282 = tpu.vector_load %arg8[%get3A_280, %get3A_281] {strides = array<i32>} : memref<6x2048xf32, #tpu.memory_space<vmem>>, vector<16xf32>,
        %get3A_283 = arith.constant 1 : i32
        %get3A_284 = arith.index_cast %get3A_283 : i32 to index
        %get3A_285 = arith.index_cast %add3A_276 : i32 to index
        %get3A_286 = tpu.vector_load %arg8[%get3A_284, %get3A_285] {strides = array<i32>} : memref<6x2048xf32, #tpu.memory_space<vmem>>, vector<16xf32>,
        %get3A_287 = arith.constant 2 : i32
        %get3A_288 = arith.index_cast %get3A_287 : i32 to index
        %get3A_289 = arith.index_cast %add3A_276 : i32 to index
        %get3A_290 = tpu.vector_load %arg8[%get3A_288, %get3A_289] {strides = array<i32>} : memref<6x2048xf32, #tpu.memory_space<vmem>>, vector<16xf32>,
        %get3A_291 = arith.constant 3 : i32
        %get3A_292 = arith.index_cast %get3A_291 : i32 to index
        %get3A_293 = arith.index_cast %add3A_276 : i32 to index
        %get3A_294 = tpu.vector_load %arg8[%get3A_292, %get3A_293] {strides = array<i32>} : memref<6x2048xf32, #tpu.memory_space<vmem>>, vector<16xf32>,
        %get3A_295 = arith.constant 4 : i32
        %get3A_296 = arith.index_cast %get3A_295 : i32 to index
        %get3A_297 = arith.index_cast %add3A_276 : i32 to index
        %get3A_298 = tpu.vector_load %arg8[%get3A_296, %get3A_297] {strides = array<i32>} : memref<6x2048xf32, #tpu.memory_space<vmem>>, vector<16xf32>,
        %get3A_299 = arith.constant 5 : i32
        %get3A_300 = arith.index_cast %get3A_299 : i32 to index
        %get3A_301 = arith.index_cast %add3A_276 : i32 to index
        %get3A_302 = tpu.vector_load %arg8[%get3A_300, %get3A_301] {strides = array<i32>} : memref<6x2048xf32, #tpu.memory_space<vmem>>, vector<16xf32>,
        tpu.vector_store_idx %arg12[%get3A_240, %iota3A], %max3A : memref<1024x16xf32, #tpu.memory_space<vmem>>[vector<16xi32>, vector<16xi32>], vector<16xf32>,
        tpu.vector_store_idx %arg13[%get3A_240, %iota3A], %max3A_270 : memref<1024x16xf32, #tpu.memory_space<vmem>>[vector<16xi32>, vector<16xi32>], vector<16xf32>,
        tpu.vector_store_idx %arg14[%get3A_240, %iota3A], %max3A_271 : memref<1024x16xf32, #tpu.memory_space<vmem>>[vector<16xi32>, vector<16xi32>], vector<16xf32>,
        tpu.vector_store_idx %arg15[%get3A_240, %iota3A], %max3A_272 : memref<1024x16xf32, #tpu.memory_space<vmem>>[vector<16xi32>, vector<16xi32>], vector<16xf32>,
        tpu.vector_store_idx %arg16[%get3A_240, %iota3A], %max3A_273 : memref<1024x16xf32, #tpu.memory_space<vmem>>[vector<16xi32>, vector<16xi32>], vector<16xf32>,
        tpu.vector_store_idx %arg17[%get3A_240, %iota3A], %max3A_274 : memref<1024x16xf32, #tpu.memory_space<vmem>>[vector<16xi32>, vector<16xi32>], vector<16xf32>,
        %gather3A_303 = tpu.vector_load_idx %arg12[%get3A_278, %iota3A] : memref<1024x16xf32, #tpu.memory_space<vmem>>[vector<16xi32>, vector<16xi32>], vector<16xf32>,
        %gather3A_304 = tpu.vector_load_idx %arg13[%get3A_278, %iota3A] : memref<1024x16xf32, #tpu.memory_space<vmem>>[vector<16xi32>, vector<16xi32>], vector<16xf32>,
        %gather3A_305 = tpu.vector_load_idx %arg14[%get3A_278, %iota3A] : memref<1024x16xf32, #tpu.memory_space<vmem>>[vector<16xi32>, vector<16xi32>], vector<16xf32>,
        %gather3A_306 = tpu.vector_load_idx %arg15[%get3A_278, %iota3A] : memref<1024x16xf32, #tpu.memory_space<vmem>>[vector<16xi32>, vector<16xi32>], vector<16xf32>,
        %gather3A_307 = tpu.vector_load_idx %arg16[%get3A_278, %iota3A] : memref<1024x16xf32, #tpu.memory_space<vmem>>[vector<16xi32>, vector<16xi32>], vector<16xf32>,
        %gather3A_308 = tpu.vector_load_idx %arg17[%get3A_278, %iota3A] : memref<1024x16xf32, #tpu.memory_space<vmem>>[vector<16xi32>, vector<16xi32>], vector<16xf32>,
        %max3A_309 = arith.maximumf %gather3A_303, %get3A_282 : vector<16xf32>
        %max3A_310 = arith.maximumf %gather3A_304, %get3A_286 : vector<16xf32>
        %max3A_311 = arith.maximumf %gather3A_305, %get3A_290 : vector<16xf32>
        %max3A_312 = arith.maximumf %gather3A_306, %get3A_294 : vector<16xf32>
        %max3A_313 = arith.maximumf %gather3A_307, %get3A_298 : vector<16xf32>
        %max3A_314 = arith.maximumf %gather3A_308, %get3A_302 : vector<16xf32>
        %add3A_315 = arith.constant 32 : i32
        %add3A_316 = arith.addi %mul3A_237, %add3A_315 : i32
        %get3A_317 = arith.index_cast %add3A_316 : i32 to index
        %get3A_318 = tpu.vector_load %arg7[%get3A_317] {strides = array<i32>} : memref<2048xi32, #tpu.memory_space<vmem>>, vector<16xi32>,
        %get3A_319 = arith.constant 0 : i32
        %get3A_320 = arith.index_cast %get3A_319 : i32 to index
        %get3A_321 = arith.index_cast %add3A_316 : i32 to index
        %get3A_322 = tpu.vector_load %arg8[%get3A_320, %get3A_321] {strides = array<i32>} : memref<6x2048xf32, #tpu.memory_space<vmem>>, vector<16xf32>,
        %get3A_323 = arith.constant 1 : i32
        %get3A_324 = arith.index_cast %get3A_323 : i32 to index
        %get3A_325 = arith.index_cast %add3A_316 : i32 to index
        %get3A_326 = tpu.vector_load %arg8[%get3A_324, %get3A_325] {strides = array<i32>} : memref<6x2048xf32, #tpu.memory_space<vmem>>, vector<16xf32>,
        %get3A_327 = arith.constant 2 : i32
        %get3A_328 = arith.index_cast %get3A_327 : i32 to index
        %get3A_329 = arith.index_cast %add3A_316 : i32 to index
        %get3A_330 = tpu.vector_load %arg8[%get3A_328, %get3A_329] {strides = array<i32>} : memref<6x2048xf32, #tpu.memory_space<vmem>>, vector<16xf32>,
        %get3A_331 = arith.constant 3 : i32
        %get3A_332 = arith.index_cast %get3A_331 : i32 to index
        %get3A_333 = arith.index_cast %add3A_316 : i32 to index
        %get3A_334 = tpu.vector_load %arg8[%get3A_332, %get3A_333] {strides = array<i32>} : memref<6x2048xf32, #tpu.memory_space<vmem>>, vector<16xf32>,
        %get3A_335 = arith.constant 4 : i32
        %get3A_336 = arith.index_cast %get3A_335 : i32 to index
        %get3A_337 = arith.index_cast %add3A_316 : i32 to index
        %get3A_338 = tpu.vector_load %arg8[%get3A_336, %get3A_337] {strides = array<i32>} : memref<6x2048xf32, #tpu.memory_space<vmem>>, vector<16xf32>,
        %get3A_339 = arith.constant 5 : i32
        %get3A_340 = arith.index_cast %get3A_339 : i32 to index
        %get3A_341 = arith.index_cast %add3A_316 : i32 to index
        %get3A_342 = tpu.vector_load %arg8[%get3A_340, %get3A_341] {strides = array<i32>} : memref<6x2048xf32, #tpu.memory_space<vmem>>, vector<16xf32>,
        tpu.vector_store_idx %arg12[%get3A_278, %iota3A], %max3A_309 : memref<1024x16xf32, #tpu.memory_space<vmem>>[vector<16xi32>, vector<16xi32>], vector<16xf32>,
        tpu.vector_store_idx %arg13[%get3A_278, %iota3A], %max3A_310 : memref<1024x16xf32, #tpu.memory_space<vmem>>[vector<16xi32>, vector<16xi32>], vector<16xf32>,
        tpu.vector_store_idx %arg14[%get3A_278, %iota3A], %max3A_311 : memref<1024x16xf32, #tpu.memory_space<vmem>>[vector<16xi32>, vector<16xi32>], vector<16xf32>,
        tpu.vector_store_idx %arg15[%get3A_278, %iota3A], %max3A_312 : memref<1024x16xf32, #tpu.memory_space<vmem>>[vector<16xi32>, vector<16xi32>], vector<16xf32>,
        tpu.vector_store_idx %arg16[%get3A_278, %iota3A], %max3A_313 : memref<1024x16xf32, #tpu.memory_space<vmem>>[vector<16xi32>, vector<16xi32>], vector<16xf32>,
        tpu.vector_store_idx %arg17[%get3A_278, %iota3A], %max3A_314 : memref<1024x16xf32, #tpu.memory_space<vmem>>[vector<16xi32>, vector<16xi32>], vector<16xf32>,
        %gather3A_343 = tpu.vector_load_idx %arg12[%get3A_318, %iota3A] : memref<1024x16xf32, #tpu.memory_space<vmem>>[vector<16xi32>, vector<16xi32>], vector<16xf32>,
        %gather3A_344 = tpu.vector_load_idx %arg13[%get3A_318, %iota3A] : memref<1024x16xf32, #tpu.memory_space<vmem>>[vector<16xi32>, vector<16xi32>], vector<16xf32>,
        %gather3A_345 = tpu.vector_load_idx %arg14[%get3A_318, %iota3A] : memref<1024x16xf32, #tpu.memory_space<vmem>>[vector<16xi32>, vector<16xi32>], vector<16xf32>,
        %gather3A_346 = tpu.vector_load_idx %arg15[%get3A_318, %iota3A] : memref<1024x16xf32, #tpu.memory_space<vmem>>[vector<16xi32>, vector<16xi32>], vector<16xf32>,
        %gather3A_347 = tpu.vector_load_idx %arg16[%get3A_318, %iota3A] : memref<1024x16xf32, #tpu.memory_space<vmem>>[vector<16xi32>, vector<16xi32>], vector<16xf32>,
        %gather3A_348 = tpu.vector_load_idx %arg17[%get3A_318, %iota3A] : memref<1024x16xf32, #tpu.memory_space<vmem>>[vector<16xi32>, vector<16xi32>], vector<16xf32>,
        %max3A_349 = arith.maximumf %gather3A_343, %get3A_322 : vector<16xf32>
        %max3A_350 = arith.maximumf %gather3A_344, %get3A_326 : vector<16xf32>
        %max3A_351 = arith.maximumf %gather3A_345, %get3A_330 : vector<16xf32>
        %max3A_352 = arith.maximumf %gather3A_346, %get3A_334 : vector<16xf32>
        %max3A_353 = arith.maximumf %gather3A_347, %get3A_338 : vector<16xf32>
        %max3A_354 = arith.maximumf %gather3A_348, %get3A_342 : vector<16xf32>
        %add3A_355 = arith.constant 48 : i32
        %add3A_356 = arith.addi %mul3A_237, %add3A_355 : i32
        %get3A_357 = arith.index_cast %add3A_356 : i32 to index
        %get3A_358 = tpu.vector_load %arg7[%get3A_357] {strides = array<i32>} : memref<2048xi32, #tpu.memory_space<vmem>>, vector<16xi32>,
        %get3A_359 = arith.constant 0 : i32
        %get3A_360 = arith.index_cast %get3A_359 : i32 to index
        %get3A_361 = arith.index_cast %add3A_356 : i32 to index
        %get3A_362 = tpu.vector_load %arg8[%get3A_360, %get3A_361] {strides = array<i32>} : memref<6x2048xf32, #tpu.memory_space<vmem>>, vector<16xf32>,
        %get3A_363 = arith.constant 1 : i32
        %get3A_364 = arith.index_cast %get3A_363 : i32 to index
        %get3A_365 = arith.index_cast %add3A_356 : i32 to index
        %get3A_366 = tpu.vector_load %arg8[%get3A_364, %get3A_365] {strides = array<i32>} : memref<6x2048xf32, #tpu.memory_space<vmem>>, vector<16xf32>,
        %get3A_367 = arith.constant 2 : i32
        %get3A_368 = arith.index_cast %get3A_367 : i32 to index
        %get3A_369 = arith.index_cast %add3A_356 : i32 to index
        %get3A_370 = tpu.vector_load %arg8[%get3A_368, %get3A_369] {strides = array<i32>} : memref<6x2048xf32, #tpu.memory_space<vmem>>, vector<16xf32>,
        %get3A_371 = arith.constant 3 : i32
        %get3A_372 = arith.index_cast %get3A_371 : i32 to index
        %get3A_373 = arith.index_cast %add3A_356 : i32 to index
        %get3A_374 = tpu.vector_load %arg8[%get3A_372, %get3A_373] {strides = array<i32>} : memref<6x2048xf32, #tpu.memory_space<vmem>>, vector<16xf32>,
        %get3A_375 = arith.constant 4 : i32
        %get3A_376 = arith.index_cast %get3A_375 : i32 to index
        %get3A_377 = arith.index_cast %add3A_356 : i32 to index
        %get3A_378 = tpu.vector_load %arg8[%get3A_376, %get3A_377] {strides = array<i32>} : memref<6x2048xf32, #tpu.memory_space<vmem>>, vector<16xf32>,
        %get3A_379 = arith.constant 5 : i32
        %get3A_380 = arith.index_cast %get3A_379 : i32 to index
        %get3A_381 = arith.index_cast %add3A_356 : i32 to index
        %get3A_382 = tpu.vector_load %arg8[%get3A_380, %get3A_381] {strides = array<i32>} : memref<6x2048xf32, #tpu.memory_space<vmem>>, vector<16xf32>,
        tpu.vector_store_idx %arg12[%get3A_318, %iota3A], %max3A_349 : memref<1024x16xf32, #tpu.memory_space<vmem>>[vector<16xi32>, vector<16xi32>], vector<16xf32>,
        tpu.vector_store_idx %arg13[%get3A_318, %iota3A], %max3A_350 : memref<1024x16xf32, #tpu.memory_space<vmem>>[vector<16xi32>, vector<16xi32>], vector<16xf32>,
        tpu.vector_store_idx %arg14[%get3A_318, %iota3A], %max3A_351 : memref<1024x16xf32, #tpu.memory_space<vmem>>[vector<16xi32>, vector<16xi32>], vector<16xf32>,
        tpu.vector_store_idx %arg15[%get3A_318, %iota3A], %max3A_352 : memref<1024x16xf32, #tpu.memory_space<vmem>>[vector<16xi32>, vector<16xi32>], vector<16xf32>,
        tpu.vector_store_idx %arg16[%get3A_318, %iota3A], %max3A_353 : memref<1024x16xf32, #tpu.memory_space<vmem>>[vector<16xi32>, vector<16xi32>], vector<16xf32>,
        tpu.vector_store_idx %arg17[%get3A_318, %iota3A], %max3A_354 : memref<1024x16xf32, #tpu.memory_space<vmem>>[vector<16xi32>, vector<16xi32>], vector<16xf32>,
        %gather3A_383 = tpu.vector_load_idx %arg12[%get3A_358, %iota3A] : memref<1024x16xf32, #tpu.memory_space<vmem>>[vector<16xi32>, vector<16xi32>], vector<16xf32>,
        %gather3A_384 = tpu.vector_load_idx %arg13[%get3A_358, %iota3A] : memref<1024x16xf32, #tpu.memory_space<vmem>>[vector<16xi32>, vector<16xi32>], vector<16xf32>,
        %gather3A_385 = tpu.vector_load_idx %arg14[%get3A_358, %iota3A] : memref<1024x16xf32, #tpu.memory_space<vmem>>[vector<16xi32>, vector<16xi32>], vector<16xf32>,
        %gather3A_386 = tpu.vector_load_idx %arg15[%get3A_358, %iota3A] : memref<1024x16xf32, #tpu.memory_space<vmem>>[vector<16xi32>, vector<16xi32>], vector<16xf32>,
        %gather3A_387 = tpu.vector_load_idx %arg16[%get3A_358, %iota3A] : memref<1024x16xf32, #tpu.memory_space<vmem>>[vector<16xi32>, vector<16xi32>], vector<16xf32>,
        %gather3A_388 = tpu.vector_load_idx %arg17[%get3A_358, %iota3A] : memref<1024x16xf32, #tpu.memory_space<vmem>>[vector<16xi32>, vector<16xi32>], vector<16xf32>,
        %max3A_389 = arith.maximumf %gather3A_383, %get3A_362 : vector<16xf32>
        %max3A_390 = arith.maximumf %gather3A_384, %get3A_366 : vector<16xf32>
        %max3A_391 = arith.maximumf %gather3A_385, %get3A_370 : vector<16xf32>
        %max3A_392 = arith.maximumf %gather3A_386, %get3A_374 : vector<16xf32>
        %max3A_393 = arith.maximumf %gather3A_387, %get3A_378 : vector<16xf32>
        %max3A_394 = arith.maximumf %gather3A_388, %get3A_382 : vector<16xf32>
        tpu.vector_store_idx %arg12[%get3A_358, %iota3A], %max3A_389 : memref<1024x16xf32, #tpu.memory_space<vmem>>[vector<16xi32>, vector<16xi32>], vector<16xf32>,
        tpu.vector_store_idx %arg13[%get3A_358, %iota3A], %max3A_390 : memref<1024x16xf32, #tpu.memory_space<vmem>>[vector<16xi32>, vector<16xi32>], vector<16xf32>,
        tpu.vector_store_idx %arg14[%get3A_358, %iota3A], %max3A_391 : memref<1024x16xf32, #tpu.memory_space<vmem>>[vector<16xi32>, vector<16xi32>], vector<16xf32>,
        tpu.vector_store_idx %arg15[%get3A_358, %iota3A], %max3A_392 : memref<1024x16xf32, #tpu.memory_space<vmem>>[vector<16xi32>, vector<16xi32>], vector<16xf32>,
        tpu.vector_store_idx %arg16[%get3A_358, %iota3A], %max3A_393 : memref<1024x16xf32, #tpu.memory_space<vmem>>[vector<16xi32>, vector<16xi32>], vector<16xf32>,
        tpu.vector_store_idx %arg17[%get3A_358, %iota3A], %max3A_394 : memref<1024x16xf32, #tpu.memory_space<vmem>>[vector<16xi32>, vector<16xi32>], vector<16xf32>,
      }
      %scan3A_232 = arith.constant 32 : i32
    }
    %scan3A_131 = arith.constant 36 : i32
    %scan3A_132 = arith.constant 0 : i32
    %scan3A_133 = arith.constant 0 : i32
    %scan3A_134 = arith.constant 64 : i32
    %scan3A_135 = arith.addi %scan3A_133, %scan3A_134 : i32
    %scan3A_136 = arith.constant 1 : i32
    scf.for %scan3A_180 = %scan3A_133 to %scan3A_135 step %scan3A_136  : i32 {
      %mul3A_181 = arith.constant 16 : i32
      %mul3A_182 = arith.muli %scan3A_180, %mul3A_181 : i32
      %add3A_183 = vector.broadcast %mul3A_182 : i32 to vector<16xi32>
      %add3A_184 = arith.addi %add3A_183, %iota3A : vector<16xi32>
      %gather3A = tpu.vector_load_idx %arg12[%add3A_184, %iota3A] : memref<1024x16xf32, #tpu.memory_space<vmem>>[vector<16xi32>, vector<16xi32>], vector<16xf32>,
      %add3A_185 = arith.constant 1 : i32
      %add3A_186 = vector.broadcast %add3A_185 : i32 to vector<16xi32>
      %add3A_187 = arith.addi %iota3A, %add3A_186 : vector<16xi32>
      %and3A_188 = arith.constant 15 : i32
      %and3A_189 = vector.broadcast %and3A_188 : i32 to vector<16xi32>
      %and3A_190 = arith.andi %add3A_187, %and3A_189 : vector<16xi32>
      %gather3A_191 = tpu.vector_load_idx %arg12[%add3A_184, %and3A_190] : memref<1024x16xf32, #tpu.memory_space<vmem>>[vector<16xi32>, vector<16xi32>], vector<16xf32>,
      %max3A = arith.maximumf %gather3A, %gather3A_191 : vector<16xf32>
      %add3A_192 = arith.constant 2 : i32
      %add3A_193 = vector.broadcast %add3A_192 : i32 to vector<16xi32>
      %add3A_194 = arith.addi %iota3A, %add3A_193 : vector<16xi32>
      %and3A_195 = arith.constant 15 : i32
      %and3A_196 = vector.broadcast %and3A_195 : i32 to vector<16xi32>
      %and3A_197 = arith.andi %add3A_194, %and3A_196 : vector<16xi32>
      %gather3A_198 = tpu.vector_load_idx %arg12[%add3A_184, %and3A_197] : memref<1024x16xf32, #tpu.memory_space<vmem>>[vector<16xi32>, vector<16xi32>], vector<16xf32>,
      %max3A_199 = arith.maximumf %max3A, %gather3A_198 : vector<16xf32>
      %add3A_200 = arith.constant 3 : i32
      %add3A_201 = vector.broadcast %add3A_200 : i32 to vector<16xi32>
      %add3A_202 = arith.addi %iota3A, %add3A_201 : vector<16xi32>
      %and3A_203 = arith.constant 15 : i32
      %and3A_204 = vector.broadcast %and3A_203 : i32 to vector<16xi32>
      %and3A_205 = arith.andi %add3A_202, %and3A_204 : vector<16xi32>
      %gather3A_206 = tpu.vector_load_idx %arg12[%add3A_184, %and3A_205] : memref<1024x16xf32, #tpu.memory_space<vmem>>[vector<16xi32>, vector<16xi32>], vector<16xf32>,
      %max3A_207 = arith.maximumf %max3A_199, %gather3A_206 : vector<16xf32>
      %add3A_208 = arith.constant 4 : i32
      %add3A_209 = vector.broadcast %add3A_208 : i32 to vector<16xi32>
      %add3A_210 = arith.addi %iota3A, %add3A_209 : vector<16xi32>
      %and3A_211 = arith.constant 15 : i32
      %and3A_212 = vector.broadcast %and3A_211 : i32 to vector<16xi32>
      %and3A_213 = arith.andi %add3A_210, %and3A_212 : vector<16xi32>
      %gather3A_214 = tpu.vector_load_idx %arg12[%add3A_184, %and3A_213] : memref<1024x16xf32, #tpu.memory_space<vmem>>[vector<16xi32>, vector<16xi32>], vector<16xf32>,
      %max3A_215 = arith.maximumf %max3A_207, %gather3A_214 : vector<16xf32>
      %add3A_216 = arith.constant 5 : i32
      %add3A_217 = vector.broadcast %add3A_216 : i32 to vector<16xi32>
      %add3A_218 = arith.addi %iota3A, %add3A_217 : vector<16xi32>
      %and3A_219 = arith.constant 15 : i32
      %and3A_220 = vector.broadcast %and3A_219 : i32 to vector<16xi32>
      %and3A_221 = arith.andi %add3A_218, %and3A_220 : vector<16xi32>
      %gather3A_222 = tpu.vector_load_idx %arg12[%add3A_184, %and3A_221] : memref<1024x16xf32, #tpu.memory_space<vmem>>[vector<16xi32>, vector<16xi32>], vector<16xf32>,
      %max3A_223 = arith.maximumf %max3A_215, %gather3A_222 : vector<16xf32>
      %add3A_224 = arith.constant 6 : i32
      %add3A_225 = vector.broadcast %add3A_224 : i32 to vector<16xi32>
      %add3A_226 = arith.addi %iota3A, %add3A_225 : vector<16xi32>
      %and3A_227 = arith.constant 15 : i32
      %and3A_228 = vector.broadcast %and3A_227 : i32 to vector<16xi32>
      %and3A_229 = arith.andi %add3A_226, %and3A_228 : vector<16xi32>
      %gather3A_230 = tpu.vector_load_idx %arg12[%add3A_184, %and3A_229] : memref<1024x16xf32, #tpu.memory_space<vmem>>[vector<16xi32>, vector<16xi32>], vector<16xf32>,
      %max3A_231 = arith.maximumf %max3A_223, %gather3A_230 : vector<16xf32>
      %add3A_232 = arith.constant 7 : i32
      %add3A_233 = vector.broadcast %add3A_232 : i32 to vector<16xi32>
      %add3A_234 = arith.addi %iota3A, %add3A_233 : vector<16xi32>
      %and3A_235 = arith.constant 15 : i32
      %and3A_236 = vector.broadcast %and3A_235 : i32 to vector<16xi32>
      %and3A_237 = arith.andi %add3A_234, %and3A_236 : vector<16xi32>
      %gather3A_238 = tpu.vector_load_idx %arg12[%add3A_184, %and3A_237] : memref<1024x16xf32, #tpu.memory_space<vmem>>[vector<16xi32>, vector<16xi32>], vector<16xf32>,
      %max3A_239 = arith.maximumf %max3A_231, %gather3A_238 : vector<16xf32>
      %add3A_240 = arith.constant 8 : i32
      %add3A_241 = vector.broadcast %add3A_240 : i32 to vector<16xi32>
      %add3A_242 = arith.addi %iota3A, %add3A_241 : vector<16xi32>
      %and3A_243 = arith.constant 15 : i32
      %and3A_244 = vector.broadcast %and3A_243 : i32 to vector<16xi32>
      %and3A_245 = arith.andi %add3A_242, %and3A_244 : vector<16xi32>
      %gather3A_246 = tpu.vector_load_idx %arg12[%add3A_184, %and3A_245] : memref<1024x16xf32, #tpu.memory_space<vmem>>[vector<16xi32>, vector<16xi32>], vector<16xf32>,
      %max3A_247 = arith.maximumf %max3A_239, %gather3A_246 : vector<16xf32>
      %add3A_248 = arith.constant 9 : i32
      %add3A_249 = vector.broadcast %add3A_248 : i32 to vector<16xi32>
      %add3A_250 = arith.addi %iota3A, %add3A_249 : vector<16xi32>
      %and3A_251 = arith.constant 15 : i32
      %and3A_252 = vector.broadcast %and3A_251 : i32 to vector<16xi32>
      %and3A_253 = arith.andi %add3A_250, %and3A_252 : vector<16xi32>
      %gather3A_254 = tpu.vector_load_idx %arg12[%add3A_184, %and3A_253] : memref<1024x16xf32, #tpu.memory_space<vmem>>[vector<16xi32>, vector<16xi32>], vector<16xf32>,
      %max3A_255 = arith.maximumf %max3A_247, %gather3A_254 : vector<16xf32>
      %add3A_256 = arith.constant 10 : i32
      %add3A_257 = vector.broadcast %add3A_256 : i32 to vector<16xi32>
      %add3A_258 = arith.addi %iota3A, %add3A_257 : vector<16xi32>
      %and3A_259 = arith.constant 15 : i32
      %and3A_260 = vector.broadcast %and3A_259 : i32 to vector<16xi32>
      %and3A_261 = arith.andi %add3A_258, %and3A_260 : vector<16xi32>
      %gather3A_262 = tpu.vector_load_idx %arg12[%add3A_184, %and3A_261] : memref<1024x16xf32, #tpu.memory_space<vmem>>[vector<16xi32>, vector<16xi32>], vector<16xf32>,
      %max3A_263 = arith.maximumf %max3A_255, %gather3A_262 : vector<16xf32>
      %add3A_264 = arith.constant 11 : i32
      %add3A_265 = vector.broadcast %add3A_264 : i32 to vector<16xi32>
      %add3A_266 = arith.addi %iota3A, %add3A_265 : vector<16xi32>
      %and3A_267 = arith.constant 15 : i32
      %and3A_268 = vector.broadcast %and3A_267 : i32 to vector<16xi32>
      %and3A_269 = arith.andi %add3A_266, %and3A_268 : vector<16xi32>
      %gather3A_270 = tpu.vector_load_idx %arg12[%add3A_184, %and3A_269] : memref<1024x16xf32, #tpu.memory_space<vmem>>[vector<16xi32>, vector<16xi32>], vector<16xf32>,
      %max3A_271 = arith.maximumf %max3A_263, %gather3A_270 : vector<16xf32>
      %add3A_272 = arith.constant 12 : i32
      %add3A_273 = vector.broadcast %add3A_272 : i32 to vector<16xi32>
      %add3A_274 = arith.addi %iota3A, %add3A_273 : vector<16xi32>
      %and3A_275 = arith.constant 15 : i32
      %and3A_276 = vector.broadcast %and3A_275 : i32 to vector<16xi32>
      %and3A_277 = arith.andi %add3A_274, %and3A_276 : vector<16xi32>
      %gather3A_278 = tpu.vector_load_idx %arg12[%add3A_184, %and3A_277] : memref<1024x16xf32, #tpu.memory_space<vmem>>[vector<16xi32>, vector<16xi32>], vector<16xf32>,
      %max3A_279 = arith.maximumf %max3A_271, %gather3A_278 : vector<16xf32>
      %add3A_280 = arith.constant 13 : i32
      %add3A_281 = vector.broadcast %add3A_280 : i32 to vector<16xi32>
      %add3A_282 = arith.addi %iota3A, %add3A_281 : vector<16xi32>
      %and3A_283 = arith.constant 15 : i32
      %and3A_284 = vector.broadcast %and3A_283 : i32 to vector<16xi32>
      %and3A_285 = arith.andi %add3A_282, %and3A_284 : vector<16xi32>
      %gather3A_286 = tpu.vector_load_idx %arg12[%add3A_184, %and3A_285] : memref<1024x16xf32, #tpu.memory_space<vmem>>[vector<16xi32>, vector<16xi32>], vector<16xf32>,
      %max3A_287 = arith.maximumf %max3A_279, %gather3A_286 : vector<16xf32>
      %add3A_288 = arith.constant 14 : i32
      %add3A_289 = vector.broadcast %add3A_288 : i32 to vector<16xi32>
      %add3A_290 = arith.addi %iota3A, %add3A_289 : vector<16xi32>
      %and3A_291 = arith.constant 15 : i32
      %and3A_292 = vector.broadcast %and3A_291 : i32 to vector<16xi32>
      %and3A_293 = arith.andi %add3A_290, %and3A_292 : vector<16xi32>
      %gather3A_294 = tpu.vector_load_idx %arg12[%add3A_184, %and3A_293] : memref<1024x16xf32, #tpu.memory_space<vmem>>[vector<16xi32>, vector<16xi32>], vector<16xf32>,
      %max3A_295 = arith.maximumf %max3A_287, %gather3A_294 : vector<16xf32>
      %add3A_296 = arith.constant 15 : i32
      %add3A_297 = vector.broadcast %add3A_296 : i32 to vector<16xi32>
      %add3A_298 = arith.addi %iota3A, %add3A_297 : vector<16xi32>
      %and3A_299 = arith.constant 15 : i32
      %and3A_300 = vector.broadcast %and3A_299 : i32 to vector<16xi32>
      %and3A_301 = arith.andi %add3A_298, %and3A_300 : vector<16xi32>
      %gather3A_302 = tpu.vector_load_idx %arg12[%add3A_184, %and3A_301] : memref<1024x16xf32, #tpu.memory_space<vmem>>[vector<16xi32>, vector<16xi32>], vector<16xf32>,
      %max3A_303 = arith.maximumf %max3A_295, %gather3A_302 : vector<16xf32>
      %mul3A_304 = arith.constant 16 : i32
      %mul3A_305 = arith.muli %scan3A_180, %mul3A_304 : i32
      %swap3A = arith.index_cast %mul3A_305 : i32 to index
      %swap3A_306 = tpu.vector_load %arg9[%swap3A] {strides = array<i32>} : memref<1024xf32, #tpu.memory_space<vmem>>, vector<16xf32>,
      tpu.vector_store %arg9[%swap3A], %max3A_303 {strides = array<i32>} : memref<1024xf32, #tpu.memory_space<vmem>>, vector<16xf32>,
    }
    %scan3A_137 = arith.constant 64 : i32
    %add3A_138 = arith.constant 0 : i32
    %add3A_139 = arith.addi %add3A_107, %add3A_138 : i32
    "tpu.region"() ({
      %run_scoped3A = tpu.sem_alloc : memref<!tpu.dma_semaphore, #tpu.memory_space<semaphore_mem>>
      %dma_start3A_180 = arith.constant 0 : i32
      %dma_start3A_181 = tpu.memref_slice %arg4[%select_n3A, %add3A_139, %dma_start3A_180] : memref<4x96x1024xf32, #tpu.memory_space<hbm>> -> memref<1x1x1024xf32, #tpu.memory_space<hbm>>
      %dma_start3A_182 = tpu.memref_squeeze %dma_start3A_181 : memref<1x1x1024xf32, #tpu.memory_space<hbm>> -> memref<1024xf32, #tpu.memory_space<hbm>>
      %dma_start3A_183 = arith.constant 0 : i32
      %dma_start3A_184 = tpu.memref_slice %arg4[%select_n3A, %add3A_139, %dma_start3A_183] : memref<4x96x1024xf32, #tpu.memory_space<hbm>> -> memref<1x1x1024xf32, #tpu.memory_space<hbm>>
      %dma_start3A_185 = tpu.memref_squeeze %dma_start3A_184 : memref<1x1x1024xf32, #tpu.memory_space<hbm>> -> memref<1024xf32, #tpu.memory_space<hbm>>
      tpu.enqueue_dma source(%arg9 : memref<1024xf32, #tpu.memory_space<vmem>>) target(%dma_start3A_185 : memref<1024xf32, #tpu.memory_space<hbm>>) target_semaphore(%run_scoped3A : memref<!tpu.dma_semaphore, #tpu.memory_space<semaphore_mem>>)
      %dma_wait3A = arith.constant 0 : i32
      %dma_wait3A_186 = tpu.memref_slice %arg4[%select_n3A, %add3A_139, %dma_wait3A] : memref<4x96x1024xf32, #tpu.memory_space<hbm>> -> memref<1x1x1024xf32, #tpu.memory_space<hbm>>
      %dma_wait3A_187 = tpu.memref_squeeze %dma_wait3A_186 : memref<1x1x1024xf32, #tpu.memory_space<hbm>> -> memref<1024xf32, #tpu.memory_space<hbm>>
      %dma_wait3A_188 = arith.constant 0 : i32
      %dma_wait3A_189 = tpu.memref_slice %arg4[%select_n3A, %add3A_139, %dma_wait3A_188] : memref<4x96x1024xf32, #tpu.memory_space<hbm>> -> memref<1x1x1024xf32, #tpu.memory_space<hbm>>
      %dma_wait3A_190 = tpu.memref_squeeze %dma_wait3A_189 : memref<1x1x1024xf32, #tpu.memory_space<hbm>> -> memref<1024xf32, #tpu.memory_space<hbm>>
      tpu.wait_dma2 semaphore(%run_scoped3A : memref<!tpu.dma_semaphore, #tpu.memory_space<semaphore_mem>>) src(%arg9 : memref<1024xf32, #tpu.memory_space<vmem>>) dst(%dma_wait3A_190 : memref<1024xf32, #tpu.memory_space<hbm>>)
      tpu.yield
    }) : () -> ()
    %scan3A_140 = arith.constant 0 : i32
    %scan3A_141 = arith.constant 0 : i32
    %scan3A_142 = arith.constant 64 : i32
    %scan3A_143 = arith.addi %scan3A_141, %scan3A_142 : i32
    %scan3A_144 = arith.constant 1 : i32
    scf.for %scan3A_180 = %scan3A_141 to %scan3A_143 step %scan3A_144  : i32 {
      %mul3A_181 = arith.constant 16 : i32
      %mul3A_182 = arith.muli %scan3A_180, %mul3A_181 : i32
      %add3A_183 = vector.broadcast %mul3A_182 : i32 to vector<16xi32>
      %add3A_184 = arith.addi %add3A_183, %iota3A : vector<16xi32>
      %gather3A = tpu.vector_load_idx %arg13[%add3A_184, %iota3A] : memref<1024x16xf32, #tpu.memory_space<vmem>>[vector<16xi32>, vector<16xi32>], vector<16xf32>,
      %add3A_185 = arith.constant 1 : i32
      %add3A_186 = vector.broadcast %add3A_185 : i32 to vector<16xi32>
      %add3A_187 = arith.addi %iota3A, %add3A_186 : vector<16xi32>
      %and3A_188 = arith.constant 15 : i32
      %and3A_189 = vector.broadcast %and3A_188 : i32 to vector<16xi32>
      %and3A_190 = arith.andi %add3A_187, %and3A_189 : vector<16xi32>
      %gather3A_191 = tpu.vector_load_idx %arg13[%add3A_184, %and3A_190] : memref<1024x16xf32, #tpu.memory_space<vmem>>[vector<16xi32>, vector<16xi32>], vector<16xf32>,
      %max3A = arith.maximumf %gather3A, %gather3A_191 : vector<16xf32>
      %add3A_192 = arith.constant 2 : i32
      %add3A_193 = vector.broadcast %add3A_192 : i32 to vector<16xi32>
      %add3A_194 = arith.addi %iota3A, %add3A_193 : vector<16xi32>
      %and3A_195 = arith.constant 15 : i32
      %and3A_196 = vector.broadcast %and3A_195 : i32 to vector<16xi32>
      %and3A_197 = arith.andi %add3A_194, %and3A_196 : vector<16xi32>
      %gather3A_198 = tpu.vector_load_idx %arg13[%add3A_184, %and3A_197] : memref<1024x16xf32, #tpu.memory_space<vmem>>[vector<16xi32>, vector<16xi32>], vector<16xf32>,
      %max3A_199 = arith.maximumf %max3A, %gather3A_198 : vector<16xf32>
      %add3A_200 = arith.constant 3 : i32
      %add3A_201 = vector.broadcast %add3A_200 : i32 to vector<16xi32>
      %add3A_202 = arith.addi %iota3A, %add3A_201 : vector<16xi32>
      %and3A_203 = arith.constant 15 : i32
      %and3A_204 = vector.broadcast %and3A_203 : i32 to vector<16xi32>
      %and3A_205 = arith.andi %add3A_202, %and3A_204 : vector<16xi32>
      %gather3A_206 = tpu.vector_load_idx %arg13[%add3A_184, %and3A_205] : memref<1024x16xf32, #tpu.memory_space<vmem>>[vector<16xi32>, vector<16xi32>], vector<16xf32>,
      %max3A_207 = arith.maximumf %max3A_199, %gather3A_206 : vector<16xf32>
      %add3A_208 = arith.constant 4 : i32
      %add3A_209 = vector.broadcast %add3A_208 : i32 to vector<16xi32>
      %add3A_210 = arith.addi %iota3A, %add3A_209 : vector<16xi32>
      %and3A_211 = arith.constant 15 : i32
      %and3A_212 = vector.broadcast %and3A_211 : i32 to vector<16xi32>
      %and3A_213 = arith.andi %add3A_210, %and3A_212 : vector<16xi32>
      %gather3A_214 = tpu.vector_load_idx %arg13[%add3A_184, %and3A_213] : memref<1024x16xf32, #tpu.memory_space<vmem>>[vector<16xi32>, vector<16xi32>], vector<16xf32>,
      %max3A_215 = arith.maximumf %max3A_207, %gather3A_214 : vector<16xf32>
      %add3A_216 = arith.constant 5 : i32
      %add3A_217 = vector.broadcast %add3A_216 : i32 to vector<16xi32>
      %add3A_218 = arith.addi %iota3A, %add3A_217 : vector<16xi32>
      %and3A_219 = arith.constant 15 : i32
      %and3A_220 = vector.broadcast %and3A_219 : i32 to vector<16xi32>
      %and3A_221 = arith.andi %add3A_218, %and3A_220 : vector<16xi32>
      %gather3A_222 = tpu.vector_load_idx %arg13[%add3A_184, %and3A_221] : memref<1024x16xf32, #tpu.memory_space<vmem>>[vector<16xi32>, vector<16xi32>], vector<16xf32>,
      %max3A_223 = arith.maximumf %max3A_215, %gather3A_222 : vector<16xf32>
      %add3A_224 = arith.constant 6 : i32
      %add3A_225 = vector.broadcast %add3A_224 : i32 to vector<16xi32>
      %add3A_226 = arith.addi %iota3A, %add3A_225 : vector<16xi32>
      %and3A_227 = arith.constant 15 : i32
      %and3A_228 = vector.broadcast %and3A_227 : i32 to vector<16xi32>
      %and3A_229 = arith.andi %add3A_226, %and3A_228 : vector<16xi32>
      %gather3A_230 = tpu.vector_load_idx %arg13[%add3A_184, %and3A_229] : memref<1024x16xf32, #tpu.memory_space<vmem>>[vector<16xi32>, vector<16xi32>], vector<16xf32>,
      %max3A_231 = arith.maximumf %max3A_223, %gather3A_230 : vector<16xf32>
      %add3A_232 = arith.constant 7 : i32
      %add3A_233 = vector.broadcast %add3A_232 : i32 to vector<16xi32>
      %add3A_234 = arith.addi %iota3A, %add3A_233 : vector<16xi32>
      %and3A_235 = arith.constant 15 : i32
      %and3A_236 = vector.broadcast %and3A_235 : i32 to vector<16xi32>
      %and3A_237 = arith.andi %add3A_234, %and3A_236 : vector<16xi32>
      %gather3A_238 = tpu.vector_load_idx %arg13[%add3A_184, %and3A_237] : memref<1024x16xf32, #tpu.memory_space<vmem>>[vector<16xi32>, vector<16xi32>], vector<16xf32>,
      %max3A_239 = arith.maximumf %max3A_231, %gather3A_238 : vector<16xf32>
      %add3A_240 = arith.constant 8 : i32
      %add3A_241 = vector.broadcast %add3A_240 : i32 to vector<16xi32>
      %add3A_242 = arith.addi %iota3A, %add3A_241 : vector<16xi32>
      %and3A_243 = arith.constant 15 : i32
      %and3A_244 = vector.broadcast %and3A_243 : i32 to vector<16xi32>
      %and3A_245 = arith.andi %add3A_242, %and3A_244 : vector<16xi32>
      %gather3A_246 = tpu.vector_load_idx %arg13[%add3A_184, %and3A_245] : memref<1024x16xf32, #tpu.memory_space<vmem>>[vector<16xi32>, vector<16xi32>], vector<16xf32>,
      %max3A_247 = arith.maximumf %max3A_239, %gather3A_246 : vector<16xf32>
      %add3A_248 = arith.constant 9 : i32
      %add3A_249 = vector.broadcast %add3A_248 : i32 to vector<16xi32>
      %add3A_250 = arith.addi %iota3A, %add3A_249 : vector<16xi32>
      %and3A_251 = arith.constant 15 : i32
      %and3A_252 = vector.broadcast %and3A_251 : i32 to vector<16xi32>
      %and3A_253 = arith.andi %add3A_250, %and3A_252 : vector<16xi32>
      %gather3A_254 = tpu.vector_load_idx %arg13[%add3A_184, %and3A_253] : memref<1024x16xf32, #tpu.memory_space<vmem>>[vector<16xi32>, vector<16xi32>], vector<16xf32>,
      %max3A_255 = arith.maximumf %max3A_247, %gather3A_254 : vector<16xf32>
      %add3A_256 = arith.constant 10 : i32
      %add3A_257 = vector.broadcast %add3A_256 : i32 to vector<16xi32>
      %add3A_258 = arith.addi %iota3A, %add3A_257 : vector<16xi32>
      %and3A_259 = arith.constant 15 : i32
      %and3A_260 = vector.broadcast %and3A_259 : i32 to vector<16xi32>
      %and3A_261 = arith.andi %add3A_258, %and3A_260 : vector<16xi32>
      %gather3A_262 = tpu.vector_load_idx %arg13[%add3A_184, %and3A_261] : memref<1024x16xf32, #tpu.memory_space<vmem>>[vector<16xi32>, vector<16xi32>], vector<16xf32>,
      %max3A_263 = arith.maximumf %max3A_255, %gather3A_262 : vector<16xf32>
      %add3A_264 = arith.constant 11 : i32
      %add3A_265 = vector.broadcast %add3A_264 : i32 to vector<16xi32>
      %add3A_266 = arith.addi %iota3A, %add3A_265 : vector<16xi32>
      %and3A_267 = arith.constant 15 : i32
      %and3A_268 = vector.broadcast %and3A_267 : i32 to vector<16xi32>
      %and3A_269 = arith.andi %add3A_266, %and3A_268 : vector<16xi32>
      %gather3A_270 = tpu.vector_load_idx %arg13[%add3A_184, %and3A_269] : memref<1024x16xf32, #tpu.memory_space<vmem>>[vector<16xi32>, vector<16xi32>], vector<16xf32>,
      %max3A_271 = arith.maximumf %max3A_263, %gather3A_270 : vector<16xf32>
      %add3A_272 = arith.constant 12 : i32
      %add3A_273 = vector.broadcast %add3A_272 : i32 to vector<16xi32>
      %add3A_274 = arith.addi %iota3A, %add3A_273 : vector<16xi32>
      %and3A_275 = arith.constant 15 : i32
      %and3A_276 = vector.broadcast %and3A_275 : i32 to vector<16xi32>
      %and3A_277 = arith.andi %add3A_274, %and3A_276 : vector<16xi32>
      %gather3A_278 = tpu.vector_load_idx %arg13[%add3A_184, %and3A_277] : memref<1024x16xf32, #tpu.memory_space<vmem>>[vector<16xi32>, vector<16xi32>], vector<16xf32>,
      %max3A_279 = arith.maximumf %max3A_271, %gather3A_278 : vector<16xf32>
      %add3A_280 = arith.constant 13 : i32
      %add3A_281 = vector.broadcast %add3A_280 : i32 to vector<16xi32>
      %add3A_282 = arith.addi %iota3A, %add3A_281 : vector<16xi32>
      %and3A_283 = arith.constant 15 : i32
      %and3A_284 = vector.broadcast %and3A_283 : i32 to vector<16xi32>
      %and3A_285 = arith.andi %add3A_282, %and3A_284 : vector<16xi32>
      %gather3A_286 = tpu.vector_load_idx %arg13[%add3A_184, %and3A_285] : memref<1024x16xf32, #tpu.memory_space<vmem>>[vector<16xi32>, vector<16xi32>], vector<16xf32>,
      %max3A_287 = arith.maximumf %max3A_279, %gather3A_286 : vector<16xf32>
      %add3A_288 = arith.constant 14 : i32
      %add3A_289 = vector.broadcast %add3A_288 : i32 to vector<16xi32>
      %add3A_290 = arith.addi %iota3A, %add3A_289 : vector<16xi32>
      %and3A_291 = arith.constant 15 : i32
      %and3A_292 = vector.broadcast %and3A_291 : i32 to vector<16xi32>
      %and3A_293 = arith.andi %add3A_290, %and3A_292 : vector<16xi32>
      %gather3A_294 = tpu.vector_load_idx %arg13[%add3A_184, %and3A_293] : memref<1024x16xf32, #tpu.memory_space<vmem>>[vector<16xi32>, vector<16xi32>], vector<16xf32>,
      %max3A_295 = arith.maximumf %max3A_287, %gather3A_294 : vector<16xf32>
      %add3A_296 = arith.constant 15 : i32
      %add3A_297 = vector.broadcast %add3A_296 : i32 to vector<16xi32>
      %add3A_298 = arith.addi %iota3A, %add3A_297 : vector<16xi32>
      %and3A_299 = arith.constant 15 : i32
      %and3A_300 = vector.broadcast %and3A_299 : i32 to vector<16xi32>
      %and3A_301 = arith.andi %add3A_298, %and3A_300 : vector<16xi32>
      %gather3A_302 = tpu.vector_load_idx %arg13[%add3A_184, %and3A_301] : memref<1024x16xf32, #tpu.memory_space<vmem>>[vector<16xi32>, vector<16xi32>], vector<16xf32>,
      %max3A_303 = arith.maximumf %max3A_295, %gather3A_302 : vector<16xf32>
      %mul3A_304 = arith.constant 16 : i32
      %mul3A_305 = arith.muli %scan3A_180, %mul3A_304 : i32
      %swap3A = arith.index_cast %mul3A_305 : i32 to index
      %swap3A_306 = tpu.vector_load %arg9[%swap3A] {strides = array<i32>} : memref<1024xf32, #tpu.memory_space<vmem>>, vector<16xf32>,
      tpu.vector_store %arg9[%swap3A], %max3A_303 {strides = array<i32>} : memref<1024xf32, #tpu.memory_space<vmem>>, vector<16xf32>,
    }
    %scan3A_145 = arith.constant 64 : i32
    %add3A_146 = arith.constant 1 : i32
    %add3A_147 = arith.addi %add3A_107, %add3A_146 : i32
    "tpu.region"() ({
      %run_scoped3A = tpu.sem_alloc : memref<!tpu.dma_semaphore, #tpu.memory_space<semaphore_mem>>
      %dma_start3A_180 = arith.constant 0 : i32
      %dma_start3A_181 = tpu.memref_slice %arg4[%select_n3A, %add3A_147, %dma_start3A_180] : memref<4x96x1024xf32, #tpu.memory_space<hbm>> -> memref<1x1x1024xf32, #tpu.memory_space<hbm>>
      %dma_start3A_182 = tpu.memref_squeeze %dma_start3A_181 : memref<1x1x1024xf32, #tpu.memory_space<hbm>> -> memref<1024xf32, #tpu.memory_space<hbm>>
      %dma_start3A_183 = arith.constant 0 : i32
      %dma_start3A_184 = tpu.memref_slice %arg4[%select_n3A, %add3A_147, %dma_start3A_183] : memref<4x96x1024xf32, #tpu.memory_space<hbm>> -> memref<1x1x1024xf32, #tpu.memory_space<hbm>>
      %dma_start3A_185 = tpu.memref_squeeze %dma_start3A_184 : memref<1x1x1024xf32, #tpu.memory_space<hbm>> -> memref<1024xf32, #tpu.memory_space<hbm>>
      tpu.enqueue_dma source(%arg9 : memref<1024xf32, #tpu.memory_space<vmem>>) target(%dma_start3A_185 : memref<1024xf32, #tpu.memory_space<hbm>>) target_semaphore(%run_scoped3A : memref<!tpu.dma_semaphore, #tpu.memory_space<semaphore_mem>>)
      %dma_wait3A = arith.constant 0 : i32
      %dma_wait3A_186 = tpu.memref_slice %arg4[%select_n3A, %add3A_147, %dma_wait3A] : memref<4x96x1024xf32, #tpu.memory_space<hbm>> -> memref<1x1x1024xf32, #tpu.memory_space<hbm>>
      %dma_wait3A_187 = tpu.memref_squeeze %dma_wait3A_186 : memref<1x1x1024xf32, #tpu.memory_space<hbm>> -> memref<1024xf32, #tpu.memory_space<hbm>>
      %dma_wait3A_188 = arith.constant 0 : i32
      %dma_wait3A_189 = tpu.memref_slice %arg4[%select_n3A, %add3A_147, %dma_wait3A_188] : memref<4x96x1024xf32, #tpu.memory_space<hbm>> -> memref<1x1x1024xf32, #tpu.memory_space<hbm>>
      %dma_wait3A_190 = tpu.memref_squeeze %dma_wait3A_189 : memref<1x1x1024xf32, #tpu.memory_space<hbm>> -> memref<1024xf32, #tpu.memory_space<hbm>>
      tpu.wait_dma2 semaphore(%run_scoped3A : memref<!tpu.dma_semaphore, #tpu.memory_space<semaphore_mem>>) src(%arg9 : memref<1024xf32, #tpu.memory_space<vmem>>) dst(%dma_wait3A_190 : memref<1024xf32, #tpu.memory_space<hbm>>)
      tpu.yield
    }) : () -> ()
    %scan3A_148 = arith.constant 0 : i32
    %scan3A_149 = arith.constant 0 : i32
    %scan3A_150 = arith.constant 64 : i32
    %scan3A_151 = arith.addi %scan3A_149, %scan3A_150 : i32
    %scan3A_152 = arith.constant 1 : i32
    scf.for %scan3A_180 = %scan3A_149 to %scan3A_151 step %scan3A_152  : i32 {
      %mul3A_181 = arith.constant 16 : i32
      %mul3A_182 = arith.muli %scan3A_180, %mul3A_181 : i32
      %add3A_183 = vector.broadcast %mul3A_182 : i32 to vector<16xi32>
      %add3A_184 = arith.addi %add3A_183, %iota3A : vector<16xi32>
      %gather3A = tpu.vector_load_idx %arg14[%add3A_184, %iota3A] : memref<1024x16xf32, #tpu.memory_space<vmem>>[vector<16xi32>, vector<16xi32>], vector<16xf32>,
      %add3A_185 = arith.constant 1 : i32
      %add3A_186 = vector.broadcast %add3A_185 : i32 to vector<16xi32>
      %add3A_187 = arith.addi %iota3A, %add3A_186 : vector<16xi32>
      %and3A_188 = arith.constant 15 : i32
      %and3A_189 = vector.broadcast %and3A_188 : i32 to vector<16xi32>
      %and3A_190 = arith.andi %add3A_187, %and3A_189 : vector<16xi32>
      %gather3A_191 = tpu.vector_load_idx %arg14[%add3A_184, %and3A_190] : memref<1024x16xf32, #tpu.memory_space<vmem>>[vector<16xi32>, vector<16xi32>], vector<16xf32>,
      %max3A = arith.maximumf %gather3A, %gather3A_191 : vector<16xf32>
      %add3A_192 = arith.constant 2 : i32
      %add3A_193 = vector.broadcast %add3A_192 : i32 to vector<16xi32>
      %add3A_194 = arith.addi %iota3A, %add3A_193 : vector<16xi32>
      %and3A_195 = arith.constant 15 : i32
      %and3A_196 = vector.broadcast %and3A_195 : i32 to vector<16xi32>
      %and3A_197 = arith.andi %add3A_194, %and3A_196 : vector<16xi32>
      %gather3A_198 = tpu.vector_load_idx %arg14[%add3A_184, %and3A_197] : memref<1024x16xf32, #tpu.memory_space<vmem>>[vector<16xi32>, vector<16xi32>], vector<16xf32>,
      %max3A_199 = arith.maximumf %max3A, %gather3A_198 : vector<16xf32>
      %add3A_200 = arith.constant 3 : i32
      %add3A_201 = vector.broadcast %add3A_200 : i32 to vector<16xi32>
      %add3A_202 = arith.addi %iota3A, %add3A_201 : vector<16xi32>
      %and3A_203 = arith.constant 15 : i32
      %and3A_204 = vector.broadcast %and3A_203 : i32 to vector<16xi32>
      %and3A_205 = arith.andi %add3A_202, %and3A_204 : vector<16xi32>
      %gather3A_206 = tpu.vector_load_idx %arg14[%add3A_184, %and3A_205] : memref<1024x16xf32, #tpu.memory_space<vmem>>[vector<16xi32>, vector<16xi32>], vector<16xf32>,
      %max3A_207 = arith.maximumf %max3A_199, %gather3A_206 : vector<16xf32>
      %add3A_208 = arith.constant 4 : i32
      %add3A_209 = vector.broadcast %add3A_208 : i32 to vector<16xi32>
      %add3A_210 = arith.addi %iota3A, %add3A_209 : vector<16xi32>
      %and3A_211 = arith.constant 15 : i32
      %and3A_212 = vector.broadcast %and3A_211 : i32 to vector<16xi32>
      %and3A_213 = arith.andi %add3A_210, %and3A_212 : vector<16xi32>
      %gather3A_214 = tpu.vector_load_idx %arg14[%add3A_184, %and3A_213] : memref<1024x16xf32, #tpu.memory_space<vmem>>[vector<16xi32>, vector<16xi32>], vector<16xf32>,
      %max3A_215 = arith.maximumf %max3A_207, %gather3A_214 : vector<16xf32>
      %add3A_216 = arith.constant 5 : i32
      %add3A_217 = vector.broadcast %add3A_216 : i32 to vector<16xi32>
      %add3A_218 = arith.addi %iota3A, %add3A_217 : vector<16xi32>
      %and3A_219 = arith.constant 15 : i32
      %and3A_220 = vector.broadcast %and3A_219 : i32 to vector<16xi32>
      %and3A_221 = arith.andi %add3A_218, %and3A_220 : vector<16xi32>
      %gather3A_222 = tpu.vector_load_idx %arg14[%add3A_184, %and3A_221] : memref<1024x16xf32, #tpu.memory_space<vmem>>[vector<16xi32>, vector<16xi32>], vector<16xf32>,
      %max3A_223 = arith.maximumf %max3A_215, %gather3A_222 : vector<16xf32>
      %add3A_224 = arith.constant 6 : i32
      %add3A_225 = vector.broadcast %add3A_224 : i32 to vector<16xi32>
      %add3A_226 = arith.addi %iota3A, %add3A_225 : vector<16xi32>
      %and3A_227 = arith.constant 15 : i32
      %and3A_228 = vector.broadcast %and3A_227 : i32 to vector<16xi32>
      %and3A_229 = arith.andi %add3A_226, %and3A_228 : vector<16xi32>
      %gather3A_230 = tpu.vector_load_idx %arg14[%add3A_184, %and3A_229] : memref<1024x16xf32, #tpu.memory_space<vmem>>[vector<16xi32>, vector<16xi32>], vector<16xf32>,
      %max3A_231 = arith.maximumf %max3A_223, %gather3A_230 : vector<16xf32>
      %add3A_232 = arith.constant 7 : i32
      %add3A_233 = vector.broadcast %add3A_232 : i32 to vector<16xi32>
      %add3A_234 = arith.addi %iota3A, %add3A_233 : vector<16xi32>
      %and3A_235 = arith.constant 15 : i32
      %and3A_236 = vector.broadcast %and3A_235 : i32 to vector<16xi32>
      %and3A_237 = arith.andi %add3A_234, %and3A_236 : vector<16xi32>
      %gather3A_238 = tpu.vector_load_idx %arg14[%add3A_184, %and3A_237] : memref<1024x16xf32, #tpu.memory_space<vmem>>[vector<16xi32>, vector<16xi32>], vector<16xf32>,
      %max3A_239 = arith.maximumf %max3A_231, %gather3A_238 : vector<16xf32>
      %add3A_240 = arith.constant 8 : i32
      %add3A_241 = vector.broadcast %add3A_240 : i32 to vector<16xi32>
      %add3A_242 = arith.addi %iota3A, %add3A_241 : vector<16xi32>
      %and3A_243 = arith.constant 15 : i32
      %and3A_244 = vector.broadcast %and3A_243 : i32 to vector<16xi32>
      %and3A_245 = arith.andi %add3A_242, %and3A_244 : vector<16xi32>
      %gather3A_246 = tpu.vector_load_idx %arg14[%add3A_184, %and3A_245] : memref<1024x16xf32, #tpu.memory_space<vmem>>[vector<16xi32>, vector<16xi32>], vector<16xf32>,
      %max3A_247 = arith.maximumf %max3A_239, %gather3A_246 : vector<16xf32>
      %add3A_248 = arith.constant 9 : i32
      %add3A_249 = vector.broadcast %add3A_248 : i32 to vector<16xi32>
      %add3A_250 = arith.addi %iota3A, %add3A_249 : vector<16xi32>
      %and3A_251 = arith.constant 15 : i32
      %and3A_252 = vector.broadcast %and3A_251 : i32 to vector<16xi32>
      %and3A_253 = arith.andi %add3A_250, %and3A_252 : vector<16xi32>
      %gather3A_254 = tpu.vector_load_idx %arg14[%add3A_184, %and3A_253] : memref<1024x16xf32, #tpu.memory_space<vmem>>[vector<16xi32>, vector<16xi32>], vector<16xf32>,
      %max3A_255 = arith.maximumf %max3A_247, %gather3A_254 : vector<16xf32>
      %add3A_256 = arith.constant 10 : i32
      %add3A_257 = vector.broadcast %add3A_256 : i32 to vector<16xi32>
      %add3A_258 = arith.addi %iota3A, %add3A_257 : vector<16xi32>
      %and3A_259 = arith.constant 15 : i32
      %and3A_260 = vector.broadcast %and3A_259 : i32 to vector<16xi32>
      %and3A_261 = arith.andi %add3A_258, %and3A_260 : vector<16xi32>
      %gather3A_262 = tpu.vector_load_idx %arg14[%add3A_184, %and3A_261] : memref<1024x16xf32, #tpu.memory_space<vmem>>[vector<16xi32>, vector<16xi32>], vector<16xf32>,
      %max3A_263 = arith.maximumf %max3A_255, %gather3A_262 : vector<16xf32>
      %add3A_264 = arith.constant 11 : i32
      %add3A_265 = vector.broadcast %add3A_264 : i32 to vector<16xi32>
      %add3A_266 = arith.addi %iota3A, %add3A_265 : vector<16xi32>
      %and3A_267 = arith.constant 15 : i32
      %and3A_268 = vector.broadcast %and3A_267 : i32 to vector<16xi32>
      %and3A_269 = arith.andi %add3A_266, %and3A_268 : vector<16xi32>
      %gather3A_270 = tpu.vector_load_idx %arg14[%add3A_184, %and3A_269] : memref<1024x16xf32, #tpu.memory_space<vmem>>[vector<16xi32>, vector<16xi32>], vector<16xf32>,
      %max3A_271 = arith.maximumf %max3A_263, %gather3A_270 : vector<16xf32>
      %add3A_272 = arith.constant 12 : i32
      %add3A_273 = vector.broadcast %add3A_272 : i32 to vector<16xi32>
      %add3A_274 = arith.addi %iota3A, %add3A_273 : vector<16xi32>
      %and3A_275 = arith.constant 15 : i32
      %and3A_276 = vector.broadcast %and3A_275 : i32 to vector<16xi32>
      %and3A_277 = arith.andi %add3A_274, %and3A_276 : vector<16xi32>
      %gather3A_278 = tpu.vector_load_idx %arg14[%add3A_184, %and3A_277] : memref<1024x16xf32, #tpu.memory_space<vmem>>[vector<16xi32>, vector<16xi32>], vector<16xf32>,
      %max3A_279 = arith.maximumf %max3A_271, %gather3A_278 : vector<16xf32>
      %add3A_280 = arith.constant 13 : i32
      %add3A_281 = vector.broadcast %add3A_280 : i32 to vector<16xi32>
      %add3A_282 = arith.addi %iota3A, %add3A_281 : vector<16xi32>
      %and3A_283 = arith.constant 15 : i32
      %and3A_284 = vector.broadcast %and3A_283 : i32 to vector<16xi32>
      %and3A_285 = arith.andi %add3A_282, %and3A_284 : vector<16xi32>
      %gather3A_286 = tpu.vector_load_idx %arg14[%add3A_184, %and3A_285] : memref<1024x16xf32, #tpu.memory_space<vmem>>[vector<16xi32>, vector<16xi32>], vector<16xf32>,
      %max3A_287 = arith.maximumf %max3A_279, %gather3A_286 : vector<16xf32>
      %add3A_288 = arith.constant 14 : i32
      %add3A_289 = vector.broadcast %add3A_288 : i32 to vector<16xi32>
      %add3A_290 = arith.addi %iota3A, %add3A_289 : vector<16xi32>
      %and3A_291 = arith.constant 15 : i32
      %and3A_292 = vector.broadcast %and3A_291 : i32 to vector<16xi32>
      %and3A_293 = arith.andi %add3A_290, %and3A_292 : vector<16xi32>
      %gather3A_294 = tpu.vector_load_idx %arg14[%add3A_184, %and3A_293] : memref<1024x16xf32, #tpu.memory_space<vmem>>[vector<16xi32>, vector<16xi32>], vector<16xf32>,
      %max3A_295 = arith.maximumf %max3A_287, %gather3A_294 : vector<16xf32>
      %add3A_296 = arith.constant 15 : i32
      %add3A_297 = vector.broadcast %add3A_296 : i32 to vector<16xi32>
      %add3A_298 = arith.addi %iota3A, %add3A_297 : vector<16xi32>
      %and3A_299 = arith.constant 15 : i32
      %and3A_300 = vector.broadcast %and3A_299 : i32 to vector<16xi32>
      %and3A_301 = arith.andi %add3A_298, %and3A_300 : vector<16xi32>
      %gather3A_302 = tpu.vector_load_idx %arg14[%add3A_184, %and3A_301] : memref<1024x16xf32, #tpu.memory_space<vmem>>[vector<16xi32>, vector<16xi32>], vector<16xf32>,
      %max3A_303 = arith.maximumf %max3A_295, %gather3A_302 : vector<16xf32>
      %mul3A_304 = arith.constant 16 : i32
      %mul3A_305 = arith.muli %scan3A_180, %mul3A_304 : i32
      %swap3A = arith.index_cast %mul3A_305 : i32 to index
      %swap3A_306 = tpu.vector_load %arg9[%swap3A] {strides = array<i32>} : memref<1024xf32, #tpu.memory_space<vmem>>, vector<16xf32>,
      tpu.vector_store %arg9[%swap3A], %max3A_303 {strides = array<i32>} : memref<1024xf32, #tpu.memory_space<vmem>>, vector<16xf32>,
    }
    %scan3A_153 = arith.constant 64 : i32
    %add3A_154 = arith.constant 2 : i32
    %add3A_155 = arith.addi %add3A_107, %add3A_154 : i32
    "tpu.region"() ({
      %run_scoped3A = tpu.sem_alloc : memref<!tpu.dma_semaphore, #tpu.memory_space<semaphore_mem>>
      %dma_start3A_180 = arith.constant 0 : i32
      %dma_start3A_181 = tpu.memref_slice %arg4[%select_n3A, %add3A_155, %dma_start3A_180] : memref<4x96x1024xf32, #tpu.memory_space<hbm>> -> memref<1x1x1024xf32, #tpu.memory_space<hbm>>
      %dma_start3A_182 = tpu.memref_squeeze %dma_start3A_181 : memref<1x1x1024xf32, #tpu.memory_space<hbm>> -> memref<1024xf32, #tpu.memory_space<hbm>>
      %dma_start3A_183 = arith.constant 0 : i32
      %dma_start3A_184 = tpu.memref_slice %arg4[%select_n3A, %add3A_155, %dma_start3A_183] : memref<4x96x1024xf32, #tpu.memory_space<hbm>> -> memref<1x1x1024xf32, #tpu.memory_space<hbm>>
      %dma_start3A_185 = tpu.memref_squeeze %dma_start3A_184 : memref<1x1x1024xf32, #tpu.memory_space<hbm>> -> memref<1024xf32, #tpu.memory_space<hbm>>
      tpu.enqueue_dma source(%arg9 : memref<1024xf32, #tpu.memory_space<vmem>>) target(%dma_start3A_185 : memref<1024xf32, #tpu.memory_space<hbm>>) target_semaphore(%run_scoped3A : memref<!tpu.dma_semaphore, #tpu.memory_space<semaphore_mem>>)
      %dma_wait3A = arith.constant 0 : i32
      %dma_wait3A_186 = tpu.memref_slice %arg4[%select_n3A, %add3A_155, %dma_wait3A] : memref<4x96x1024xf32, #tpu.memory_space<hbm>> -> memref<1x1x1024xf32, #tpu.memory_space<hbm>>
      %dma_wait3A_187 = tpu.memref_squeeze %dma_wait3A_186 : memref<1x1x1024xf32, #tpu.memory_space<hbm>> -> memref<1024xf32, #tpu.memory_space<hbm>>
      %dma_wait3A_188 = arith.constant 0 : i32
      %dma_wait3A_189 = tpu.memref_slice %arg4[%select_n3A, %add3A_155, %dma_wait3A_188] : memref<4x96x1024xf32, #tpu.memory_space<hbm>> -> memref<1x1x1024xf32, #tpu.memory_space<hbm>>
      %dma_wait3A_190 = tpu.memref_squeeze %dma_wait3A_189 : memref<1x1x1024xf32, #tpu.memory_space<hbm>> -> memref<1024xf32, #tpu.memory_space<hbm>>
      tpu.wait_dma2 semaphore(%run_scoped3A : memref<!tpu.dma_semaphore, #tpu.memory_space<semaphore_mem>>) src(%arg9 : memref<1024xf32, #tpu.memory_space<vmem>>) dst(%dma_wait3A_190 : memref<1024xf32, #tpu.memory_space<hbm>>)
      tpu.yield
    }) : () -> ()
    %scan3A_156 = arith.constant 0 : i32
    %scan3A_157 = arith.constant 0 : i32
    %scan3A_158 = arith.constant 64 : i32
    %scan3A_159 = arith.addi %scan3A_157, %scan3A_158 : i32
    %scan3A_160 = arith.constant 1 : i32
    scf.for %scan3A_180 = %scan3A_157 to %scan3A_159 step %scan3A_160  : i32 {
      %mul3A_181 = arith.constant 16 : i32
      %mul3A_182 = arith.muli %scan3A_180, %mul3A_181 : i32
      %add3A_183 = vector.broadcast %mul3A_182 : i32 to vector<16xi32>
      %add3A_184 = arith.addi %add3A_183, %iota3A : vector<16xi32>
      %gather3A = tpu.vector_load_idx %arg15[%add3A_184, %iota3A] : memref<1024x16xf32, #tpu.memory_space<vmem>>[vector<16xi32>, vector<16xi32>], vector<16xf32>,
      %add3A_185 = arith.constant 1 : i32
      %add3A_186 = vector.broadcast %add3A_185 : i32 to vector<16xi32>
      %add3A_187 = arith.addi %iota3A, %add3A_186 : vector<16xi32>
      %and3A_188 = arith.constant 15 : i32
      %and3A_189 = vector.broadcast %and3A_188 : i32 to vector<16xi32>
      %and3A_190 = arith.andi %add3A_187, %and3A_189 : vector<16xi32>
      %gather3A_191 = tpu.vector_load_idx %arg15[%add3A_184, %and3A_190] : memref<1024x16xf32, #tpu.memory_space<vmem>>[vector<16xi32>, vector<16xi32>], vector<16xf32>,
      %max3A = arith.maximumf %gather3A, %gather3A_191 : vector<16xf32>
      %add3A_192 = arith.constant 2 : i32
      %add3A_193 = vector.broadcast %add3A_192 : i32 to vector<16xi32>
      %add3A_194 = arith.addi %iota3A, %add3A_193 : vector<16xi32>
      %and3A_195 = arith.constant 15 : i32
      %and3A_196 = vector.broadcast %and3A_195 : i32 to vector<16xi32>
      %and3A_197 = arith.andi %add3A_194, %and3A_196 : vector<16xi32>
      %gather3A_198 = tpu.vector_load_idx %arg15[%add3A_184, %and3A_197] : memref<1024x16xf32, #tpu.memory_space<vmem>>[vector<16xi32>, vector<16xi32>], vector<16xf32>,
      %max3A_199 = arith.maximumf %max3A, %gather3A_198 : vector<16xf32>
      %add3A_200 = arith.constant 3 : i32
      %add3A_201 = vector.broadcast %add3A_200 : i32 to vector<16xi32>
      %add3A_202 = arith.addi %iota3A, %add3A_201 : vector<16xi32>
      %and3A_203 = arith.constant 15 : i32
      %and3A_204 = vector.broadcast %and3A_203 : i32 to vector<16xi32>
      %and3A_205 = arith.andi %add3A_202, %and3A_204 : vector<16xi32>
      %gather3A_206 = tpu.vector_load_idx %arg15[%add3A_184, %and3A_205] : memref<1024x16xf32, #tpu.memory_space<vmem>>[vector<16xi32>, vector<16xi32>], vector<16xf32>,
      %max3A_207 = arith.maximumf %max3A_199, %gather3A_206 : vector<16xf32>
      %add3A_208 = arith.constant 4 : i32
      %add3A_209 = vector.broadcast %add3A_208 : i32 to vector<16xi32>
      %add3A_210 = arith.addi %iota3A, %add3A_209 : vector<16xi32>
      %and3A_211 = arith.constant 15 : i32
      %and3A_212 = vector.broadcast %and3A_211 : i32 to vector<16xi32>
      %and3A_213 = arith.andi %add3A_210, %and3A_212 : vector<16xi32>
      %gather3A_214 = tpu.vector_load_idx %arg15[%add3A_184, %and3A_213] : memref<1024x16xf32, #tpu.memory_space<vmem>>[vector<16xi32>, vector<16xi32>], vector<16xf32>,
      %max3A_215 = arith.maximumf %max3A_207, %gather3A_214 : vector<16xf32>
      %add3A_216 = arith.constant 5 : i32
      %add3A_217 = vector.broadcast %add3A_216 : i32 to vector<16xi32>
      %add3A_218 = arith.addi %iota3A, %add3A_217 : vector<16xi32>
      %and3A_219 = arith.constant 15 : i32
      %and3A_220 = vector.broadcast %and3A_219 : i32 to vector<16xi32>
      %and3A_221 = arith.andi %add3A_218, %and3A_220 : vector<16xi32>
      %gather3A_222 = tpu.vector_load_idx %arg15[%add3A_184, %and3A_221] : memref<1024x16xf32, #tpu.memory_space<vmem>>[vector<16xi32>, vector<16xi32>], vector<16xf32>,
      %max3A_223 = arith.maximumf %max3A_215, %gather3A_222 : vector<16xf32>
      %add3A_224 = arith.constant 6 : i32
      %add3A_225 = vector.broadcast %add3A_224 : i32 to vector<16xi32>
      %add3A_226 = arith.addi %iota3A, %add3A_225 : vector<16xi32>
      %and3A_227 = arith.constant 15 : i32
      %and3A_228 = vector.broadcast %and3A_227 : i32 to vector<16xi32>
      %and3A_229 = arith.andi %add3A_226, %and3A_228 : vector<16xi32>
      %gather3A_230 = tpu.vector_load_idx %arg15[%add3A_184, %and3A_229] : memref<1024x16xf32, #tpu.memory_space<vmem>>[vector<16xi32>, vector<16xi32>], vector<16xf32>,
      %max3A_231 = arith.maximumf %max3A_223, %gather3A_230 : vector<16xf32>
      %add3A_232 = arith.constant 7 : i32
      %add3A_233 = vector.broadcast %add3A_232 : i32 to vector<16xi32>
      %add3A_234 = arith.addi %iota3A, %add3A_233 : vector<16xi32>
      %and3A_235 = arith.constant 15 : i32
      %and3A_236 = vector.broadcast %and3A_235 : i32 to vector<16xi32>
      %and3A_237 = arith.andi %add3A_234, %and3A_236 : vector<16xi32>
      %gather3A_238 = tpu.vector_load_idx %arg15[%add3A_184, %and3A_237] : memref<1024x16xf32, #tpu.memory_space<vmem>>[vector<16xi32>, vector<16xi32>], vector<16xf32>,
      %max3A_239 = arith.maximumf %max3A_231, %gather3A_238 : vector<16xf32>
      %add3A_240 = arith.constant 8 : i32
      %add3A_241 = vector.broadcast %add3A_240 : i32 to vector<16xi32>
      %add3A_242 = arith.addi %iota3A, %add3A_241 : vector<16xi32>
      %and3A_243 = arith.constant 15 : i32
      %and3A_244 = vector.broadcast %and3A_243 : i32 to vector<16xi32>
      %and3A_245 = arith.andi %add3A_242, %and3A_244 : vector<16xi32>
      %gather3A_246 = tpu.vector_load_idx %arg15[%add3A_184, %and3A_245] : memref<1024x16xf32, #tpu.memory_space<vmem>>[vector<16xi32>, vector<16xi32>], vector<16xf32>,
      %max3A_247 = arith.maximumf %max3A_239, %gather3A_246 : vector<16xf32>
      %add3A_248 = arith.constant 9 : i32
      %add3A_249 = vector.broadcast %add3A_248 : i32 to vector<16xi32>
      %add3A_250 = arith.addi %iota3A, %add3A_249 : vector<16xi32>
      %and3A_251 = arith.constant 15 : i32
      %and3A_252 = vector.broadcast %and3A_251 : i32 to vector<16xi32>
      %and3A_253 = arith.andi %add3A_250, %and3A_252 : vector<16xi32>
      %gather3A_254 = tpu.vector_load_idx %arg15[%add3A_184, %and3A_253] : memref<1024x16xf32, #tpu.memory_space<vmem>>[vector<16xi32>, vector<16xi32>], vector<16xf32>,
      %max3A_255 = arith.maximumf %max3A_247, %gather3A_254 : vector<16xf32>
      %add3A_256 = arith.constant 10 : i32
      %add3A_257 = vector.broadcast %add3A_256 : i32 to vector<16xi32>
      %add3A_258 = arith.addi %iota3A, %add3A_257 : vector<16xi32>
      %and3A_259 = arith.constant 15 : i32
      %and3A_260 = vector.broadcast %and3A_259 : i32 to vector<16xi32>
      %and3A_261 = arith.andi %add3A_258, %and3A_260 : vector<16xi32>
      %gather3A_262 = tpu.vector_load_idx %arg15[%add3A_184, %and3A_261] : memref<1024x16xf32, #tpu.memory_space<vmem>>[vector<16xi32>, vector<16xi32>], vector<16xf32>,
      %max3A_263 = arith.maximumf %max3A_255, %gather3A_262 : vector<16xf32>
      %add3A_264 = arith.constant 11 : i32
      %add3A_265 = vector.broadcast %add3A_264 : i32 to vector<16xi32>
      %add3A_266 = arith.addi %iota3A, %add3A_265 : vector<16xi32>
      %and3A_267 = arith.constant 15 : i32
      %and3A_268 = vector.broadcast %and3A_267 : i32 to vector<16xi32>
      %and3A_269 = arith.andi %add3A_266, %and3A_268 : vector<16xi32>
      %gather3A_270 = tpu.vector_load_idx %arg15[%add3A_184, %and3A_269] : memref<1024x16xf32, #tpu.memory_space<vmem>>[vector<16xi32>, vector<16xi32>], vector<16xf32>,
      %max3A_271 = arith.maximumf %max3A_263, %gather3A_270 : vector<16xf32>
      %add3A_272 = arith.constant 12 : i32
      %add3A_273 = vector.broadcast %add3A_272 : i32 to vector<16xi32>
      %add3A_274 = arith.addi %iota3A, %add3A_273 : vector<16xi32>
      %and3A_275 = arith.constant 15 : i32
      %and3A_276 = vector.broadcast %and3A_275 : i32 to vector<16xi32>
      %and3A_277 = arith.andi %add3A_274, %and3A_276 : vector<16xi32>
      %gather3A_278 = tpu.vector_load_idx %arg15[%add3A_184, %and3A_277] : memref<1024x16xf32, #tpu.memory_space<vmem>>[vector<16xi32>, vector<16xi32>], vector<16xf32>,
      %max3A_279 = arith.maximumf %max3A_271, %gather3A_278 : vector<16xf32>
      %add3A_280 = arith.constant 13 : i32
      %add3A_281 = vector.broadcast %add3A_280 : i32 to vector<16xi32>
      %add3A_282 = arith.addi %iota3A, %add3A_281 : vector<16xi32>
      %and3A_283 = arith.constant 15 : i32
      %and3A_284 = vector.broadcast %and3A_283 : i32 to vector<16xi32>
      %and3A_285 = arith.andi %add3A_282, %and3A_284 : vector<16xi32>
      %gather3A_286 = tpu.vector_load_idx %arg15[%add3A_184, %and3A_285] : memref<1024x16xf32, #tpu.memory_space<vmem>>[vector<16xi32>, vector<16xi32>], vector<16xf32>,
      %max3A_287 = arith.maximumf %max3A_279, %gather3A_286 : vector<16xf32>
      %add3A_288 = arith.constant 14 : i32
      %add3A_289 = vector.broadcast %add3A_288 : i32 to vector<16xi32>
      %add3A_290 = arith.addi %iota3A, %add3A_289 : vector<16xi32>
      %and3A_291 = arith.constant 15 : i32
      %and3A_292 = vector.broadcast %and3A_291 : i32 to vector<16xi32>
      %and3A_293 = arith.andi %add3A_290, %and3A_292 : vector<16xi32>
      %gather3A_294 = tpu.vector_load_idx %arg15[%add3A_184, %and3A_293] : memref<1024x16xf32, #tpu.memory_space<vmem>>[vector<16xi32>, vector<16xi32>], vector<16xf32>,
      %max3A_295 = arith.maximumf %max3A_287, %gather3A_294 : vector<16xf32>
      %add3A_296 = arith.constant 15 : i32
      %add3A_297 = vector.broadcast %add3A_296 : i32 to vector<16xi32>
      %add3A_298 = arith.addi %iota3A, %add3A_297 : vector<16xi32>
      %and3A_299 = arith.constant 15 : i32
      %and3A_300 = vector.broadcast %and3A_299 : i32 to vector<16xi32>
      %and3A_301 = arith.andi %add3A_298, %and3A_300 : vector<16xi32>
      %gather3A_302 = tpu.vector_load_idx %arg15[%add3A_184, %and3A_301] : memref<1024x16xf32, #tpu.memory_space<vmem>>[vector<16xi32>, vector<16xi32>], vector<16xf32>,
      %max3A_303 = arith.maximumf %max3A_295, %gather3A_302 : vector<16xf32>
      %mul3A_304 = arith.constant 16 : i32
      %mul3A_305 = arith.muli %scan3A_180, %mul3A_304 : i32
      %swap3A = arith.index_cast %mul3A_305 : i32 to index
      %swap3A_306 = tpu.vector_load %arg9[%swap3A] {strides = array<i32>} : memref<1024xf32, #tpu.memory_space<vmem>>, vector<16xf32>,
      tpu.vector_store %arg9[%swap3A], %max3A_303 {strides = array<i32>} : memref<1024xf32, #tpu.memory_space<vmem>>, vector<16xf32>,
    }
    %scan3A_161 = arith.constant 64 : i32
    %add3A_162 = arith.constant 3 : i32
    %add3A_163 = arith.addi %add3A_107, %add3A_162 : i32
    "tpu.region"() ({
      %run_scoped3A = tpu.sem_alloc : memref<!tpu.dma_semaphore, #tpu.memory_space<semaphore_mem>>
      %dma_start3A_180 = arith.constant 0 : i32
      %dma_start3A_181 = tpu.memref_slice %arg4[%select_n3A, %add3A_163, %dma_start3A_180] : memref<4x96x1024xf32, #tpu.memory_space<hbm>> -> memref<1x1x1024xf32, #tpu.memory_space<hbm>>
      %dma_start3A_182 = tpu.memref_squeeze %dma_start3A_181 : memref<1x1x1024xf32, #tpu.memory_space<hbm>> -> memref<1024xf32, #tpu.memory_space<hbm>>
      %dma_start3A_183 = arith.constant 0 : i32
      %dma_start3A_184 = tpu.memref_slice %arg4[%select_n3A, %add3A_163, %dma_start3A_183] : memref<4x96x1024xf32, #tpu.memory_space<hbm>> -> memref<1x1x1024xf32, #tpu.memory_space<hbm>>
      %dma_start3A_185 = tpu.memref_squeeze %dma_start3A_184 : memref<1x1x1024xf32, #tpu.memory_space<hbm>> -> memref<1024xf32, #tpu.memory_space<hbm>>
      tpu.enqueue_dma source(%arg9 : memref<1024xf32, #tpu.memory_space<vmem>>) target(%dma_start3A_185 : memref<1024xf32, #tpu.memory_space<hbm>>) target_semaphore(%run_scoped3A : memref<!tpu.dma_semaphore, #tpu.memory_space<semaphore_mem>>)
      %dma_wait3A = arith.constant 0 : i32
      %dma_wait3A_186 = tpu.memref_slice %arg4[%select_n3A, %add3A_163, %dma_wait3A] : memref<4x96x1024xf32, #tpu.memory_space<hbm>> -> memref<1x1x1024xf32, #tpu.memory_space<hbm>>
      %dma_wait3A_187 = tpu.memref_squeeze %dma_wait3A_186 : memref<1x1x1024xf32, #tpu.memory_space<hbm>> -> memref<1024xf32, #tpu.memory_space<hbm>>
      %dma_wait3A_188 = arith.constant 0 : i32
      %dma_wait3A_189 = tpu.memref_slice %arg4[%select_n3A, %add3A_163, %dma_wait3A_188] : memref<4x96x1024xf32, #tpu.memory_space<hbm>> -> memref<1x1x1024xf32, #tpu.memory_space<hbm>>
      %dma_wait3A_190 = tpu.memref_squeeze %dma_wait3A_189 : memref<1x1x1024xf32, #tpu.memory_space<hbm>> -> memref<1024xf32, #tpu.memory_space<hbm>>
      tpu.wait_dma2 semaphore(%run_scoped3A : memref<!tpu.dma_semaphore, #tpu.memory_space<semaphore_mem>>) src(%arg9 : memref<1024xf32, #tpu.memory_space<vmem>>) dst(%dma_wait3A_190 : memref<1024xf32, #tpu.memory_space<hbm>>)
      tpu.yield
    }) : () -> ()
    %scan3A_164 = arith.constant 0 : i32
    %scan3A_165 = arith.constant 0 : i32
    %scan3A_166 = arith.constant 64 : i32
    %scan3A_167 = arith.addi %scan3A_165, %scan3A_166 : i32
    %scan3A_168 = arith.constant 1 : i32
    scf.for %scan3A_180 = %scan3A_165 to %scan3A_167 step %scan3A_168  : i32 {
      %mul3A_181 = arith.constant 16 : i32
      %mul3A_182 = arith.muli %scan3A_180, %mul3A_181 : i32
      %add3A_183 = vector.broadcast %mul3A_182 : i32 to vector<16xi32>
      %add3A_184 = arith.addi %add3A_183, %iota3A : vector<16xi32>
      %gather3A = tpu.vector_load_idx %arg16[%add3A_184, %iota3A] : memref<1024x16xf32, #tpu.memory_space<vmem>>[vector<16xi32>, vector<16xi32>], vector<16xf32>,
      %add3A_185 = arith.constant 1 : i32
      %add3A_186 = vector.broadcast %add3A_185 : i32 to vector<16xi32>
      %add3A_187 = arith.addi %iota3A, %add3A_186 : vector<16xi32>
      %and3A_188 = arith.constant 15 : i32
      %and3A_189 = vector.broadcast %and3A_188 : i32 to vector<16xi32>
      %and3A_190 = arith.andi %add3A_187, %and3A_189 : vector<16xi32>
      %gather3A_191 = tpu.vector_load_idx %arg16[%add3A_184, %and3A_190] : memref<1024x16xf32, #tpu.memory_space<vmem>>[vector<16xi32>, vector<16xi32>], vector<16xf32>,
      %max3A = arith.maximumf %gather3A, %gather3A_191 : vector<16xf32>
      %add3A_192 = arith.constant 2 : i32
      %add3A_193 = vector.broadcast %add3A_192 : i32 to vector<16xi32>
      %add3A_194 = arith.addi %iota3A, %add3A_193 : vector<16xi32>
      %and3A_195 = arith.constant 15 : i32
      %and3A_196 = vector.broadcast %and3A_195 : i32 to vector<16xi32>
      %and3A_197 = arith.andi %add3A_194, %and3A_196 : vector<16xi32>
      %gather3A_198 = tpu.vector_load_idx %arg16[%add3A_184, %and3A_197] : memref<1024x16xf32, #tpu.memory_space<vmem>>[vector<16xi32>, vector<16xi32>], vector<16xf32>,
      %max3A_199 = arith.maximumf %max3A, %gather3A_198 : vector<16xf32>
      %add3A_200 = arith.constant 3 : i32
      %add3A_201 = vector.broadcast %add3A_200 : i32 to vector<16xi32>
      %add3A_202 = arith.addi %iota3A, %add3A_201 : vector<16xi32>
      %and3A_203 = arith.constant 15 : i32
      %and3A_204 = vector.broadcast %and3A_203 : i32 to vector<16xi32>
      %and3A_205 = arith.andi %add3A_202, %and3A_204 : vector<16xi32>
      %gather3A_206 = tpu.vector_load_idx %arg16[%add3A_184, %and3A_205] : memref<1024x16xf32, #tpu.memory_space<vmem>>[vector<16xi32>, vector<16xi32>], vector<16xf32>,
      %max3A_207 = arith.maximumf %max3A_199, %gather3A_206 : vector<16xf32>
      %add3A_208 = arith.constant 4 : i32
      %add3A_209 = vector.broadcast %add3A_208 : i32 to vector<16xi32>
      %add3A_210 = arith.addi %iota3A, %add3A_209 : vector<16xi32>
      %and3A_211 = arith.constant 15 : i32
      %and3A_212 = vector.broadcast %and3A_211 : i32 to vector<16xi32>
      %and3A_213 = arith.andi %add3A_210, %and3A_212 : vector<16xi32>
      %gather3A_214 = tpu.vector_load_idx %arg16[%add3A_184, %and3A_213] : memref<1024x16xf32, #tpu.memory_space<vmem>>[vector<16xi32>, vector<16xi32>], vector<16xf32>,
      %max3A_215 = arith.maximumf %max3A_207, %gather3A_214 : vector<16xf32>
      %add3A_216 = arith.constant 5 : i32
      %add3A_217 = vector.broadcast %add3A_216 : i32 to vector<16xi32>
      %add3A_218 = arith.addi %iota3A, %add3A_217 : vector<16xi32>
      %and3A_219 = arith.constant 15 : i32
      %and3A_220 = vector.broadcast %and3A_219 : i32 to vector<16xi32>
      %and3A_221 = arith.andi %add3A_218, %and3A_220 : vector<16xi32>
      %gather3A_222 = tpu.vector_load_idx %arg16[%add3A_184, %and3A_221] : memref<1024x16xf32, #tpu.memory_space<vmem>>[vector<16xi32>, vector<16xi32>], vector<16xf32>,
      %max3A_223 = arith.maximumf %max3A_215, %gather3A_222 : vector<16xf32>
      %add3A_224 = arith.constant 6 : i32
      %add3A_225 = vector.broadcast %add3A_224 : i32 to vector<16xi32>
      %add3A_226 = arith.addi %iota3A, %add3A_225 : vector<16xi32>
      %and3A_227 = arith.constant 15 : i32
      %and3A_228 = vector.broadcast %and3A_227 : i32 to vector<16xi32>
      %and3A_229 = arith.andi %add3A_226, %and3A_228 : vector<16xi32>
      %gather3A_230 = tpu.vector_load_idx %arg16[%add3A_184, %and3A_229] : memref<1024x16xf32, #tpu.memory_space<vmem>>[vector<16xi32>, vector<16xi32>], vector<16xf32>,
      %max3A_231 = arith.maximumf %max3A_223, %gather3A_230 : vector<16xf32>
      %add3A_232 = arith.constant 7 : i32
      %add3A_233 = vector.broadcast %add3A_232 : i32 to vector<16xi32>
      %add3A_234 = arith.addi %iota3A, %add3A_233 : vector<16xi32>
      %and3A_235 = arith.constant 15 : i32
      %and3A_236 = vector.broadcast %and3A_235 : i32 to vector<16xi32>
      %and3A_237 = arith.andi %add3A_234, %and3A_236 : vector<16xi32>
      %gather3A_238 = tpu.vector_load_idx %arg16[%add3A_184, %and3A_237] : memref<1024x16xf32, #tpu.memory_space<vmem>>[vector<16xi32>, vector<16xi32>], vector<16xf32>,
      %max3A_239 = arith.maximumf %max3A_231, %gather3A_238 : vector<16xf32>
      %add3A_240 = arith.constant 8 : i32
      %add3A_241 = vector.broadcast %add3A_240 : i32 to vector<16xi32>
      %add3A_242 = arith.addi %iota3A, %add3A_241 : vector<16xi32>
      %and3A_243 = arith.constant 15 : i32
      %and3A_244 = vector.broadcast %and3A_243 : i32 to vector<16xi32>
      %and3A_245 = arith.andi %add3A_242, %and3A_244 : vector<16xi32>
      %gather3A_246 = tpu.vector_load_idx %arg16[%add3A_184, %and3A_245] : memref<1024x16xf32, #tpu.memory_space<vmem>>[vector<16xi32>, vector<16xi32>], vector<16xf32>,
      %max3A_247 = arith.maximumf %max3A_239, %gather3A_246 : vector<16xf32>
      %add3A_248 = arith.constant 9 : i32
      %add3A_249 = vector.broadcast %add3A_248 : i32 to vector<16xi32>
      %add3A_250 = arith.addi %iota3A, %add3A_249 : vector<16xi32>
      %and3A_251 = arith.constant 15 : i32
      %and3A_252 = vector.broadcast %and3A_251 : i32 to vector<16xi32>
      %and3A_253 = arith.andi %add3A_250, %and3A_252 : vector<16xi32>
      %gather3A_254 = tpu.vector_load_idx %arg16[%add3A_184, %and3A_253] : memref<1024x16xf32, #tpu.memory_space<vmem>>[vector<16xi32>, vector<16xi32>], vector<16xf32>,
      %max3A_255 = arith.maximumf %max3A_247, %gather3A_254 : vector<16xf32>
      %add3A_256 = arith.constant 10 : i32
      %add3A_257 = vector.broadcast %add3A_256 : i32 to vector<16xi32>
      %add3A_258 = arith.addi %iota3A, %add3A_257 : vector<16xi32>
      %and3A_259 = arith.constant 15 : i32
      %and3A_260 = vector.broadcast %and3A_259 : i32 to vector<16xi32>
      %and3A_261 = arith.andi %add3A_258, %and3A_260 : vector<16xi32>
      %gather3A_262 = tpu.vector_load_idx %arg16[%add3A_184, %and3A_261] : memref<1024x16xf32, #tpu.memory_space<vmem>>[vector<16xi32>, vector<16xi32>], vector<16xf32>,
      %max3A_263 = arith.maximumf %max3A_255, %gather3A_262 : vector<16xf32>
      %add3A_264 = arith.constant 11 : i32
      %add3A_265 = vector.broadcast %add3A_264 : i32 to vector<16xi32>
      %add3A_266 = arith.addi %iota3A, %add3A_265 : vector<16xi32>
      %and3A_267 = arith.constant 15 : i32
      %and3A_268 = vector.broadcast %and3A_267 : i32 to vector<16xi32>
      %and3A_269 = arith.andi %add3A_266, %and3A_268 : vector<16xi32>
      %gather3A_270 = tpu.vector_load_idx %arg16[%add3A_184, %and3A_269] : memref<1024x16xf32, #tpu.memory_space<vmem>>[vector<16xi32>, vector<16xi32>], vector<16xf32>,
      %max3A_271 = arith.maximumf %max3A_263, %gather3A_270 : vector<16xf32>
      %add3A_272 = arith.constant 12 : i32
      %add3A_273 = vector.broadcast %add3A_272 : i32 to vector<16xi32>
      %add3A_274 = arith.addi %iota3A, %add3A_273 : vector<16xi32>
      %and3A_275 = arith.constant 15 : i32
      %and3A_276 = vector.broadcast %and3A_275 : i32 to vector<16xi32>
      %and3A_277 = arith.andi %add3A_274, %and3A_276 : vector<16xi32>
      %gather3A_278 = tpu.vector_load_idx %arg16[%add3A_184, %and3A_277] : memref<1024x16xf32, #tpu.memory_space<vmem>>[vector<16xi32>, vector<16xi32>], vector<16xf32>,
      %max3A_279 = arith.maximumf %max3A_271, %gather3A_278 : vector<16xf32>
      %add3A_280 = arith.constant 13 : i32
      %add3A_281 = vector.broadcast %add3A_280 : i32 to vector<16xi32>
      %add3A_282 = arith.addi %iota3A, %add3A_281 : vector<16xi32>
      %and3A_283 = arith.constant 15 : i32
      %and3A_284 = vector.broadcast %and3A_283 : i32 to vector<16xi32>
      %and3A_285 = arith.andi %add3A_282, %and3A_284 : vector<16xi32>
      %gather3A_286 = tpu.vector_load_idx %arg16[%add3A_184, %and3A_285] : memref<1024x16xf32, #tpu.memory_space<vmem>>[vector<16xi32>, vector<16xi32>], vector<16xf32>,
      %max3A_287 = arith.maximumf %max3A_279, %gather3A_286 : vector<16xf32>
      %add3A_288 = arith.constant 14 : i32
      %add3A_289 = vector.broadcast %add3A_288 : i32 to vector<16xi32>
      %add3A_290 = arith.addi %iota3A, %add3A_289 : vector<16xi32>
      %and3A_291 = arith.constant 15 : i32
      %and3A_292 = vector.broadcast %and3A_291 : i32 to vector<16xi32>
      %and3A_293 = arith.andi %add3A_290, %and3A_292 : vector<16xi32>
      %gather3A_294 = tpu.vector_load_idx %arg16[%add3A_184, %and3A_293] : memref<1024x16xf32, #tpu.memory_space<vmem>>[vector<16xi32>, vector<16xi32>], vector<16xf32>,
      %max3A_295 = arith.maximumf %max3A_287, %gather3A_294 : vector<16xf32>
      %add3A_296 = arith.constant 15 : i32
      %add3A_297 = vector.broadcast %add3A_296 : i32 to vector<16xi32>
      %add3A_298 = arith.addi %iota3A, %add3A_297 : vector<16xi32>
      %and3A_299 = arith.constant 15 : i32
      %and3A_300 = vector.broadcast %and3A_299 : i32 to vector<16xi32>
      %and3A_301 = arith.andi %add3A_298, %and3A_300 : vector<16xi32>
      %gather3A_302 = tpu.vector_load_idx %arg16[%add3A_184, %and3A_301] : memref<1024x16xf32, #tpu.memory_space<vmem>>[vector<16xi32>, vector<16xi32>], vector<16xf32>,
      %max3A_303 = arith.maximumf %max3A_295, %gather3A_302 : vector<16xf32>
      %mul3A_304 = arith.constant 16 : i32
      %mul3A_305 = arith.muli %scan3A_180, %mul3A_304 : i32
      %swap3A = arith.index_cast %mul3A_305 : i32 to index
      %swap3A_306 = tpu.vector_load %arg9[%swap3A] {strides = array<i32>} : memref<1024xf32, #tpu.memory_space<vmem>>, vector<16xf32>,
      tpu.vector_store %arg9[%swap3A], %max3A_303 {strides = array<i32>} : memref<1024xf32, #tpu.memory_space<vmem>>, vector<16xf32>,
    }
    %scan3A_169 = arith.constant 64 : i32
    %add3A_170 = arith.constant 4 : i32
    %add3A_171 = arith.addi %add3A_107, %add3A_170 : i32
    "tpu.region"() ({
      %run_scoped3A = tpu.sem_alloc : memref<!tpu.dma_semaphore, #tpu.memory_space<semaphore_mem>>
      %dma_start3A_180 = arith.constant 0 : i32
      %dma_start3A_181 = tpu.memref_slice %arg4[%select_n3A, %add3A_171, %dma_start3A_180] : memref<4x96x1024xf32, #tpu.memory_space<hbm>> -> memref<1x1x1024xf32, #tpu.memory_space<hbm>>
      %dma_start3A_182 = tpu.memref_squeeze %dma_start3A_181 : memref<1x1x1024xf32, #tpu.memory_space<hbm>> -> memref<1024xf32, #tpu.memory_space<hbm>>
      %dma_start3A_183 = arith.constant 0 : i32
      %dma_start3A_184 = tpu.memref_slice %arg4[%select_n3A, %add3A_171, %dma_start3A_183] : memref<4x96x1024xf32, #tpu.memory_space<hbm>> -> memref<1x1x1024xf32, #tpu.memory_space<hbm>>
      %dma_start3A_185 = tpu.memref_squeeze %dma_start3A_184 : memref<1x1x1024xf32, #tpu.memory_space<hbm>> -> memref<1024xf32, #tpu.memory_space<hbm>>
      tpu.enqueue_dma source(%arg9 : memref<1024xf32, #tpu.memory_space<vmem>>) target(%dma_start3A_185 : memref<1024xf32, #tpu.memory_space<hbm>>) target_semaphore(%run_scoped3A : memref<!tpu.dma_semaphore, #tpu.memory_space<semaphore_mem>>)
      %dma_wait3A = arith.constant 0 : i32
      %dma_wait3A_186 = tpu.memref_slice %arg4[%select_n3A, %add3A_171, %dma_wait3A] : memref<4x96x1024xf32, #tpu.memory_space<hbm>> -> memref<1x1x1024xf32, #tpu.memory_space<hbm>>
      %dma_wait3A_187 = tpu.memref_squeeze %dma_wait3A_186 : memref<1x1x1024xf32, #tpu.memory_space<hbm>> -> memref<1024xf32, #tpu.memory_space<hbm>>
      %dma_wait3A_188 = arith.constant 0 : i32
      %dma_wait3A_189 = tpu.memref_slice %arg4[%select_n3A, %add3A_171, %dma_wait3A_188] : memref<4x96x1024xf32, #tpu.memory_space<hbm>> -> memref<1x1x1024xf32, #tpu.memory_space<hbm>>
      %dma_wait3A_190 = tpu.memref_squeeze %dma_wait3A_189 : memref<1x1x1024xf32, #tpu.memory_space<hbm>> -> memref<1024xf32, #tpu.memory_space<hbm>>
      tpu.wait_dma2 semaphore(%run_scoped3A : memref<!tpu.dma_semaphore, #tpu.memory_space<semaphore_mem>>) src(%arg9 : memref<1024xf32, #tpu.memory_space<vmem>>) dst(%dma_wait3A_190 : memref<1024xf32, #tpu.memory_space<hbm>>)
      tpu.yield
    }) : () -> ()
    %scan3A_172 = arith.constant 0 : i32
    %scan3A_173 = arith.constant 0 : i32
    %scan3A_174 = arith.constant 64 : i32
    %scan3A_175 = arith.addi %scan3A_173, %scan3A_174 : i32
    %scan3A_176 = arith.constant 1 : i32
    scf.for %scan3A_180 = %scan3A_173 to %scan3A_175 step %scan3A_176  : i32 {
      %mul3A_181 = arith.constant 16 : i32
      %mul3A_182 = arith.muli %scan3A_180, %mul3A_181 : i32
      %add3A_183 = vector.broadcast %mul3A_182 : i32 to vector<16xi32>
      %add3A_184 = arith.addi %add3A_183, %iota3A : vector<16xi32>
      %gather3A = tpu.vector_load_idx %arg17[%add3A_184, %iota3A] : memref<1024x16xf32, #tpu.memory_space<vmem>>[vector<16xi32>, vector<16xi32>], vector<16xf32>,
      %add3A_185 = arith.constant 1 : i32
      %add3A_186 = vector.broadcast %add3A_185 : i32 to vector<16xi32>
      %add3A_187 = arith.addi %iota3A, %add3A_186 : vector<16xi32>
      %and3A_188 = arith.constant 15 : i32
      %and3A_189 = vector.broadcast %and3A_188 : i32 to vector<16xi32>
      %and3A_190 = arith.andi %add3A_187, %and3A_189 : vector<16xi32>
      %gather3A_191 = tpu.vector_load_idx %arg17[%add3A_184, %and3A_190] : memref<1024x16xf32, #tpu.memory_space<vmem>>[vector<16xi32>, vector<16xi32>], vector<16xf32>,
      %max3A = arith.maximumf %gather3A, %gather3A_191 : vector<16xf32>
      %add3A_192 = arith.constant 2 : i32
      %add3A_193 = vector.broadcast %add3A_192 : i32 to vector<16xi32>
      %add3A_194 = arith.addi %iota3A, %add3A_193 : vector<16xi32>
      %and3A_195 = arith.constant 15 : i32
      %and3A_196 = vector.broadcast %and3A_195 : i32 to vector<16xi32>
      %and3A_197 = arith.andi %add3A_194, %and3A_196 : vector<16xi32>
      %gather3A_198 = tpu.vector_load_idx %arg17[%add3A_184, %and3A_197] : memref<1024x16xf32, #tpu.memory_space<vmem>>[vector<16xi32>, vector<16xi32>], vector<16xf32>,
      %max3A_199 = arith.maximumf %max3A, %gather3A_198 : vector<16xf32>
      %add3A_200 = arith.constant 3 : i32
      %add3A_201 = vector.broadcast %add3A_200 : i32 to vector<16xi32>
      %add3A_202 = arith.addi %iota3A, %add3A_201 : vector<16xi32>
      %and3A_203 = arith.constant 15 : i32
      %and3A_204 = vector.broadcast %and3A_203 : i32 to vector<16xi32>
      %and3A_205 = arith.andi %add3A_202, %and3A_204 : vector<16xi32>
      %gather3A_206 = tpu.vector_load_idx %arg17[%add3A_184, %and3A_205] : memref<1024x16xf32, #tpu.memory_space<vmem>>[vector<16xi32>, vector<16xi32>], vector<16xf32>,
      %max3A_207 = arith.maximumf %max3A_199, %gather3A_206 : vector<16xf32>
      %add3A_208 = arith.constant 4 : i32
      %add3A_209 = vector.broadcast %add3A_208 : i32 to vector<16xi32>
      %add3A_210 = arith.addi %iota3A, %add3A_209 : vector<16xi32>
      %and3A_211 = arith.constant 15 : i32
      %and3A_212 = vector.broadcast %and3A_211 : i32 to vector<16xi32>
      %and3A_213 = arith.andi %add3A_210, %and3A_212 : vector<16xi32>
      %gather3A_214 = tpu.vector_load_idx %arg17[%add3A_184, %and3A_213] : memref<1024x16xf32, #tpu.memory_space<vmem>>[vector<16xi32>, vector<16xi32>], vector<16xf32>,
      %max3A_215 = arith.maximumf %max3A_207, %gather3A_214 : vector<16xf32>
      %add3A_216 = arith.constant 5 : i32
      %add3A_217 = vector.broadcast %add3A_216 : i32 to vector<16xi32>
      %add3A_218 = arith.addi %iota3A, %add3A_217 : vector<16xi32>
      %and3A_219 = arith.constant 15 : i32
      %and3A_220 = vector.broadcast %and3A_219 : i32 to vector<16xi32>
      %and3A_221 = arith.andi %add3A_218, %and3A_220 : vector<16xi32>
      %gather3A_222 = tpu.vector_load_idx %arg17[%add3A_184, %and3A_221] : memref<1024x16xf32, #tpu.memory_space<vmem>>[vector<16xi32>, vector<16xi32>], vector<16xf32>,
      %max3A_223 = arith.maximumf %max3A_215, %gather3A_222 : vector<16xf32>
      %add3A_224 = arith.constant 6 : i32
      %add3A_225 = vector.broadcast %add3A_224 : i32 to vector<16xi32>
      %add3A_226 = arith.addi %iota3A, %add3A_225 : vector<16xi32>
      %and3A_227 = arith.constant 15 : i32
      %and3A_228 = vector.broadcast %and3A_227 : i32 to vector<16xi32>
      %and3A_229 = arith.andi %add3A_226, %and3A_228 : vector<16xi32>
      %gather3A_230 = tpu.vector_load_idx %arg17[%add3A_184, %and3A_229] : memref<1024x16xf32, #tpu.memory_space<vmem>>[vector<16xi32>, vector<16xi32>], vector<16xf32>,
      %max3A_231 = arith.maximumf %max3A_223, %gather3A_230 : vector<16xf32>
      %add3A_232 = arith.constant 7 : i32
      %add3A_233 = vector.broadcast %add3A_232 : i32 to vector<16xi32>
      %add3A_234 = arith.addi %iota3A, %add3A_233 : vector<16xi32>
      %and3A_235 = arith.constant 15 : i32
      %and3A_236 = vector.broadcast %and3A_235 : i32 to vector<16xi32>
      %and3A_237 = arith.andi %add3A_234, %and3A_236 : vector<16xi32>
      %gather3A_238 = tpu.vector_load_idx %arg17[%add3A_184, %and3A_237] : memref<1024x16xf32, #tpu.memory_space<vmem>>[vector<16xi32>, vector<16xi32>], vector<16xf32>,
      %max3A_239 = arith.maximumf %max3A_231, %gather3A_238 : vector<16xf32>
      %add3A_240 = arith.constant 8 : i32
      %add3A_241 = vector.broadcast %add3A_240 : i32 to vector<16xi32>
      %add3A_242 = arith.addi %iota3A, %add3A_241 : vector<16xi32>
      %and3A_243 = arith.constant 15 : i32
      %and3A_244 = vector.broadcast %and3A_243 : i32 to vector<16xi32>
      %and3A_245 = arith.andi %add3A_242, %and3A_244 : vector<16xi32>
      %gather3A_246 = tpu.vector_load_idx %arg17[%add3A_184, %and3A_245] : memref<1024x16xf32, #tpu.memory_space<vmem>>[vector<16xi32>, vector<16xi32>], vector<16xf32>,
      %max3A_247 = arith.maximumf %max3A_239, %gather3A_246 : vector<16xf32>
      %add3A_248 = arith.constant 9 : i32
      %add3A_249 = vector.broadcast %add3A_248 : i32 to vector<16xi32>
      %add3A_250 = arith.addi %iota3A, %add3A_249 : vector<16xi32>
      %and3A_251 = arith.constant 15 : i32
      %and3A_252 = vector.broadcast %and3A_251 : i32 to vector<16xi32>
      %and3A_253 = arith.andi %add3A_250, %and3A_252 : vector<16xi32>
      %gather3A_254 = tpu.vector_load_idx %arg17[%add3A_184, %and3A_253] : memref<1024x16xf32, #tpu.memory_space<vmem>>[vector<16xi32>, vector<16xi32>], vector<16xf32>,
      %max3A_255 = arith.maximumf %max3A_247, %gather3A_254 : vector<16xf32>
      %add3A_256 = arith.constant 10 : i32
      %add3A_257 = vector.broadcast %add3A_256 : i32 to vector<16xi32>
      %add3A_258 = arith.addi %iota3A, %add3A_257 : vector<16xi32>
      %and3A_259 = arith.constant 15 : i32
      %and3A_260 = vector.broadcast %and3A_259 : i32 to vector<16xi32>
      %and3A_261 = arith.andi %add3A_258, %and3A_260 : vector<16xi32>
      %gather3A_262 = tpu.vector_load_idx %arg17[%add3A_184, %and3A_261] : memref<1024x16xf32, #tpu.memory_space<vmem>>[vector<16xi32>, vector<16xi32>], vector<16xf32>,
      %max3A_263 = arith.maximumf %max3A_255, %gather3A_262 : vector<16xf32>
      %add3A_264 = arith.constant 11 : i32
      %add3A_265 = vector.broadcast %add3A_264 : i32 to vector<16xi32>
      %add3A_266 = arith.addi %iota3A, %add3A_265 : vector<16xi32>
      %and3A_267 = arith.constant 15 : i32
      %and3A_268 = vector.broadcast %and3A_267 : i32 to vector<16xi32>
      %and3A_269 = arith.andi %add3A_266, %and3A_268 : vector<16xi32>
      %gather3A_270 = tpu.vector_load_idx %arg17[%add3A_184, %and3A_269] : memref<1024x16xf32, #tpu.memory_space<vmem>>[vector<16xi32>, vector<16xi32>], vector<16xf32>,
      %max3A_271 = arith.maximumf %max3A_263, %gather3A_270 : vector<16xf32>
      %add3A_272 = arith.constant 12 : i32
      %add3A_273 = vector.broadcast %add3A_272 : i32 to vector<16xi32>
      %add3A_274 = arith.addi %iota3A, %add3A_273 : vector<16xi32>
      %and3A_275 = arith.constant 15 : i32
      %and3A_276 = vector.broadcast %and3A_275 : i32 to vector<16xi32>
      %and3A_277 = arith.andi %add3A_274, %and3A_276 : vector<16xi32>
      %gather3A_278 = tpu.vector_load_idx %arg17[%add3A_184, %and3A_277] : memref<1024x16xf32, #tpu.memory_space<vmem>>[vector<16xi32>, vector<16xi32>], vector<16xf32>,
      %max3A_279 = arith.maximumf %max3A_271, %gather3A_278 : vector<16xf32>
      %add3A_280 = arith.constant 13 : i32
      %add3A_281 = vector.broadcast %add3A_280 : i32 to vector<16xi32>
      %add3A_282 = arith.addi %iota3A, %add3A_281 : vector<16xi32>
      %and3A_283 = arith.constant 15 : i32
      %and3A_284 = vector.broadcast %and3A_283 : i32 to vector<16xi32>
      %and3A_285 = arith.andi %add3A_282, %and3A_284 : vector<16xi32>
      %gather3A_286 = tpu.vector_load_idx %arg17[%add3A_184, %and3A_285] : memref<1024x16xf32, #tpu.memory_space<vmem>>[vector<16xi32>, vector<16xi32>], vector<16xf32>,
      %max3A_287 = arith.maximumf %max3A_279, %gather3A_286 : vector<16xf32>
      %add3A_288 = arith.constant 14 : i32
      %add3A_289 = vector.broadcast %add3A_288 : i32 to vector<16xi32>
      %add3A_290 = arith.addi %iota3A, %add3A_289 : vector<16xi32>
      %and3A_291 = arith.constant 15 : i32
      %and3A_292 = vector.broadcast %and3A_291 : i32 to vector<16xi32>
      %and3A_293 = arith.andi %add3A_290, %and3A_292 : vector<16xi32>
      %gather3A_294 = tpu.vector_load_idx %arg17[%add3A_184, %and3A_293] : memref<1024x16xf32, #tpu.memory_space<vmem>>[vector<16xi32>, vector<16xi32>], vector<16xf32>,
      %max3A_295 = arith.maximumf %max3A_287, %gather3A_294 : vector<16xf32>
      %add3A_296 = arith.constant 15 : i32
      %add3A_297 = vector.broadcast %add3A_296 : i32 to vector<16xi32>
      %add3A_298 = arith.addi %iota3A, %add3A_297 : vector<16xi32>
      %and3A_299 = arith.constant 15 : i32
      %and3A_300 = vector.broadcast %and3A_299 : i32 to vector<16xi32>
      %and3A_301 = arith.andi %add3A_298, %and3A_300 : vector<16xi32>
      %gather3A_302 = tpu.vector_load_idx %arg17[%add3A_184, %and3A_301] : memref<1024x16xf32, #tpu.memory_space<vmem>>[vector<16xi32>, vector<16xi32>], vector<16xf32>,
      %max3A_303 = arith.maximumf %max3A_295, %gather3A_302 : vector<16xf32>
      %mul3A_304 = arith.constant 16 : i32
      %mul3A_305 = arith.muli %scan3A_180, %mul3A_304 : i32
      %swap3A = arith.index_cast %mul3A_305 : i32 to index
      %swap3A_306 = tpu.vector_load %arg9[%swap3A] {strides = array<i32>} : memref<1024xf32, #tpu.memory_space<vmem>>, vector<16xf32>,
      tpu.vector_store %arg9[%swap3A], %max3A_303 {strides = array<i32>} : memref<1024xf32, #tpu.memory_space<vmem>>, vector<16xf32>,
    }
    %scan3A_177 = arith.constant 64 : i32
    %add3A_178 = arith.constant 5 : i32
    %add3A_179 = arith.addi %add3A_107, %add3A_178 : i32
    "tpu.region"() ({
      %run_scoped3A = tpu.sem_alloc : memref<!tpu.dma_semaphore, #tpu.memory_space<semaphore_mem>>
      %dma_start3A_180 = arith.constant 0 : i32
      %dma_start3A_181 = tpu.memref_slice %arg4[%select_n3A, %add3A_179, %dma_start3A_180] : memref<4x96x1024xf32, #tpu.memory_space<hbm>> -> memref<1x1x1024xf32, #tpu.memory_space<hbm>>
      %dma_start3A_182 = tpu.memref_squeeze %dma_start3A_181 : memref<1x1x1024xf32, #tpu.memory_space<hbm>> -> memref<1024xf32, #tpu.memory_space<hbm>>
      %dma_start3A_183 = arith.constant 0 : i32
      %dma_start3A_184 = tpu.memref_slice %arg4[%select_n3A, %add3A_179, %dma_start3A_183] : memref<4x96x1024xf32, #tpu.memory_space<hbm>> -> memref<1x1x1024xf32, #tpu.memory_space<hbm>>
      %dma_start3A_185 = tpu.memref_squeeze %dma_start3A_184 : memref<1x1x1024xf32, #tpu.memory_space<hbm>> -> memref<1024xf32, #tpu.memory_space<hbm>>
      tpu.enqueue_dma source(%arg9 : memref<1024xf32, #tpu.memory_space<vmem>>) target(%dma_start3A_185 : memref<1024xf32, #tpu.memory_space<hbm>>) target_semaphore(%run_scoped3A : memref<!tpu.dma_semaphore, #tpu.memory_space<semaphore_mem>>)
      %dma_wait3A = arith.constant 0 : i32
      %dma_wait3A_186 = tpu.memref_slice %arg4[%select_n3A, %add3A_179, %dma_wait3A] : memref<4x96x1024xf32, #tpu.memory_space<hbm>> -> memref<1x1x1024xf32, #tpu.memory_space<hbm>>
      %dma_wait3A_187 = tpu.memref_squeeze %dma_wait3A_186 : memref<1x1x1024xf32, #tpu.memory_space<hbm>> -> memref<1024xf32, #tpu.memory_space<hbm>>
      %dma_wait3A_188 = arith.constant 0 : i32
      %dma_wait3A_189 = tpu.memref_slice %arg4[%select_n3A, %add3A_179, %dma_wait3A_188] : memref<4x96x1024xf32, #tpu.memory_space<hbm>> -> memref<1x1x1024xf32, #tpu.memory_space<hbm>>
      %dma_wait3A_190 = tpu.memref_squeeze %dma_wait3A_189 : memref<1x1x1024xf32, #tpu.memory_space<hbm>> -> memref<1024xf32, #tpu.memory_space<hbm>>
      tpu.wait_dma2 semaphore(%run_scoped3A : memref<!tpu.dma_semaphore, #tpu.memory_space<semaphore_mem>>) src(%arg9 : memref<1024xf32, #tpu.memory_space<vmem>>) dst(%dma_wait3A_190 : memref<1024xf32, #tpu.memory_space<hbm>>)
      tpu.yield
    }) : () -> ()
    return
  }
}

</mosaic_0001>

<sc_bundles>
// kernel: kernel.3.cloned.1.call-start
scs
__scs_entry_jumppad:
0x0: {  	(pc) =	sbr.rel $0x88, $3  }
0x1: {  	(tag) =	ssettag $0x0;
	lr =	simm.s32 $0x1  }
0x2: {  	[smem:$0x3F9F] =	sst lr;
	_ =	strace $0xD0000000  }
0x3: {  	_ = 	snop  }
0x4: {  	_ = 	snop  }
0x5: {  	_ = 	snop  }
0x6: {  	_ = 	snop  }
0x7: {  	_ = 	snop  }
__scs_overlays_trampoline_lowered:
0x8: {  	[smem:$0x3FAE] =	sst s0  }
0x9: {  	[smem:$0x3FAF] =	sst s1  }
0xa: {  	[smem:$0x3FB0] =	sst s2  }
0xb: {  	[smem:$0x3FB1] =	sst s3  }
0xc: {  	[smem:$0x3FB2] =	sst s4  }
0xd: {  	[smem:$0x3FB3] =	sst s5  }
0xe: {  	[smem:$0x3FB4] =	sst s6  }
0xf: {  	[smem:$0x3FB5] =	sst s7  }
0x10: {  	[smem:$0x3FB6] =	sst s8  }
0x11: {  	[smem:$0x3FB7] =	sst s9;
	s0 =	simm.s32 @!p0 $0x0  }
0x12: {  	s1 =	sld [smem:$0x3F9D];
	s0 =	simm.s32 @p0 $0x1  }
0x13: {  	[smem:$0x3FB8] =	sst s0;
	s0 =	simm.s32 @!p1 $0x0  }
0x14: {  	s2 =	sld [smem:$0x3F9C];
	s0 =	simm.s32 @p1 $0x1  }
0x15: {  	[smem:$0x3FB9] =	sst s0;
	s0 =	simm.s32 @!p2 $0x0  }
0x16: {  	s3 =	sld [smem:$0x3FDB];
	s0 =	simm.s32 @p2 $0x1  }
0x17: {  	s4 =	simm.s32 $0x1BF5;
	[smem:$0x3FBB] =	sst s0  }
0x18: {  	s0 =	sld [smem:$0x3F9E];
	_ =	swait.ge [sflag:s4], $0x0  }
0x19: {  	s7 =	sld [smem:$0x3F9F]  }
0x1a: {  	s8 =	sadd.s32 $0xFFFFE003, lr  }
0x1b: {  	s9 =	sadd.s32 $0xFFFFFEF7, lr;
	s5 =	simm.s32 $0xFFFFFFFF;
	p2 =	slt.u32 s8, $0xFFFFF086  }
0x1c: {  	p1 =	slt.u32 s9, $0xF7A;
	s5 =	simm.s32 @!p2 $0x0  }
0x1d: {  	s5 =	simm.s32 @p1 $0x1;
	p0 =	seq.s32 s7, s2  }
0x1e: {  	s7 =	smul.u32 @!p0 $0xF7A, s2;
	p2 =	seq.s32 @!p0 s5, $0x0  }
0x1f: {  	s9 =	smul.u32 $0xF7A, s1;
	s8 =	simm.s32 @!p0 $0x1BF5;
	p2 =	por !p2, p0  }
0x20: {  	[sflag:s8] =	ssyncset.s32 @!p0 $0xFFFFF086;
	s6 =	sadd.s32 @!p0 s3, s7;
	s7 =	simm.s32 @!p0 $0x108  }
0x21: {  	s3 =	sadd.s32 s3, s9;
	s6 =	sadd.s32 @!p0 $0x88, s6;
	s7 =	simm.s32 @p2 $0x1082  }
0x22: {  	[simem:s7], [sflag:s8] =	dma.local @!p0 [hbm:s6], $0xF7A  }
0x23: {  	s9 =	sor.u32 $0xD0000000, s2;
	s6 =	simm.s32 $0x108;
	_ =	swait.ge @!p0 [sflag:s8], $0x0  }
0x24: {  	s3 =	sadd.s32 $0x88, s3;
	s6 =	simm.s32 @!p1 $0x1082;
	[sflag:s4] =	ssyncset.s32 $0xFFFFF086  }
0x25: {  	[simem:s6], [sflag:s4] =	dma.local [hbm:s3], $0xF7A  }
0x26: {  	[smem:$0x3F9F] =	sst s1;
	(tag) =	ssettag s2;
	_ =	strace s9  }
0x27: {  	s1 =	sld [smem:$0x3FAF]  }
0x28: {  	s2 =	sld [smem:$0x3FB0]  }
0x29: {  	s4 =	sld [smem:$0x3FB2]  }
0x2a: {  	p0 =	seq.s32 s5, $0x0;
	s5 =	sld [smem:$0x3FB3]  }
0x2b: {  	s6 =	sld [smem:$0x3FB4]  }
0x2c: {  	s7 =	sld [smem:$0x3FB5]  }
0x2d: {  	s3 =	simm.s32 $0x108;
	s8 =	sld [smem:$0x3FB6]  }
0x2e: {  	s3 =	simm.s32 @!p0 $0x1082;
	s9 =	sld [smem:$0x3FB7]  }
0x2f: {  	lr =	sadd.s32 s0, s3;
	s0 =	sld [smem:$0x3FAE]  }
0x30: {  	s3 =	sld [smem:$0x3FB1]  }
0x31: {  	[smem:$0x3FBA] =	sst s10  }
0x32: {  	s10 =	sld [smem:$0x3FB8];
	_ =	sdelay $0x3  }
0x33: {  	p0 =	seq.s32 s10, $0x1;
	s10 =	sld [smem:$0x3FBA];
	_ =	sdelay $0x3  }
0x34: {  	[smem:$0x3FBA] =	sst s10  }
0x35: {  	s10 =	sld [smem:$0x3FB9];
	_ =	sdelay $0x3  }
0x36: {  	p1 =	seq.s32 s10, $0x1;
	s10 =	sld [smem:$0x3FBA];
	_ =	sdelay $0x3  }
0x37: {  	[smem:$0x3FBA] =	sst s10  }
0x38: {  	s10 =	sld [smem:$0x3FBB]  }
0x39: {  	_ = 	snop;
	(pc) =	sbr.ind lr, $3  }
0x3a: {  	_ = 	snop  }
0x3b: {  	_ = 	snop  }
0x3c: {  	p2 =	seq.s32 s10, $0x1;
	s10 =	sld [smem:$0x3FBA]  }
0x3d: {  	_ =	shalt  }
0x3e: {  	_ =	shalt  }
0x3f: {  	_ =	shalt  }
0x40: {  	_ =	shalt  }
0x41: {  	_ =	shalt  }
0x42: {  	_ =	shalt  }
0x43: {  	_ =	shalt  }
0x44: {  	_ =	shalt  }
0x45: {  	_ =	shalt  }
0x46: {  	_ =	shalt  }
0x47: {  	_ =	shalt  }
0x48: {  	_ =	shalt  }
0x49: {  	_ =	shalt  }
0x4a: {  	_ =	shalt  }
0x4b: {  	_ =	shalt  }
0x4c: {  	_ =	shalt  }
0x4d: {  	_ =	shalt  }
0x4e: {  	_ =	shalt  }
0x4f: {  	_ =	shalt  }
0x50: {  	_ =	shalt  }
0x51: {  	_ =	shalt  }
0x52: {  	_ =	shalt  }
0x53: {  	_ =	shalt  }
0x54: {  	_ =	shalt  }
0x55: {  	_ =	shalt  }
0x56: {  	_ =	shalt  }
0x57: {  	_ =	shalt  }
0x58: {  	_ =	shalt  }
0x59: {  	_ =	shalt  }
0x5a: {  	_ =	shalt  }
0x5b: {  	_ =	shalt  }
0x5c: {  	_ =	shalt  }
0x5d: {  	_ =	shalt  }
0x5e: {  	_ =	shalt  }
0x5f: {  	_ =	shalt  }
0x60: {  	_ =	shalt  }
0x61: {  	_ =	shalt  }
0x62: {  	_ =	shalt  }
0x63: {  	_ =	shalt  }
0x64: {  	_ =	shalt  }
0x65: {  	_ =	shalt  }
0x66: {  	_ =	shalt  }
0x67: {  	_ =	shalt  }
0x68: {  	_ =	shalt  }
0x69: {  	_ =	shalt  }
0x6a: {  	_ =	shalt  }
0x6b: {  	_ =	shalt  }
0x6c: {  	_ =	shalt  }
0x6d: {  	_ =	shalt  }
0x6e: {  	_ =	shalt  }
0x6f: {  	_ =	shalt  }
0x70: {  	_ =	shalt  }
0x71: {  	_ =	shalt  }
0x72: {  	_ =	shalt  }
0x73: {  	_ =	shalt  }
0x74: {  	_ =	shalt  }
0x75: {  	_ =	shalt  }
0x76: {  	_ =	shalt  }
0x77: {  	_ =	shalt  }
0x78: {  	_ =	shalt  }
0x79: {  	_ =	shalt  }
0x7a: {  	_ =	shalt  }
0x7b: {  	_ =	shalt  }
0x7c: {  	_ =	shalt  }
0x7d: {  	_ =	shalt  }
0x7e: {  	_ =	shalt  }
0x7f: {  	_ =	shalt  }
0x80: {  	_ =	shalt  }
0x81: {  	_ =	shalt  }
0x82: {  	_ =	shalt  }
0x83: {  	_ =	shalt  }
0x84: {  	_ =	shalt  }
0x85: {  	_ =	shalt  }
0x86: {  	_ =	shalt  }
0x87: {  	_ =	shalt  }
.Lfunc_end0:
.L_simem_size_0:
called_computation_lowered:
.L_overlay_start_0:
0x88: {  	s2 =	sld [smem:$0x3FD9]  }
0x89: {  	s3 =	sld [smem:$0x3FFE];
	_ =	sdelay $0x1  }
0x8a: {  	s1 =	srdreg.scid  }
0x8b: {  	s0 =	sand.u32 $0x1, s1  }
0x8c: {  	s16 =	sshll.u32 s0, $0xA;
	s2 =	sadd.s32 s3, s2  }
0x8d: {  	s2 =	sadd.s32 s2, s16  }
0x8e: {  	[smem:$0x3FC6] =	sst s2  }
0x8f: {  	_ = 	snop  }
0x90: {  	(tm) =	ssettm $0x1  }
0x91: {  	s17 =	sld [smem:$0x3FFB];
	_ =	sdelay $0x3  }
0x92: {  	_ =	strace s17  }
0x93: {  	s2 =	sld [smem:$0x3FFC];
	_ =	sdelay $0x3  }
0x94: {  	_ =	strace s2  }
0x95: {  	s2 =	sld [smem:$0x3FFD];
	_ =	sdelay $0x3  }
0x96: {  	_ =	strace s2  }
0x97: {  	_ =	strace $0x8FFFFFFF  }
0x98: {  	s18 =	sld [smem:$0x3FDB];
	_ =	sdelay $0x1  }
0x99: {  	s19 =	simm.s32 $_scs_section_size  }
0x9a: {  	s4 =	simm.s32 $_size__tile_overlayer_lowered;
	s5 =	simm.s32 $_tile_overlayer_lowered  }
0x9b: {  	s22 =	simm.s32 $0x1BFF;
	s21 =	sshll.u32 s5, $0x1;
	s2 =	sadd.s32 s19, s18  }
0x9c: {  	s6 =	simm.s32 $0x0;
	s20 =	sshll.u32 s4, $0x1;
	s4 =	sadd.s32 s21, s2  }
0x9d: {  	[timem:s6], [sflag:s22] =	dma.local [hbm:s4], s20  }
0x9e: {  	_ =	swait.ge [sflag:s22], s20  }
0x9f: {  	s3 =	ssub.s32 $0x0, s20;
	[sflag:s22] =	ssyncset.done $0x0  }
0xa0: {  	[sflag:s22] =	ssyncadd.s32 s3;
	_ =	sdelay $0x1  }
0xa1: {  	s23 =	simm.s32 $0x1B8B  }
0xa2: {  	_ =	swait.ge [sflag:s23], $0x1  }
0xa3: {  	[sflag:s23] =	ssyncset.done $0x0  }
0xa4: {  	s25 =	simm.s32 $0x1B8E;
	s24 =	sld [smem:$0x3FFE];
	[sflag:s23] =	ssyncadd.s32 $0xFFFFFFFF  }
0xa5: {  	s26 =	simm.s32 $execute0_lowered;
	[smem:$0x3FD2] =	sst s25  }
0xa6: {  	s4 =	sshll.u32 s26, $0x1;
	_ =	strace $0x80000046;
	[dreg:$0x1] =	wrdreg $0xFFFFFFFF  }
0xa7: {  	s28 =	simm.s32 $_size_execute0_lowered;
	s2 =	sadd.s32 s2, s4;
	[dreg:$0x0] =	wrdreg $0x0  }
0xa8: {  	s4 =	sshll.u32 s28, $0x1;
	[dreg:$0x2] =	wrdreg s2  }
0xa9: {  	[dreg:$0x3] =	wrdreg s4  }
0xaa: {  	[dreg:$0x4] =	wrdreg $0xC0  }
0xab: {  	_ =	task [dreg:s6], $0x5FFFF  }
0xac: {  	[dreg:$0x1] =	wrdreg $0xFFFFFFFF  }
0xad: {  	[dreg:$0x0] =	wrdreg $0x60  }
0xae: {  	[dreg:$0x2] =	wrdreg s24  }
0xaf: {  	[dreg:$0x3] =	wrdreg $0x9  }
0xb0: {  	_ =	task.clear_ibuf [dreg:s6], $0x4FFFF;
	_ =	strace $0x90000046  }
0xb1: {  	s29 =	simm.s32 $0x9;
	_ =	strace $0x80000048  }
0xb2: {  	_ =	swait.ge [sflag:s29], $0x1  }
0xb3: {  	[sflag:s29] =	ssyncadd.s32 $0xFFFFFFFF  }
0xb4: {  	_ =	strace $0x90000048  }
0xb5: {  	_ =	sfence  }
0xb6: {  	s30 =	sld [smem:$0x0];
	_ =	sdelay $0x2  }
0xb7: {  	s31 =	sshll.u32 s1, $0xD;
	s1 =	sshrl.u32 s1, $0x2  }
0xb8: {  	s3 =	sand.u32 $0x4000, s31;
	s1 =	sadd.s32 s1, s30  }
0xb9: {  	s0 =	sor.u32 s3, s0;
	s1 =	sshll.u32 s1, $0x11  }
0xba: {  	s0 =	sor.u32 s1, s0  }
0xbb: {  	s0 =	sadd.s32 $0x8F2B, s0  }
0xbc: {  	[sflag:s0] =	ssyncadd.remote.s32 $0x1  }
0xbd: {  	_ =	sfence.sel $0xFFFF  }
0xbe: {  	[dreg:$0x0] =	wrdreg $0xFFFFFFFF;
	(pc) =	sbr.abs _section_cstart, $3  }
0xbf: {  	[dreg:$0x1] =	wrdreg $0xFFFFFFFF  }
0xc0: {  	_ =	task.clear_ibuf [dreg:s6], $0x2FFFF;
	_ =	strace $0x9FFFFFFF  }
0xc1: {  	(tm) =	ssettm $0x7FFFFFFF  }
tec
execute0_lowered:
.L_overlay_start_1:
0x0: {  	(tag) =	ssettag $0x1  }
0x1: {  	v1 =	vimm.s32 $0xFEDCBA9;
	v0 =	vlaneseq.u32;
	v4 =	vimm.s32 $0x87654321  }
0x2: {  	v5 =	vimm.s32 $0x98765432;
	v6 =	vimm.s32 $0x210FEDCB;
	v7 =	vimm.s32 $0xA9876543  }
0x3: {  	s0 =	rddreg [dreg:$0x0];
	s4 =	simm.s32 $0x0;
	s3 =	stileid.u32;
	v17 =	vimm.s32 $0xCBA98765;
	v19 =	vimm.s32 $0x6543210F;
	v20 =	vimm.s32 $0xEDCBA987  }
0x4: {  	s1 =	srdreg.scid;
	v21 =	vimm.s32 $0xFEDCBA98;
	v22 =	vimm.s32 $0x76543210;
	s28 =	simm.s32 $0x3800;
	s29 =	simm.s32 $0x4000;
	v3 =	vunpack.c.l.s4.s8 v1  }
0x5: {  	s30 =	simm.s32 $0x7400;
	s31 =	simm.s32 $0xB400;
	v1 =	vimm.f32 $-Inf;
	v2 =	vmul.u32 $0x10, v0;
	v5 =	vunpack.c.l.s4.s8 v5;
	s6 =	sshrl.u32 s3, $0x2  }
0x6: {  	v6 =	vunpack.c.l.s4.s8 v6;
	s2 =	sshll.u32 s3, $0x1;
	s1 =	sand.u32 $0x1, s1;
	v19 =	vunpack.c.l.s4.s8 v19;
	v20 =	vunpack.c.l.s4.s8 v20;
	s3 =	smul.u32 $0x24000, s6  }
0x7: {  	[smem:$0x7FF] =	sst s4;
	v21 =	vunpack.c.l.s4.s8 v21;
	s2 =	sand.u32 $0x6, s2;
	s8 =	smul.u32 $0xD80000, s6;
	v9 =	vunpack.c.0.s8.s32 v3;
	v3 =	vunpack.c.l.s4.s8 v4  }
0x8: {  	s4 =	sadd.s32 $0x12400, s0;
	s10 =	smul.u32 $0x18000, s6;
	v4 =	vimm.s32 $0x10FEDCBA;
	v12 =	vunpack.c.0.s8.s32 v5;
	v13 =	vunpack.c.0.s8.s32 v6;
	s2 =	sor.u32 s1, s2  }
0x9: {  	s5 =	sadd.s32 $0x400, s0;
	s0 =	sadd.s32 $0x6D2400, s0;
	v19 =	vunpack.c.0.s8.s32 v19;
	v20 =	vunpack.c.0.s8.s32 v20;
	v4 =	vunpack.c.l.s4.s8 v4;
	s7 =	smul.u32 $0x1B0000, s2  }
0xa: {  	_ =	strace $0x80000047;
	s1 =	ssub.s32 $0x2, s1;
	v21 =	vunpack.c.0.s8.s32 v21;
	s9 =	smul.u32 $0x3000, s2;
	v10 =	vunpack.c.0.s8.s32 v3;
	v3 =	vunpack.c.l.s4.s8 v7  }
0xb: {  	s17 =	sshrl.u32 s1, $0x1;
	s2 =	smul.u32 $0xC, s2;
	s18 =	sshrl.u32 s3, $0x3;
	v25 =	vcombine.low v20, v19;
	v11 =	vunpack.c.0.s8.s32 v4;
	v4 =	vimm.s32 $0x3210FEDC  }
0xc: {  	s1 =	ssub.s32 s1, s17;
	v21 =	vand.u32 $0xF, v21;
	s7 =	sadd.s32 s8, s7;
	s9 =	sadd.s32 s10, s9;
	v14 =	vunpack.c.0.s8.s32 v3;
	v3 =	vunpack.c.l.s4.s8 v4  }
0xd: {  	s6 =	sadd.s32 s5, s18;
	v4 =	vimm.s32 $0xBA987654;
	v5 =	vcombine.low v10, v9;
	s11 =	sshrl.u32 s7, $0x3;
	s9 =	sshrl.u32 s9, $0x3;
	v63 =	vcombine.low v9, v10  }
0xe: {  	s2 =	sadd.s32 $0x6, s2;
	v10 =	vand.u32 $0xF, v25;
	v6 =	vcombine.low v12, v11;
	v4 =	vunpack.c.l.s4.s8 v4;
	s11 =	sadd.s32 s4, s11;
	s9 =	sadd.s32 s0, s9  }
0xf: {  	s19 =	smul.u32 $0x24000, s2;
	v12 =	vcombine.low v11, v12;
	v7 =	vcombine.low v14, v13;
	v15 =	vunpack.c.0.s8.s32 v3;
	[dreg:$0x2] =	wrdreg s11;
	s12 =	sadd.s32 $0x80, s9  }
0x10: {  	s2 =	sshll.u32 s2, $0xA;
	v3 =	vimm.s32 $0x43210FED;
	s20 =	sadd.s32 $0x100, s9;
	v13 =	vcombine.low v13, v14;
	v16 =	vunpack.c.0.s8.s32 v4;
	[dreg:$0x3] =	wrdreg s12  }
0x11: {  	s2 =	sadd.s32 s10, s2;
	s21 =	sadd.s32 $0x180, s9;
	v8 =	vunpack.c.l.s4.s8 v3;
	v4 =	vand.u32 $0xF, v6;
	v6 =	vunpack.c.l.s4.s8 v17;
	[dreg:$0x4] =	wrdreg s20  }
0x12: {  	s10 =	simm.s32 $0x2;
	s22 =	sadd.s32 $0x200, s9;
	v11 =	vand.u32 $0xF, v63;
	v3 =	vand.u32 $0xF, v5;
	[dreg:$0x5] =	wrdreg s21;
	v12 =	vand.u32 $0xF, v12  }
0x13: {  	s13 =	sadd.s32 s8, s19;
	s24 =	sadd.s32 $0x280, s9;
	[dreg:$0x6] =	wrdreg s22;
	v5 =	vand.u32 $0xF, v7;
	v17 =	vunpack.c.0.s8.s32 v8;
	v18 =	vunpack.c.0.s8.s32 v6  }
0x14: {  	s2 =	sshrl.u32 s2, $0x3;
	s25 =	sadd.s32 $0x380, s9;
	[dreg:$0x7] =	wrdreg s24;
	v6 =	vimm.s32 $0x543210FE;
	v8 =	vimm.s32 $0xDCBA9876;
	v14 =	vcombine.low v15, v16  }
0x15: {  	s26 =	sadd.s32 $0x400, s9;
	s11 =	simm.s32 $0x3;
	[dreg:$0xa] =	wrdreg s25;
	v13 =	vand.u32 $0xF, v13;
	v6 =	vunpack.c.l.s4.s8 v6;
	v8 =	vunpack.c.l.s4.s8 v8  }
0x16: {  	s23 =	sshrl.u32 s13, $0x3;
	s0 =	sadd.s32 s0, s2;
	[dreg:$0xb] =	wrdreg s26;
	v7 =	vcombine.low v16, v15;
	v15 =	vcombine.low v17, v18;
	v14 =	vand.u32 $0xF, v14  }
0x17: {  	s20 =	sadd.s32 $0x480, s9;
	s21 =	sadd.s32 $0x500, s9;
	s22 =	sadd.s32 $0x580, s9;
	v23 =	vunpack.c.0.s8.s32 v6;
	v24 =	vunpack.c.0.s8.s32 v8;
	v8 =	vunpack.c.l.s4.s8 v22  }
0x18: {  	s24 =	simm.s32 $0x24000;
	s25 =	simm.s32 $0x800;
	s26 =	simm.s32 $0x1;
	v6 =	vand.u32 $0xF, v7;
	v7 =	vcombine.low v18, v17;
	v17 =	vcombine.low v19, v20  }
0x19: {  	s2 =	simm.s32 $0x17400;
	s12 =	simm.s32 $0x0;
	s8 =	sadd.s32 s4, s23;
	v8 =	vunpack.c.0.s8.s32 v8;
	v62 =	vcombine.low v24, v23;
	v16 =	vcombine.low v23, v24  }
0x1a: {  	[dreg:$0x9] =	wrdreg s0;
	s23 =	smax.u32 s1, $0x1;
	s0 =	simm.s32 $0xF400;
	v15 =	vand.u32 $0xF, v15;
	v7 =	vand.u32 $0xF, v7;
	v17 =	vand.u32 $0xF, v17  }
0x1b: {  	s1 =	simm.s32 $0x13400;
	[dreg:$0x8] =	wrdreg s8;
	s8 =	simm.s32 $0x1B400;
	v8 =	vcombine.low v21, v8;
	v9 =	vand.u32 $0xF, v62;
	v16 =	vand.u32 $0xF, v16  }
.LBB2_1:
0x1c: {  	s14 =	simm.s32 $0x0  }
0x1d: {  	[tilespmem:s14+$0x1B400] =	vst v1  }
0x1e: {  	[tilespmem:s14+$0x7400] =	vst v1  }
0x1f: {  	[tilespmem:s14+$0xB400] =	vst v1  }
0x20: {  	[tilespmem:s14+$0xF400] =	vst v1  }
0x21: {  	s15 =	simm.s32 $0x40;
	[tilespmem:s14+$0x13400] =	vst v1  }
.LBB2_2:
0x22: {  	p0 =	sne.s32 s15, $0xFFC0;
	[tilespmem:s14+$0x17400] =	vst v1;
	s14 =	sshra.s32 s15, $0x2;
	s15 =	sadd.s32 $0x40, s15  }
.Ltmp0:
0x23: {  	[tilespmem:s14+$0x1B400] =	vst v1;
	(pc) =	sbr.rel @p0 .LBB2_2-.Ltmp0, $4  }
0x24: {  	[tilespmem:s14+$0x7400] =	vst v1  }
0x25: {  	[tilespmem:s14+$0xB400] =	vst v1  }
0x26: {  	[tilespmem:s14+$0xF400] =	vst v1  }
0x27: {  	[tilespmem:s14+$0x13400] =	vst v1  }
0x28: {  	[tilespmem:s14+$0x17400] =	vst v1;
	s14 =	simm.s32 $0x0  }
0x29: {  	[tilespmem:s14], [sflag:$0x1] =	stream.linear.gather [hbm4b:s6+s14], $0x800, $0x38;
	[tilespmem:$0x1F400] =	vst v63  }
0x2a: {  	s15 =	rddreg [dreg:$0x2]  }
0x2b: {  	[tilespmem:s25], [sflag:$0x1] =	stream.strided.gather [hbm4b:s15+s25], $0x3000, s24, s25, $0x38;
	[tilespmem:$0x1F400] =	vst v63  }
0x2c: {  	s15 =	simm.s32 $0x0  }
.LBB2_4:
0x2d: {  	_ =	swait.ge [sflag:s26], $0x800  }
0x2e: {  	s16 =	sshll.u32 s15, $0xC;
	[sflag:s26] =	ssyncset.done $0x0  }
0x2f: {  	s17 =	sor.u32 $0x800, s16;
	[sflag:s26] =	ssyncadd.s32 $0xFFFFF800  }
0x30: {  	s18 =	sadd.s32 s3, s17;
	_ =	swait.ge [sflag:s26], $0x3000  }
0x31: {  	s17 =	sadd.s32 s7, s17;
	s18 =	sshrl.u32 s18, $0x3;
	[sflag:s26] =	ssyncset.done $0x0  }
0x32: {  	s17 =	sshrl.u32 s17, $0x3;
	s18 =	sadd.s32 s5, s18;
	[sflag:s26] =	ssyncadd.s32 $0xFFFFD000  }
0x33: {  	[tilespmem:s28], [sflag:$0x2] =	stream.linear.gather [hbm4b:s18+s14], $0x800, $0x38;
	[tilespmem:$0x1F400] =	vst v63  }
0x34: {  	s17 =	sadd.s32 s4, s17  }
0x35: {  	[tilespmem:s29], [sflag:$0x2] =	stream.strided.gather [hbm4b:s17+s25], $0x3000, s24, s25, $0x38;
	[tilespmem:$0x1F400] =	vst v63  }
0x36: {  	s17 =	simm.s32 $0x0  }
0x37: {  	v18 =	vld [tilespmem:s17+$0x0]  }
0x38: {  	v20 =	vld [tilespmem:s17+$0x1810]  }
0x39: {  	v25 =	vld [tilespmem:s17+$0x1010]  }
0x3a: {  	v24 =	vld [tilespmem:s17+$0x810]  }
0x3b: {  	v19 =	vld [tilespmem:s17+$0x2800]  }
0x3c: {  	v21 =	vld [tilespmem:s17+$0x2000]  }
0x3d: {  	v22 =	vld [tilespmem:s17+$0x10]  }
0x3e: {  	v23 =	vld [tilespmem:s17+$0x1000];
	v18 =	vshll.u32 v18, $0x4  }
0x3f: {  	v26 =	vld [tilespmem:s17+$0x800];
	v18 =	vor.u32 v0, v18  }
0x40: {  	v27 =	vld [tilespmem:s17+$0x1800]  }
0x41: {  	v34 =	vld [tilespmem:s17+$0x3000]  }
0x42: {  	v35 =	vld [tilespmem:s17+$0x3010]  }
0x43: {  	v36 =	vld [tilespmem:s17+$0x2810]  }
0x44: {  	v31 =	vld.idx.msk [tilespmem:v18+s30+$0x0], $0xffff  }
0x45: {  	v32 =	vld.idx.msk [tilespmem:v18+s31+$0x0], $0xffff  }
0x46: {  	v30 =	vld.idx.msk [tilespmem:v18+s0+$0x0], $0xffff  }
0x47: {  	v29 =	vld.idx.msk [tilespmem:v18+s1+$0x0], $0xffff  }
0x48: {  	v28 =	vld.idx.msk [tilespmem:v18+s2+$0x0], $0xffff  }
0x49: {  	v33 =	vld.idx.msk [tilespmem:v18+s8+$0x0], $0xffff;
	v26 =	vmax.f32 v31, v26  }
0x4a: {  	v31 =	vld [tilespmem:s17+$0x2010];
	v23 =	vmax.f32 v32, v23;
	[tilespmem:v18+s30+$0x0] =	vst.idx.msk $0xffff, v26  }
0x4b: {  	v22 =	vshll.u32 v22, $0x4;
	v26 =	vmax.f32 v30, v27;
	[tilespmem:v18+s31+$0x0] =	vst.idx.msk $0xffff, v23  }
0x4c: {  	v21 =	vmax.f32 v29, v21;
	v27 =	vor.u32 v0, v22;
	[tilespmem:v18+s0+$0x0] =	vst.idx.msk $0xffff, v26  }
0x4d: {  	v19 =	vmax.f32 v28, v19;
	[tilespmem:v18+s1+$0x0] =	vst.idx.msk $0xffff, v21  }
0x4e: {  	v21 =	vmax.f32 v33, v34;
	[tilespmem:v18+s2+$0x0] =	vst.idx.msk $0xffff, v19  }
0x4f: {  	[tilespmem:v18+s8+$0x0] =	vst.idx.msk $0xffff, v21  }
0x50: {  	v18 =	vld [tilespmem:s17+$0x2820]  }
0x51: {  	v26 =	vld.idx.msk [tilespmem:v27+s0+$0x0], $0xffff  }
0x52: {  	v28 =	vld.idx.msk [tilespmem:v27+s1+$0x0], $0xffff  }
0x53: {  	v19 =	vld [tilespmem:s17+$0x3020]  }
0x54: {  	v29 =	vld [tilespmem:s17+$0x20]  }
0x55: {  	v30 =	vld.idx.msk [tilespmem:v27+s31+$0x0], $0xffff  }
0x56: {  	v61 =	vld.idx.msk [tilespmem:v27+s30+$0x0], $0xffff  }
0x57: {  	v21 =	vld [tilespmem:s17+$0x1820]  }
0x58: {  	v22 =	vld [tilespmem:s17+$0x1020]  }
0x59: {  	v62 =	vld.idx.msk [tilespmem:v27+s2+$0x0], $0xffff  }
0x5a: {  	v63 =	vld.idx.msk [tilespmem:v27+s8+$0x0], $0xffff  }
0x5b: {  	v23 =	vld [tilespmem:s17+$0x820];
	v32 =	vmax.f32 v61, v24  }
0x5c: {  	v24 =	vld [tilespmem:s17+$0x2020];
	v25 =	vmax.f32 v30, v25;
	v29 =	vshll.u32 v29, $0x4;
	[tilespmem:v27+s30+$0x0] =	vst.idx.msk $0xffff, v32  }
0x5d: {  	v26 =	vmax.f32 v26, v20;
	v20 =	vor.u32 v0, v29;
	[tilespmem:v27+s31+$0x0] =	vst.idx.msk $0xffff, v25  }
0x5e: {  	v25 =	vmax.f32 v28, v31;
	[tilespmem:v27+s0+$0x0] =	vst.idx.msk $0xffff, v26  }
0x5f: {  	v26 =	vmax.f32 v62, v36;
	[tilespmem:v27+s1+$0x0] =	vst.idx.msk $0xffff, v25  }
0x60: {  	v25 =	vmax.f32 v63, v35;
	[tilespmem:v27+s2+$0x0] =	vst.idx.msk $0xffff, v26  }
0x61: {  	[tilespmem:v27+s8+$0x0] =	vst.idx.msk $0xffff, v25  }
0x62: {  	v25 =	vld.idx.msk [tilespmem:v20+s1+$0x0], $0xffff  }
0x63: {  	v27 =	vld.idx.msk [tilespmem:v20+s0+$0x0], $0xffff  }
0x64: {  	v26 =	vld.idx.msk [tilespmem:v20+s8+$0x0], $0xffff  }
0x65: {  	s18 =	simm.s32 $0x100;
	v28 =	vld.idx.msk [tilespmem:v20+s31+$0x0], $0xffff  }
.LBB2_5:
0x66: {  	p0 =	sne.s32 s18, $0x1F00;
	v29 =	vld [tilespmem:s17+$0x3030];
	s19 =	smov.u32 s18;
	s18 =	sadd.s32 $0x100, s18  }
0x67: {  	v30 =	vld [tilespmem:s17+$0x30]  }
0x68: {  	v31 =	vld.idx.msk [tilespmem:v20+s30+$0x0], $0xffff  }
0x69: {  	v21 =	vmax.f32 v27, v21;
	v32 =	vld.idx.msk [tilespmem:v20+s2+$0x0], $0xffff  }
0x6a: {  	v19 =	vmax.f32 v26, v19;
	v26 =	vld [tilespmem:s17+$0x2830]  }
0x6b: {  	v24 =	vmax.f32 v25, v24;
	v22 =	vmax.f32 v28, v22;
	v25 =	vld [tilespmem:s17+$0x2030]  }
0x6c: {  	v27 =	vld [tilespmem:s17+$0x1830];
	v28 =	vshll.u32 v30, $0x4  }
0x6d: {  	v30 =	vld [tilespmem:s17+$0x1030]  }
0x6e: {  	v23 =	vmax.f32 v31, v23;
	v31 =	vld [tilespmem:s17+$0x830]  }
0x6f: {  	v18 =	vmax.f32 v32, v18;
	[tilespmem:v20+s30+$0x0] =	vst.idx.msk $0xffff, v23  }
0x70: {  	[tilespmem:v20+s31+$0x0] =	vst.idx.msk $0xffff, v22;
	v22 =	vor.u32 v0, v28  }
0x71: {  	[tilespmem:v20+s0+$0x0] =	vst.idx.msk $0xffff, v21  }
0x72: {  	[tilespmem:v20+s1+$0x0] =	vst.idx.msk $0xffff, v24  }
0x73: {  	[tilespmem:v20+s2+$0x0] =	vst.idx.msk $0xffff, v18  }
0x74: {  	[tilespmem:v20+s8+$0x0] =	vst.idx.msk $0xffff, v19  }
0x75: {  	s17 =	sshra.s32 s19, $0x2;
	v18 =	vld.idx.msk [tilespmem:v22+s30+$0x0], $0xffff  }
0x76: {  	v19 =	vld.idx.msk [tilespmem:v22+s31+$0x0], $0xffff  }
0x77: {  	v20 =	vld.idx.msk [tilespmem:v22+s0+$0x0], $0xffff  }
0x78: {  	v21 =	vld.idx.msk [tilespmem:v22+s1+$0x0], $0xffff  }
0x79: {  	v23 =	vld.idx.msk [tilespmem:v22+s2+$0x0], $0xffff  }
0x7a: {  	v24 =	vld.idx.msk [tilespmem:v22+s8+$0x0], $0xffff  }
0x7b: {  	v18 =	vmax.f32 v18, v31  }
0x7c: {  	v19 =	vmax.f32 v19, v30;
	[tilespmem:v22+s30+$0x0] =	vst.idx.msk $0xffff, v18  }
0x7d: {  	v18 =	vmax.f32 v20, v27;
	[tilespmem:v22+s31+$0x0] =	vst.idx.msk $0xffff, v19  }
0x7e: {  	v19 =	vmax.f32 v21, v25;
	[tilespmem:v22+s0+$0x0] =	vst.idx.msk $0xffff, v18  }
0x7f: {  	v18 =	vmax.f32 v23, v26;
	[tilespmem:v22+s1+$0x0] =	vst.idx.msk $0xffff, v19  }
0x80: {  	v19 =	vmax.f32 v24, v29;
	[tilespmem:v22+s2+$0x0] =	vst.idx.msk $0xffff, v18  }
0x81: {  	[tilespmem:v22+s8+$0x0] =	vst.idx.msk $0xffff, v19  }
0x82: {  	v18 =	vld [tilespmem:s17+$0x0]  }
0x83: {  	v20 =	vld [tilespmem:s17+$0x1810]  }
0x84: {  	v23 =	vld [tilespmem:s17+$0x1010]  }
0x85: {  	v24 =	vld [tilespmem:s17+$0x810]  }
0x86: {  	v19 =	vld [tilespmem:s17+$0x2800]  }
0x87: {  	v21 =	vld [tilespmem:s17+$0x2000];
	v18 =	vshll.u32 v18, $0x4  }
0x88: {  	v18 =	vor.u32 v0, v18  }
0x89: {  	v22 =	vld [tilespmem:s17+$0x10]  }
0x8a: {  	v25 =	vld [tilespmem:s17+$0x1000]  }
0x8b: {  	v26 =	vld [tilespmem:s17+$0x800]  }
0x8c: {  	v27 =	vld [tilespmem:s17+$0x1800]  }
0x8d: {  	v28 =	vld.idx.msk [tilespmem:v18+s2+$0x0], $0xffff  }
0x8e: {  	v29 =	vld.idx.msk [tilespmem:v18+s1+$0x0], $0xffff  }
0x8f: {  	v22 =	vshll.u32 v22, $0x4;
	v30 =	vld.idx.msk [tilespmem:v18+s0+$0x0], $0xffff  }
0x90: {  	v32 =	vor.u32 v0, v22;
	v31 =	vld.idx.msk [tilespmem:v18+s30+$0x0], $0xffff  }
0x91: {  	v22 =	vld.idx.msk [tilespmem:v18+s31+$0x0], $0xffff  }
0x92: {  	v33 =	vld.idx.msk [tilespmem:v18+s8+$0x0], $0xffff  }
0x93: {  	v19 =	vmax.f32 v28, v19;
	v34 =	vld [tilespmem:s17+$0x3000]  }
0x94: {  	v21 =	vmax.f32 v29, v21;
	v28 =	vld [tilespmem:s17+$0x3010]  }
0x95: {  	v27 =	vmax.f32 v30, v27;
	v29 =	vld [tilespmem:s17+$0x2810]  }
0x96: {  	v26 =	vmax.f32 v31, v26;
	v30 =	vld [tilespmem:s17+$0x2010]  }
0x97: {  	v22 =	vmax.f32 v22, v25;
	[tilespmem:v18+s30+$0x0] =	vst.idx.msk $0xffff, v26  }
0x98: {  	v25 =	vmax.f32 v33, v34;
	[tilespmem:v18+s31+$0x0] =	vst.idx.msk $0xffff, v22  }
0x99: {  	[tilespmem:v18+s0+$0x0] =	vst.idx.msk $0xffff, v27  }
0x9a: {  	[tilespmem:v18+s1+$0x0] =	vst.idx.msk $0xffff, v21  }
0x9b: {  	[tilespmem:v18+s2+$0x0] =	vst.idx.msk $0xffff, v19  }
0x9c: {  	[tilespmem:v18+s8+$0x0] =	vst.idx.msk $0xffff, v25  }
0x9d: {  	v18 =	vld [tilespmem:s17+$0x2820]  }
0x9e: {  	v22 =	vld.idx.msk [tilespmem:v32+s0+$0x0], $0xffff  }
0x9f: {  	v25 =	vld.idx.msk [tilespmem:v32+s1+$0x0], $0xffff  }
0xa0: {  	v19 =	vld [tilespmem:s17+$0x3020]  }
0xa1: {  	v26 =	vld [tilespmem:s17+$0x20]  }
0xa2: {  	v27 =	vld.idx.msk [tilespmem:v32+s31+$0x0], $0xffff  }
0xa3: {  	v31 =	vld.idx.msk [tilespmem:v32+s30+$0x0], $0xffff  }
0xa4: {  	v21 =	vld [tilespmem:s17+$0x1820]  }
0xa5: {  	v33 =	vmax.f32 v22, v20;
	v22 =	vld [tilespmem:s17+$0x1020]  }
0xa6: {  	v34 =	vld.idx.msk [tilespmem:v32+s2+$0x0], $0xffff;
	v20 =	vshll.u32 v26, $0x4  }
0xa7: {  	v26 =	vld.idx.msk [tilespmem:v32+s8+$0x0], $0xffff  }
0xa8: {  	v27 =	vmax.f32 v27, v23;
	v23 =	vld [tilespmem:s17+$0x820]  }
0xa9: {  	v31 =	vmax.f32 v31, v24;
	v24 =	vld [tilespmem:s17+$0x2020]  }
0xaa: {  	[tilespmem:v32+s30+$0x0] =	vst.idx.msk $0xffff, v31  }
0xab: {  	v25 =	vmax.f32 v25, v30;
	v20 =	vor.u32 v0, v20;
	[tilespmem:v32+s31+$0x0] =	vst.idx.msk $0xffff, v27  }
0xac: {  	v27 =	vmax.f32 v34, v29;
	[tilespmem:v32+s0+$0x0] =	vst.idx.msk $0xffff, v33  }
0xad: {  	v26 =	vmax.f32 v26, v28;
	[tilespmem:v32+s1+$0x0] =	vst.idx.msk $0xffff, v25  }
0xae: {  	[tilespmem:v32+s2+$0x0] =	vst.idx.msk $0xffff, v27  }
.Ltmp1:
0xaf: {  	[tilespmem:v32+s8+$0x0] =	vst.idx.msk $0xffff, v26;
	(pc) =	sbr.rel @p0 .LBB2_5-.Ltmp1, $4  }
0xb0: {  	v25 =	vld.idx.msk [tilespmem:v20+s1+$0x0], $0xffff  }
0xb1: {  	v27 =	vld.idx.msk [tilespmem:v20+s0+$0x0], $0xffff  }
0xb2: {  	v26 =	vld.idx.msk [tilespmem:v20+s8+$0x0], $0xffff  }
0xb3: {  	v28 =	vld.idx.msk [tilespmem:v20+s31+$0x0], $0xffff  }
0xb4: {  	_ =	sdelay $0x1  }
0xb5: {  	v29 =	vld [tilespmem:s17+$0x3030]  }
0xb6: {  	v30 =	vld [tilespmem:s17+$0x30]  }
0xb7: {  	v31 =	vld.idx.msk [tilespmem:v20+s30+$0x0], $0xffff  }
0xb8: {  	v32 =	vld.idx.msk [tilespmem:v20+s2+$0x0], $0xffff  }
0xb9: {  	v33 =	vld [tilespmem:s17+$0x2830]  }
0xba: {  	v34 =	vld [tilespmem:s17+$0x2030]  }
0xbb: {  	v35 =	vld [tilespmem:s17+$0x1830]  }
0xbc: {  	v36 =	vld [tilespmem:s17+$0x1030];
	v23 =	vmax.f32 v31, v23  }
0xbd: {  	v22 =	vmax.f32 v28, v22;
	v31 =	vld [tilespmem:s17+$0x830];
	v28 =	vshll.u32 v30, $0x4;
	[tilespmem:v20+s30+$0x0] =	vst.idx.msk $0xffff, v23  }
0xbe: {  	v21 =	vmax.f32 v27, v21;
	[tilespmem:v20+s31+$0x0] =	vst.idx.msk $0xffff, v22;
	v22 =	vor.u32 v0, v28  }
0xbf: {  	v23 =	vmax.f32 v25, v24;
	[tilespmem:v20+s0+$0x0] =	vst.idx.msk $0xffff, v21  }
0xc0: {  	v18 =	vmax.f32 v32, v18;
	[tilespmem:v20+s1+$0x0] =	vst.idx.msk $0xffff, v23  }
0xc1: {  	v19 =	vmax.f32 v26, v19;
	[tilespmem:v20+s2+$0x0] =	vst.idx.msk $0xffff, v18  }
0xc2: {  	[tilespmem:v20+s8+$0x0] =	vst.idx.msk $0xffff, v19  }
0xc3: {  	v18 =	vld.idx.msk [tilespmem:v22+s30+$0x0], $0xffff  }
0xc4: {  	v19 =	vld.idx.msk [tilespmem:v22+s31+$0x0], $0xffff  }
0xc5: {  	v20 =	vld.idx.msk [tilespmem:v22+s0+$0x0], $0xffff  }
0xc6: {  	v21 =	vld.idx.msk [tilespmem:v22+s1+$0x0], $0xffff  }
0xc7: {  	v23 =	vld.idx.msk [tilespmem:v22+s2+$0x0], $0xffff  }
0xc8: {  	v24 =	vld.idx.msk [tilespmem:v22+s8+$0x0], $0xffff;
	v18 =	vmax.f32 v18, v31  }
0xc9: {  	v19 =	vmax.f32 v19, v36;
	[tilespmem:v22+s30+$0x0] =	vst.idx.msk $0xffff, v18  }
0xca: {  	v18 =	vmax.f32 v20, v35;
	[tilespmem:v22+s31+$0x0] =	vst.idx.msk $0xffff, v19  }
0xcb: {  	v19 =	vmax.f32 v21, v34;
	[tilespmem:v22+s0+$0x0] =	vst.idx.msk $0xffff, v18  }
0xcc: {  	v18 =	vmax.f32 v23, v33;
	[tilespmem:v22+s1+$0x0] =	vst.idx.msk $0xffff, v19  }
0xcd: {  	v19 =	vmax.f32 v24, v29;
	[tilespmem:v22+s2+$0x0] =	vst.idx.msk $0xffff, v18  }
0xce: {  	[tilespmem:v22+s8+$0x0] =	vst.idx.msk $0xffff, v19  }
0xcf: {  	_ =	swait.ge [sflag:s10], $0x800  }
0xd0: {  	p0 =	seq.s32 s15, $0x23;
	[sflag:s10] =	ssyncset.done $0x0  }
0xd1: {  	s16 =	sadd.s32 @!p0 $0x1000, s16;
	[sflag:s10] =	ssyncadd.s32 $0xFFFFF800  }
0xd2: {  	s18 =	simm.s32 @!p0 $0x0;
	s17 =	sadd.s32 @!p0 s3, s16;
	_ =	swait.ge [sflag:s10], $0x3000  }
0xd3: {  	s16 =	sadd.s32 @!p0 s7, s16;
	s17 =	sshrl.u32 @!p0 s17, $0x3;
	[sflag:s10] =	ssyncset.done $0x0  }
0xd4: {  	s16 =	sshrl.u32 @!p0 s16, $0x3;
	s17 =	sadd.s32 @!p0 s5, s17;
	[sflag:s10] =	ssyncadd.s32 $0xFFFFD000  }
0xd5: {  	[tilespmem:s18], [sflag:$0x1] =	stream.linear.gather @!p0 [hbm4b:s17+s18], $0x800, $0x38;
	[tilespmem:$0x1F400] =	vst v63  }
0xd6: {  	s16 =	sadd.s32 @!p0 s4, s16;
	s17 =	simm.s32 @!p0 $0x24000;
	s18 =	simm.s32 @!p0 $0x800  }
0xd7: {  	[tilespmem:s18], [sflag:$0x1] =	stream.strided.gather @!p0 [hbm4b:s16+s18], $0x3000, s17, s18, $0x38;
	[tilespmem:$0x1F400] =	vst v63  }
0xd8: {  	s16 =	simm.s32 $0x0  }
0xd9: {  	v18 =	vld [tilespmem:s16+$0x3800]  }
0xda: {  	v20 =	vld [tilespmem:s16+$0x5010]  }
0xdb: {  	v25 =	vld [tilespmem:s16+$0x4810]  }
0xdc: {  	v24 =	vld [tilespmem:s16+$0x4010]  }
0xdd: {  	v19 =	vld [tilespmem:s16+$0x6000]  }
0xde: {  	v21 =	vld [tilespmem:s16+$0x5800]  }
0xdf: {  	v22 =	vld [tilespmem:s16+$0x3810]  }
0xe0: {  	v23 =	vld [tilespmem:s16+$0x4800];
	v18 =	vshll.u32 v18, $0x4  }
0xe1: {  	v26 =	vld [tilespmem:s16+$0x4000];
	v18 =	vor.u32 v0, v18  }
0xe2: {  	v27 =	vld [tilespmem:s16+$0x5000]  }
0xe3: {  	v58 =	vld [tilespmem:s16+$0x6800]  }
0xe4: {  	v59 =	vld [tilespmem:s16+$0x6810]  }
0xe5: {  	v60 =	vld [tilespmem:s16+$0x6010]  }
0xe6: {  	v31 =	vld.idx.msk [tilespmem:v18+s30+$0x0], $0xffff  }
0xe7: {  	v56 =	vld.idx.msk [tilespmem:v18+s31+$0x0], $0xffff  }
0xe8: {  	v30 =	vld.idx.msk [tilespmem:v18+s0+$0x0], $0xffff  }
0xe9: {  	v29 =	vld.idx.msk [tilespmem:v18+s1+$0x0], $0xffff  }
0xea: {  	v28 =	vld.idx.msk [tilespmem:v18+s2+$0x0], $0xffff  }
0xeb: {  	v57 =	vld.idx.msk [tilespmem:v18+s8+$0x0], $0xffff;
	v26 =	vmax.f32 v31, v26  }
0xec: {  	v31 =	vld [tilespmem:s16+$0x5810];
	v23 =	vmax.f32 v56, v23;
	[tilespmem:v18+s30+$0x0] =	vst.idx.msk $0xffff, v26  }
0xed: {  	v22 =	vshll.u32 v22, $0x4;
	v26 =	vmax.f32 v30, v27;
	[tilespmem:v18+s31+$0x0] =	vst.idx.msk $0xffff, v23  }
0xee: {  	v21 =	vmax.f32 v29, v21;
	v27 =	vor.u32 v0, v22;
	[tilespmem:v18+s0+$0x0] =	vst.idx.msk $0xffff, v26  }
0xef: {  	v19 =	vmax.f32 v28, v19;
	[tilespmem:v18+s1+$0x0] =	vst.idx.msk $0xffff, v21  }
0xf0: {  	v21 =	vmax.f32 v57, v58;
	[tilespmem:v18+s2+$0x0] =	vst.idx.msk $0xffff, v19  }
0xf1: {  	[tilespmem:v18+s8+$0x0] =	vst.idx.msk $0xffff, v21  }
0xf2: {  	v18 =	vld [tilespmem:s16+$0x6020]  }
0xf3: {  	v26 =	vld.idx.msk [tilespmem:v27+s0+$0x0], $0xffff  }
0xf4: {  	v28 =	vld.idx.msk [tilespmem:v27+s1+$0x0], $0xffff  }
0xf5: {  	v19 =	vld [tilespmem:s16+$0x6820]  }
0xf6: {  	v29 =	vld [tilespmem:s16+$0x3820]  }
0xf7: {  	v30 =	vld.idx.msk [tilespmem:v27+s31+$0x0], $0xffff  }
0xf8: {  	v61 =	vld.idx.msk [tilespmem:v27+s30+$0x0], $0xffff  }
0xf9: {  	v21 =	vld [tilespmem:s16+$0x5020]  }
0xfa: {  	v22 =	vld [tilespmem:s16+$0x4820]  }
0xfb: {  	v62 =	vld.idx.msk [tilespmem:v27+s2+$0x0], $0xffff  }
0xfc: {  	v63 =	vld.idx.msk [tilespmem:v27+s8+$0x0], $0xffff  }
0xfd: {  	v23 =	vld [tilespmem:s16+$0x4020];
	v32 =	vmax.f32 v61, v24  }
0xfe: {  	v24 =	vld [tilespmem:s16+$0x5820];
	v25 =	vmax.f32 v30, v25;
	v29 =	vshll.u32 v29, $0x4;
	[tilespmem:v27+s30+$0x0] =	vst.idx.msk $0xffff, v32  }
0xff: {  	v26 =	vmax.f32 v26, v20;
	v20 =	vor.u32 v0, v29;
	[tilespmem:v27+s31+$0x0] =	vst.idx.msk $0xffff, v25  }
0x100: {  	v25 =	vmax.f32 v28, v31;
	[tilespmem:v27+s0+$0x0] =	vst.idx.msk $0xffff, v26  }
0x101: {  	v26 =	vmax.f32 v62, v60;
	[tilespmem:v27+s1+$0x0] =	vst.idx.msk $0xffff, v25  }
0x102: {  	v25 =	vmax.f32 v63, v59;
	[tilespmem:v27+s2+$0x0] =	vst.idx.msk $0xffff, v26  }
0x103: {  	[tilespmem:v27+s8+$0x0] =	vst.idx.msk $0xffff, v25  }
0x104: {  	v25 =	vld.idx.msk [tilespmem:v20+s1+$0x0], $0xffff  }
0x105: {  	v27 =	vld.idx.msk [tilespmem:v20+s0+$0x0], $0xffff  }
0x106: {  	v26 =	vld.idx.msk [tilespmem:v20+s8+$0x0], $0xffff  }
0x107: {  	s15 =	sadd.s32 $0x1, s15;
	s17 =	simm.s32 $0x100;
	v28 =	vld.idx.msk [tilespmem:v20+s31+$0x0], $0xffff  }
.LBB2_7:
0x108: {  	p0 =	seq.s32 s17, $0x1F00;
	v29 =	vld [tilespmem:s16+$0x6830];
	s18 =	smov.u32 s17;
	s17 =	sadd.s32 $0x100, s17  }
0x109: {  	v30 =	vld [tilespmem:s16+$0x3830]  }
0x10a: {  	v31 =	vld.idx.msk [tilespmem:v20+s30+$0x0], $0xffff  }
0x10b: {  	v21 =	vmax.f32 v27, v21;
	v32 =	vld.idx.msk [tilespmem:v20+s2+$0x0], $0xffff  }
0x10c: {  	v19 =	vmax.f32 v26, v19;
	v26 =	vld [tilespmem:s16+$0x6030]  }
0x10d: {  	v24 =	vmax.f32 v25, v24;
	v22 =	vmax.f32 v28, v22;
	v25 =	vld [tilespmem:s16+$0x5830]  }
0x10e: {  	v27 =	vld [tilespmem:s16+$0x5030];
	v28 =	vshll.u32 v30, $0x4  }
0x10f: {  	v30 =	vld [tilespmem:s16+$0x4830]  }
0x110: {  	v23 =	vmax.f32 v31, v23;
	v31 =	vld [tilespmem:s16+$0x4030]  }
0x111: {  	v18 =	vmax.f32 v32, v18;
	[tilespmem:v20+s30+$0x0] =	vst.idx.msk $0xffff, v23  }
0x112: {  	[tilespmem:v20+s31+$0x0] =	vst.idx.msk $0xffff, v22;
	v22 =	vor.u32 v0, v28  }
0x113: {  	[tilespmem:v20+s0+$0x0] =	vst.idx.msk $0xffff, v21  }
0x114: {  	[tilespmem:v20+s1+$0x0] =	vst.idx.msk $0xffff, v24  }
0x115: {  	[tilespmem:v20+s2+$0x0] =	vst.idx.msk $0xffff, v18  }
0x116: {  	[tilespmem:v20+s8+$0x0] =	vst.idx.msk $0xffff, v19  }
0x117: {  	s16 =	sshra.s32 s18, $0x2;
	v18 =	vld.idx.msk [tilespmem:v22+s30+$0x0], $0xffff  }
0x118: {  	v19 =	vld.idx.msk [tilespmem:v22+s31+$0x0], $0xffff  }
0x119: {  	v20 =	vld.idx.msk [tilespmem:v22+s0+$0x0], $0xffff  }
0x11a: {  	v21 =	vld.idx.msk [tilespmem:v22+s1+$0x0], $0xffff  }
0x11b: {  	v23 =	vld.idx.msk [tilespmem:v22+s2+$0x0], $0xffff  }
0x11c: {  	v24 =	vld.idx.msk [tilespmem:v22+s8+$0x0], $0xffff  }
0x11d: {  	v18 =	vmax.f32 v18, v31  }
0x11e: {  	v19 =	vmax.f32 v19, v30;
	[tilespmem:v22+s30+$0x0] =	vst.idx.msk $0xffff, v18  }
0x11f: {  	v18 =	vmax.f32 v20, v27;
	[tilespmem:v22+s31+$0x0] =	vst.idx.msk $0xffff, v19  }
0x120: {  	v19 =	vmax.f32 v21, v25;
	[tilespmem:v22+s0+$0x0] =	vst.idx.msk $0xffff, v18  }
0x121: {  	v18 =	vmax.f32 v23, v26;
	[tilespmem:v22+s1+$0x0] =	vst.idx.msk $0xffff, v19  }
0x122: {  	v19 =	vmax.f32 v24, v29;
	[tilespmem:v22+s2+$0x0] =	vst.idx.msk $0xffff, v18  }
0x123: {  	[tilespmem:v22+s8+$0x0] =	vst.idx.msk $0xffff, v19  }
0x124: {  	v18 =	vld [tilespmem:s16+$0x3800]  }
0x125: {  	v20 =	vld [tilespmem:s16+$0x5010]  }
0x126: {  	v23 =	vld [tilespmem:s16+$0x4810]  }
0x127: {  	v24 =	vld [tilespmem:s16+$0x4010]  }
0x128: {  	v19 =	vld [tilespmem:s16+$0x6000]  }
0x129: {  	v21 =	vld [tilespmem:s16+$0x5800];
	v18 =	vshll.u32 v18, $0x4  }
0x12a: {  	v18 =	vor.u32 v0, v18  }
0x12b: {  	v22 =	vld [tilespmem:s16+$0x3810]  }
0x12c: {  	v25 =	vld [tilespmem:s16+$0x4800]  }
0x12d: {  	v26 =	vld [tilespmem:s16+$0x4000]  }
0x12e: {  	v27 =	vld [tilespmem:s16+$0x5000]  }
0x12f: {  	v28 =	vld.idx.msk [tilespmem:v18+s2+$0x0], $0xffff  }
0x130: {  	v29 =	vld.idx.msk [tilespmem:v18+s1+$0x0], $0xffff  }
0x131: {  	v22 =	vshll.u32 v22, $0x4;
	v30 =	vld.idx.msk [tilespmem:v18+s0+$0x0], $0xffff  }
0x132: {  	v32 =	vor.u32 v0, v22;
	v31 =	vld.idx.msk [tilespmem:v18+s30+$0x0], $0xffff  }
0x133: {  	v22 =	vld.idx.msk [tilespmem:v18+s31+$0x0], $0xffff  }
0x134: {  	v33 =	vld.idx.msk [tilespmem:v18+s8+$0x0], $0xffff  }
0x135: {  	v19 =	vmax.f32 v28, v19;
	v34 =	vld [tilespmem:s16+$0x6800]  }
0x136: {  	v21 =	vmax.f32 v29, v21;
	v28 =	vld [tilespmem:s16+$0x6810]  }
0x137: {  	v27 =	vmax.f32 v30, v27;
	v29 =	vld [tilespmem:s16+$0x6010]  }
0x138: {  	v26 =	vmax.f32 v31, v26;
	v30 =	vld [tilespmem:s16+$0x5810]  }
0x139: {  	v22 =	vmax.f32 v22, v25;
	[tilespmem:v18+s30+$0x0] =	vst.idx.msk $0xffff, v26  }
0x13a: {  	v25 =	vmax.f32 v33, v34;
	[tilespmem:v18+s31+$0x0] =	vst.idx.msk $0xffff, v22  }
0x13b: {  	[tilespmem:v18+s0+$0x0] =	vst.idx.msk $0xffff, v27  }
0x13c: {  	[tilespmem:v18+s1+$0x0] =	vst.idx.msk $0xffff, v21  }
0x13d: {  	[tilespmem:v18+s2+$0x0] =	vst.idx.msk $0xffff, v19  }
0x13e: {  	[tilespmem:v18+s8+$0x0] =	vst.idx.msk $0xffff, v25  }
0x13f: {  	v18 =	vld [tilespmem:s16+$0x6020]  }
0x140: {  	v22 =	vld.idx.msk [tilespmem:v32+s0+$0x0], $0xffff  }
0x141: {  	v25 =	vld.idx.msk [tilespmem:v32+s1+$0x0], $0xffff  }
0x142: {  	v19 =	vld [tilespmem:s16+$0x6820]  }
0x143: {  	v26 =	vld [tilespmem:s16+$0x3820]  }
0x144: {  	v27 =	vld.idx.msk [tilespmem:v32+s31+$0x0], $0xffff  }
0x145: {  	v31 =	vld.idx.msk [tilespmem:v32+s30+$0x0], $0xffff  }
0x146: {  	v21 =	vld [tilespmem:s16+$0x5020]  }
0x147: {  	v33 =	vmax.f32 v22, v20;
	v22 =	vld [tilespmem:s16+$0x4820]  }
0x148: {  	v34 =	vld.idx.msk [tilespmem:v32+s2+$0x0], $0xffff;
	v20 =	vshll.u32 v26, $0x4  }
0x149: {  	v26 =	vld.idx.msk [tilespmem:v32+s8+$0x0], $0xffff  }
0x14a: {  	v27 =	vmax.f32 v27, v23;
	v23 =	vld [tilespmem:s16+$0x4020]  }
0x14b: {  	v31 =	vmax.f32 v31, v24;
	v24 =	vld [tilespmem:s16+$0x5820]  }
0x14c: {  	[tilespmem:v32+s30+$0x0] =	vst.idx.msk $0xffff, v31  }
0x14d: {  	v25 =	vmax.f32 v25, v30;
	v20 =	vor.u32 v0, v20;
	[tilespmem:v32+s31+$0x0] =	vst.idx.msk $0xffff, v27  }
0x14e: {  	v27 =	vmax.f32 v34, v29;
	[tilespmem:v32+s0+$0x0] =	vst.idx.msk $0xffff, v33  }
0x14f: {  	v26 =	vmax.f32 v26, v28;
	[tilespmem:v32+s1+$0x0] =	vst.idx.msk $0xffff, v25  }
0x150: {  	[tilespmem:v32+s2+$0x0] =	vst.idx.msk $0xffff, v27  }
.Ltmp2:
0x151: {  	[tilespmem:v32+s8+$0x0] =	vst.idx.msk $0xffff, v26;
	(pc) =	sbr.rel @!p0 .LBB2_7-.Ltmp2, $4  }
0x152: {  	v25 =	vld.idx.msk [tilespmem:v20+s1+$0x0], $0xffff  }
0x153: {  	v27 =	vld.idx.msk [tilespmem:v20+s0+$0x0], $0xffff  }
0x154: {  	v26 =	vld.idx.msk [tilespmem:v20+s8+$0x0], $0xffff  }
0x155: {  	v28 =	vld.idx.msk [tilespmem:v20+s31+$0x0], $0xffff  }
0x156: {  	_ =	sdelay $0x1  }
0x157: {  	v29 =	vld [tilespmem:s16+$0x6830]  }
0x158: {  	v30 =	vld [tilespmem:s16+$0x3830]  }
0x159: {  	v31 =	vld.idx.msk [tilespmem:v20+s30+$0x0], $0xffff  }
0x15a: {  	v32 =	vld.idx.msk [tilespmem:v20+s2+$0x0], $0xffff  }
0x15b: {  	v33 =	vld [tilespmem:s16+$0x6030]  }
0x15c: {  	v34 =	vld [tilespmem:s16+$0x5830]  }
0x15d: {  	v35 =	vld [tilespmem:s16+$0x5030]  }
0x15e: {  	v36 =	vld [tilespmem:s16+$0x4830];
	v23 =	vmax.f32 v31, v23  }
0x15f: {  	v59 =	vld [tilespmem:s16+$0x4030];
	v22 =	vmax.f32 v28, v22;
	v60 =	vshll.u32 v30, $0x4;
	[tilespmem:v20+s30+$0x0] =	vst.idx.msk $0xffff, v23  }
0x160: {  	v21 =	vmax.f32 v27, v21;
	v61 =	vor.u32 v0, v60;
	[tilespmem:v20+s31+$0x0] =	vst.idx.msk $0xffff, v22  }
0x161: {  	v62 =	vmax.f32 v25, v24;
	[tilespmem:v20+s0+$0x0] =	vst.idx.msk $0xffff, v21  }
0x162: {  	v18 =	vmax.f32 v32, v18;
	[tilespmem:v20+s1+$0x0] =	vst.idx.msk $0xffff, v62  }
0x163: {  	v19 =	vmax.f32 v26, v19;
	[tilespmem:v20+s2+$0x0] =	vst.idx.msk $0xffff, v18  }
0x164: {  	[tilespmem:v20+s8+$0x0] =	vst.idx.msk $0xffff, v19  }
0x165: {  	v18 =	vld.idx.msk [tilespmem:v61+s30+$0x0], $0xffff  }
0x166: {  	v19 =	vld.idx.msk [tilespmem:v61+s31+$0x0], $0xffff  }
0x167: {  	v20 =	vld.idx.msk [tilespmem:v61+s0+$0x0], $0xffff  }
0x168: {  	v21 =	vld.idx.msk [tilespmem:v61+s1+$0x0], $0xffff  }
0x169: {  	v23 =	vld.idx.msk [tilespmem:v61+s2+$0x0], $0xffff  }
0x16a: {  	v63 =	vld.idx.msk [tilespmem:v61+s8+$0x0], $0xffff;
	v18 =	vmax.f32 v18, v59  }
0x16b: {  	p0 =	seq.s32 s15, $0x24;
	v19 =	vmax.f32 v19, v36;
	[tilespmem:v61+s30+$0x0] =	vst.idx.msk $0xffff, v18  }
.Ltmp3:
0x16c: {  	v18 =	vmax.f32 v20, v35;
	[tilespmem:v61+s31+$0x0] =	vst.idx.msk $0xffff, v19;
	(pc) =	sbr.rel @!p0 .LBB2_4-.Ltmp3, $4  }
0x16d: {  	v19 =	vmax.f32 v21, v34;
	[tilespmem:v61+s0+$0x0] =	vst.idx.msk $0xffff, v18  }
0x16e: {  	v18 =	vmax.f32 v23, v33;
	[tilespmem:v61+s1+$0x0] =	vst.idx.msk $0xffff, v19  }
0x16f: {  	v19 =	vmax.f32 v63, v29;
	[tilespmem:v61+s2+$0x0] =	vst.idx.msk $0xffff, v18  }
0x170: {  	[tilespmem:v61+s8+$0x0] =	vst.idx.msk $0xffff, v19  }
0x171: {  	s15 =	simm.s32 $0x0  }
0x172: {  	v18 =	vmov s15  }
0x173: {  	v18 =	vshll.u32 v18, $0x4  }
0x174: {  	v18 =	vor.u32 v2, v18  }
0x175: {  	v19 =	vor.u32 v3, v18  }
0x176: {  	v20 =	vor.u32 v0, v18  }
0x177: {  	v21 =	vor.u32 v4, v18  }
0x178: {  	v22 =	vor.u32 v5, v18  }
0x179: {  	v23 =	vor.u32 v6, v18  }
0x17a: {  	v24 =	vor.u32 v7, v18;
	v19 =	vld.idx.msk [tilespmem:v19+s30+$0x0], $0xffff  }
0x17b: {  	v25 =	vor.u32 v9, v18;
	v20 =	vld.idx.msk [tilespmem:v20+s30+$0x0], $0xffff  }
0x17c: {  	v26 =	vor.u32 v10, v18;
	v21 =	vld.idx.msk [tilespmem:v21+s30+$0x0], $0xffff  }
0x17d: {  	v27 =	vor.u32 v8, v18;
	v22 =	vld.idx.msk [tilespmem:v22+s30+$0x0], $0xffff  }
0x17e: {  	v28 =	vor.u32 v11, v18;
	v23 =	vld.idx.msk [tilespmem:v23+s30+$0x0], $0xffff  }
0x17f: {  	v29 =	vor.u32 v12, v18;
	v24 =	vld.idx.msk [tilespmem:v24+s30+$0x0], $0xffff  }
0x180: {  	v30 =	vor.u32 v13, v18;
	v25 =	vld.idx.msk [tilespmem:v25+s30+$0x0], $0xffff;
	v19 =	vmax.f32 v20, v19  }
0x181: {  	v20 =	vld.idx.msk [tilespmem:v26+s30+$0x0], $0xffff;
	v26 =	vor.u32 v14, v18;
	v19 =	vmax.f32 v19, v21  }
0x182: {  	v21 =	vld.idx.msk [tilespmem:v27+s30+$0x0], $0xffff;
	v27 =	vor.u32 v15, v18;
	v19 =	vmax.f32 v19, v22  }
0x183: {  	v60 =	vor.u32 v16, v18;
	v22 =	vld.idx.msk [tilespmem:v28+s30+$0x0], $0xffff;
	v19 =	vmax.f32 v19, v23  }
0x184: {  	v18 =	vor.u32 v17, v18;
	v23 =	vld.idx.msk [tilespmem:v29+s30+$0x0], $0xffff;
	v19 =	vmax.f32 v19, v24  }
0x185: {  	v24 =	vld.idx.msk [tilespmem:v30+s30+$0x0], $0xffff;
	v19 =	vmax.f32 v19, v25  }
0x186: {  	v25 =	vld.idx.msk [tilespmem:v26+s30+$0x0], $0xffff;
	v19 =	vmax.f32 v19, v20  }
0x187: {  	s18 =	simm.s32 $0x10;
	v20 =	vld.idx.msk [tilespmem:v27+s30+$0x0], $0xffff;
	v19 =	vmax.f32 v19, v21  }
0x188: {  	v26 =	vmov s18;
	v21 =	vld.idx.msk [tilespmem:v60+s30+$0x0], $0xffff;
	v19 =	vmax.f32 v19, v22  }
0x189: {  	v18 =	vld.idx.msk [tilespmem:v18+s30+$0x0], $0xffff;
	v22 =	vshll.u32 v26, $0x4;
	v19 =	vmax.f32 v19, v23  }
0x18a: {  	v22 =	vor.u32 v2, v22;
	v19 =	vmax.f32 v19, v24  }
0x18b: {  	v23 =	vor.u32 v3, v22;
	v19 =	vmax.f32 v19, v25  }
0x18c: {  	v24 =	vor.u32 v0, v22;
	v19 =	vmax.f32 v19, v20  }
0x18d: {  	v20 =	vor.u32 v4, v22;
	v19 =	vmax.f32 v19, v21  }
0x18e: {  	s14 =	simm.s32 $0x7000;
	v21 =	vor.u32 v5, v22;
	v18 =	vmax.f32 v19, v18  }
0x18f: {  	v19 =	vor.u32 v6, v22;
	[tilespmem:s14+$0x0] =	vst v18  }
0x190: {  	v18 =	vld.idx.msk [tilespmem:v23+s30+$0x0], $0xffff;
	v23 =	vor.u32 v7, v22  }
0x191: {  	v25 =	vor.u32 v9, v22;
	v24 =	vld.idx.msk [tilespmem:v24+s30+$0x0], $0xffff  }
0x192: {  	v26 =	vor.u32 v10, v22;
	v20 =	vld.idx.msk [tilespmem:v20+s30+$0x0], $0xffff  }
0x193: {  	v27 =	vor.u32 v8, v22;
	v21 =	vld.idx.msk [tilespmem:v21+s30+$0x0], $0xffff  }
0x194: {  	v61 =	vor.u32 v11, v22;
	v19 =	vld.idx.msk [tilespmem:v19+s30+$0x0], $0xffff  }
0x195: {  	v62 =	vor.u32 v12, v22;
	v23 =	vld.idx.msk [tilespmem:v23+s30+$0x0], $0xffff  }
0x196: {  	v63 =	vor.u32 v13, v22;
	v25 =	vld.idx.msk [tilespmem:v25+s30+$0x0], $0xffff;
	v18 =	vmax.f32 v24, v18  }
0x197: {  	v24 =	vld.idx.msk [tilespmem:v26+s30+$0x0], $0xffff;
	v26 =	vor.u32 v14, v22;
	v18 =	vmax.f32 v18, v20  }
0x198: {  	v27 =	vld.idx.msk [tilespmem:v27+s30+$0x0], $0xffff;
	v20 =	vor.u32 v15, v22;
	v18 =	vmax.f32 v18, v21  }
0x199: {  	v28 =	vld.idx.msk [tilespmem:v61+s30+$0x0], $0xffff;
	v21 =	vor.u32 v16, v22;
	v18 =	vmax.f32 v18, v19  }
0x19a: {  	v29 =	vld.idx.msk [tilespmem:v62+s30+$0x0], $0xffff;
	v22 =	vor.u32 v17, v22;
	v19 =	vmax.f32 v18, v23  }
0x19b: {  	v18 =	vld.idx.msk [tilespmem:v63+s30+$0x0], $0xffff;
	v23 =	vmax.f32 v19, v25  }
0x19c: {  	v19 =	vld.idx.msk [tilespmem:v26+s30+$0x0], $0xffff;
	v23 =	vmax.f32 v23, v24  }
0x19d: {  	s19 =	simm.s32 $0x20;
	v20 =	vld.idx.msk [tilespmem:v20+s30+$0x0], $0xffff;
	v23 =	vmax.f32 v23, v27  }
0x19e: {  	v21 =	vld.idx.msk [tilespmem:v21+s30+$0x0], $0xffff;
	v24 =	vmov s19;
	v25 =	vmax.f32 v23, v28  }
0x19f: {  	s15 =	simm.s32 $0x30;
	v22 =	vld.idx.msk [tilespmem:v22+s30+$0x0], $0xffff;
	v23 =	vshll.u32 v24, $0x4;
	v24 =	vmax.f32 v25, v29  }
.LBB2_10:
0x1a0: {  	p0 =	sne.s32 s15, $0x3F0;
	v23 =	vor.u32 v2, v23;
	v18 =	vmax.f32 v24, v18  }
0x1a1: {  	v24 =	vor.u32 v3, v23;
	v18 =	vmax.f32 v18, v19  }
0x1a2: {  	v19 =	vor.u32 v0, v23;
	v18 =	vmax.f32 v18, v20  }
0x1a3: {  	v20 =	vor.u32 v4, v23;
	v18 =	vmax.f32 v18, v21  }
0x1a4: {  	s14 =	sadd.s32 $0x10, s14;
	v21 =	vor.u32 v5, v23;
	v18 =	vmax.f32 v18, v22  }
0x1a5: {  	v22 =	vor.u32 v6, v23;
	[tilespmem:s14+$0x0] =	vst v18  }
0x1a6: {  	v18 =	vld.idx.msk [tilespmem:v24+s30+$0x0], $0xffff;
	v24 =	vor.u32 v7, v23  }
0x1a7: {  	v25 =	vor.u32 v9, v23;
	v19 =	vld.idx.msk [tilespmem:v19+s30+$0x0], $0xffff  }
0x1a8: {  	v26 =	vor.u32 v10, v23;
	v20 =	vld.idx.msk [tilespmem:v20+s30+$0x0], $0xffff  }
0x1a9: {  	v27 =	vor.u32 v8, v23;
	v21 =	vld.idx.msk [tilespmem:v21+s30+$0x0], $0xffff  }
0x1aa: {  	v28 =	vor.u32 v11, v23;
	v22 =	vld.idx.msk [tilespmem:v22+s30+$0x0], $0xffff  }
0x1ab: {  	v29 =	vor.u32 v12, v23;
	v24 =	vld.idx.msk [tilespmem:v24+s30+$0x0], $0xffff  }
0x1ac: {  	v30 =	vor.u32 v13, v23;
	v25 =	vld.idx.msk [tilespmem:v25+s30+$0x0], $0xffff  }
0x1ad: {  	v18 =	vmax.f32 v19, v18;
	v19 =	vor.u32 v14, v23;
	v26 =	vld.idx.msk [tilespmem:v26+s30+$0x0], $0xffff  }
0x1ae: {  	v18 =	vmax.f32 v18, v20;
	v20 =	vor.u32 v15, v23;
	v27 =	vld.idx.msk [tilespmem:v27+s30+$0x0], $0xffff  }
0x1af: {  	v18 =	vmax.f32 v18, v21;
	v21 =	vor.u32 v16, v23;
	v28 =	vld.idx.msk [tilespmem:v28+s30+$0x0], $0xffff  }
0x1b0: {  	v18 =	vmax.f32 v18, v22;
	v22 =	vor.u32 v17, v23;
	v29 =	vld.idx.msk [tilespmem:v29+s30+$0x0], $0xffff  }
0x1b1: {  	v23 =	vmax.f32 v18, v24;
	v18 =	vld.idx.msk [tilespmem:v30+s30+$0x0], $0xffff  }
.Ltmp4:
0x1b2: {  	v23 =	vmax.f32 v23, v25;
	v19 =	vld.idx.msk [tilespmem:v19+s30+$0x0], $0xffff;
	(pc) =	sbr.rel @p0 .LBB2_10-.Ltmp4, $4  }
0x1b3: {  	v23 =	vmax.f32 v23, v26;
	v20 =	vld.idx.msk [tilespmem:v20+s30+$0x0], $0xffff  }
0x1b4: {  	v23 =	vmax.f32 v23, v27;
	v21 =	vld.idx.msk [tilespmem:v21+s30+$0x0], $0xffff  }
0x1b5: {  	v24 =	vmov s15;
	v25 =	vmax.f32 v23, v28;
	v22 =	vld.idx.msk [tilespmem:v22+s30+$0x0], $0xffff  }
0x1b6: {  	s15 =	sadd.s32 $0x10, s15;
	v23 =	vshll.u32 v24, $0x4;
	v24 =	vmax.f32 v25, v29  }
0x1b7: {  	v23 =	vor.u32 v2, v23;
	v18 =	vmax.f32 v24, v18  }
0x1b8: {  	v24 =	vor.u32 v3, v23;
	v18 =	vmax.f32 v18, v19  }
0x1b9: {  	v19 =	vor.u32 v0, v23;
	v18 =	vmax.f32 v18, v20  }
0x1ba: {  	v20 =	vor.u32 v4, v23;
	v18 =	vmax.f32 v18, v21  }
0x1bb: {  	s14 =	sadd.s32 $0x10, s14;
	v21 =	vor.u32 v5, v23;
	v18 =	vmax.f32 v18, v22  }
0x1bc: {  	v22 =	vor.u32 v6, v23;
	[tilespmem:s14+$0x0] =	vst v18  }
0x1bd: {  	v18 =	vld.idx.msk [tilespmem:v24+s30+$0x0], $0xffff;
	v24 =	vor.u32 v7, v23  }
0x1be: {  	v25 =	vor.u32 v9, v23;
	v19 =	vld.idx.msk [tilespmem:v19+s30+$0x0], $0xffff  }
0x1bf: {  	v26 =	vor.u32 v10, v23;
	v20 =	vld.idx.msk [tilespmem:v20+s30+$0x0], $0xffff  }
0x1c0: {  	v27 =	vor.u32 v8, v23;
	v21 =	vld.idx.msk [tilespmem:v21+s30+$0x0], $0xffff  }
0x1c1: {  	v28 =	vor.u32 v11, v23;
	v22 =	vld.idx.msk [tilespmem:v22+s30+$0x0], $0xffff  }
0x1c2: {  	v29 =	vor.u32 v12, v23;
	v24 =	vld.idx.msk [tilespmem:v24+s30+$0x0], $0xffff  }
0x1c3: {  	v30 =	vor.u32 v13, v23;
	v25 =	vld.idx.msk [tilespmem:v25+s30+$0x0], $0xffff;
	v18 =	vmax.f32 v19, v18  }
0x1c4: {  	v19 =	vld.idx.msk [tilespmem:v26+s30+$0x0], $0xffff;
	v26 =	vor.u32 v14, v23;
	v18 =	vmax.f32 v18, v20  }
0x1c5: {  	v20 =	vld.idx.msk [tilespmem:v27+s30+$0x0], $0xffff;
	v27 =	vor.u32 v15, v23;
	v18 =	vmax.f32 v18, v21  }
0x1c6: {  	v56 =	vor.u32 v16, v23;
	v21 =	vld.idx.msk [tilespmem:v28+s30+$0x0], $0xffff;
	v18 =	vmax.f32 v18, v22  }
0x1c7: {  	v23 =	vor.u32 v17, v23;
	v22 =	vld.idx.msk [tilespmem:v29+s30+$0x0], $0xffff;
	v18 =	vmax.f32 v18, v24  }
0x1c8: {  	v24 =	vld.idx.msk [tilespmem:v30+s30+$0x0], $0xffff;
	v18 =	vmax.f32 v18, v25  }
0x1c9: {  	v25 =	vld.idx.msk [tilespmem:v26+s30+$0x0], $0xffff;
	v18 =	vmax.f32 v18, v19  }
0x1ca: {  	v19 =	vld.idx.msk [tilespmem:v27+s30+$0x0], $0xffff;
	v18 =	vmax.f32 v18, v20  }
0x1cb: {  	v20 =	vld.idx.msk [tilespmem:v56+s30+$0x0], $0xffff;
	v18 =	vmax.f32 v18, v21  }
0x1cc: {  	v21 =	vld.idx.msk [tilespmem:v23+s30+$0x0], $0xffff;
	v18 =	vmax.f32 v18, v22  }
0x1cd: {  	v18 =	vmax.f32 v18, v24  }
0x1ce: {  	s15 =	simm.s32 $0x0;
	v18 =	vmax.f32 v18, v25  }
0x1cf: {  	v18 =	vmax.f32 v18, v19;
	v19 =	vmov s15  }
0x1d0: {  	v18 =	vmax.f32 v18, v20;
	v19 =	vshll.u32 v19, $0x4  }
0x1d1: {  	s14 =	sadd.s32 $0x10, s14;
	v18 =	vmax.f32 v18, v21;
	v19 =	vor.u32 v2, v19  }
0x1d2: {  	[tilespmem:s14+$0x0] =	vst v18;
	s14 =	simm.s32 $0x7000;
	v18 =	vor.u32 v3, v19  }
0x1d3: {  	v20 =	vor.u32 v0, v19;
	[hbm4b:s9+s15] =	stream.linear.scatter [tilespmem:s14], [sflag:$0x3], $0x400, $0x38;
	[tilespmem:$0x1F400] =	vst v63  }
0x1d4: {  	v21 =	vor.u32 v4, v19;
	_ =	swait.ge [sflag:s11], $0x400  }
0x1d5: {  	v22 =	vor.u32 v5, v19;
	[sflag:s11] =	ssyncset.done $0x0  }
0x1d6: {  	v23 =	vor.u32 v6, v19;
	[sflag:s11] =	ssyncadd.s32 $0xFFFFFC00  }
0x1d7: {  	v24 =	vor.u32 v7, v19;
	v18 =	vld.idx.msk [tilespmem:v18+s31+$0x0], $0xffff  }
0x1d8: {  	v25 =	vor.u32 v9, v19;
	v20 =	vld.idx.msk [tilespmem:v20+s31+$0x0], $0xffff  }
0x1d9: {  	v26 =	vor.u32 v10, v19;
	v21 =	vld.idx.msk [tilespmem:v21+s31+$0x0], $0xffff  }
0x1da: {  	v27 =	vor.u32 v8, v19;
	v22 =	vld.idx.msk [tilespmem:v22+s31+$0x0], $0xffff  }
0x1db: {  	v57 =	vor.u32 v11, v19;
	v23 =	vld.idx.msk [tilespmem:v23+s31+$0x0], $0xffff  }
0x1dc: {  	v58 =	vor.u32 v12, v19;
	v24 =	vld.idx.msk [tilespmem:v24+s31+$0x0], $0xffff  }
0x1dd: {  	v59 =	vor.u32 v13, v19;
	v25 =	vld.idx.msk [tilespmem:v25+s31+$0x0], $0xffff;
	v18 =	vmax.f32 v20, v18  }
0x1de: {  	v20 =	vld.idx.msk [tilespmem:v26+s31+$0x0], $0xffff;
	v26 =	vor.u32 v14, v19;
	v18 =	vmax.f32 v18, v21  }
0x1df: {  	v21 =	vld.idx.msk [tilespmem:v27+s31+$0x0], $0xffff;
	v27 =	vor.u32 v15, v19;
	v18 =	vmax.f32 v18, v22  }
0x1e0: {  	v60 =	vor.u32 v16, v19;
	v22 =	vld.idx.msk [tilespmem:v57+s31+$0x0], $0xffff;
	v18 =	vmax.f32 v18, v23  }
0x1e1: {  	v19 =	vor.u32 v17, v19;
	v23 =	vld.idx.msk [tilespmem:v58+s31+$0x0], $0xffff;
	v18 =	vmax.f32 v18, v24  }
0x1e2: {  	v24 =	vld.idx.msk [tilespmem:v59+s31+$0x0], $0xffff;
	v18 =	vmax.f32 v18, v25  }
0x1e3: {  	v25 =	vld.idx.msk [tilespmem:v26+s31+$0x0], $0xffff;
	v18 =	vmax.f32 v18, v20  }
0x1e4: {  	s18 =	simm.s32 $0x10;
	v20 =	vld.idx.msk [tilespmem:v27+s31+$0x0], $0xffff;
	v18 =	vmax.f32 v18, v21  }
0x1e5: {  	v26 =	vmov s18;
	v21 =	vld.idx.msk [tilespmem:v60+s31+$0x0], $0xffff;
	v18 =	vmax.f32 v18, v22  }
0x1e6: {  	v19 =	vld.idx.msk [tilespmem:v19+s31+$0x0], $0xffff;
	v22 =	vshll.u32 v26, $0x4;
	v18 =	vmax.f32 v18, v23  }
0x1e7: {  	v22 =	vor.u32 v2, v22;
	v18 =	vmax.f32 v18, v24  }
0x1e8: {  	v23 =	vor.u32 v3, v22;
	v18 =	vmax.f32 v18, v25  }
0x1e9: {  	v24 =	vor.u32 v0, v22;
	v18 =	vmax.f32 v18, v20  }
0x1ea: {  	v20 =	vor.u32 v4, v22;
	v18 =	vmax.f32 v18, v21  }
0x1eb: {  	v21 =	vor.u32 v5, v22;
	v18 =	vmax.f32 v18, v19  }
0x1ec: {  	v19 =	vor.u32 v6, v22;
	[tilespmem:s14+$0x0] =	vst v18  }
0x1ed: {  	v18 =	vld.idx.msk [tilespmem:v23+s31+$0x0], $0xffff;
	v23 =	vor.u32 v7, v22  }
0x1ee: {  	v25 =	vor.u32 v9, v22;
	v24 =	vld.idx.msk [tilespmem:v24+s31+$0x0], $0xffff  }
0x1ef: {  	v26 =	vor.u32 v10, v22;
	v20 =	vld.idx.msk [tilespmem:v20+s31+$0x0], $0xffff  }
0x1f0: {  	v27 =	vor.u32 v8, v22;
	v21 =	vld.idx.msk [tilespmem:v21+s31+$0x0], $0xffff  }
0x1f1: {  	v61 =	vor.u32 v11, v22;
	v19 =	vld.idx.msk [tilespmem:v19+s31+$0x0], $0xffff  }
0x1f2: {  	v62 =	vor.u32 v12, v22;
	v23 =	vld.idx.msk [tilespmem:v23+s31+$0x0], $0xffff  }
0x1f3: {  	v63 =	vor.u32 v13, v22;
	v25 =	vld.idx.msk [tilespmem:v25+s31+$0x0], $0xffff;
	v18 =	vmax.f32 v24, v18  }
0x1f4: {  	v24 =	vld.idx.msk [tilespmem:v26+s31+$0x0], $0xffff;
	v26 =	vor.u32 v14, v22;
	v18 =	vmax.f32 v18, v20  }
0x1f5: {  	v27 =	vld.idx.msk [tilespmem:v27+s31+$0x0], $0xffff;
	v20 =	vor.u32 v15, v22;
	v18 =	vmax.f32 v18, v21  }
0x1f6: {  	v28 =	vld.idx.msk [tilespmem:v61+s31+$0x0], $0xffff;
	v21 =	vor.u32 v16, v22;
	v18 =	vmax.f32 v18, v19  }
0x1f7: {  	v29 =	vld.idx.msk [tilespmem:v62+s31+$0x0], $0xffff;
	v22 =	vor.u32 v17, v22;
	v19 =	vmax.f32 v18, v23  }
0x1f8: {  	v18 =	vld.idx.msk [tilespmem:v63+s31+$0x0], $0xffff;
	v23 =	vmax.f32 v19, v25  }
0x1f9: {  	v19 =	vld.idx.msk [tilespmem:v26+s31+$0x0], $0xffff;
	v23 =	vmax.f32 v23, v24  }
0x1fa: {  	s19 =	simm.s32 $0x20;
	v20 =	vld.idx.msk [tilespmem:v20+s31+$0x0], $0xffff;
	v23 =	vmax.f32 v23, v27  }
0x1fb: {  	v21 =	vld.idx.msk [tilespmem:v21+s31+$0x0], $0xffff;
	v24 =	vmov s19;
	v25 =	vmax.f32 v23, v28  }
0x1fc: {  	s15 =	simm.s32 $0x30;
	v22 =	vld.idx.msk [tilespmem:v22+s31+$0x0], $0xffff;
	v23 =	vshll.u32 v24, $0x4;
	v24 =	vmax.f32 v25, v29  }
.LBB2_12:
0x1fd: {  	p0 =	sne.s32 s15, $0x3F0;
	v23 =	vor.u32 v2, v23;
	v18 =	vmax.f32 v24, v18  }
0x1fe: {  	v24 =	vor.u32 v3, v23;
	v18 =	vmax.f32 v18, v19  }
0x1ff: {  	v19 =	vor.u32 v0, v23;
	v18 =	vmax.f32 v18, v20  }
0x200: {  	v20 =	vor.u32 v4, v23;
	v18 =	vmax.f32 v18, v21  }
0x201: {  	s14 =	sadd.s32 $0x10, s14;
	v21 =	vor.u32 v5, v23;
	v18 =	vmax.f32 v18, v22  }
0x202: {  	v22 =	vor.u32 v6, v23;
	[tilespmem:s14+$0x0] =	vst v18  }
0x203: {  	v18 =	vld.idx.msk [tilespmem:v24+s31+$0x0], $0xffff;
	v24 =	vor.u32 v7, v23  }
0x204: {  	v25 =	vor.u32 v9, v23;
	v19 =	vld.idx.msk [tilespmem:v19+s31+$0x0], $0xffff  }
0x205: {  	v26 =	vor.u32 v10, v23;
	v20 =	vld.idx.msk [tilespmem:v20+s31+$0x0], $0xffff  }
0x206: {  	v27 =	vor.u32 v8, v23;
	v21 =	vld.idx.msk [tilespmem:v21+s31+$0x0], $0xffff  }
0x207: {  	v28 =	vor.u32 v11, v23;
	v22 =	vld.idx.msk [tilespmem:v22+s31+$0x0], $0xffff  }
0x208: {  	v29 =	vor.u32 v12, v23;
	v24 =	vld.idx.msk [tilespmem:v24+s31+$0x0], $0xffff  }
0x209: {  	v30 =	vor.u32 v13, v23;
	v25 =	vld.idx.msk [tilespmem:v25+s31+$0x0], $0xffff  }
0x20a: {  	v18 =	vmax.f32 v19, v18;
	v19 =	vor.u32 v14, v23;
	v26 =	vld.idx.msk [tilespmem:v26+s31+$0x0], $0xffff  }
0x20b: {  	v18 =	vmax.f32 v18, v20;
	v20 =	vor.u32 v15, v23;
	v27 =	vld.idx.msk [tilespmem:v27+s31+$0x0], $0xffff  }
0x20c: {  	v18 =	vmax.f32 v18, v21;
	v21 =	vor.u32 v16, v23;
	v28 =	vld.idx.msk [tilespmem:v28+s31+$0x0], $0xffff  }
0x20d: {  	v18 =	vmax.f32 v18, v22;
	v22 =	vor.u32 v17, v23;
	v29 =	vld.idx.msk [tilespmem:v29+s31+$0x0], $0xffff  }
0x20e: {  	v23 =	vmax.f32 v18, v24;
	v18 =	vld.idx.msk [tilespmem:v30+s31+$0x0], $0xffff  }
.Ltmp5:
0x20f: {  	v23 =	vmax.f32 v23, v25;
	v19 =	vld.idx.msk [tilespmem:v19+s31+$0x0], $0xffff;
	(pc) =	sbr.rel @p0 .LBB2_12-.Ltmp5, $4  }
0x210: {  	v23 =	vmax.f32 v23, v26;
	v20 =	vld.idx.msk [tilespmem:v20+s31+$0x0], $0xffff  }
0x211: {  	v23 =	vmax.f32 v23, v27;
	v21 =	vld.idx.msk [tilespmem:v21+s31+$0x0], $0xffff  }
0x212: {  	v24 =	vmov s15;
	v25 =	vmax.f32 v23, v28;
	v22 =	vld.idx.msk [tilespmem:v22+s31+$0x0], $0xffff  }
0x213: {  	s15 =	sadd.s32 $0x10, s15;
	v23 =	vshll.u32 v24, $0x4;
	v24 =	vmax.f32 v25, v29  }
0x214: {  	v23 =	vor.u32 v2, v23;
	v18 =	vmax.f32 v24, v18  }
0x215: {  	v24 =	vor.u32 v3, v23;
	v18 =	vmax.f32 v18, v19  }
0x216: {  	v19 =	vor.u32 v0, v23;
	v18 =	vmax.f32 v18, v20  }
0x217: {  	v20 =	vor.u32 v4, v23;
	v18 =	vmax.f32 v18, v21  }
0x218: {  	s14 =	sadd.s32 $0x10, s14;
	v21 =	vor.u32 v5, v23;
	v18 =	vmax.f32 v18, v22  }
0x219: {  	v22 =	vor.u32 v6, v23;
	[tilespmem:s14+$0x0] =	vst v18  }
0x21a: {  	v18 =	vld.idx.msk [tilespmem:v24+s31+$0x0], $0xffff;
	v24 =	vor.u32 v7, v23  }
0x21b: {  	v25 =	vor.u32 v9, v23;
	v19 =	vld.idx.msk [tilespmem:v19+s31+$0x0], $0xffff  }
0x21c: {  	v26 =	vor.u32 v10, v23;
	v20 =	vld.idx.msk [tilespmem:v20+s31+$0x0], $0xffff  }
0x21d: {  	v27 =	vor.u32 v8, v23;
	v21 =	vld.idx.msk [tilespmem:v21+s31+$0x0], $0xffff  }
0x21e: {  	v28 =	vor.u32 v11, v23;
	v22 =	vld.idx.msk [tilespmem:v22+s31+$0x0], $0xffff  }
0x21f: {  	v29 =	vor.u32 v12, v23;
	v24 =	vld.idx.msk [tilespmem:v24+s31+$0x0], $0xffff  }
0x220: {  	v30 =	vor.u32 v13, v23;
	v25 =	vld.idx.msk [tilespmem:v25+s31+$0x0], $0xffff;
	v18 =	vmax.f32 v19, v18  }
0x221: {  	v19 =	vld.idx.msk [tilespmem:v26+s31+$0x0], $0xffff;
	v26 =	vor.u32 v14, v23;
	v18 =	vmax.f32 v18, v20  }
0x222: {  	v20 =	vld.idx.msk [tilespmem:v27+s31+$0x0], $0xffff;
	v27 =	vor.u32 v15, v23;
	v18 =	vmax.f32 v18, v21  }
0x223: {  	v56 =	vor.u32 v16, v23;
	v21 =	vld.idx.msk [tilespmem:v28+s31+$0x0], $0xffff;
	v18 =	vmax.f32 v18, v22  }
0x224: {  	v23 =	vor.u32 v17, v23;
	v22 =	vld.idx.msk [tilespmem:v29+s31+$0x0], $0xffff;
	v18 =	vmax.f32 v18, v24  }
0x225: {  	v24 =	vld.idx.msk [tilespmem:v30+s31+$0x0], $0xffff;
	v18 =	vmax.f32 v18, v25  }
0x226: {  	v25 =	vld.idx.msk [tilespmem:v26+s31+$0x0], $0xffff;
	v18 =	vmax.f32 v18, v19  }
0x227: {  	v19 =	vld.idx.msk [tilespmem:v27+s31+$0x0], $0xffff;
	v18 =	vmax.f32 v18, v20  }
0x228: {  	v20 =	vld.idx.msk [tilespmem:v56+s31+$0x0], $0xffff;
	v18 =	vmax.f32 v18, v21  }
0x229: {  	v21 =	vld.idx.msk [tilespmem:v23+s31+$0x0], $0xffff;
	v18 =	vmax.f32 v18, v22  }
0x22a: {  	v18 =	vmax.f32 v18, v24  }
0x22b: {  	s15 =	simm.s32 $0x0;
	v18 =	vmax.f32 v18, v25  }
0x22c: {  	v18 =	vmax.f32 v18, v19;
	v19 =	vmov s15  }
0x22d: {  	v18 =	vmax.f32 v18, v20;
	v19 =	vshll.u32 v19, $0x4  }
0x22e: {  	s14 =	sadd.s32 $0x10, s14;
	v18 =	vmax.f32 v18, v21;
	v19 =	vor.u32 v2, v19  }
0x22f: {  	s16 =	rddreg [dreg:$0x3];
	[tilespmem:s14+$0x0] =	vst v18;
	s14 =	simm.s32 $0x7000;
	v18 =	vor.u32 v3, v19  }
0x230: {  	v20 =	vor.u32 v0, v19;
	[hbm4b:s16+s15] =	stream.linear.scatter [tilespmem:s14], [sflag:$0x3], $0x400, $0x38;
	[tilespmem:$0x1F400] =	vst v63  }
0x231: {  	v21 =	vor.u32 v4, v19;
	_ =	swait.ge [sflag:s11], $0x400  }
0x232: {  	v22 =	vor.u32 v5, v19;
	[sflag:s11] =	ssyncset.done $0x0  }
0x233: {  	v23 =	vor.u32 v6, v19;
	[sflag:s11] =	ssyncadd.s32 $0xFFFFFC00  }
0x234: {  	v24 =	vor.u32 v7, v19;
	v18 =	vld.idx.msk [tilespmem:v18+s0+$0x0], $0xffff  }
0x235: {  	v25 =	vor.u32 v9, v19;
	v20 =	vld.idx.msk [tilespmem:v20+s0+$0x0], $0xffff  }
0x236: {  	v26 =	vor.u32 v10, v19;
	v21 =	vld.idx.msk [tilespmem:v21+s0+$0x0], $0xffff  }
0x237: {  	v27 =	vor.u32 v8, v19;
	v22 =	vld.idx.msk [tilespmem:v22+s0+$0x0], $0xffff  }
0x238: {  	v57 =	vor.u32 v11, v19;
	v23 =	vld.idx.msk [tilespmem:v23+s0+$0x0], $0xffff  }
0x239: {  	v58 =	vor.u32 v12, v19;
	v24 =	vld.idx.msk [tilespmem:v24+s0+$0x0], $0xffff  }
0x23a: {  	v59 =	vor.u32 v13, v19;
	v25 =	vld.idx.msk [tilespmem:v25+s0+$0x0], $0xffff;
	v18 =	vmax.f32 v20, v18  }
0x23b: {  	v20 =	vld.idx.msk [tilespmem:v26+s0+$0x0], $0xffff;
	v26 =	vor.u32 v14, v19;
	v18 =	vmax.f32 v18, v21  }
0x23c: {  	v21 =	vld.idx.msk [tilespmem:v27+s0+$0x0], $0xffff;
	v27 =	vor.u32 v15, v19;
	v18 =	vmax.f32 v18, v22  }
0x23d: {  	v60 =	vor.u32 v16, v19;
	v22 =	vld.idx.msk [tilespmem:v57+s0+$0x0], $0xffff;
	v18 =	vmax.f32 v18, v23  }
0x23e: {  	v19 =	vor.u32 v17, v19;
	v23 =	vld.idx.msk [tilespmem:v58+s0+$0x0], $0xffff;
	v18 =	vmax.f32 v18, v24  }
0x23f: {  	v24 =	vld.idx.msk [tilespmem:v59+s0+$0x0], $0xffff;
	v18 =	vmax.f32 v18, v25  }
0x240: {  	v25 =	vld.idx.msk [tilespmem:v26+s0+$0x0], $0xffff;
	v18 =	vmax.f32 v18, v20  }
0x241: {  	s18 =	simm.s32 $0x10;
	v20 =	vld.idx.msk [tilespmem:v27+s0+$0x0], $0xffff;
	v18 =	vmax.f32 v18, v21  }
0x242: {  	v26 =	vmov s18;
	v21 =	vld.idx.msk [tilespmem:v60+s0+$0x0], $0xffff;
	v18 =	vmax.f32 v18, v22  }
0x243: {  	v19 =	vld.idx.msk [tilespmem:v19+s0+$0x0], $0xffff;
	v22 =	vshll.u32 v26, $0x4;
	v18 =	vmax.f32 v18, v23  }
0x244: {  	v22 =	vor.u32 v2, v22;
	v18 =	vmax.f32 v18, v24  }
0x245: {  	v23 =	vor.u32 v3, v22;
	v18 =	vmax.f32 v18, v25  }
0x246: {  	v24 =	vor.u32 v0, v22;
	v18 =	vmax.f32 v18, v20  }
0x247: {  	v20 =	vor.u32 v4, v22;
	v18 =	vmax.f32 v18, v21  }
0x248: {  	v21 =	vor.u32 v5, v22;
	v18 =	vmax.f32 v18, v19  }
0x249: {  	v19 =	vor.u32 v6, v22;
	[tilespmem:s14+$0x0] =	vst v18  }
0x24a: {  	v18 =	vld.idx.msk [tilespmem:v23+s0+$0x0], $0xffff;
	v23 =	vor.u32 v7, v22  }
0x24b: {  	v25 =	vor.u32 v9, v22;
	v24 =	vld.idx.msk [tilespmem:v24+s0+$0x0], $0xffff  }
0x24c: {  	v26 =	vor.u32 v10, v22;
	v20 =	vld.idx.msk [tilespmem:v20+s0+$0x0], $0xffff  }
0x24d: {  	v27 =	vor.u32 v8, v22;
	v21 =	vld.idx.msk [tilespmem:v21+s0+$0x0], $0xffff  }
0x24e: {  	v61 =	vor.u32 v11, v22;
	v19 =	vld.idx.msk [tilespmem:v19+s0+$0x0], $0xffff  }
0x24f: {  	v62 =	vor.u32 v12, v22;
	v23 =	vld.idx.msk [tilespmem:v23+s0+$0x0], $0xffff  }
0x250: {  	v63 =	vor.u32 v13, v22;
	v25 =	vld.idx.msk [tilespmem:v25+s0+$0x0], $0xffff;
	v18 =	vmax.f32 v24, v18  }
0x251: {  	v24 =	vld.idx.msk [tilespmem:v26+s0+$0x0], $0xffff;
	v26 =	vor.u32 v14, v22;
	v18 =	vmax.f32 v18, v20  }
0x252: {  	v27 =	vld.idx.msk [tilespmem:v27+s0+$0x0], $0xffff;
	v20 =	vor.u32 v15, v22;
	v18 =	vmax.f32 v18, v21  }
0x253: {  	v28 =	vld.idx.msk [tilespmem:v61+s0+$0x0], $0xffff;
	v21 =	vor.u32 v16, v22;
	v18 =	vmax.f32 v18, v19  }
0x254: {  	v29 =	vld.idx.msk [tilespmem:v62+s0+$0x0], $0xffff;
	v22 =	vor.u32 v17, v22;
	v19 =	vmax.f32 v18, v23  }
0x255: {  	v18 =	vld.idx.msk [tilespmem:v63+s0+$0x0], $0xffff;
	v23 =	vmax.f32 v19, v25  }
0x256: {  	v19 =	vld.idx.msk [tilespmem:v26+s0+$0x0], $0xffff;
	v23 =	vmax.f32 v23, v24  }
0x257: {  	s19 =	simm.s32 $0x20;
	v20 =	vld.idx.msk [tilespmem:v20+s0+$0x0], $0xffff;
	v23 =	vmax.f32 v23, v27  }
0x258: {  	v21 =	vld.idx.msk [tilespmem:v21+s0+$0x0], $0xffff;
	v24 =	vmov s19;
	v25 =	vmax.f32 v23, v28  }
0x259: {  	s15 =	simm.s32 $0x30;
	v22 =	vld.idx.msk [tilespmem:v22+s0+$0x0], $0xffff;
	v23 =	vshll.u32 v24, $0x4;
	v24 =	vmax.f32 v25, v29  }
.LBB2_14:
0x25a: {  	p0 =	sne.s32 s15, $0x3F0;
	v23 =	vor.u32 v2, v23;
	v18 =	vmax.f32 v24, v18  }
0x25b: {  	v24 =	vor.u32 v3, v23;
	v18 =	vmax.f32 v18, v19  }
0x25c: {  	v19 =	vor.u32 v0, v23;
	v18 =	vmax.f32 v18, v20  }
0x25d: {  	v20 =	vor.u32 v4, v23;
	v18 =	vmax.f32 v18, v21  }
0x25e: {  	s14 =	sadd.s32 $0x10, s14;
	v21 =	vor.u32 v5, v23;
	v18 =	vmax.f32 v18, v22  }
0x25f: {  	v22 =	vor.u32 v6, v23;
	[tilespmem:s14+$0x0] =	vst v18  }
0x260: {  	v18 =	vld.idx.msk [tilespmem:v24+s0+$0x0], $0xffff;
	v24 =	vor.u32 v7, v23  }
0x261: {  	v25 =	vor.u32 v9, v23;
	v19 =	vld.idx.msk [tilespmem:v19+s0+$0x0], $0xffff  }
0x262: {  	v26 =	vor.u32 v10, v23;
	v20 =	vld.idx.msk [tilespmem:v20+s0+$0x0], $0xffff  }
0x263: {  	v27 =	vor.u32 v8, v23;
	v21 =	vld.idx.msk [tilespmem:v21+s0+$0x0], $0xffff  }
0x264: {  	v28 =	vor.u32 v11, v23;
	v22 =	vld.idx.msk [tilespmem:v22+s0+$0x0], $0xffff  }
0x265: {  	v29 =	vor.u32 v12, v23;
	v24 =	vld.idx.msk [tilespmem:v24+s0+$0x0], $0xffff  }
0x266: {  	v30 =	vor.u32 v13, v23;
	v25 =	vld.idx.msk [tilespmem:v25+s0+$0x0], $0xffff  }
0x267: {  	v18 =	vmax.f32 v19, v18;
	v19 =	vor.u32 v14, v23;
	v26 =	vld.idx.msk [tilespmem:v26+s0+$0x0], $0xffff  }
0x268: {  	v18 =	vmax.f32 v18, v20;
	v20 =	vor.u32 v15, v23;
	v27 =	vld.idx.msk [tilespmem:v27+s0+$0x0], $0xffff  }
0x269: {  	v18 =	vmax.f32 v18, v21;
	v21 =	vor.u32 v16, v23;
	v28 =	vld.idx.msk [tilespmem:v28+s0+$0x0], $0xffff  }
0x26a: {  	v18 =	vmax.f32 v18, v22;
	v22 =	vor.u32 v17, v23;
	v29 =	vld.idx.msk [tilespmem:v29+s0+$0x0], $0xffff  }
0x26b: {  	v23 =	vmax.f32 v18, v24;
	v18 =	vld.idx.msk [tilespmem:v30+s0+$0x0], $0xffff  }
.Ltmp6:
0x26c: {  	v23 =	vmax.f32 v23, v25;
	v19 =	vld.idx.msk [tilespmem:v19+s0+$0x0], $0xffff;
	(pc) =	sbr.rel @p0 .LBB2_14-.Ltmp6, $4  }
0x26d: {  	v23 =	vmax.f32 v23, v26;
	v20 =	vld.idx.msk [tilespmem:v20+s0+$0x0], $0xffff  }
0x26e: {  	v23 =	vmax.f32 v23, v27;
	v21 =	vld.idx.msk [tilespmem:v21+s0+$0x0], $0xffff  }
0x26f: {  	v24 =	vmov s15;
	v25 =	vmax.f32 v23, v28;
	v22 =	vld.idx.msk [tilespmem:v22+s0+$0x0], $0xffff  }
0x270: {  	s15 =	sadd.s32 $0x10, s15;
	v23 =	vshll.u32 v24, $0x4;
	v24 =	vmax.f32 v25, v29  }
0x271: {  	v23 =	vor.u32 v2, v23;
	v18 =	vmax.f32 v24, v18  }
0x272: {  	v24 =	vor.u32 v3, v23;
	v18 =	vmax.f32 v18, v19  }
0x273: {  	v19 =	vor.u32 v0, v23;
	v18 =	vmax.f32 v18, v20  }
0x274: {  	v20 =	vor.u32 v4, v23;
	v18 =	vmax.f32 v18, v21  }
0x275: {  	s14 =	sadd.s32 $0x10, s14;
	v21 =	vor.u32 v5, v23;
	v18 =	vmax.f32 v18, v22  }
0x276: {  	v22 =	vor.u32 v6, v23;
	[tilespmem:s14+$0x0] =	vst v18  }
0x277: {  	v18 =	vld.idx.msk [tilespmem:v24+s0+$0x0], $0xffff;
	v24 =	vor.u32 v7, v23  }
0x278: {  	v25 =	vor.u32 v9, v23;
	v19 =	vld.idx.msk [tilespmem:v19+s0+$0x0], $0xffff  }
0x279: {  	v26 =	vor.u32 v10, v23;
	v20 =	vld.idx.msk [tilespmem:v20+s0+$0x0], $0xffff  }
0x27a: {  	v27 =	vor.u32 v8, v23;
	v21 =	vld.idx.msk [tilespmem:v21+s0+$0x0], $0xffff  }
0x27b: {  	v28 =	vor.u32 v11, v23;
	v22 =	vld.idx.msk [tilespmem:v22+s0+$0x0], $0xffff  }
0x27c: {  	v29 =	vor.u32 v12, v23;
	v24 =	vld.idx.msk [tilespmem:v24+s0+$0x0], $0xffff  }
0x27d: {  	v30 =	vor.u32 v13, v23;
	v25 =	vld.idx.msk [tilespmem:v25+s0+$0x0], $0xffff;
	v18 =	vmax.f32 v19, v18  }
0x27e: {  	v19 =	vld.idx.msk [tilespmem:v26+s0+$0x0], $0xffff;
	v26 =	vor.u32 v14, v23;
	v18 =	vmax.f32 v18, v20  }
0x27f: {  	v20 =	vld.idx.msk [tilespmem:v27+s0+$0x0], $0xffff;
	v27 =	vor.u32 v15, v23;
	v18 =	vmax.f32 v18, v21  }
0x280: {  	v56 =	vor.u32 v16, v23;
	v21 =	vld.idx.msk [tilespmem:v28+s0+$0x0], $0xffff;
	v18 =	vmax.f32 v18, v22  }
0x281: {  	v23 =	vor.u32 v17, v23;
	v22 =	vld.idx.msk [tilespmem:v29+s0+$0x0], $0xffff;
	v18 =	vmax.f32 v18, v24  }
0x282: {  	v24 =	vld.idx.msk [tilespmem:v30+s0+$0x0], $0xffff;
	v18 =	vmax.f32 v18, v25  }
0x283: {  	v25 =	vld.idx.msk [tilespmem:v26+s0+$0x0], $0xffff;
	v18 =	vmax.f32 v18, v19  }
0x284: {  	v19 =	vld.idx.msk [tilespmem:v27+s0+$0x0], $0xffff;
	v18 =	vmax.f32 v18, v20  }
0x285: {  	v20 =	vld.idx.msk [tilespmem:v56+s0+$0x0], $0xffff;
	v18 =	vmax.f32 v18, v21  }
0x286: {  	v21 =	vld.idx.msk [tilespmem:v23+s0+$0x0], $0xffff;
	v18 =	vmax.f32 v18, v22  }
0x287: {  	v18 =	vmax.f32 v18, v24  }
0x288: {  	s15 =	simm.s32 $0x0;
	v18 =	vmax.f32 v18, v25  }
0x289: {  	v18 =	vmax.f32 v18, v19;
	v19 =	vmov s15  }
0x28a: {  	v18 =	vmax.f32 v18, v20;
	v19 =	vshll.u32 v19, $0x4  }
0x28b: {  	s14 =	sadd.s32 $0x10, s14;
	v18 =	vmax.f32 v18, v21;
	v19 =	vor.u32 v2, v19  }
0x28c: {  	s16 =	rddreg [dreg:$0x4];
	[tilespmem:s14+$0x0] =	vst v18;
	s14 =	simm.s32 $0x7000;
	v18 =	vor.u32 v3, v19  }
0x28d: {  	v20 =	vor.u32 v0, v19;
	[hbm4b:s16+s15] =	stream.linear.scatter [tilespmem:s14], [sflag:$0x3], $0x400, $0x38;
	[tilespmem:$0x1F400] =	vst v63  }
0x28e: {  	v21 =	vor.u32 v4, v19;
	_ =	swait.ge [sflag:s11], $0x400  }
0x28f: {  	v22 =	vor.u32 v5, v19;
	[sflag:s11] =	ssyncset.done $0x0  }
0x290: {  	v23 =	vor.u32 v6, v19;
	[sflag:s11] =	ssyncadd.s32 $0xFFFFFC00  }
0x291: {  	v24 =	vor.u32 v7, v19;
	v18 =	vld.idx.msk [tilespmem:v18+s1+$0x0], $0xffff  }
0x292: {  	v25 =	vor.u32 v9, v19;
	v20 =	vld.idx.msk [tilespmem:v20+s1+$0x0], $0xffff  }
0x293: {  	v26 =	vor.u32 v10, v19;
	v21 =	vld.idx.msk [tilespmem:v21+s1+$0x0], $0xffff  }
0x294: {  	v27 =	vor.u32 v8, v19;
	v22 =	vld.idx.msk [tilespmem:v22+s1+$0x0], $0xffff  }
0x295: {  	v57 =	vor.u32 v11, v19;
	v23 =	vld.idx.msk [tilespmem:v23+s1+$0x0], $0xffff  }
0x296: {  	v58 =	vor.u32 v12, v19;
	v24 =	vld.idx.msk [tilespmem:v24+s1+$0x0], $0xffff  }
0x297: {  	v59 =	vor.u32 v13, v19;
	v25 =	vld.idx.msk [tilespmem:v25+s1+$0x0], $0xffff;
	v18 =	vmax.f32 v20, v18  }
0x298: {  	v20 =	vld.idx.msk [tilespmem:v26+s1+$0x0], $0xffff;
	v26 =	vor.u32 v14, v19;
	v18 =	vmax.f32 v18, v21  }
0x299: {  	v21 =	vld.idx.msk [tilespmem:v27+s1+$0x0], $0xffff;
	v27 =	vor.u32 v15, v19;
	v18 =	vmax.f32 v18, v22  }
0x29a: {  	v60 =	vor.u32 v16, v19;
	v22 =	vld.idx.msk [tilespmem:v57+s1+$0x0], $0xffff;
	v18 =	vmax.f32 v18, v23  }
0x29b: {  	v19 =	vor.u32 v17, v19;
	v23 =	vld.idx.msk [tilespmem:v58+s1+$0x0], $0xffff;
	v18 =	vmax.f32 v18, v24  }
0x29c: {  	v24 =	vld.idx.msk [tilespmem:v59+s1+$0x0], $0xffff;
	v18 =	vmax.f32 v18, v25  }
0x29d: {  	v25 =	vld.idx.msk [tilespmem:v26+s1+$0x0], $0xffff;
	v18 =	vmax.f32 v18, v20  }
0x29e: {  	s18 =	simm.s32 $0x10;
	v20 =	vld.idx.msk [tilespmem:v27+s1+$0x0], $0xffff;
	v18 =	vmax.f32 v18, v21  }
0x29f: {  	v26 =	vmov s18;
	v21 =	vld.idx.msk [tilespmem:v60+s1+$0x0], $0xffff;
	v18 =	vmax.f32 v18, v22  }
0x2a0: {  	v19 =	vld.idx.msk [tilespmem:v19+s1+$0x0], $0xffff;
	v22 =	vshll.u32 v26, $0x4;
	v18 =	vmax.f32 v18, v23  }
0x2a1: {  	v22 =	vor.u32 v2, v22;
	v18 =	vmax.f32 v18, v24  }
0x2a2: {  	v23 =	vor.u32 v3, v22;
	v18 =	vmax.f32 v18, v25  }
0x2a3: {  	v24 =	vor.u32 v0, v22;
	v18 =	vmax.f32 v18, v20  }
0x2a4: {  	v20 =	vor.u32 v4, v22;
	v18 =	vmax.f32 v18, v21  }
0x2a5: {  	v21 =	vor.u32 v5, v22;
	v18 =	vmax.f32 v18, v19  }
0x2a6: {  	v19 =	vor.u32 v6, v22;
	[tilespmem:s14+$0x0] =	vst v18  }
0x2a7: {  	v18 =	vld.idx.msk [tilespmem:v23+s1+$0x0], $0xffff;
	v23 =	vor.u32 v7, v22  }
0x2a8: {  	v25 =	vor.u32 v9, v22;
	v24 =	vld.idx.msk [tilespmem:v24+s1+$0x0], $0xffff  }
0x2a9: {  	v26 =	vor.u32 v10, v22;
	v20 =	vld.idx.msk [tilespmem:v20+s1+$0x0], $0xffff  }
0x2aa: {  	v27 =	vor.u32 v8, v22;
	v21 =	vld.idx.msk [tilespmem:v21+s1+$0x0], $0xffff  }
0x2ab: {  	v61 =	vor.u32 v11, v22;
	v19 =	vld.idx.msk [tilespmem:v19+s1+$0x0], $0xffff  }
0x2ac: {  	v62 =	vor.u32 v12, v22;
	v23 =	vld.idx.msk [tilespmem:v23+s1+$0x0], $0xffff  }
0x2ad: {  	v63 =	vor.u32 v13, v22;
	v25 =	vld.idx.msk [tilespmem:v25+s1+$0x0], $0xffff;
	v18 =	vmax.f32 v24, v18  }
0x2ae: {  	v24 =	vld.idx.msk [tilespmem:v26+s1+$0x0], $0xffff;
	v26 =	vor.u32 v14, v22;
	v18 =	vmax.f32 v18, v20  }
0x2af: {  	v27 =	vld.idx.msk [tilespmem:v27+s1+$0x0], $0xffff;
	v20 =	vor.u32 v15, v22;
	v18 =	vmax.f32 v18, v21  }
0x2b0: {  	v28 =	vld.idx.msk [tilespmem:v61+s1+$0x0], $0xffff;
	v21 =	vor.u32 v16, v22;
	v18 =	vmax.f32 v18, v19  }
0x2b1: {  	v29 =	vld.idx.msk [tilespmem:v62+s1+$0x0], $0xffff;
	v22 =	vor.u32 v17, v22;
	v19 =	vmax.f32 v18, v23  }
0x2b2: {  	v18 =	vld.idx.msk [tilespmem:v63+s1+$0x0], $0xffff;
	v23 =	vmax.f32 v19, v25  }
0x2b3: {  	v19 =	vld.idx.msk [tilespmem:v26+s1+$0x0], $0xffff;
	v23 =	vmax.f32 v23, v24  }
0x2b4: {  	s19 =	simm.s32 $0x20;
	v20 =	vld.idx.msk [tilespmem:v20+s1+$0x0], $0xffff;
	v23 =	vmax.f32 v23, v27  }
0x2b5: {  	v21 =	vld.idx.msk [tilespmem:v21+s1+$0x0], $0xffff;
	v24 =	vmov s19;
	v25 =	vmax.f32 v23, v28  }
0x2b6: {  	s15 =	simm.s32 $0x30;
	v22 =	vld.idx.msk [tilespmem:v22+s1+$0x0], $0xffff;
	v23 =	vshll.u32 v24, $0x4;
	v24 =	vmax.f32 v25, v29  }
.LBB2_16:
0x2b7: {  	p0 =	sne.s32 s15, $0x3F0;
	v23 =	vor.u32 v2, v23;
	v18 =	vmax.f32 v24, v18  }
0x2b8: {  	v24 =	vor.u32 v3, v23;
	v18 =	vmax.f32 v18, v19  }
0x2b9: {  	v19 =	vor.u32 v0, v23;
	v18 =	vmax.f32 v18, v20  }
0x2ba: {  	v20 =	vor.u32 v4, v23;
	v18 =	vmax.f32 v18, v21  }
0x2bb: {  	s14 =	sadd.s32 $0x10, s14;
	v21 =	vor.u32 v5, v23;
	v18 =	vmax.f32 v18, v22  }
0x2bc: {  	v22 =	vor.u32 v6, v23;
	[tilespmem:s14+$0x0] =	vst v18  }
0x2bd: {  	v18 =	vld.idx.msk [tilespmem:v24+s1+$0x0], $0xffff;
	v24 =	vor.u32 v7, v23  }
0x2be: {  	v25 =	vor.u32 v9, v23;
	v19 =	vld.idx.msk [tilespmem:v19+s1+$0x0], $0xffff  }
0x2bf: {  	v26 =	vor.u32 v10, v23;
	v20 =	vld.idx.msk [tilespmem:v20+s1+$0x0], $0xffff  }
0x2c0: {  	v27 =	vor.u32 v8, v23;
	v21 =	vld.idx.msk [tilespmem:v21+s1+$0x0], $0xffff  }
0x2c1: {  	v28 =	vor.u32 v11, v23;
	v22 =	vld.idx.msk [tilespmem:v22+s1+$0x0], $0xffff  }
0x2c2: {  	v29 =	vor.u32 v12, v23;
	v24 =	vld.idx.msk [tilespmem:v24+s1+$0x0], $0xffff  }
0x2c3: {  	v30 =	vor.u32 v13, v23;
	v25 =	vld.idx.msk [tilespmem:v25+s1+$0x0], $0xffff  }
0x2c4: {  	v18 =	vmax.f32 v19, v18;
	v19 =	vor.u32 v14, v23;
	v26 =	vld.idx.msk [tilespmem:v26+s1+$0x0], $0xffff  }
0x2c5: {  	v18 =	vmax.f32 v18, v20;
	v20 =	vor.u32 v15, v23;
	v27 =	vld.idx.msk [tilespmem:v27+s1+$0x0], $0xffff  }
0x2c6: {  	v18 =	vmax.f32 v18, v21;
	v21 =	vor.u32 v16, v23;
	v28 =	vld.idx.msk [tilespmem:v28+s1+$0x0], $0xffff  }
0x2c7: {  	v18 =	vmax.f32 v18, v22;
	v22 =	vor.u32 v17, v23;
	v29 =	vld.idx.msk [tilespmem:v29+s1+$0x0], $0xffff  }
0x2c8: {  	v23 =	vmax.f32 v18, v24;
	v18 =	vld.idx.msk [tilespmem:v30+s1+$0x0], $0xffff  }
.Ltmp7:
0x2c9: {  	v23 =	vmax.f32 v23, v25;
	v19 =	vld.idx.msk [tilespmem:v19+s1+$0x0], $0xffff;
	(pc) =	sbr.rel @p0 .LBB2_16-.Ltmp7, $4  }
0x2ca: {  	v23 =	vmax.f32 v23, v26;
	v20 =	vld.idx.msk [tilespmem:v20+s1+$0x0], $0xffff  }
0x2cb: {  	v23 =	vmax.f32 v23, v27;
	v21 =	vld.idx.msk [tilespmem:v21+s1+$0x0], $0xffff  }
0x2cc: {  	v24 =	vmov s15;
	v25 =	vmax.f32 v23, v28;
	v22 =	vld.idx.msk [tilespmem:v22+s1+$0x0], $0xffff  }
0x2cd: {  	s15 =	sadd.s32 $0x10, s15;
	v23 =	vshll.u32 v24, $0x4;
	v24 =	vmax.f32 v25, v29  }
0x2ce: {  	v23 =	vor.u32 v2, v23;
	v18 =	vmax.f32 v24, v18  }
0x2cf: {  	v24 =	vor.u32 v3, v23;
	v18 =	vmax.f32 v18, v19  }
0x2d0: {  	v19 =	vor.u32 v0, v23;
	v18 =	vmax.f32 v18, v20  }
0x2d1: {  	v20 =	vor.u32 v4, v23;
	v18 =	vmax.f32 v18, v21  }
0x2d2: {  	s14 =	sadd.s32 $0x10, s14;
	v21 =	vor.u32 v5, v23;
	v18 =	vmax.f32 v18, v22  }
0x2d3: {  	v22 =	vor.u32 v6, v23;
	[tilespmem:s14+$0x0] =	vst v18  }
0x2d4: {  	v18 =	vld.idx.msk [tilespmem:v24+s1+$0x0], $0xffff;
	v24 =	vor.u32 v7, v23  }
0x2d5: {  	v25 =	vor.u32 v9, v23;
	v19 =	vld.idx.msk [tilespmem:v19+s1+$0x0], $0xffff  }
0x2d6: {  	v26 =	vor.u32 v10, v23;
	v20 =	vld.idx.msk [tilespmem:v20+s1+$0x0], $0xffff  }
0x2d7: {  	v27 =	vor.u32 v8, v23;
	v21 =	vld.idx.msk [tilespmem:v21+s1+$0x0], $0xffff  }
0x2d8: {  	v28 =	vor.u32 v11, v23;
	v22 =	vld.idx.msk [tilespmem:v22+s1+$0x0], $0xffff  }
0x2d9: {  	v29 =	vor.u32 v12, v23;
	v24 =	vld.idx.msk [tilespmem:v24+s1+$0x0], $0xffff  }
0x2da: {  	v30 =	vor.u32 v13, v23;
	v25 =	vld.idx.msk [tilespmem:v25+s1+$0x0], $0xffff;
	v18 =	vmax.f32 v19, v18  }
0x2db: {  	v19 =	vld.idx.msk [tilespmem:v26+s1+$0x0], $0xffff;
	v26 =	vor.u32 v14, v23;
	v18 =	vmax.f32 v18, v20  }
0x2dc: {  	v20 =	vld.idx.msk [tilespmem:v27+s1+$0x0], $0xffff;
	v27 =	vor.u32 v15, v23;
	v18 =	vmax.f32 v18, v21  }
0x2dd: {  	v56 =	vor.u32 v16, v23;
	v21 =	vld.idx.msk [tilespmem:v28+s1+$0x0], $0xffff;
	v18 =	vmax.f32 v18, v22  }
0x2de: {  	v23 =	vor.u32 v17, v23;
	v22 =	vld.idx.msk [tilespmem:v29+s1+$0x0], $0xffff;
	v18 =	vmax.f32 v18, v24  }
0x2df: {  	v24 =	vld.idx.msk [tilespmem:v30+s1+$0x0], $0xffff;
	v18 =	vmax.f32 v18, v25  }
0x2e0: {  	v25 =	vld.idx.msk [tilespmem:v26+s1+$0x0], $0xffff;
	v18 =	vmax.f32 v18, v19  }
0x2e1: {  	v19 =	vld.idx.msk [tilespmem:v27+s1+$0x0], $0xffff;
	v18 =	vmax.f32 v18, v20  }
0x2e2: {  	v20 =	vld.idx.msk [tilespmem:v56+s1+$0x0], $0xffff;
	v18 =	vmax.f32 v18, v21  }
0x2e3: {  	v21 =	vld.idx.msk [tilespmem:v23+s1+$0x0], $0xffff;
	v18 =	vmax.f32 v18, v22  }
0x2e4: {  	v18 =	vmax.f32 v18, v24  }
0x2e5: {  	s15 =	simm.s32 $0x0;
	v18 =	vmax.f32 v18, v25  }
0x2e6: {  	v18 =	vmax.f32 v18, v19;
	v19 =	vmov s15  }
0x2e7: {  	v18 =	vmax.f32 v18, v20;
	v19 =	vshll.u32 v19, $0x4  }
0x2e8: {  	s14 =	sadd.s32 $0x10, s14;
	v18 =	vmax.f32 v18, v21;
	v19 =	vor.u32 v2, v19  }
0x2e9: {  	s16 =	rddreg [dreg:$0x5];
	[tilespmem:s14+$0x0] =	vst v18;
	s14 =	simm.s32 $0x7000;
	v18 =	vor.u32 v3, v19  }
0x2ea: {  	v20 =	vor.u32 v0, v19;
	[hbm4b:s16+s15] =	stream.linear.scatter [tilespmem:s14], [sflag:$0x3], $0x400, $0x38;
	[tilespmem:$0x1F400] =	vst v63  }
0x2eb: {  	v21 =	vor.u32 v4, v19;
	_ =	swait.ge [sflag:s11], $0x400  }
0x2ec: {  	v22 =	vor.u32 v5, v19;
	[sflag:s11] =	ssyncset.done $0x0  }
0x2ed: {  	v23 =	vor.u32 v6, v19;
	[sflag:s11] =	ssyncadd.s32 $0xFFFFFC00  }
0x2ee: {  	v24 =	vor.u32 v7, v19;
	v18 =	vld.idx.msk [tilespmem:v18+s2+$0x0], $0xffff  }
0x2ef: {  	v25 =	vor.u32 v9, v19;
	v20 =	vld.idx.msk [tilespmem:v20+s2+$0x0], $0xffff  }
0x2f0: {  	v26 =	vor.u32 v10, v19;
	v21 =	vld.idx.msk [tilespmem:v21+s2+$0x0], $0xffff  }
0x2f1: {  	v27 =	vor.u32 v8, v19;
	v22 =	vld.idx.msk [tilespmem:v22+s2+$0x0], $0xffff  }
0x2f2: {  	v57 =	vor.u32 v11, v19;
	v23 =	vld.idx.msk [tilespmem:v23+s2+$0x0], $0xffff  }
0x2f3: {  	v58 =	vor.u32 v12, v19;
	v24 =	vld.idx.msk [tilespmem:v24+s2+$0x0], $0xffff  }
0x2f4: {  	v59 =	vor.u32 v13, v19;
	v25 =	vld.idx.msk [tilespmem:v25+s2+$0x0], $0xffff;
	v18 =	vmax.f32 v20, v18  }
0x2f5: {  	v20 =	vld.idx.msk [tilespmem:v26+s2+$0x0], $0xffff;
	v26 =	vor.u32 v14, v19;
	v18 =	vmax.f32 v18, v21  }
0x2f6: {  	v21 =	vld.idx.msk [tilespmem:v27+s2+$0x0], $0xffff;
	v27 =	vor.u32 v15, v19;
	v18 =	vmax.f32 v18, v22  }
0x2f7: {  	v60 =	vor.u32 v16, v19;
	v22 =	vld.idx.msk [tilespmem:v57+s2+$0x0], $0xffff;
	v18 =	vmax.f32 v18, v23  }
0x2f8: {  	v19 =	vor.u32 v17, v19;
	v23 =	vld.idx.msk [tilespmem:v58+s2+$0x0], $0xffff;
	v18 =	vmax.f32 v18, v24  }
0x2f9: {  	v24 =	vld.idx.msk [tilespmem:v59+s2+$0x0], $0xffff;
	v18 =	vmax.f32 v18, v25  }
0x2fa: {  	v25 =	vld.idx.msk [tilespmem:v26+s2+$0x0], $0xffff;
	v18 =	vmax.f32 v18, v20  }
0x2fb: {  	s18 =	simm.s32 $0x10;
	v20 =	vld.idx.msk [tilespmem:v27+s2+$0x0], $0xffff;
	v18 =	vmax.f32 v18, v21  }
0x2fc: {  	v26 =	vmov s18;
	v21 =	vld.idx.msk [tilespmem:v60+s2+$0x0], $0xffff;
	v18 =	vmax.f32 v18, v22  }
0x2fd: {  	v19 =	vld.idx.msk [tilespmem:v19+s2+$0x0], $0xffff;
	v22 =	vshll.u32 v26, $0x4;
	v18 =	vmax.f32 v18, v23  }
0x2fe: {  	v22 =	vor.u32 v2, v22;
	v18 =	vmax.f32 v18, v24  }
0x2ff: {  	v23 =	vor.u32 v3, v22;
	v18 =	vmax.f32 v18, v25  }
0x300: {  	v24 =	vor.u32 v0, v22;
	v18 =	vmax.f32 v18, v20  }
0x301: {  	v20 =	vor.u32 v4, v22;
	v18 =	vmax.f32 v18, v21  }
0x302: {  	v21 =	vor.u32 v5, v22;
	v18 =	vmax.f32 v18, v19  }
0x303: {  	v19 =	vor.u32 v6, v22;
	[tilespmem:s14+$0x0] =	vst v18  }
0x304: {  	v18 =	vld.idx.msk [tilespmem:v23+s2+$0x0], $0xffff;
	v23 =	vor.u32 v7, v22  }
0x305: {  	v25 =	vor.u32 v9, v22;
	v24 =	vld.idx.msk [tilespmem:v24+s2+$0x0], $0xffff  }
0x306: {  	v26 =	vor.u32 v10, v22;
	v20 =	vld.idx.msk [tilespmem:v20+s2+$0x0], $0xffff  }
0x307: {  	v27 =	vor.u32 v8, v22;
	v21 =	vld.idx.msk [tilespmem:v21+s2+$0x0], $0xffff  }
0x308: {  	v61 =	vor.u32 v11, v22;
	v19 =	vld.idx.msk [tilespmem:v19+s2+$0x0], $0xffff  }
0x309: {  	v62 =	vor.u32 v12, v22;
	v23 =	vld.idx.msk [tilespmem:v23+s2+$0x0], $0xffff  }
0x30a: {  	v63 =	vor.u32 v13, v22;
	v25 =	vld.idx.msk [tilespmem:v25+s2+$0x0], $0xffff;
	v18 =	vmax.f32 v24, v18  }
0x30b: {  	v24 =	vld.idx.msk [tilespmem:v26+s2+$0x0], $0xffff;
	v26 =	vor.u32 v14, v22;
	v18 =	vmax.f32 v18, v20  }
0x30c: {  	v27 =	vld.idx.msk [tilespmem:v27+s2+$0x0], $0xffff;
	v20 =	vor.u32 v15, v22;
	v18 =	vmax.f32 v18, v21  }
0x30d: {  	v28 =	vld.idx.msk [tilespmem:v61+s2+$0x0], $0xffff;
	v21 =	vor.u32 v16, v22;
	v18 =	vmax.f32 v18, v19  }
0x30e: {  	v29 =	vld.idx.msk [tilespmem:v62+s2+$0x0], $0xffff;
	v22 =	vor.u32 v17, v22;
	v19 =	vmax.f32 v18, v23  }
0x30f: {  	v18 =	vld.idx.msk [tilespmem:v63+s2+$0x0], $0xffff;
	v23 =	vmax.f32 v19, v25  }
0x310: {  	v19 =	vld.idx.msk [tilespmem:v26+s2+$0x0], $0xffff;
	v23 =	vmax.f32 v23, v24  }
0x311: {  	s19 =	simm.s32 $0x20;
	v20 =	vld.idx.msk [tilespmem:v20+s2+$0x0], $0xffff;
	v23 =	vmax.f32 v23, v27  }
0x312: {  	v21 =	vld.idx.msk [tilespmem:v21+s2+$0x0], $0xffff;
	v24 =	vmov s19;
	v25 =	vmax.f32 v23, v28  }
0x313: {  	s15 =	simm.s32 $0x30;
	v22 =	vld.idx.msk [tilespmem:v22+s2+$0x0], $0xffff;
	v23 =	vshll.u32 v24, $0x4;
	v24 =	vmax.f32 v25, v29  }
.LBB2_18:
0x314: {  	p0 =	sne.s32 s15, $0x3F0;
	v23 =	vor.u32 v2, v23;
	v18 =	vmax.f32 v24, v18  }
0x315: {  	v24 =	vor.u32 v3, v23;
	v18 =	vmax.f32 v18, v19  }
0x316: {  	v19 =	vor.u32 v0, v23;
	v18 =	vmax.f32 v18, v20  }
0x317: {  	v20 =	vor.u32 v4, v23;
	v18 =	vmax.f32 v18, v21  }
0x318: {  	s14 =	sadd.s32 $0x10, s14;
	v21 =	vor.u32 v5, v23;
	v18 =	vmax.f32 v18, v22  }
0x319: {  	v22 =	vor.u32 v6, v23;
	[tilespmem:s14+$0x0] =	vst v18  }
0x31a: {  	v18 =	vld.idx.msk [tilespmem:v24+s2+$0x0], $0xffff;
	v24 =	vor.u32 v7, v23  }
0x31b: {  	v25 =	vor.u32 v9, v23;
	v19 =	vld.idx.msk [tilespmem:v19+s2+$0x0], $0xffff  }
0x31c: {  	v26 =	vor.u32 v10, v23;
	v20 =	vld.idx.msk [tilespmem:v20+s2+$0x0], $0xffff  }
0x31d: {  	v27 =	vor.u32 v8, v23;
	v21 =	vld.idx.msk [tilespmem:v21+s2+$0x0], $0xffff  }
0x31e: {  	v28 =	vor.u32 v11, v23;
	v22 =	vld.idx.msk [tilespmem:v22+s2+$0x0], $0xffff  }
0x31f: {  	v29 =	vor.u32 v12, v23;
	v24 =	vld.idx.msk [tilespmem:v24+s2+$0x0], $0xffff  }
0x320: {  	v30 =	vor.u32 v13, v23;
	v25 =	vld.idx.msk [tilespmem:v25+s2+$0x0], $0xffff  }
0x321: {  	v18 =	vmax.f32 v19, v18;
	v19 =	vor.u32 v14, v23;
	v26 =	vld.idx.msk [tilespmem:v26+s2+$0x0], $0xffff  }
0x322: {  	v18 =	vmax.f32 v18, v20;
	v20 =	vor.u32 v15, v23;
	v27 =	vld.idx.msk [tilespmem:v27+s2+$0x0], $0xffff  }
0x323: {  	v18 =	vmax.f32 v18, v21;
	v21 =	vor.u32 v16, v23;
	v28 =	vld.idx.msk [tilespmem:v28+s2+$0x0], $0xffff  }
0x324: {  	v18 =	vmax.f32 v18, v22;
	v22 =	vor.u32 v17, v23;
	v29 =	vld.idx.msk [tilespmem:v29+s2+$0x0], $0xffff  }
0x325: {  	v23 =	vmax.f32 v18, v24;
	v18 =	vld.idx.msk [tilespmem:v30+s2+$0x0], $0xffff  }
.Ltmp8:
0x326: {  	v23 =	vmax.f32 v23, v25;
	v19 =	vld.idx.msk [tilespmem:v19+s2+$0x0], $0xffff;
	(pc) =	sbr.rel @p0 .LBB2_18-.Ltmp8, $4  }
0x327: {  	v23 =	vmax.f32 v23, v26;
	v20 =	vld.idx.msk [tilespmem:v20+s2+$0x0], $0xffff  }
0x328: {  	v23 =	vmax.f32 v23, v27;
	v21 =	vld.idx.msk [tilespmem:v21+s2+$0x0], $0xffff  }
0x329: {  	v24 =	vmov s15;
	v25 =	vmax.f32 v23, v28;
	v22 =	vld.idx.msk [tilespmem:v22+s2+$0x0], $0xffff  }
0x32a: {  	s15 =	sadd.s32 $0x10, s15;
	v23 =	vshll.u32 v24, $0x4;
	v24 =	vmax.f32 v25, v29  }
0x32b: {  	v23 =	vor.u32 v2, v23;
	v18 =	vmax.f32 v24, v18  }
0x32c: {  	v24 =	vor.u32 v3, v23;
	v18 =	vmax.f32 v18, v19  }
0x32d: {  	v19 =	vor.u32 v0, v23;
	v18 =	vmax.f32 v18, v20  }
0x32e: {  	v20 =	vor.u32 v4, v23;
	v18 =	vmax.f32 v18, v21  }
0x32f: {  	s14 =	sadd.s32 $0x10, s14;
	v21 =	vor.u32 v5, v23;
	v18 =	vmax.f32 v18, v22  }
0x330: {  	v22 =	vor.u32 v6, v23;
	[tilespmem:s14+$0x0] =	vst v18  }
0x331: {  	v18 =	vld.idx.msk [tilespmem:v24+s2+$0x0], $0xffff;
	v24 =	vor.u32 v7, v23  }
0x332: {  	v25 =	vor.u32 v9, v23;
	v19 =	vld.idx.msk [tilespmem:v19+s2+$0x0], $0xffff  }
0x333: {  	v26 =	vor.u32 v10, v23;
	v20 =	vld.idx.msk [tilespmem:v20+s2+$0x0], $0xffff  }
0x334: {  	v27 =	vor.u32 v8, v23;
	v21 =	vld.idx.msk [tilespmem:v21+s2+$0x0], $0xffff  }
0x335: {  	v28 =	vor.u32 v11, v23;
	v22 =	vld.idx.msk [tilespmem:v22+s2+$0x0], $0xffff  }
0x336: {  	v29 =	vor.u32 v12, v23;
	v24 =	vld.idx.msk [tilespmem:v24+s2+$0x0], $0xffff  }
0x337: {  	v30 =	vor.u32 v13, v23;
	v25 =	vld.idx.msk [tilespmem:v25+s2+$0x0], $0xffff;
	v18 =	vmax.f32 v19, v18  }
0x338: {  	v19 =	vld.idx.msk [tilespmem:v26+s2+$0x0], $0xffff;
	v26 =	vor.u32 v14, v23;
	v18 =	vmax.f32 v18, v20  }
0x339: {  	v20 =	vld.idx.msk [tilespmem:v27+s2+$0x0], $0xffff;
	v27 =	vor.u32 v15, v23;
	v18 =	vmax.f32 v18, v21  }
0x33a: {  	v56 =	vor.u32 v16, v23;
	v21 =	vld.idx.msk [tilespmem:v28+s2+$0x0], $0xffff;
	v18 =	vmax.f32 v18, v22  }
0x33b: {  	v23 =	vor.u32 v17, v23;
	v22 =	vld.idx.msk [tilespmem:v29+s2+$0x0], $0xffff;
	v18 =	vmax.f32 v18, v24  }
0x33c: {  	v24 =	vld.idx.msk [tilespmem:v30+s2+$0x0], $0xffff;
	v18 =	vmax.f32 v18, v25  }
0x33d: {  	v25 =	vld.idx.msk [tilespmem:v26+s2+$0x0], $0xffff;
	v18 =	vmax.f32 v18, v19  }
0x33e: {  	v19 =	vld.idx.msk [tilespmem:v27+s2+$0x0], $0xffff;
	v18 =	vmax.f32 v18, v20  }
0x33f: {  	v20 =	vld.idx.msk [tilespmem:v56+s2+$0x0], $0xffff;
	v18 =	vmax.f32 v18, v21  }
0x340: {  	v21 =	vld.idx.msk [tilespmem:v23+s2+$0x0], $0xffff;
	v18 =	vmax.f32 v18, v22  }
0x341: {  	v18 =	vmax.f32 v18, v24  }
0x342: {  	s15 =	simm.s32 $0x0;
	v18 =	vmax.f32 v18, v25  }
0x343: {  	v18 =	vmax.f32 v18, v19;
	v19 =	vmov s15  }
0x344: {  	v18 =	vmax.f32 v18, v20;
	v19 =	vshll.u32 v19, $0x4  }
0x345: {  	s14 =	sadd.s32 $0x10, s14;
	v18 =	vmax.f32 v18, v21;
	v19 =	vor.u32 v2, v19  }
0x346: {  	s16 =	rddreg [dreg:$0x6];
	[tilespmem:s14+$0x0] =	vst v18;
	s14 =	simm.s32 $0x7000;
	v18 =	vor.u32 v3, v19  }
0x347: {  	v20 =	vor.u32 v0, v19;
	[hbm4b:s16+s15] =	stream.linear.scatter [tilespmem:s14], [sflag:$0x3], $0x400, $0x38;
	[tilespmem:$0x1F400] =	vst v63  }
0x348: {  	v21 =	vor.u32 v4, v19;
	_ =	swait.ge [sflag:s11], $0x400  }
0x349: {  	v22 =	vor.u32 v5, v19;
	[sflag:s11] =	ssyncset.done $0x0  }
0x34a: {  	v23 =	vor.u32 v6, v19;
	[sflag:s11] =	ssyncadd.s32 $0xFFFFFC00  }
0x34b: {  	v24 =	vor.u32 v7, v19;
	v18 =	vld.idx.msk [tilespmem:v18+s8+$0x0], $0xffff  }
0x34c: {  	v25 =	vor.u32 v9, v19;
	v20 =	vld.idx.msk [tilespmem:v20+s8+$0x0], $0xffff  }
0x34d: {  	v26 =	vor.u32 v10, v19;
	v21 =	vld.idx.msk [tilespmem:v21+s8+$0x0], $0xffff  }
0x34e: {  	v27 =	vor.u32 v8, v19;
	v22 =	vld.idx.msk [tilespmem:v22+s8+$0x0], $0xffff  }
0x34f: {  	v57 =	vor.u32 v11, v19;
	v23 =	vld.idx.msk [tilespmem:v23+s8+$0x0], $0xffff  }
0x350: {  	v58 =	vor.u32 v12, v19;
	v24 =	vld.idx.msk [tilespmem:v24+s8+$0x0], $0xffff  }
0x351: {  	v59 =	vor.u32 v13, v19;
	v25 =	vld.idx.msk [tilespmem:v25+s8+$0x0], $0xffff;
	v18 =	vmax.f32 v20, v18  }
0x352: {  	v20 =	vld.idx.msk [tilespmem:v26+s8+$0x0], $0xffff;
	v26 =	vor.u32 v14, v19;
	v18 =	vmax.f32 v18, v21  }
0x353: {  	v21 =	vld.idx.msk [tilespmem:v27+s8+$0x0], $0xffff;
	v27 =	vor.u32 v15, v19;
	v18 =	vmax.f32 v18, v22  }
0x354: {  	v60 =	vor.u32 v16, v19;
	v22 =	vld.idx.msk [tilespmem:v57+s8+$0x0], $0xffff;
	v18 =	vmax.f32 v18, v23  }
0x355: {  	v19 =	vor.u32 v17, v19;
	v23 =	vld.idx.msk [tilespmem:v58+s8+$0x0], $0xffff;
	v18 =	vmax.f32 v18, v24  }
0x356: {  	v24 =	vld.idx.msk [tilespmem:v59+s8+$0x0], $0xffff;
	v18 =	vmax.f32 v18, v25  }
0x357: {  	v25 =	vld.idx.msk [tilespmem:v26+s8+$0x0], $0xffff;
	v18 =	vmax.f32 v18, v20  }
0x358: {  	s18 =	simm.s32 $0x10;
	v20 =	vld.idx.msk [tilespmem:v27+s8+$0x0], $0xffff;
	v18 =	vmax.f32 v18, v21  }
0x359: {  	v26 =	vmov s18;
	v21 =	vld.idx.msk [tilespmem:v60+s8+$0x0], $0xffff;
	v18 =	vmax.f32 v18, v22  }
0x35a: {  	v19 =	vld.idx.msk [tilespmem:v19+s8+$0x0], $0xffff;
	v22 =	vshll.u32 v26, $0x4;
	v18 =	vmax.f32 v18, v23  }
0x35b: {  	v22 =	vor.u32 v2, v22;
	v18 =	vmax.f32 v18, v24  }
0x35c: {  	v23 =	vor.u32 v3, v22;
	v18 =	vmax.f32 v18, v25  }
0x35d: {  	v24 =	vor.u32 v0, v22;
	v18 =	vmax.f32 v18, v20  }
0x35e: {  	v20 =	vor.u32 v4, v22;
	v18 =	vmax.f32 v18, v21  }
0x35f: {  	v21 =	vor.u32 v5, v22;
	v18 =	vmax.f32 v18, v19  }
0x360: {  	v19 =	vor.u32 v6, v22;
	[tilespmem:s14+$0x0] =	vst v18  }
0x361: {  	v18 =	vld.idx.msk [tilespmem:v23+s8+$0x0], $0xffff;
	v23 =	vor.u32 v7, v22  }
0x362: {  	v25 =	vor.u32 v9, v22;
	v24 =	vld.idx.msk [tilespmem:v24+s8+$0x0], $0xffff  }
0x363: {  	v26 =	vor.u32 v10, v22;
	v20 =	vld.idx.msk [tilespmem:v20+s8+$0x0], $0xffff  }
0x364: {  	v27 =	vor.u32 v8, v22;
	v21 =	vld.idx.msk [tilespmem:v21+s8+$0x0], $0xffff  }
0x365: {  	v61 =	vor.u32 v11, v22;
	v19 =	vld.idx.msk [tilespmem:v19+s8+$0x0], $0xffff  }
0x366: {  	v62 =	vor.u32 v12, v22;
	v23 =	vld.idx.msk [tilespmem:v23+s8+$0x0], $0xffff  }
0x367: {  	v63 =	vor.u32 v13, v22;
	v25 =	vld.idx.msk [tilespmem:v25+s8+$0x0], $0xffff;
	v18 =	vmax.f32 v24, v18  }
0x368: {  	v24 =	vld.idx.msk [tilespmem:v26+s8+$0x0], $0xffff;
	v26 =	vor.u32 v14, v22;
	v18 =	vmax.f32 v18, v20  }
0x369: {  	v27 =	vld.idx.msk [tilespmem:v27+s8+$0x0], $0xffff;
	v20 =	vor.u32 v15, v22;
	v18 =	vmax.f32 v18, v21  }
0x36a: {  	v28 =	vld.idx.msk [tilespmem:v61+s8+$0x0], $0xffff;
	v21 =	vor.u32 v16, v22;
	v18 =	vmax.f32 v18, v19  }
0x36b: {  	v29 =	vld.idx.msk [tilespmem:v62+s8+$0x0], $0xffff;
	v22 =	vor.u32 v17, v22;
	v19 =	vmax.f32 v18, v23  }
0x36c: {  	v18 =	vld.idx.msk [tilespmem:v63+s8+$0x0], $0xffff;
	v23 =	vmax.f32 v19, v25  }
0x36d: {  	v19 =	vld.idx.msk [tilespmem:v26+s8+$0x0], $0xffff;
	v23 =	vmax.f32 v23, v24  }
0x36e: {  	s19 =	simm.s32 $0x20;
	v20 =	vld.idx.msk [tilespmem:v20+s8+$0x0], $0xffff;
	v23 =	vmax.f32 v23, v27  }
0x36f: {  	v21 =	vld.idx.msk [tilespmem:v21+s8+$0x0], $0xffff;
	v24 =	vmov s19;
	v25 =	vmax.f32 v23, v28  }
0x370: {  	s15 =	simm.s32 $0x30;
	v22 =	vld.idx.msk [tilespmem:v22+s8+$0x0], $0xffff;
	v23 =	vshll.u32 v24, $0x4;
	v24 =	vmax.f32 v25, v29  }
.LBB2_20:
0x371: {  	p0 =	sne.s32 s15, $0x3F0;
	v23 =	vor.u32 v2, v23;
	v18 =	vmax.f32 v24, v18  }
0x372: {  	v24 =	vor.u32 v3, v23;
	v18 =	vmax.f32 v18, v19  }
0x373: {  	v19 =	vor.u32 v0, v23;
	v18 =	vmax.f32 v18, v20  }
0x374: {  	v20 =	vor.u32 v4, v23;
	v18 =	vmax.f32 v18, v21  }
0x375: {  	s14 =	sadd.s32 $0x10, s14;
	v21 =	vor.u32 v5, v23;
	v18 =	vmax.f32 v18, v22  }
0x376: {  	v22 =	vor.u32 v6, v23;
	[tilespmem:s14+$0x0] =	vst v18  }
0x377: {  	v18 =	vld.idx.msk [tilespmem:v24+s8+$0x0], $0xffff;
	v24 =	vor.u32 v7, v23  }
0x378: {  	v25 =	vor.u32 v9, v23;
	v19 =	vld.idx.msk [tilespmem:v19+s8+$0x0], $0xffff  }
0x379: {  	v26 =	vor.u32 v10, v23;
	v20 =	vld.idx.msk [tilespmem:v20+s8+$0x0], $0xffff  }
0x37a: {  	v27 =	vor.u32 v8, v23;
	v21 =	vld.idx.msk [tilespmem:v21+s8+$0x0], $0xffff  }
0x37b: {  	v28 =	vor.u32 v11, v23;
	v22 =	vld.idx.msk [tilespmem:v22+s8+$0x0], $0xffff  }
0x37c: {  	v29 =	vor.u32 v12, v23;
	v24 =	vld.idx.msk [tilespmem:v24+s8+$0x0], $0xffff  }
0x37d: {  	v30 =	vor.u32 v13, v23;
	v25 =	vld.idx.msk [tilespmem:v25+s8+$0x0], $0xffff  }
0x37e: {  	v18 =	vmax.f32 v19, v18;
	v19 =	vor.u32 v14, v23;
	v26 =	vld.idx.msk [tilespmem:v26+s8+$0x0], $0xffff  }
0x37f: {  	v18 =	vmax.f32 v18, v20;
	v20 =	vor.u32 v15, v23;
	v27 =	vld.idx.msk [tilespmem:v27+s8+$0x0], $0xffff  }
0x380: {  	v18 =	vmax.f32 v18, v21;
	v21 =	vor.u32 v16, v23;
	v28 =	vld.idx.msk [tilespmem:v28+s8+$0x0], $0xffff  }
0x381: {  	v18 =	vmax.f32 v18, v22;
	v22 =	vor.u32 v17, v23;
	v29 =	vld.idx.msk [tilespmem:v29+s8+$0x0], $0xffff  }
0x382: {  	v23 =	vmax.f32 v18, v24;
	v18 =	vld.idx.msk [tilespmem:v30+s8+$0x0], $0xffff  }
.Ltmp9:
0x383: {  	v23 =	vmax.f32 v23, v25;
	v19 =	vld.idx.msk [tilespmem:v19+s8+$0x0], $0xffff;
	(pc) =	sbr.rel @p0 .LBB2_20-.Ltmp9, $4  }
0x384: {  	v23 =	vmax.f32 v23, v26;
	v20 =	vld.idx.msk [tilespmem:v20+s8+$0x0], $0xffff  }
0x385: {  	v23 =	vmax.f32 v23, v27;
	v21 =	vld.idx.msk [tilespmem:v21+s8+$0x0], $0xffff  }
0x386: {  	v24 =	vmov s15;
	v25 =	vmax.f32 v23, v28;
	v22 =	vld.idx.msk [tilespmem:v22+s8+$0x0], $0xffff  }
0x387: {  	s15 =	sadd.s32 $0x10, s15;
	v23 =	vshll.u32 v24, $0x4;
	v24 =	vmax.f32 v25, v29  }
0x388: {  	v23 =	vor.u32 v2, v23;
	v18 =	vmax.f32 v24, v18  }
0x389: {  	v49 =	vor.u32 v3, v23;
	v18 =	vmax.f32 v18, v19  }
0x38a: {  	v19 =	vor.u32 v0, v23;
	v18 =	vmax.f32 v18, v20  }
0x38b: {  	v50 =	vor.u32 v4, v23;
	v18 =	vmax.f32 v18, v21  }
0x38c: {  	s14 =	sadd.s32 $0x10, s14;
	v51 =	vor.u32 v5, v23;
	v18 =	vmax.f32 v18, v22  }
0x38d: {  	v52 =	vor.u32 v6, v23;
	[tilespmem:s14+$0x0] =	vst v18  }
0x38e: {  	v53 =	vor.u32 v7, v23;
	v18 =	vld.idx.msk [tilespmem:v49+s8+$0x0], $0xffff  }
0x38f: {  	v25 =	vor.u32 v9, v23;
	v19 =	vld.idx.msk [tilespmem:v19+s8+$0x0], $0xffff  }
0x390: {  	v26 =	vor.u32 v10, v23;
	v20 =	vld.idx.msk [tilespmem:v50+s8+$0x0], $0xffff  }
0x391: {  	v27 =	vor.u32 v8, v23;
	v21 =	vld.idx.msk [tilespmem:v51+s8+$0x0], $0xffff  }
0x392: {  	v28 =	vor.u32 v11, v23;
	v22 =	vld.idx.msk [tilespmem:v52+s8+$0x0], $0xffff  }
0x393: {  	v29 =	vor.u32 v12, v23;
	v24 =	vld.idx.msk [tilespmem:v53+s8+$0x0], $0xffff  }
0x394: {  	v30 =	vor.u32 v13, v23;
	v25 =	vld.idx.msk [tilespmem:v25+s8+$0x0], $0xffff;
	v18 =	vmax.f32 v19, v18  }
0x395: {  	v54 =	vor.u32 v14, v23;
	v19 =	vld.idx.msk [tilespmem:v26+s8+$0x0], $0xffff;
	v18 =	vmax.f32 v18, v20  }
0x396: {  	v56 =	vor.u32 v15, v23;
	v55 =	vld.idx.msk [tilespmem:v27+s8+$0x0], $0xffff;
	v18 =	vmax.f32 v18, v21  }
0x397: {  	v58 =	vor.u32 v16, v23;
	v57 =	vld.idx.msk [tilespmem:v28+s8+$0x0], $0xffff;
	v18 =	vmax.f32 v18, v22  }
0x398: {  	v23 =	vor.u32 v17, v23;
	v59 =	vld.idx.msk [tilespmem:v29+s8+$0x0], $0xffff;
	v18 =	vmax.f32 v18, v24  }
0x399: {  	v60 =	vld.idx.msk [tilespmem:v30+s8+$0x0], $0xffff;
	v18 =	vmax.f32 v18, v25  }
0x39a: {  	v61 =	vld.idx.msk [tilespmem:v54+s8+$0x0], $0xffff;
	v18 =	vmax.f32 v18, v19  }
0x39b: {  	v19 =	vld.idx.msk [tilespmem:v56+s8+$0x0], $0xffff;
	v18 =	vmax.f32 v18, v55  }
0x39c: {  	v62 =	vld.idx.msk [tilespmem:v58+s8+$0x0], $0xffff;
	v18 =	vmax.f32 v18, v57  }
0x39d: {  	v63 =	vld.idx.msk [tilespmem:v23+s8+$0x0], $0xffff;
	v18 =	vmax.f32 v18, v59  }
0x39e: {  	v18 =	vmax.f32 v18, v60  }
0x39f: {  	v18 =	vmax.f32 v18, v61  }
0x3a0: {  	v18 =	vmax.f32 v18, v19  }
0x3a1: {  	v18 =	vmax.f32 v18, v62  }
0x3a2: {  	s14 =	sadd.s32 $0x10, s14;
	v18 =	vmax.f32 v18, v63  }
0x3a3: {  	s19 =	simm.s32 $0x0;
	s15 =	rddreg [dreg:$0x7];
	s16 =	simm.s32 $0x7000;
	[tilespmem:s14+$0x0] =	vst v18  }
0x3a4: {  	[hbm4b:s15+s19] =	stream.linear.scatter [tilespmem:s16], [sflag:$0x3], $0x400, $0x38;
	[tilespmem:$0x1F400] =	vst v63  }
0x3a5: {  	_ =	swait.ge [sflag:s11], $0x400  }
0x3a6: {  	[sflag:s11] =	ssyncset.done $0x0  }
0x3a7: {  	s14 =	simm.s32 $0x0;
	[sflag:s11] =	ssyncadd.s32 $0xFFFFFC00  }
0x3a8: {  	[tilespmem:s14+$0x1B400] =	vst v1  }
0x3a9: {  	[tilespmem:s14+$0x7400] =	vst v1  }
0x3aa: {  	[tilespmem:s14+$0xB400] =	vst v1  }
0x3ab: {  	[tilespmem:s14+$0xF400] =	vst v1  }
0x3ac: {  	s15 =	simm.s32 $0x40;
	[tilespmem:s14+$0x13400] =	vst v1  }
.LBB2_22:
0x3ad: {  	p0 =	sne.s32 s15, $0xFFC0;
	[tilespmem:s14+$0x17400] =	vst v1;
	s14 =	sshra.s32 s15, $0x2;
	s15 =	sadd.s32 $0x40, s15  }
.Ltmp10:
0x3ae: {  	[tilespmem:s14+$0x1B400] =	vst v1;
	(pc) =	sbr.rel @p0 .LBB2_22-.Ltmp10, $4  }
0x3af: {  	[tilespmem:s14+$0x7400] =	vst v1  }
0x3b0: {  	[tilespmem:s14+$0xB400] =	vst v1  }
0x3b1: {  	[tilespmem:s14+$0xF400] =	vst v1  }
0x3b2: {  	[tilespmem:s14+$0x13400] =	vst v1  }
0x3b3: {  	[tilespmem:s14+$0x17400] =	vst v1;
	s14 =	simm.s32 $0x0  }
0x3b4: {  	[tilespmem:s14], [sflag:$0x1] =	stream.linear.gather [hbm4b:s6+s14], $0x800, $0x38;
	[tilespmem:$0x1F400] =	vst v63  }
0x3b5: {  	s15 =	rddreg [dreg:$0x8]  }
0x3b6: {  	[tilespmem:s25], [sflag:$0x1] =	stream.strided.gather [hbm4b:s15+s25], $0x3000, s24, s25, $0x38;
	[tilespmem:$0x1F400] =	vst v63  }
0x3b7: {  	s15 =	simm.s32 $0x0  }
.LBB2_24:
0x3b8: {  	_ =	swait.ge [sflag:s26], $0x800  }
0x3b9: {  	s16 =	sshll.u32 s15, $0xC;
	[sflag:s26] =	ssyncset.done $0x0  }
0x3ba: {  	s17 =	sor.u32 $0x800, s16;
	[sflag:s26] =	ssyncadd.s32 $0xFFFFF800  }
0x3bb: {  	s18 =	sadd.s32 s3, s17;
	_ =	swait.ge [sflag:s26], $0x3000  }
0x3bc: {  	s17 =	sadd.s32 s13, s17;
	s18 =	sshrl.u32 s18, $0x3;
	[sflag:s26] =	ssyncset.done $0x0  }
0x3bd: {  	s17 =	sshrl.u32 s17, $0x3;
	s18 =	sadd.s32 s5, s18;
	[sflag:s26] =	ssyncadd.s32 $0xFFFFD000  }
0x3be: {  	[tilespmem:s28], [sflag:$0x2] =	stream.linear.gather [hbm4b:s18+s14], $0x800, $0x38;
	[tilespmem:$0x1F400] =	vst v63  }
0x3bf: {  	s17 =	sadd.s32 s4, s17  }
0x3c0: {  	[tilespmem:s29], [sflag:$0x2] =	stream.strided.gather [hbm4b:s17+s25], $0x3000, s24, s25, $0x38;
	[tilespmem:$0x1F400] =	vst v63  }
0x3c1: {  	s17 =	simm.s32 $0x0  }
0x3c2: {  	v18 =	vld [tilespmem:s17+$0x0]  }
0x3c3: {  	v20 =	vld [tilespmem:s17+$0x1810]  }
0x3c4: {  	v25 =	vld [tilespmem:s17+$0x1010]  }
0x3c5: {  	v24 =	vld [tilespmem:s17+$0x810]  }
0x3c6: {  	v19 =	vld [tilespmem:s17+$0x2800]  }
0x3c7: {  	v21 =	vld [tilespmem:s17+$0x2000]  }
0x3c8: {  	v22 =	vld [tilespmem:s17+$0x10]  }
0x3c9: {  	v23 =	vld [tilespmem:s17+$0x1000];
	v18 =	vshll.u32 v18, $0x4  }
0x3ca: {  	v26 =	vld [tilespmem:s17+$0x800];
	v18 =	vor.u32 v0, v18  }
0x3cb: {  	v27 =	vld [tilespmem:s17+$0x1800]  }
0x3cc: {  	v34 =	vld [tilespmem:s17+$0x3000]  }
0x3cd: {  	v35 =	vld [tilespmem:s17+$0x3010]  }
0x3ce: {  	v36 =	vld [tilespmem:s17+$0x2810]  }
0x3cf: {  	v31 =	vld.idx.msk [tilespmem:v18+s30+$0x0], $0xffff  }
0x3d0: {  	v32 =	vld.idx.msk [tilespmem:v18+s31+$0x0], $0xffff  }
0x3d1: {  	v30 =	vld.idx.msk [tilespmem:v18+s0+$0x0], $0xffff  }
0x3d2: {  	v29 =	vld.idx.msk [tilespmem:v18+s1+$0x0], $0xffff  }
0x3d3: {  	v28 =	vld.idx.msk [tilespmem:v18+s2+$0x0], $0xffff  }
0x3d4: {  	v33 =	vld.idx.msk [tilespmem:v18+s8+$0x0], $0xffff;
	v26 =	vmax.f32 v31, v26  }
0x3d5: {  	v31 =	vld [tilespmem:s17+$0x2010];
	v23 =	vmax.f32 v32, v23;
	[tilespmem:v18+s30+$0x0] =	vst.idx.msk $0xffff, v26  }
0x3d6: {  	v22 =	vshll.u32 v22, $0x4;
	v26 =	vmax.f32 v30, v27;
	[tilespmem:v18+s31+$0x0] =	vst.idx.msk $0xffff, v23  }
0x3d7: {  	v21 =	vmax.f32 v29, v21;
	v27 =	vor.u32 v0, v22;
	[tilespmem:v18+s0+$0x0] =	vst.idx.msk $0xffff, v26  }
0x3d8: {  	v19 =	vmax.f32 v28, v19;
	[tilespmem:v18+s1+$0x0] =	vst.idx.msk $0xffff, v21  }
0x3d9: {  	v21 =	vmax.f32 v33, v34;
	[tilespmem:v18+s2+$0x0] =	vst.idx.msk $0xffff, v19  }
0x3da: {  	[tilespmem:v18+s8+$0x0] =	vst.idx.msk $0xffff, v21  }
0x3db: {  	v18 =	vld [tilespmem:s17+$0x2820]  }
0x3dc: {  	v26 =	vld.idx.msk [tilespmem:v27+s0+$0x0], $0xffff  }
0x3dd: {  	v28 =	vld.idx.msk [tilespmem:v27+s1+$0x0], $0xffff  }
0x3de: {  	v19 =	vld [tilespmem:s17+$0x3020]  }
0x3df: {  	v29 =	vld [tilespmem:s17+$0x20]  }
0x3e0: {  	v30 =	vld.idx.msk [tilespmem:v27+s31+$0x0], $0xffff  }
0x3e1: {  	v61 =	vld.idx.msk [tilespmem:v27+s30+$0x0], $0xffff  }
0x3e2: {  	v21 =	vld [tilespmem:s17+$0x1820]  }
0x3e3: {  	v22 =	vld [tilespmem:s17+$0x1020]  }
0x3e4: {  	v62 =	vld.idx.msk [tilespmem:v27+s2+$0x0], $0xffff  }
0x3e5: {  	v63 =	vld.idx.msk [tilespmem:v27+s8+$0x0], $0xffff  }
0x3e6: {  	v23 =	vld [tilespmem:s17+$0x820];
	v32 =	vmax.f32 v61, v24  }
0x3e7: {  	v24 =	vld [tilespmem:s17+$0x2020];
	v25 =	vmax.f32 v30, v25;
	v29 =	vshll.u32 v29, $0x4;
	[tilespmem:v27+s30+$0x0] =	vst.idx.msk $0xffff, v32  }
0x3e8: {  	v26 =	vmax.f32 v26, v20;
	v20 =	vor.u32 v0, v29;
	[tilespmem:v27+s31+$0x0] =	vst.idx.msk $0xffff, v25  }
0x3e9: {  	v25 =	vmax.f32 v28, v31;
	[tilespmem:v27+s0+$0x0] =	vst.idx.msk $0xffff, v26  }
0x3ea: {  	v26 =	vmax.f32 v62, v36;
	[tilespmem:v27+s1+$0x0] =	vst.idx.msk $0xffff, v25  }
0x3eb: {  	v25 =	vmax.f32 v63, v35;
	[tilespmem:v27+s2+$0x0] =	vst.idx.msk $0xffff, v26  }
0x3ec: {  	[tilespmem:v27+s8+$0x0] =	vst.idx.msk $0xffff, v25  }
0x3ed: {  	v25 =	vld.idx.msk [tilespmem:v20+s1+$0x0], $0xffff  }
0x3ee: {  	v27 =	vld.idx.msk [tilespmem:v20+s0+$0x0], $0xffff  }
0x3ef: {  	v26 =	vld.idx.msk [tilespmem:v20+s8+$0x0], $0xffff  }
0x3f0: {  	s18 =	simm.s32 $0x100;
	v28 =	vld.idx.msk [tilespmem:v20+s31+$0x0], $0xffff  }
.LBB2_25:
0x3f1: {  	p0 =	sne.s32 s18, $0x1F00;
	v29 =	vld [tilespmem:s17+$0x3030];
	s19 =	smov.u32 s18;
	s18 =	sadd.s32 $0x100, s18  }
0x3f2: {  	v30 =	vld [tilespmem:s17+$0x30]  }
0x3f3: {  	v31 =	vld.idx.msk [tilespmem:v20+s30+$0x0], $0xffff  }
0x3f4: {  	v21 =	vmax.f32 v27, v21;
	v32 =	vld.idx.msk [tilespmem:v20+s2+$0x0], $0xffff  }
0x3f5: {  	v19 =	vmax.f32 v26, v19;
	v26 =	vld [tilespmem:s17+$0x2830]  }
0x3f6: {  	v24 =	vmax.f32 v25, v24;
	v22 =	vmax.f32 v28, v22;
	v25 =	vld [tilespmem:s17+$0x2030]  }
0x3f7: {  	v27 =	vld [tilespmem:s17+$0x1830];
	v28 =	vshll.u32 v30, $0x4  }
0x3f8: {  	v30 =	vld [tilespmem:s17+$0x1030]  }
0x3f9: {  	v23 =	vmax.f32 v31, v23;
	v31 =	vld [tilespmem:s17+$0x830]  }
0x3fa: {  	v18 =	vmax.f32 v32, v18;
	[tilespmem:v20+s30+$0x0] =	vst.idx.msk $0xffff, v23  }
0x3fb: {  	[tilespmem:v20+s31+$0x0] =	vst.idx.msk $0xffff, v22;
	v22 =	vor.u32 v0, v28  }
0x3fc: {  	[tilespmem:v20+s0+$0x0] =	vst.idx.msk $0xffff, v21  }
0x3fd: {  	[tilespmem:v20+s1+$0x0] =	vst.idx.msk $0xffff, v24  }
0x3fe: {  	[tilespmem:v20+s2+$0x0] =	vst.idx.msk $0xffff, v18  }
0x3ff: {  	[tilespmem:v20+s8+$0x0] =	vst.idx.msk $0xffff, v19  }
0x400: {  	s17 =	sshra.s32 s19, $0x2;
	v18 =	vld.idx.msk [tilespmem:v22+s30+$0x0], $0xffff  }
0x401: {  	v19 =	vld.idx.msk [tilespmem:v22+s31+$0x0], $0xffff  }
0x402: {  	v20 =	vld.idx.msk [tilespmem:v22+s0+$0x0], $0xffff  }
0x403: {  	v21 =	vld.idx.msk [tilespmem:v22+s1+$0x0], $0xffff  }
0x404: {  	v23 =	vld.idx.msk [tilespmem:v22+s2+$0x0], $0xffff  }
0x405: {  	v24 =	vld.idx.msk [tilespmem:v22+s8+$0x0], $0xffff  }
0x406: {  	v18 =	vmax.f32 v18, v31  }
0x407: {  	v19 =	vmax.f32 v19, v30;
	[tilespmem:v22+s30+$0x0] =	vst.idx.msk $0xffff, v18  }
0x408: {  	v18 =	vmax.f32 v20, v27;
	[tilespmem:v22+s31+$0x0] =	vst.idx.msk $0xffff, v19  }
0x409: {  	v19 =	vmax.f32 v21, v25;
	[tilespmem:v22+s0+$0x0] =	vst.idx.msk $0xffff, v18  }
0x40a: {  	v18 =	vmax.f32 v23, v26;
	[tilespmem:v22+s1+$0x0] =	vst.idx.msk $0xffff, v19  }
0x40b: {  	v19 =	vmax.f32 v24, v29;
	[tilespmem:v22+s2+$0x0] =	vst.idx.msk $0xffff, v18  }
0x40c: {  	[tilespmem:v22+s8+$0x0] =	vst.idx.msk $0xffff, v19  }
0x40d: {  	v18 =	vld [tilespmem:s17+$0x0]  }
0x40e: {  	v20 =	vld [tilespmem:s17+$0x1810]  }
0x40f: {  	v23 =	vld [tilespmem:s17+$0x1010]  }
0x410: {  	v24 =	vld [tilespmem:s17+$0x810]  }
0x411: {  	v19 =	vld [tilespmem:s17+$0x2800]  }
0x412: {  	v21 =	vld [tilespmem:s17+$0x2000];
	v18 =	vshll.u32 v18, $0x4  }
0x413: {  	v18 =	vor.u32 v0, v18  }
0x414: {  	v22 =	vld [tilespmem:s17+$0x10]  }
0x415: {  	v25 =	vld [tilespmem:s17+$0x1000]  }
0x416: {  	v26 =	vld [tilespmem:s17+$0x800]  }
0x417: {  	v27 =	vld [tilespmem:s17+$0x1800]  }
0x418: {  	v28 =	vld.idx.msk [tilespmem:v18+s2+$0x0], $0xffff  }
0x419: {  	v29 =	vld.idx.msk [tilespmem:v18+s1+$0x0], $0xffff  }
0x41a: {  	v22 =	vshll.u32 v22, $0x4;
	v30 =	vld.idx.msk [tilespmem:v18+s0+$0x0], $0xffff  }
0x41b: {  	v32 =	vor.u32 v0, v22;
	v31 =	vld.idx.msk [tilespmem:v18+s30+$0x0], $0xffff  }
0x41c: {  	v22 =	vld.idx.msk [tilespmem:v18+s31+$0x0], $0xffff  }
0x41d: {  	v33 =	vld.idx.msk [tilespmem:v18+s8+$0x0], $0xffff  }
0x41e: {  	v19 =	vmax.f32 v28, v19;
	v34 =	vld [tilespmem:s17+$0x3000]  }
0x41f: {  	v21 =	vmax.f32 v29, v21;
	v28 =	vld [tilespmem:s17+$0x3010]  }
0x420: {  	v27 =	vmax.f32 v30, v27;
	v29 =	vld [tilespmem:s17+$0x2810]  }
0x421: {  	v26 =	vmax.f32 v31, v26;
	v30 =	vld [tilespmem:s17+$0x2010]  }
0x422: {  	v22 =	vmax.f32 v22, v25;
	[tilespmem:v18+s30+$0x0] =	vst.idx.msk $0xffff, v26  }
0x423: {  	v25 =	vmax.f32 v33, v34;
	[tilespmem:v18+s31+$0x0] =	vst.idx.msk $0xffff, v22  }
0x424: {  	[tilespmem:v18+s0+$0x0] =	vst.idx.msk $0xffff, v27  }
0x425: {  	[tilespmem:v18+s1+$0x0] =	vst.idx.msk $0xffff, v21  }
0x426: {  	[tilespmem:v18+s2+$0x0] =	vst.idx.msk $0xffff, v19  }
0x427: {  	[tilespmem:v18+s8+$0x0] =	vst.idx.msk $0xffff, v25  }
0x428: {  	v18 =	vld [tilespmem:s17+$0x2820]  }
0x429: {  	v22 =	vld.idx.msk [tilespmem:v32+s0+$0x0], $0xffff  }
0x42a: {  	v25 =	vld.idx.msk [tilespmem:v32+s1+$0x0], $0xffff  }
0x42b: {  	v19 =	vld [tilespmem:s17+$0x3020]  }
0x42c: {  	v26 =	vld [tilespmem:s17+$0x20]  }
0x42d: {  	v27 =	vld.idx.msk [tilespmem:v32+s31+$0x0], $0xffff  }
0x42e: {  	v31 =	vld.idx.msk [tilespmem:v32+s30+$0x0], $0xffff  }
0x42f: {  	v21 =	vld [tilespmem:s17+$0x1820]  }
0x430: {  	v33 =	vmax.f32 v22, v20;
	v22 =	vld [tilespmem:s17+$0x1020]  }
0x431: {  	v34 =	vld.idx.msk [tilespmem:v32+s2+$0x0], $0xffff;
	v20 =	vshll.u32 v26, $0x4  }
0x432: {  	v26 =	vld.idx.msk [tilespmem:v32+s8+$0x0], $0xffff  }
0x433: {  	v27 =	vmax.f32 v27, v23;
	v23 =	vld [tilespmem:s17+$0x820]  }
0x434: {  	v31 =	vmax.f32 v31, v24;
	v24 =	vld [tilespmem:s17+$0x2020]  }
0x435: {  	[tilespmem:v32+s30+$0x0] =	vst.idx.msk $0xffff, v31  }
0x436: {  	v25 =	vmax.f32 v25, v30;
	v20 =	vor.u32 v0, v20;
	[tilespmem:v32+s31+$0x0] =	vst.idx.msk $0xffff, v27  }
0x437: {  	v27 =	vmax.f32 v34, v29;
	[tilespmem:v32+s0+$0x0] =	vst.idx.msk $0xffff, v33  }
0x438: {  	v26 =	vmax.f32 v26, v28;
	[tilespmem:v32+s1+$0x0] =	vst.idx.msk $0xffff, v25  }
0x439: {  	[tilespmem:v32+s2+$0x0] =	vst.idx.msk $0xffff, v27  }
.Ltmp11:
0x43a: {  	[tilespmem:v32+s8+$0x0] =	vst.idx.msk $0xffff, v26;
	(pc) =	sbr.rel @p0 .LBB2_25-.Ltmp11, $4  }
0x43b: {  	v25 =	vld.idx.msk [tilespmem:v20+s1+$0x0], $0xffff  }
0x43c: {  	v27 =	vld.idx.msk [tilespmem:v20+s0+$0x0], $0xffff  }
0x43d: {  	v26 =	vld.idx.msk [tilespmem:v20+s8+$0x0], $0xffff  }
0x43e: {  	v28 =	vld.idx.msk [tilespmem:v20+s31+$0x0], $0xffff  }
0x43f: {  	_ =	sdelay $0x1  }
0x440: {  	v29 =	vld [tilespmem:s17+$0x3030]  }
0x441: {  	v30 =	vld [tilespmem:s17+$0x30]  }
0x442: {  	v31 =	vld.idx.msk [tilespmem:v20+s30+$0x0], $0xffff  }
0x443: {  	v32 =	vld.idx.msk [tilespmem:v20+s2+$0x0], $0xffff  }
0x444: {  	v33 =	vld [tilespmem:s17+$0x2830]  }
0x445: {  	v34 =	vld [tilespmem:s17+$0x2030]  }
0x446: {  	v35 =	vld [tilespmem:s17+$0x1830]  }
0x447: {  	v36 =	vld [tilespmem:s17+$0x1030];
	v23 =	vmax.f32 v31, v23  }
0x448: {  	v22 =	vmax.f32 v28, v22;
	v31 =	vld [tilespmem:s17+$0x830];
	v28 =	vshll.u32 v30, $0x4;
	[tilespmem:v20+s30+$0x0] =	vst.idx.msk $0xffff, v23  }
0x449: {  	v21 =	vmax.f32 v27, v21;
	[tilespmem:v20+s31+$0x0] =	vst.idx.msk $0xffff, v22;
	v22 =	vor.u32 v0, v28  }
0x44a: {  	v23 =	vmax.f32 v25, v24;
	[tilespmem:v20+s0+$0x0] =	vst.idx.msk $0xffff, v21  }
0x44b: {  	v18 =	vmax.f32 v32, v18;
	[tilespmem:v20+s1+$0x0] =	vst.idx.msk $0xffff, v23  }
0x44c: {  	v19 =	vmax.f32 v26, v19;
	[tilespmem:v20+s2+$0x0] =	vst.idx.msk $0xffff, v18  }
0x44d: {  	[tilespmem:v20+s8+$0x0] =	vst.idx.msk $0xffff, v19  }
0x44e: {  	v18 =	vld.idx.msk [tilespmem:v22+s30+$0x0], $0xffff  }
0x44f: {  	v19 =	vld.idx.msk [tilespmem:v22+s31+$0x0], $0xffff  }
0x450: {  	v20 =	vld.idx.msk [tilespmem:v22+s0+$0x0], $0xffff  }
0x451: {  	v21 =	vld.idx.msk [tilespmem:v22+s1+$0x0], $0xffff  }
0x452: {  	v23 =	vld.idx.msk [tilespmem:v22+s2+$0x0], $0xffff  }
0x453: {  	v24 =	vld.idx.msk [tilespmem:v22+s8+$0x0], $0xffff;
	v18 =	vmax.f32 v18, v31  }
0x454: {  	v19 =	vmax.f32 v19, v36;
	[tilespmem:v22+s30+$0x0] =	vst.idx.msk $0xffff, v18  }
0x455: {  	v18 =	vmax.f32 v20, v35;
	[tilespmem:v22+s31+$0x0] =	vst.idx.msk $0xffff, v19  }
0x456: {  	v19 =	vmax.f32 v21, v34;
	[tilespmem:v22+s0+$0x0] =	vst.idx.msk $0xffff, v18  }
0x457: {  	v18 =	vmax.f32 v23, v33;
	[tilespmem:v22+s1+$0x0] =	vst.idx.msk $0xffff, v19  }
0x458: {  	v19 =	vmax.f32 v24, v29;
	[tilespmem:v22+s2+$0x0] =	vst.idx.msk $0xffff, v18  }
0x459: {  	[tilespmem:v22+s8+$0x0] =	vst.idx.msk $0xffff, v19  }
0x45a: {  	_ =	swait.ge [sflag:s10], $0x800  }
0x45b: {  	p0 =	seq.s32 s15, $0x23;
	[sflag:s10] =	ssyncset.done $0x0  }
0x45c: {  	s16 =	sadd.s32 @!p0 $0x1000, s16;
	[sflag:s10] =	ssyncadd.s32 $0xFFFFF800  }
0x45d: {  	s18 =	simm.s32 @!p0 $0x0;
	s17 =	sadd.s32 @!p0 s3, s16;
	_ =	swait.ge [sflag:s10], $0x3000  }
0x45e: {  	s16 =	sadd.s32 @!p0 s13, s16;
	s17 =	sshrl.u32 @!p0 s17, $0x3;
	[sflag:s10] =	ssyncset.done $0x0  }
0x45f: {  	s16 =	sshrl.u32 @!p0 s16, $0x3;
	s17 =	sadd.s32 @!p0 s5, s17;
	[sflag:s10] =	ssyncadd.s32 $0xFFFFD000  }
0x460: {  	[tilespmem:s18], [sflag:$0x1] =	stream.linear.gather @!p0 [hbm4b:s17+s18], $0x800, $0x38;
	[tilespmem:$0x1F400] =	vst v63  }
0x461: {  	s16 =	sadd.s32 @!p0 s4, s16;
	s17 =	simm.s32 @!p0 $0x24000;
	s18 =	simm.s32 @!p0 $0x800  }
0x462: {  	[tilespmem:s18], [sflag:$0x1] =	stream.strided.gather @!p0 [hbm4b:s16+s18], $0x3000, s17, s18, $0x38;
	[tilespmem:$0x1F400] =	vst v63  }
0x463: {  	s16 =	simm.s32 $0x0  }
0x464: {  	v18 =	vld [tilespmem:s16+$0x3800]  }
0x465: {  	v20 =	vld [tilespmem:s16+$0x5010]  }
0x466: {  	v25 =	vld [tilespmem:s16+$0x4810]  }
0x467: {  	v24 =	vld [tilespmem:s16+$0x4010]  }
0x468: {  	v19 =	vld [tilespmem:s16+$0x6000]  }
0x469: {  	v21 =	vld [tilespmem:s16+$0x5800]  }
0x46a: {  	v22 =	vld [tilespmem:s16+$0x3810]  }
0x46b: {  	v23 =	vld [tilespmem:s16+$0x4800];
	v18 =	vshll.u32 v18, $0x4  }
0x46c: {  	v26 =	vld [tilespmem:s16+$0x4000];
	v18 =	vor.u32 v0, v18  }
0x46d: {  	v27 =	vld [tilespmem:s16+$0x5000]  }
0x46e: {  	v58 =	vld [tilespmem:s16+$0x6800]  }
0x46f: {  	v59 =	vld [tilespmem:s16+$0x6810]  }
0x470: {  	v60 =	vld [tilespmem:s16+$0x6010]  }
0x471: {  	v31 =	vld.idx.msk [tilespmem:v18+s30+$0x0], $0xffff  }
0x472: {  	v56 =	vld.idx.msk [tilespmem:v18+s31+$0x0], $0xffff  }
0x473: {  	v30 =	vld.idx.msk [tilespmem:v18+s0+$0x0], $0xffff  }
0x474: {  	v29 =	vld.idx.msk [tilespmem:v18+s1+$0x0], $0xffff  }
0x475: {  	v28 =	vld.idx.msk [tilespmem:v18+s2+$0x0], $0xffff  }
0x476: {  	v57 =	vld.idx.msk [tilespmem:v18+s8+$0x0], $0xffff;
	v26 =	vmax.f32 v31, v26  }
0x477: {  	v31 =	vld [tilespmem:s16+$0x5810];
	v23 =	vmax.f32 v56, v23;
	[tilespmem:v18+s30+$0x0] =	vst.idx.msk $0xffff, v26  }
0x478: {  	v22 =	vshll.u32 v22, $0x4;
	v26 =	vmax.f32 v30, v27;
	[tilespmem:v18+s31+$0x0] =	vst.idx.msk $0xffff, v23  }
0x479: {  	v21 =	vmax.f32 v29, v21;
	v27 =	vor.u32 v0, v22;
	[tilespmem:v18+s0+$0x0] =	vst.idx.msk $0xffff, v26  }
0x47a: {  	v19 =	vmax.f32 v28, v19;
	[tilespmem:v18+s1+$0x0] =	vst.idx.msk $0xffff, v21  }
0x47b: {  	v21 =	vmax.f32 v57, v58;
	[tilespmem:v18+s2+$0x0] =	vst.idx.msk $0xffff, v19  }
0x47c: {  	[tilespmem:v18+s8+$0x0] =	vst.idx.msk $0xffff, v21  }
0x47d: {  	v18 =	vld [tilespmem:s16+$0x6020]  }
0x47e: {  	v26 =	vld.idx.msk [tilespmem:v27+s0+$0x0], $0xffff  }
0x47f: {  	v28 =	vld.idx.msk [tilespmem:v27+s1+$0x0], $0xffff  }
0x480: {  	v19 =	vld [tilespmem:s16+$0x6820]  }
0x481: {  	v29 =	vld [tilespmem:s16+$0x3820]  }
0x482: {  	v30 =	vld.idx.msk [tilespmem:v27+s31+$0x0], $0xffff  }
0x483: {  	v61 =	vld.idx.msk [tilespmem:v27+s30+$0x0], $0xffff  }
0x484: {  	v21 =	vld [tilespmem:s16+$0x5020]  }
0x485: {  	v22 =	vld [tilespmem:s16+$0x4820]  }
0x486: {  	v62 =	vld.idx.msk [tilespmem:v27+s2+$0x0], $0xffff  }
0x487: {  	v63 =	vld.idx.msk [tilespmem:v27+s8+$0x0], $0xffff  }
0x488: {  	v23 =	vld [tilespmem:s16+$0x4020];
	v32 =	vmax.f32 v61, v24  }
0x489: {  	v24 =	vld [tilespmem:s16+$0x5820];
	v25 =	vmax.f32 v30, v25;
	v29 =	vshll.u32 v29, $0x4;
	[tilespmem:v27+s30+$0x0] =	vst.idx.msk $0xffff, v32  }
0x48a: {  	v26 =	vmax.f32 v26, v20;
	v20 =	vor.u32 v0, v29;
	[tilespmem:v27+s31+$0x0] =	vst.idx.msk $0xffff, v25  }
0x48b: {  	v25 =	vmax.f32 v28, v31;
	[tilespmem:v27+s0+$0x0] =	vst.idx.msk $0xffff, v26  }
0x48c: {  	v26 =	vmax.f32 v62, v60;
	[tilespmem:v27+s1+$0x0] =	vst.idx.msk $0xffff, v25  }
0x48d: {  	v25 =	vmax.f32 v63, v59;
	[tilespmem:v27+s2+$0x0] =	vst.idx.msk $0xffff, v26  }
0x48e: {  	[tilespmem:v27+s8+$0x0] =	vst.idx.msk $0xffff, v25  }
0x48f: {  	v25 =	vld.idx.msk [tilespmem:v20+s1+$0x0], $0xffff  }
0x490: {  	v27 =	vld.idx.msk [tilespmem:v20+s0+$0x0], $0xffff  }
0x491: {  	v26 =	vld.idx.msk [tilespmem:v20+s8+$0x0], $0xffff  }
0x492: {  	s15 =	sadd.s32 $0x1, s15;
	s17 =	simm.s32 $0x100;
	v28 =	vld.idx.msk [tilespmem:v20+s31+$0x0], $0xffff  }
.LBB2_27:
0x493: {  	p0 =	seq.s32 s17, $0x1F00;
	v29 =	vld [tilespmem:s16+$0x6830];
	s18 =	smov.u32 s17;
	s17 =	sadd.s32 $0x100, s17  }
0x494: {  	v30 =	vld [tilespmem:s16+$0x3830]  }
0x495: {  	v31 =	vld.idx.msk [tilespmem:v20+s30+$0x0], $0xffff  }
0x496: {  	v21 =	vmax.f32 v27, v21;
	v32 =	vld.idx.msk [tilespmem:v20+s2+$0x0], $0xffff  }
0x497: {  	v19 =	vmax.f32 v26, v19;
	v26 =	vld [tilespmem:s16+$0x6030]  }
0x498: {  	v24 =	vmax.f32 v25, v24;
	v22 =	vmax.f32 v28, v22;
	v25 =	vld [tilespmem:s16+$0x5830]  }
0x499: {  	v27 =	vld [tilespmem:s16+$0x5030];
	v28 =	vshll.u32 v30, $0x4  }
0x49a: {  	v30 =	vld [tilespmem:s16+$0x4830]  }
0x49b: {  	v23 =	vmax.f32 v31, v23;
	v31 =	vld [tilespmem:s16+$0x4030]  }
0x49c: {  	v18 =	vmax.f32 v32, v18;
	[tilespmem:v20+s30+$0x0] =	vst.idx.msk $0xffff, v23  }
0x49d: {  	[tilespmem:v20+s31+$0x0] =	vst.idx.msk $0xffff, v22;
	v22 =	vor.u32 v0, v28  }
0x49e: {  	[tilespmem:v20+s0+$0x0] =	vst.idx.msk $0xffff, v21  }
0x49f: {  	[tilespmem:v20+s1+$0x0] =	vst.idx.msk $0xffff, v24  }
0x4a0: {  	[tilespmem:v20+s2+$0x0] =	vst.idx.msk $0xffff, v18  }
0x4a1: {  	[tilespmem:v20+s8+$0x0] =	vst.idx.msk $0xffff, v19  }
0x4a2: {  	s16 =	sshra.s32 s18, $0x2;
	v18 =	vld.idx.msk [tilespmem:v22+s30+$0x0], $0xffff  }
0x4a3: {  	v19 =	vld.idx.msk [tilespmem:v22+s31+$0x0], $0xffff  }
0x4a4: {  	v20 =	vld.idx.msk [tilespmem:v22+s0+$0x0], $0xffff  }
0x4a5: {  	v21 =	vld.idx.msk [tilespmem:v22+s1+$0x0], $0xffff  }
0x4a6: {  	v23 =	vld.idx.msk [tilespmem:v22+s2+$0x0], $0xffff  }
0x4a7: {  	v24 =	vld.idx.msk [tilespmem:v22+s8+$0x0], $0xffff  }
0x4a8: {  	v18 =	vmax.f32 v18, v31  }
0x4a9: {  	v19 =	vmax.f32 v19, v30;
	[tilespmem:v22+s30+$0x0] =	vst.idx.msk $0xffff, v18  }
0x4aa: {  	v18 =	vmax.f32 v20, v27;
	[tilespmem:v22+s31+$0x0] =	vst.idx.msk $0xffff, v19  }
0x4ab: {  	v19 =	vmax.f32 v21, v25;
	[tilespmem:v22+s0+$0x0] =	vst.idx.msk $0xffff, v18  }
0x4ac: {  	v18 =	vmax.f32 v23, v26;
	[tilespmem:v22+s1+$0x0] =	vst.idx.msk $0xffff, v19  }
0x4ad: {  	v19 =	vmax.f32 v24, v29;
	[tilespmem:v22+s2+$0x0] =	vst.idx.msk $0xffff, v18  }
0x4ae: {  	[tilespmem:v22+s8+$0x0] =	vst.idx.msk $0xffff, v19  }
0x4af: {  	v18 =	vld [tilespmem:s16+$0x3800]  }
0x4b0: {  	v20 =	vld [tilespmem:s16+$0x5010]  }
0x4b1: {  	v23 =	vld [tilespmem:s16+$0x4810]  }
0x4b2: {  	v24 =	vld [tilespmem:s16+$0x4010]  }
0x4b3: {  	v19 =	vld [tilespmem:s16+$0x6000]  }
0x4b4: {  	v21 =	vld [tilespmem:s16+$0x5800];
	v18 =	vshll.u32 v18, $0x4  }
0x4b5: {  	v18 =	vor.u32 v0, v18  }
0x4b6: {  	v22 =	vld [tilespmem:s16+$0x3810]  }
0x4b7: {  	v25 =	vld [tilespmem:s16+$0x4800]  }
0x4b8: {  	v26 =	vld [tilespmem:s16+$0x4000]  }
0x4b9: {  	v27 =	vld [tilespmem:s16+$0x5000]  }
0x4ba: {  	v28 =	vld.idx.msk [tilespmem:v18+s2+$0x0], $0xffff  }
0x4bb: {  	v29 =	vld.idx.msk [tilespmem:v18+s1+$0x0], $0xffff  }
0x4bc: {  	v22 =	vshll.u32 v22, $0x4;
	v30 =	vld.idx.msk [tilespmem:v18+s0+$0x0], $0xffff  }
0x4bd: {  	v32 =	vor.u32 v0, v22;
	v31 =	vld.idx.msk [tilespmem:v18+s30+$0x0], $0xffff  }
0x4be: {  	v22 =	vld.idx.msk [tilespmem:v18+s31+$0x0], $0xffff  }
0x4bf: {  	v33 =	vld.idx.msk [tilespmem:v18+s8+$0x0], $0xffff  }
0x4c0: {  	v19 =	vmax.f32 v28, v19;
	v34 =	vld [tilespmem:s16+$0x6800]  }
0x4c1: {  	v21 =	vmax.f32 v29, v21;
	v28 =	vld [tilespmem:s16+$0x6810]  }
0x4c2: {  	v27 =	vmax.f32 v30, v27;
	v29 =	vld [tilespmem:s16+$0x6010]  }
0x4c3: {  	v26 =	vmax.f32 v31, v26;
	v30 =	vld [tilespmem:s16+$0x5810]  }
0x4c4: {  	v22 =	vmax.f32 v22, v25;
	[tilespmem:v18+s30+$0x0] =	vst.idx.msk $0xffff, v26  }
0x4c5: {  	v25 =	vmax.f32 v33, v34;
	[tilespmem:v18+s31+$0x0] =	vst.idx.msk $0xffff, v22  }
0x4c6: {  	[tilespmem:v18+s0+$0x0] =	vst.idx.msk $0xffff, v27  }
0x4c7: {  	[tilespmem:v18+s1+$0x0] =	vst.idx.msk $0xffff, v21  }
0x4c8: {  	[tilespmem:v18+s2+$0x0] =	vst.idx.msk $0xffff, v19  }
0x4c9: {  	[tilespmem:v18+s8+$0x0] =	vst.idx.msk $0xffff, v25  }
0x4ca: {  	v18 =	vld [tilespmem:s16+$0x6020]  }
0x4cb: {  	v22 =	vld.idx.msk [tilespmem:v32+s0+$0x0], $0xffff  }
0x4cc: {  	v25 =	vld.idx.msk [tilespmem:v32+s1+$0x0], $0xffff  }
0x4cd: {  	v19 =	vld [tilespmem:s16+$0x6820]  }
0x4ce: {  	v26 =	vld [tilespmem:s16+$0x3820]  }
0x4cf: {  	v27 =	vld.idx.msk [tilespmem:v32+s31+$0x0], $0xffff  }
0x4d0: {  	v31 =	vld.idx.msk [tilespmem:v32+s30+$0x0], $0xffff  }
0x4d1: {  	v21 =	vld [tilespmem:s16+$0x5020]  }
0x4d2: {  	v33 =	vmax.f32 v22, v20;
	v22 =	vld [tilespmem:s16+$0x4820]  }
0x4d3: {  	v34 =	vld.idx.msk [tilespmem:v32+s2+$0x0], $0xffff;
	v20 =	vshll.u32 v26, $0x4  }
0x4d4: {  	v26 =	vld.idx.msk [tilespmem:v32+s8+$0x0], $0xffff  }
0x4d5: {  	v27 =	vmax.f32 v27, v23;
	v23 =	vld [tilespmem:s16+$0x4020]  }
0x4d6: {  	v31 =	vmax.f32 v31, v24;
	v24 =	vld [tilespmem:s16+$0x5820]  }
0x4d7: {  	[tilespmem:v32+s30+$0x0] =	vst.idx.msk $0xffff, v31  }
0x4d8: {  	v25 =	vmax.f32 v25, v30;
	v20 =	vor.u32 v0, v20;
	[tilespmem:v32+s31+$0x0] =	vst.idx.msk $0xffff, v27  }
0x4d9: {  	v27 =	vmax.f32 v34, v29;
	[tilespmem:v32+s0+$0x0] =	vst.idx.msk $0xffff, v33  }
0x4da: {  	v26 =	vmax.f32 v26, v28;
	[tilespmem:v32+s1+$0x0] =	vst.idx.msk $0xffff, v25  }
0x4db: {  	[tilespmem:v32+s2+$0x0] =	vst.idx.msk $0xffff, v27  }
.Ltmp12:
0x4dc: {  	[tilespmem:v32+s8+$0x0] =	vst.idx.msk $0xffff, v26;
	(pc) =	sbr.rel @!p0 .LBB2_27-.Ltmp12, $4  }
0x4dd: {  	v25 =	vld.idx.msk [tilespmem:v20+s1+$0x0], $0xffff  }
0x4de: {  	v27 =	vld.idx.msk [tilespmem:v20+s0+$0x0], $0xffff  }
0x4df: {  	v26 =	vld.idx.msk [tilespmem:v20+s8+$0x0], $0xffff  }
0x4e0: {  	v28 =	vld.idx.msk [tilespmem:v20+s31+$0x0], $0xffff  }
0x4e1: {  	_ =	sdelay $0x1  }
0x4e2: {  	v29 =	vld [tilespmem:s16+$0x6830]  }
0x4e3: {  	v30 =	vld [tilespmem:s16+$0x3830]  }
0x4e4: {  	v31 =	vld.idx.msk [tilespmem:v20+s30+$0x0], $0xffff  }
0x4e5: {  	v32 =	vld.idx.msk [tilespmem:v20+s2+$0x0], $0xffff  }
0x4e6: {  	v33 =	vld [tilespmem:s16+$0x6030]  }
0x4e7: {  	v34 =	vld [tilespmem:s16+$0x5830]  }
0x4e8: {  	v35 =	vld [tilespmem:s16+$0x5030]  }
0x4e9: {  	v36 =	vld [tilespmem:s16+$0x4830];
	v23 =	vmax.f32 v31, v23  }
0x4ea: {  	v59 =	vld [tilespmem:s16+$0x4030];
	v22 =	vmax.f32 v28, v22;
	v60 =	vshll.u32 v30, $0x4;
	[tilespmem:v20+s30+$0x0] =	vst.idx.msk $0xffff, v23  }
0x4eb: {  	v21 =	vmax.f32 v27, v21;
	v61 =	vor.u32 v0, v60;
	[tilespmem:v20+s31+$0x0] =	vst.idx.msk $0xffff, v22  }
0x4ec: {  	v62 =	vmax.f32 v25, v24;
	[tilespmem:v20+s0+$0x0] =	vst.idx.msk $0xffff, v21  }
0x4ed: {  	v18 =	vmax.f32 v32, v18;
	[tilespmem:v20+s1+$0x0] =	vst.idx.msk $0xffff, v62  }
0x4ee: {  	v19 =	vmax.f32 v26, v19;
	[tilespmem:v20+s2+$0x0] =	vst.idx.msk $0xffff, v18  }
0x4ef: {  	[tilespmem:v20+s8+$0x0] =	vst.idx.msk $0xffff, v19  }
0x4f0: {  	v18 =	vld.idx.msk [tilespmem:v61+s30+$0x0], $0xffff  }
0x4f1: {  	v19 =	vld.idx.msk [tilespmem:v61+s31+$0x0], $0xffff  }
0x4f2: {  	v20 =	vld.idx.msk [tilespmem:v61+s0+$0x0], $0xffff  }
0x4f3: {  	v21 =	vld.idx.msk [tilespmem:v61+s1+$0x0], $0xffff  }
0x4f4: {  	v23 =	vld.idx.msk [tilespmem:v61+s2+$0x0], $0xffff  }
0x4f5: {  	v63 =	vld.idx.msk [tilespmem:v61+s8+$0x0], $0xffff;
	v18 =	vmax.f32 v18, v59  }
0x4f6: {  	p0 =	seq.s32 s15, $0x24;
	v19 =	vmax.f32 v19, v36;
	[tilespmem:v61+s30+$0x0] =	vst.idx.msk $0xffff, v18  }
.Ltmp13:
0x4f7: {  	v18 =	vmax.f32 v20, v35;
	[tilespmem:v61+s31+$0x0] =	vst.idx.msk $0xffff, v19;
	(pc) =	sbr.rel @!p0 .LBB2_24-.Ltmp13, $4  }
0x4f8: {  	v19 =	vmax.f32 v21, v34;
	[tilespmem:v61+s0+$0x0] =	vst.idx.msk $0xffff, v18  }
0x4f9: {  	v18 =	vmax.f32 v23, v33;
	[tilespmem:v61+s1+$0x0] =	vst.idx.msk $0xffff, v19  }
0x4fa: {  	v19 =	vmax.f32 v63, v29;
	[tilespmem:v61+s2+$0x0] =	vst.idx.msk $0xffff, v18  }
0x4fb: {  	[tilespmem:v61+s8+$0x0] =	vst.idx.msk $0xffff, v19  }
0x4fc: {  	s15 =	simm.s32 $0x0  }
0x4fd: {  	v18 =	vmov s15  }
0x4fe: {  	v18 =	vshll.u32 v18, $0x4  }
0x4ff: {  	v18 =	vor.u32 v2, v18  }
0x500: {  	v19 =	vor.u32 v3, v18  }
0x501: {  	v20 =	vor.u32 v0, v18  }
0x502: {  	v21 =	vor.u32 v4, v18  }
0x503: {  	v22 =	vor.u32 v5, v18  }
0x504: {  	v23 =	vor.u32 v6, v18  }
0x505: {  	v24 =	vor.u32 v7, v18;
	v19 =	vld.idx.msk [tilespmem:v19+s30+$0x0], $0xffff  }
0x506: {  	v25 =	vor.u32 v9, v18;
	v20 =	vld.idx.msk [tilespmem:v20+s30+$0x0], $0xffff  }
0x507: {  	v26 =	vor.u32 v10, v18;
	v21 =	vld.idx.msk [tilespmem:v21+s30+$0x0], $0xffff  }
0x508: {  	v27 =	vor.u32 v8, v18;
	v22 =	vld.idx.msk [tilespmem:v22+s30+$0x0], $0xffff  }
0x509: {  	v28 =	vor.u32 v11, v18;
	v23 =	vld.idx.msk [tilespmem:v23+s30+$0x0], $0xffff  }
0x50a: {  	v29 =	vor.u32 v12, v18;
	v24 =	vld.idx.msk [tilespmem:v24+s30+$0x0], $0xffff  }
0x50b: {  	v30 =	vor.u32 v13, v18;
	v25 =	vld.idx.msk [tilespmem:v25+s30+$0x0], $0xffff;
	v19 =	vmax.f32 v20, v19  }
0x50c: {  	v20 =	vld.idx.msk [tilespmem:v26+s30+$0x0], $0xffff;
	v26 =	vor.u32 v14, v18;
	v19 =	vmax.f32 v19, v21  }
0x50d: {  	v21 =	vld.idx.msk [tilespmem:v27+s30+$0x0], $0xffff;
	v27 =	vor.u32 v15, v18;
	v19 =	vmax.f32 v19, v22  }
0x50e: {  	v60 =	vor.u32 v16, v18;
	v22 =	vld.idx.msk [tilespmem:v28+s30+$0x0], $0xffff;
	v19 =	vmax.f32 v19, v23  }
0x50f: {  	v18 =	vor.u32 v17, v18;
	v23 =	vld.idx.msk [tilespmem:v29+s30+$0x0], $0xffff;
	v19 =	vmax.f32 v19, v24  }
0x510: {  	v24 =	vld.idx.msk [tilespmem:v30+s30+$0x0], $0xffff;
	v19 =	vmax.f32 v19, v25  }
0x511: {  	v25 =	vld.idx.msk [tilespmem:v26+s30+$0x0], $0xffff;
	v19 =	vmax.f32 v19, v20  }
0x512: {  	s18 =	simm.s32 $0x10;
	v20 =	vld.idx.msk [tilespmem:v27+s30+$0x0], $0xffff;
	v19 =	vmax.f32 v19, v21  }
0x513: {  	v26 =	vmov s18;
	v21 =	vld.idx.msk [tilespmem:v60+s30+$0x0], $0xffff;
	v19 =	vmax.f32 v19, v22  }
0x514: {  	v18 =	vld.idx.msk [tilespmem:v18+s30+$0x0], $0xffff;
	v22 =	vshll.u32 v26, $0x4;
	v19 =	vmax.f32 v19, v23  }
0x515: {  	v22 =	vor.u32 v2, v22;
	v19 =	vmax.f32 v19, v24  }
0x516: {  	v23 =	vor.u32 v3, v22;
	v19 =	vmax.f32 v19, v25  }
0x517: {  	v24 =	vor.u32 v0, v22;
	v19 =	vmax.f32 v19, v20  }
0x518: {  	v20 =	vor.u32 v4, v22;
	v19 =	vmax.f32 v19, v21  }
0x519: {  	s14 =	simm.s32 $0x7000;
	v21 =	vor.u32 v5, v22;
	v18 =	vmax.f32 v19, v18  }
0x51a: {  	v19 =	vor.u32 v6, v22;
	[tilespmem:s14+$0x0] =	vst v18  }
0x51b: {  	v18 =	vld.idx.msk [tilespmem:v23+s30+$0x0], $0xffff;
	v23 =	vor.u32 v7, v22  }
0x51c: {  	v25 =	vor.u32 v9, v22;
	v24 =	vld.idx.msk [tilespmem:v24+s30+$0x0], $0xffff  }
0x51d: {  	v26 =	vor.u32 v10, v22;
	v20 =	vld.idx.msk [tilespmem:v20+s30+$0x0], $0xffff  }
0x51e: {  	v27 =	vor.u32 v8, v22;
	v21 =	vld.idx.msk [tilespmem:v21+s30+$0x0], $0xffff  }
0x51f: {  	v61 =	vor.u32 v11, v22;
	v19 =	vld.idx.msk [tilespmem:v19+s30+$0x0], $0xffff  }
0x520: {  	v62 =	vor.u32 v12, v22;
	v23 =	vld.idx.msk [tilespmem:v23+s30+$0x0], $0xffff  }
0x521: {  	v63 =	vor.u32 v13, v22;
	v25 =	vld.idx.msk [tilespmem:v25+s30+$0x0], $0xffff;
	v18 =	vmax.f32 v24, v18  }
0x522: {  	v24 =	vld.idx.msk [tilespmem:v26+s30+$0x0], $0xffff;
	v26 =	vor.u32 v14, v22;
	v18 =	vmax.f32 v18, v20  }
0x523: {  	v27 =	vld.idx.msk [tilespmem:v27+s30+$0x0], $0xffff;
	v20 =	vor.u32 v15, v22;
	v18 =	vmax.f32 v18, v21  }
0x524: {  	v28 =	vld.idx.msk [tilespmem:v61+s30+$0x0], $0xffff;
	v21 =	vor.u32 v16, v22;
	v18 =	vmax.f32 v18, v19  }
0x525: {  	v29 =	vld.idx.msk [tilespmem:v62+s30+$0x0], $0xffff;
	v22 =	vor.u32 v17, v22;
	v19 =	vmax.f32 v18, v23  }
0x526: {  	v18 =	vld.idx.msk [tilespmem:v63+s30+$0x0], $0xffff;
	v23 =	vmax.f32 v19, v25  }
0x527: {  	v19 =	vld.idx.msk [tilespmem:v26+s30+$0x0], $0xffff;
	v23 =	vmax.f32 v23, v24  }
0x528: {  	s19 =	simm.s32 $0x20;
	v20 =	vld.idx.msk [tilespmem:v20+s30+$0x0], $0xffff;
	v23 =	vmax.f32 v23, v27  }
0x529: {  	v21 =	vld.idx.msk [tilespmem:v21+s30+$0x0], $0xffff;
	v24 =	vmov s19;
	v25 =	vmax.f32 v23, v28  }
0x52a: {  	s15 =	simm.s32 $0x30;
	v22 =	vld.idx.msk [tilespmem:v22+s30+$0x0], $0xffff;
	v23 =	vshll.u32 v24, $0x4;
	v24 =	vmax.f32 v25, v29  }
.LBB2_30:
0x52b: {  	p0 =	sne.s32 s15, $0x3F0;
	v23 =	vor.u32 v2, v23;
	v18 =	vmax.f32 v24, v18  }
0x52c: {  	v24 =	vor.u32 v3, v23;
	v18 =	vmax.f32 v18, v19  }
0x52d: {  	v19 =	vor.u32 v0, v23;
	v18 =	vmax.f32 v18, v20  }
0x52e: {  	v20 =	vor.u32 v4, v23;
	v18 =	vmax.f32 v18, v21  }
0x52f: {  	s14 =	sadd.s32 $0x10, s14;
	v21 =	vor.u32 v5, v23;
	v18 =	vmax.f32 v18, v22  }
0x530: {  	v22 =	vor.u32 v6, v23;
	[tilespmem:s14+$0x0] =	vst v18  }
0x531: {  	v18 =	vld.idx.msk [tilespmem:v24+s30+$0x0], $0xffff;
	v24 =	vor.u32 v7, v23  }
0x532: {  	v25 =	vor.u32 v9, v23;
	v19 =	vld.idx.msk [tilespmem:v19+s30+$0x0], $0xffff  }
0x533: {  	v26 =	vor.u32 v10, v23;
	v20 =	vld.idx.msk [tilespmem:v20+s30+$0x0], $0xffff  }
0x534: {  	v27 =	vor.u32 v8, v23;
	v21 =	vld.idx.msk [tilespmem:v21+s30+$0x0], $0xffff  }
0x535: {  	v28 =	vor.u32 v11, v23;
	v22 =	vld.idx.msk [tilespmem:v22+s30+$0x0], $0xffff  }
0x536: {  	v29 =	vor.u32 v12, v23;
	v24 =	vld.idx.msk [tilespmem:v24+s30+$0x0], $0xffff  }
0x537: {  	v30 =	vor.u32 v13, v23;
	v25 =	vld.idx.msk [tilespmem:v25+s30+$0x0], $0xffff  }
0x538: {  	v18 =	vmax.f32 v19, v18;
	v19 =	vor.u32 v14, v23;
	v26 =	vld.idx.msk [tilespmem:v26+s30+$0x0], $0xffff  }
0x539: {  	v18 =	vmax.f32 v18, v20;
	v20 =	vor.u32 v15, v23;
	v27 =	vld.idx.msk [tilespmem:v27+s30+$0x0], $0xffff  }
0x53a: {  	v18 =	vmax.f32 v18, v21;
	v21 =	vor.u32 v16, v23;
	v28 =	vld.idx.msk [tilespmem:v28+s30+$0x0], $0xffff  }
0x53b: {  	v18 =	vmax.f32 v18, v22;
	v22 =	vor.u32 v17, v23;
	v29 =	vld.idx.msk [tilespmem:v29+s30+$0x0], $0xffff  }
0x53c: {  	v23 =	vmax.f32 v18, v24;
	v18 =	vld.idx.msk [tilespmem:v30+s30+$0x0], $0xffff  }
.Ltmp14:
0x53d: {  	v23 =	vmax.f32 v23, v25;
	v19 =	vld.idx.msk [tilespmem:v19+s30+$0x0], $0xffff;
	(pc) =	sbr.rel @p0 .LBB2_30-.Ltmp14, $4  }
0x53e: {  	v23 =	vmax.f32 v23, v26;
	v20 =	vld.idx.msk [tilespmem:v20+s30+$0x0], $0xffff  }
0x53f: {  	v23 =	vmax.f32 v23, v27;
	v21 =	vld.idx.msk [tilespmem:v21+s30+$0x0], $0xffff  }
0x540: {  	v24 =	vmov s15;
	v25 =	vmax.f32 v23, v28;
	v22 =	vld.idx.msk [tilespmem:v22+s30+$0x0], $0xffff  }
0x541: {  	s15 =	sadd.s32 $0x10, s15;
	v23 =	vshll.u32 v24, $0x4;
	v24 =	vmax.f32 v25, v29  }
0x542: {  	v23 =	vor.u32 v2, v23;
	v18 =	vmax.f32 v24, v18  }
0x543: {  	v24 =	vor.u32 v3, v23;
	v18 =	vmax.f32 v18, v19  }
0x544: {  	v19 =	vor.u32 v0, v23;
	v18 =	vmax.f32 v18, v20  }
0x545: {  	v20 =	vor.u32 v4, v23;
	v18 =	vmax.f32 v18, v21  }
0x546: {  	s14 =	sadd.s32 $0x10, s14;
	v21 =	vor.u32 v5, v23;
	v18 =	vmax.f32 v18, v22  }
0x547: {  	v22 =	vor.u32 v6, v23;
	[tilespmem:s14+$0x0] =	vst v18  }
0x548: {  	v18 =	vld.idx.msk [tilespmem:v24+s30+$0x0], $0xffff;
	v24 =	vor.u32 v7, v23  }
0x549: {  	v25 =	vor.u32 v9, v23;
	v19 =	vld.idx.msk [tilespmem:v19+s30+$0x0], $0xffff  }
0x54a: {  	v26 =	vor.u32 v10, v23;
	v20 =	vld.idx.msk [tilespmem:v20+s30+$0x0], $0xffff  }
0x54b: {  	v27 =	vor.u32 v8, v23;
	v21 =	vld.idx.msk [tilespmem:v21+s30+$0x0], $0xffff  }
0x54c: {  	v28 =	vor.u32 v11, v23;
	v22 =	vld.idx.msk [tilespmem:v22+s30+$0x0], $0xffff  }
0x54d: {  	v29 =	vor.u32 v12, v23;
	v24 =	vld.idx.msk [tilespmem:v24+s30+$0x0], $0xffff  }
0x54e: {  	v30 =	vor.u32 v13, v23;
	v25 =	vld.idx.msk [tilespmem:v25+s30+$0x0], $0xffff;
	v18 =	vmax.f32 v19, v18  }
0x54f: {  	v19 =	vld.idx.msk [tilespmem:v26+s30+$0x0], $0xffff;
	v26 =	vor.u32 v14, v23;
	v18 =	vmax.f32 v18, v20  }
0x550: {  	v20 =	vld.idx.msk [tilespmem:v27+s30+$0x0], $0xffff;
	v27 =	vor.u32 v15, v23;
	v18 =	vmax.f32 v18, v21  }
0x551: {  	v56 =	vor.u32 v16, v23;
	v21 =	vld.idx.msk [tilespmem:v28+s30+$0x0], $0xffff;
	v18 =	vmax.f32 v18, v22  }
0x552: {  	v23 =	vor.u32 v17, v23;
	v22 =	vld.idx.msk [tilespmem:v29+s30+$0x0], $0xffff;
	v18 =	vmax.f32 v18, v24  }
0x553: {  	v24 =	vld.idx.msk [tilespmem:v30+s30+$0x0], $0xffff;
	v18 =	vmax.f32 v18, v25  }
0x554: {  	v25 =	vld.idx.msk [tilespmem:v26+s30+$0x0], $0xffff;
	v18 =	vmax.f32 v18, v19  }
0x555: {  	v19 =	vld.idx.msk [tilespmem:v27+s30+$0x0], $0xffff;
	v18 =	vmax.f32 v18, v20  }
0x556: {  	v20 =	vld.idx.msk [tilespmem:v56+s30+$0x0], $0xffff;
	v18 =	vmax.f32 v18, v21  }
0x557: {  	v21 =	vld.idx.msk [tilespmem:v23+s30+$0x0], $0xffff;
	v18 =	vmax.f32 v18, v22  }
0x558: {  	v18 =	vmax.f32 v18, v24  }
0x559: {  	s15 =	simm.s32 $0x0;
	v18 =	vmax.f32 v18, v25  }
0x55a: {  	v18 =	vmax.f32 v18, v19;
	v19 =	vmov s15  }
0x55b: {  	v18 =	vmax.f32 v18, v20;
	v19 =	vshll.u32 v19, $0x4  }
0x55c: {  	s14 =	sadd.s32 $0x10, s14;
	v18 =	vmax.f32 v18, v21;
	v19 =	vor.u32 v2, v19  }
0x55d: {  	s16 =	rddreg [dreg:$0x9];
	[tilespmem:s14+$0x0] =	vst v18;
	s14 =	simm.s32 $0x7000;
	v18 =	vor.u32 v3, v19  }
0x55e: {  	v20 =	vor.u32 v0, v19;
	[hbm4b:s16+s15] =	stream.linear.scatter [tilespmem:s14], [sflag:$0x3], $0x400, $0x38;
	[tilespmem:$0x1F400] =	vst v63  }
0x55f: {  	v21 =	vor.u32 v4, v19;
	_ =	swait.ge [sflag:s11], $0x400  }
0x560: {  	v22 =	vor.u32 v5, v19;
	[sflag:s11] =	ssyncset.done $0x0  }
0x561: {  	v23 =	vor.u32 v6, v19;
	[sflag:s11] =	ssyncadd.s32 $0xFFFFFC00  }
0x562: {  	v24 =	vor.u32 v7, v19;
	v18 =	vld.idx.msk [tilespmem:v18+s31+$0x0], $0xffff  }
0x563: {  	v25 =	vor.u32 v9, v19;
	v20 =	vld.idx.msk [tilespmem:v20+s31+$0x0], $0xffff  }
0x564: {  	v26 =	vor.u32 v10, v19;
	v21 =	vld.idx.msk [tilespmem:v21+s31+$0x0], $0xffff  }
0x565: {  	v27 =	vor.u32 v8, v19;
	v22 =	vld.idx.msk [tilespmem:v22+s31+$0x0], $0xffff  }
0x566: {  	v57 =	vor.u32 v11, v19;
	v23 =	vld.idx.msk [tilespmem:v23+s31+$0x0], $0xffff  }
0x567: {  	v58 =	vor.u32 v12, v19;
	v24 =	vld.idx.msk [tilespmem:v24+s31+$0x0], $0xffff  }
0x568: {  	v59 =	vor.u32 v13, v19;
	v25 =	vld.idx.msk [tilespmem:v25+s31+$0x0], $0xffff;
	v18 =	vmax.f32 v20, v18  }
0x569: {  	v20 =	vld.idx.msk [tilespmem:v26+s31+$0x0], $0xffff;
	v26 =	vor.u32 v14, v19;
	v18 =	vmax.f32 v18, v21  }
0x56a: {  	v21 =	vld.idx.msk [tilespmem:v27+s31+$0x0], $0xffff;
	v27 =	vor.u32 v15, v19;
	v18 =	vmax.f32 v18, v22  }
0x56b: {  	v60 =	vor.u32 v16, v19;
	v22 =	vld.idx.msk [tilespmem:v57+s31+$0x0], $0xffff;
	v18 =	vmax.f32 v18, v23  }
0x56c: {  	v19 =	vor.u32 v17, v19;
	v23 =	vld.idx.msk [tilespmem:v58+s31+$0x0], $0xffff;
	v18 =	vmax.f32 v18, v24  }
0x56d: {  	v24 =	vld.idx.msk [tilespmem:v59+s31+$0x0], $0xffff;
	v18 =	vmax.f32 v18, v25  }
0x56e: {  	v25 =	vld.idx.msk [tilespmem:v26+s31+$0x0], $0xffff;
	v18 =	vmax.f32 v18, v20  }
0x56f: {  	s18 =	simm.s32 $0x10;
	v20 =	vld.idx.msk [tilespmem:v27+s31+$0x0], $0xffff;
	v18 =	vmax.f32 v18, v21  }
0x570: {  	v26 =	vmov s18;
	v21 =	vld.idx.msk [tilespmem:v60+s31+$0x0], $0xffff;
	v18 =	vmax.f32 v18, v22  }
0x571: {  	v19 =	vld.idx.msk [tilespmem:v19+s31+$0x0], $0xffff;
	v22 =	vshll.u32 v26, $0x4;
	v18 =	vmax.f32 v18, v23  }
0x572: {  	v22 =	vor.u32 v2, v22;
	v18 =	vmax.f32 v18, v24  }
0x573: {  	v23 =	vor.u32 v3, v22;
	v18 =	vmax.f32 v18, v25  }
0x574: {  	v24 =	vor.u32 v0, v22;
	v18 =	vmax.f32 v18, v20  }
0x575: {  	v20 =	vor.u32 v4, v22;
	v18 =	vmax.f32 v18, v21  }
0x576: {  	v21 =	vor.u32 v5, v22;
	v18 =	vmax.f32 v18, v19  }
0x577: {  	v19 =	vor.u32 v6, v22;
	[tilespmem:s14+$0x0] =	vst v18  }
0x578: {  	v18 =	vld.idx.msk [tilespmem:v23+s31+$0x0], $0xffff;
	v23 =	vor.u32 v7, v22  }
0x579: {  	v25 =	vor.u32 v9, v22;
	v24 =	vld.idx.msk [tilespmem:v24+s31+$0x0], $0xffff  }
0x57a: {  	v26 =	vor.u32 v10, v22;
	v20 =	vld.idx.msk [tilespmem:v20+s31+$0x0], $0xffff  }
0x57b: {  	v27 =	vor.u32 v8, v22;
	v21 =	vld.idx.msk [tilespmem:v21+s31+$0x0], $0xffff  }
0x57c: {  	v61 =	vor.u32 v11, v22;
	v19 =	vld.idx.msk [tilespmem:v19+s31+$0x0], $0xffff  }
0x57d: {  	v62 =	vor.u32 v12, v22;
	v23 =	vld.idx.msk [tilespmem:v23+s31+$0x0], $0xffff  }
0x57e: {  	v63 =	vor.u32 v13, v22;
	v25 =	vld.idx.msk [tilespmem:v25+s31+$0x0], $0xffff;
	v18 =	vmax.f32 v24, v18  }
0x57f: {  	v24 =	vld.idx.msk [tilespmem:v26+s31+$0x0], $0xffff;
	v26 =	vor.u32 v14, v22;
	v18 =	vmax.f32 v18, v20  }
0x580: {  	v27 =	vld.idx.msk [tilespmem:v27+s31+$0x0], $0xffff;
	v20 =	vor.u32 v15, v22;
	v18 =	vmax.f32 v18, v21  }
0x581: {  	v28 =	vld.idx.msk [tilespmem:v61+s31+$0x0], $0xffff;
	v21 =	vor.u32 v16, v22;
	v18 =	vmax.f32 v18, v19  }
0x582: {  	v29 =	vld.idx.msk [tilespmem:v62+s31+$0x0], $0xffff;
	v22 =	vor.u32 v17, v22;
	v19 =	vmax.f32 v18, v23  }
0x583: {  	v18 =	vld.idx.msk [tilespmem:v63+s31+$0x0], $0xffff;
	v23 =	vmax.f32 v19, v25  }
0x584: {  	v19 =	vld.idx.msk [tilespmem:v26+s31+$0x0], $0xffff;
	v23 =	vmax.f32 v23, v24  }
0x585: {  	s19 =	simm.s32 $0x20;
	v20 =	vld.idx.msk [tilespmem:v20+s31+$0x0], $0xffff;
	v23 =	vmax.f32 v23, v27  }
0x586: {  	v21 =	vld.idx.msk [tilespmem:v21+s31+$0x0], $0xffff;
	v24 =	vmov s19;
	v25 =	vmax.f32 v23, v28  }
0x587: {  	s15 =	simm.s32 $0x30;
	v22 =	vld.idx.msk [tilespmem:v22+s31+$0x0], $0xffff;
	v23 =	vshll.u32 v24, $0x4;
	v24 =	vmax.f32 v25, v29  }
.LBB2_32:
0x588: {  	p0 =	sne.s32 s15, $0x3F0;
	v23 =	vor.u32 v2, v23;
	v18 =	vmax.f32 v24, v18  }
0x589: {  	v24 =	vor.u32 v3, v23;
	v18 =	vmax.f32 v18, v19  }
0x58a: {  	v19 =	vor.u32 v0, v23;
	v18 =	vmax.f32 v18, v20  }
0x58b: {  	v20 =	vor.u32 v4, v23;
	v18 =	vmax.f32 v18, v21  }
0x58c: {  	s14 =	sadd.s32 $0x10, s14;
	v21 =	vor.u32 v5, v23;
	v18 =	vmax.f32 v18, v22  }
0x58d: {  	v22 =	vor.u32 v6, v23;
	[tilespmem:s14+$0x0] =	vst v18  }
0x58e: {  	v18 =	vld.idx.msk [tilespmem:v24+s31+$0x0], $0xffff;
	v24 =	vor.u32 v7, v23  }
0x58f: {  	v25 =	vor.u32 v9, v23;
	v19 =	vld.idx.msk [tilespmem:v19+s31+$0x0], $0xffff  }
0x590: {  	v26 =	vor.u32 v10, v23;
	v20 =	vld.idx.msk [tilespmem:v20+s31+$0x0], $0xffff  }
0x591: {  	v27 =	vor.u32 v8, v23;
	v21 =	vld.idx.msk [tilespmem:v21+s31+$0x0], $0xffff  }
0x592: {  	v28 =	vor.u32 v11, v23;
	v22 =	vld.idx.msk [tilespmem:v22+s31+$0x0], $0xffff  }
0x593: {  	v29 =	vor.u32 v12, v23;
	v24 =	vld.idx.msk [tilespmem:v24+s31+$0x0], $0xffff  }
0x594: {  	v30 =	vor.u32 v13, v23;
	v25 =	vld.idx.msk [tilespmem:v25+s31+$0x0], $0xffff  }
0x595: {  	v18 =	vmax.f32 v19, v18;
	v19 =	vor.u32 v14, v23;
	v26 =	vld.idx.msk [tilespmem:v26+s31+$0x0], $0xffff  }
0x596: {  	v18 =	vmax.f32 v18, v20;
	v20 =	vor.u32 v15, v23;
	v27 =	vld.idx.msk [tilespmem:v27+s31+$0x0], $0xffff  }
0x597: {  	v18 =	vmax.f32 v18, v21;
	v21 =	vor.u32 v16, v23;
	v28 =	vld.idx.msk [tilespmem:v28+s31+$0x0], $0xffff  }
0x598: {  	v18 =	vmax.f32 v18, v22;
	v22 =	vor.u32 v17, v23;
	v29 =	vld.idx.msk [tilespmem:v29+s31+$0x0], $0xffff  }
0x599: {  	v23 =	vmax.f32 v18, v24;
	v18 =	vld.idx.msk [tilespmem:v30+s31+$0x0], $0xffff  }
.Ltmp15:
0x59a: {  	v23 =	vmax.f32 v23, v25;
	v19 =	vld.idx.msk [tilespmem:v19+s31+$0x0], $0xffff;
	(pc) =	sbr.rel @p0 .LBB2_32-.Ltmp15, $4  }
0x59b: {  	v23 =	vmax.f32 v23, v26;
	v20 =	vld.idx.msk [tilespmem:v20+s31+$0x0], $0xffff  }
0x59c: {  	v23 =	vmax.f32 v23, v27;
	v21 =	vld.idx.msk [tilespmem:v21+s31+$0x0], $0xffff  }
0x59d: {  	v24 =	vmov s15;
	v25 =	vmax.f32 v23, v28;
	v22 =	vld.idx.msk [tilespmem:v22+s31+$0x0], $0xffff  }
0x59e: {  	s15 =	sadd.s32 $0x10, s15;
	v23 =	vshll.u32 v24, $0x4;
	v24 =	vmax.f32 v25, v29  }
0x59f: {  	v23 =	vor.u32 v2, v23;
	v18 =	vmax.f32 v24, v18  }
0x5a0: {  	v24 =	vor.u32 v3, v23;
	v18 =	vmax.f32 v18, v19  }
0x5a1: {  	v19 =	vor.u32 v0, v23;
	v18 =	vmax.f32 v18, v20  }
0x5a2: {  	v20 =	vor.u32 v4, v23;
	v18 =	vmax.f32 v18, v21  }
0x5a3: {  	s14 =	sadd.s32 $0x10, s14;
	v21 =	vor.u32 v5, v23;
	v18 =	vmax.f32 v18, v22  }
0x5a4: {  	v22 =	vor.u32 v6, v23;
	[tilespmem:s14+$0x0] =	vst v18  }
0x5a5: {  	v18 =	vld.idx.msk [tilespmem:v24+s31+$0x0], $0xffff;
	v24 =	vor.u32 v7, v23  }
0x5a6: {  	v25 =	vor.u32 v9, v23;
	v19 =	vld.idx.msk [tilespmem:v19+s31+$0x0], $0xffff  }
0x5a7: {  	v26 =	vor.u32 v10, v23;
	v20 =	vld.idx.msk [tilespmem:v20+s31+$0x0], $0xffff  }
0x5a8: {  	v27 =	vor.u32 v8, v23;
	v21 =	vld.idx.msk [tilespmem:v21+s31+$0x0], $0xffff  }
0x5a9: {  	v28 =	vor.u32 v11, v23;
	v22 =	vld.idx.msk [tilespmem:v22+s31+$0x0], $0xffff  }
0x5aa: {  	v29 =	vor.u32 v12, v23;
	v24 =	vld.idx.msk [tilespmem:v24+s31+$0x0], $0xffff  }
0x5ab: {  	v30 =	vor.u32 v13, v23;
	v25 =	vld.idx.msk [tilespmem:v25+s31+$0x0], $0xffff;
	v18 =	vmax.f32 v19, v18  }
0x5ac: {  	v19 =	vld.idx.msk [tilespmem:v26+s31+$0x0], $0xffff;
	v26 =	vor.u32 v14, v23;
	v18 =	vmax.f32 v18, v20  }
0x5ad: {  	v20 =	vld.idx.msk [tilespmem:v27+s31+$0x0], $0xffff;
	v27 =	vor.u32 v15, v23;
	v18 =	vmax.f32 v18, v21  }
0x5ae: {  	v56 =	vor.u32 v16, v23;
	v21 =	vld.idx.msk [tilespmem:v28+s31+$0x0], $0xffff;
	v18 =	vmax.f32 v18, v22  }
0x5af: {  	v23 =	vor.u32 v17, v23;
	v22 =	vld.idx.msk [tilespmem:v29+s31+$0x0], $0xffff;
	v18 =	vmax.f32 v18, v24  }
0x5b0: {  	v24 =	vld.idx.msk [tilespmem:v30+s31+$0x0], $0xffff;
	v18 =	vmax.f32 v18, v25  }
0x5b1: {  	v25 =	vld.idx.msk [tilespmem:v26+s31+$0x0], $0xffff;
	v18 =	vmax.f32 v18, v19  }
0x5b2: {  	v19 =	vld.idx.msk [tilespmem:v27+s31+$0x0], $0xffff;
	v18 =	vmax.f32 v18, v20  }
0x5b3: {  	v20 =	vld.idx.msk [tilespmem:v56+s31+$0x0], $0xffff;
	v18 =	vmax.f32 v18, v21  }
0x5b4: {  	v21 =	vld.idx.msk [tilespmem:v23+s31+$0x0], $0xffff;
	v18 =	vmax.f32 v18, v22  }
0x5b5: {  	v18 =	vmax.f32 v18, v24  }
0x5b6: {  	s15 =	simm.s32 $0x0;
	v18 =	vmax.f32 v18, v25  }
0x5b7: {  	v18 =	vmax.f32 v18, v19;
	v19 =	vmov s15  }
0x5b8: {  	v18 =	vmax.f32 v18, v20;
	v19 =	vshll.u32 v19, $0x4  }
0x5b9: {  	s14 =	sadd.s32 $0x10, s14;
	v18 =	vmax.f32 v18, v21;
	v19 =	vor.u32 v2, v19  }
0x5ba: {  	s16 =	rddreg [dreg:$0xa];
	[tilespmem:s14+$0x0] =	vst v18;
	s14 =	simm.s32 $0x7000;
	v18 =	vor.u32 v3, v19  }
0x5bb: {  	v20 =	vor.u32 v0, v19;
	[hbm4b:s16+s15] =	stream.linear.scatter [tilespmem:s14], [sflag:$0x3], $0x400, $0x38;
	[tilespmem:$0x1F400] =	vst v63  }
0x5bc: {  	v21 =	vor.u32 v4, v19;
	_ =	swait.ge [sflag:s11], $0x400  }
0x5bd: {  	v22 =	vor.u32 v5, v19;
	[sflag:s11] =	ssyncset.done $0x0  }
0x5be: {  	v23 =	vor.u32 v6, v19;
	[sflag:s11] =	ssyncadd.s32 $0xFFFFFC00  }
0x5bf: {  	v24 =	vor.u32 v7, v19;
	v18 =	vld.idx.msk [tilespmem:v18+s0+$0x0], $0xffff  }
0x5c0: {  	v25 =	vor.u32 v9, v19;
	v20 =	vld.idx.msk [tilespmem:v20+s0+$0x0], $0xffff  }
0x5c1: {  	v26 =	vor.u32 v10, v19;
	v21 =	vld.idx.msk [tilespmem:v21+s0+$0x0], $0xffff  }
0x5c2: {  	v27 =	vor.u32 v8, v19;
	v22 =	vld.idx.msk [tilespmem:v22+s0+$0x0], $0xffff  }
0x5c3: {  	v57 =	vor.u32 v11, v19;
	v23 =	vld.idx.msk [tilespmem:v23+s0+$0x0], $0xffff  }
0x5c4: {  	v58 =	vor.u32 v12, v19;
	v24 =	vld.idx.msk [tilespmem:v24+s0+$0x0], $0xffff  }
0x5c5: {  	v59 =	vor.u32 v13, v19;
	v25 =	vld.idx.msk [tilespmem:v25+s0+$0x0], $0xffff;
	v18 =	vmax.f32 v20, v18  }
0x5c6: {  	v20 =	vld.idx.msk [tilespmem:v26+s0+$0x0], $0xffff;
	v26 =	vor.u32 v14, v19;
	v18 =	vmax.f32 v18, v21  }
0x5c7: {  	v21 =	vld.idx.msk [tilespmem:v27+s0+$0x0], $0xffff;
	v27 =	vor.u32 v15, v19;
	v18 =	vmax.f32 v18, v22  }
0x5c8: {  	v60 =	vor.u32 v16, v19;
	v22 =	vld.idx.msk [tilespmem:v57+s0+$0x0], $0xffff;
	v18 =	vmax.f32 v18, v23  }
0x5c9: {  	v19 =	vor.u32 v17, v19;
	v23 =	vld.idx.msk [tilespmem:v58+s0+$0x0], $0xffff;
	v18 =	vmax.f32 v18, v24  }
0x5ca: {  	v24 =	vld.idx.msk [tilespmem:v59+s0+$0x0], $0xffff;
	v18 =	vmax.f32 v18, v25  }
0x5cb: {  	v25 =	vld.idx.msk [tilespmem:v26+s0+$0x0], $0xffff;
	v18 =	vmax.f32 v18, v20  }
0x5cc: {  	s18 =	simm.s32 $0x10;
	v20 =	vld.idx.msk [tilespmem:v27+s0+$0x0], $0xffff;
	v18 =	vmax.f32 v18, v21  }
0x5cd: {  	v26 =	vmov s18;
	v21 =	vld.idx.msk [tilespmem:v60+s0+$0x0], $0xffff;
	v18 =	vmax.f32 v18, v22  }
0x5ce: {  	v19 =	vld.idx.msk [tilespmem:v19+s0+$0x0], $0xffff;
	v22 =	vshll.u32 v26, $0x4;
	v18 =	vmax.f32 v18, v23  }
0x5cf: {  	v22 =	vor.u32 v2, v22;
	v18 =	vmax.f32 v18, v24  }
0x5d0: {  	v23 =	vor.u32 v3, v22;
	v18 =	vmax.f32 v18, v25  }
0x5d1: {  	v24 =	vor.u32 v0, v22;
	v18 =	vmax.f32 v18, v20  }
0x5d2: {  	v20 =	vor.u32 v4, v22;
	v18 =	vmax.f32 v18, v21  }
0x5d3: {  	v21 =	vor.u32 v5, v22;
	v18 =	vmax.f32 v18, v19  }
0x5d4: {  	v19 =	vor.u32 v6, v22;
	[tilespmem:s14+$0x0] =	vst v18  }
0x5d5: {  	v18 =	vld.idx.msk [tilespmem:v23+s0+$0x0], $0xffff;
	v23 =	vor.u32 v7, v22  }
0x5d6: {  	v25 =	vor.u32 v9, v22;
	v24 =	vld.idx.msk [tilespmem:v24+s0+$0x0], $0xffff  }
0x5d7: {  	v26 =	vor.u32 v10, v22;
	v20 =	vld.idx.msk [tilespmem:v20+s0+$0x0], $0xffff  }
0x5d8: {  	v27 =	vor.u32 v8, v22;
	v21 =	vld.idx.msk [tilespmem:v21+s0+$0x0], $0xffff  }
0x5d9: {  	v61 =	vor.u32 v11, v22;
	v19 =	vld.idx.msk [tilespmem:v19+s0+$0x0], $0xffff  }
0x5da: {  	v62 =	vor.u32 v12, v22;
	v23 =	vld.idx.msk [tilespmem:v23+s0+$0x0], $0xffff  }
0x5db: {  	v63 =	vor.u32 v13, v22;
	v25 =	vld.idx.msk [tilespmem:v25+s0+$0x0], $0xffff;
	v18 =	vmax.f32 v24, v18  }
0x5dc: {  	v24 =	vld.idx.msk [tilespmem:v26+s0+$0x0], $0xffff;
	v26 =	vor.u32 v14, v22;
	v18 =	vmax.f32 v18, v20  }
0x5dd: {  	v27 =	vld.idx.msk [tilespmem:v27+s0+$0x0], $0xffff;
	v20 =	vor.u32 v15, v22;
	v18 =	vmax.f32 v18, v21  }
0x5de: {  	v28 =	vld.idx.msk [tilespmem:v61+s0+$0x0], $0xffff;
	v21 =	vor.u32 v16, v22;
	v18 =	vmax.f32 v18, v19  }
0x5df: {  	v29 =	vld.idx.msk [tilespmem:v62+s0+$0x0], $0xffff;
	v22 =	vor.u32 v17, v22;
	v19 =	vmax.f32 v18, v23  }
0x5e0: {  	v18 =	vld.idx.msk [tilespmem:v63+s0+$0x0], $0xffff;
	v23 =	vmax.f32 v19, v25  }
0x5e1: {  	v19 =	vld.idx.msk [tilespmem:v26+s0+$0x0], $0xffff;
	v23 =	vmax.f32 v23, v24  }
0x5e2: {  	s19 =	simm.s32 $0x20;
	v20 =	vld.idx.msk [tilespmem:v20+s0+$0x0], $0xffff;
	v23 =	vmax.f32 v23, v27  }
0x5e3: {  	v21 =	vld.idx.msk [tilespmem:v21+s0+$0x0], $0xffff;
	v24 =	vmov s19;
	v25 =	vmax.f32 v23, v28  }
0x5e4: {  	s15 =	simm.s32 $0x30;
	v22 =	vld.idx.msk [tilespmem:v22+s0+$0x0], $0xffff;
	v23 =	vshll.u32 v24, $0x4;
	v24 =	vmax.f32 v25, v29  }
.LBB2_34:
0x5e5: {  	p0 =	sne.s32 s15, $0x3F0;
	v23 =	vor.u32 v2, v23;
	v18 =	vmax.f32 v24, v18  }
0x5e6: {  	v24 =	vor.u32 v3, v23;
	v18 =	vmax.f32 v18, v19  }
0x5e7: {  	v19 =	vor.u32 v0, v23;
	v18 =	vmax.f32 v18, v20  }
0x5e8: {  	v20 =	vor.u32 v4, v23;
	v18 =	vmax.f32 v18, v21  }
0x5e9: {  	s14 =	sadd.s32 $0x10, s14;
	v21 =	vor.u32 v5, v23;
	v18 =	vmax.f32 v18, v22  }
0x5ea: {  	v22 =	vor.u32 v6, v23;
	[tilespmem:s14+$0x0] =	vst v18  }
0x5eb: {  	v18 =	vld.idx.msk [tilespmem:v24+s0+$0x0], $0xffff;
	v24 =	vor.u32 v7, v23  }
0x5ec: {  	v25 =	vor.u32 v9, v23;
	v19 =	vld.idx.msk [tilespmem:v19+s0+$0x0], $0xffff  }
0x5ed: {  	v26 =	vor.u32 v10, v23;
	v20 =	vld.idx.msk [tilespmem:v20+s0+$0x0], $0xffff  }
0x5ee: {  	v27 =	vor.u32 v8, v23;
	v21 =	vld.idx.msk [tilespmem:v21+s0+$0x0], $0xffff  }
0x5ef: {  	v28 =	vor.u32 v11, v23;
	v22 =	vld.idx.msk [tilespmem:v22+s0+$0x0], $0xffff  }
0x5f0: {  	v29 =	vor.u32 v12, v23;
	v24 =	vld.idx.msk [tilespmem:v24+s0+$0x0], $0xffff  }
0x5f1: {  	v30 =	vor.u32 v13, v23;
	v25 =	vld.idx.msk [tilespmem:v25+s0+$0x0], $0xffff  }
0x5f2: {  	v18 =	vmax.f32 v19, v18;
	v19 =	vor.u32 v14, v23;
	v26 =	vld.idx.msk [tilespmem:v26+s0+$0x0], $0xffff  }
0x5f3: {  	v18 =	vmax.f32 v18, v20;
	v20 =	vor.u32 v15, v23;
	v27 =	vld.idx.msk [tilespmem:v27+s0+$0x0], $0xffff  }
0x5f4: {  	v18 =	vmax.f32 v18, v21;
	v21 =	vor.u32 v16, v23;
	v28 =	vld.idx.msk [tilespmem:v28+s0+$0x0], $0xffff  }
0x5f5: {  	v18 =	vmax.f32 v18, v22;
	v22 =	vor.u32 v17, v23;
	v29 =	vld.idx.msk [tilespmem:v29+s0+$0x0], $0xffff  }
0x5f6: {  	v23 =	vmax.f32 v18, v24;
	v18 =	vld.idx.msk [tilespmem:v30+s0+$0x0], $0xffff  }
.Ltmp16:
0x5f7: {  	v23 =	vmax.f32 v23, v25;
	v19 =	vld.idx.msk [tilespmem:v19+s0+$0x0], $0xffff;
	(pc) =	sbr.rel @p0 .LBB2_34-.Ltmp16, $4  }
0x5f8: {  	v23 =	vmax.f32 v23, v26;
	v20 =	vld.idx.msk [tilespmem:v20+s0+$0x0], $0xffff  }
0x5f9: {  	v23 =	vmax.f32 v23, v27;
	v21 =	vld.idx.msk [tilespmem:v21+s0+$0x0], $0xffff  }
0x5fa: {  	v24 =	vmov s15;
	v25 =	vmax.f32 v23, v28;
	v22 =	vld.idx.msk [tilespmem:v22+s0+$0x0], $0xffff  }
0x5fb: {  	s15 =	sadd.s32 $0x10, s15;
	v23 =	vshll.u32 v24, $0x4;
	v24 =	vmax.f32 v25, v29  }
0x5fc: {  	v23 =	vor.u32 v2, v23;
	v18 =	vmax.f32 v24, v18  }
0x5fd: {  	v24 =	vor.u32 v3, v23;
	v18 =	vmax.f32 v18, v19  }
0x5fe: {  	v19 =	vor.u32 v0, v23;
	v18 =	vmax.f32 v18, v20  }
0x5ff: {  	v20 =	vor.u32 v4, v23;
	v18 =	vmax.f32 v18, v21  }
0x600: {  	s14 =	sadd.s32 $0x10, s14;
	v21 =	vor.u32 v5, v23;
	v18 =	vmax.f32 v18, v22  }
0x601: {  	v22 =	vor.u32 v6, v23;
	[tilespmem:s14+$0x0] =	vst v18  }
0x602: {  	v18 =	vld.idx.msk [tilespmem:v24+s0+$0x0], $0xffff;
	v24 =	vor.u32 v7, v23  }
0x603: {  	v25 =	vor.u32 v9, v23;
	v19 =	vld.idx.msk [tilespmem:v19+s0+$0x0], $0xffff  }
0x604: {  	v26 =	vor.u32 v10, v23;
	v20 =	vld.idx.msk [tilespmem:v20+s0+$0x0], $0xffff  }
0x605: {  	v27 =	vor.u32 v8, v23;
	v21 =	vld.idx.msk [tilespmem:v21+s0+$0x0], $0xffff  }
0x606: {  	v28 =	vor.u32 v11, v23;
	v22 =	vld.idx.msk [tilespmem:v22+s0+$0x0], $0xffff  }
0x607: {  	v29 =	vor.u32 v12, v23;
	v24 =	vld.idx.msk [tilespmem:v24+s0+$0x0], $0xffff  }
0x608: {  	v30 =	vor.u32 v13, v23;
	v25 =	vld.idx.msk [tilespmem:v25+s0+$0x0], $0xffff;
	v18 =	vmax.f32 v19, v18  }
0x609: {  	v19 =	vld.idx.msk [tilespmem:v26+s0+$0x0], $0xffff;
	v26 =	vor.u32 v14, v23;
	v18 =	vmax.f32 v18, v20  }
0x60a: {  	v20 =	vld.idx.msk [tilespmem:v27+s0+$0x0], $0xffff;
	v27 =	vor.u32 v15, v23;
	v18 =	vmax.f32 v18, v21  }
0x60b: {  	v56 =	vor.u32 v16, v23;
	v21 =	vld.idx.msk [tilespmem:v28+s0+$0x0], $0xffff;
	v18 =	vmax.f32 v18, v22  }
0x60c: {  	v23 =	vor.u32 v17, v23;
	v22 =	vld.idx.msk [tilespmem:v29+s0+$0x0], $0xffff;
	v18 =	vmax.f32 v18, v24  }
0x60d: {  	v24 =	vld.idx.msk [tilespmem:v30+s0+$0x0], $0xffff;
	v18 =	vmax.f32 v18, v25  }
0x60e: {  	v25 =	vld.idx.msk [tilespmem:v26+s0+$0x0], $0xffff;
	v18 =	vmax.f32 v18, v19  }
0x60f: {  	v19 =	vld.idx.msk [tilespmem:v27+s0+$0x0], $0xffff;
	v18 =	vmax.f32 v18, v20  }
0x610: {  	v20 =	vld.idx.msk [tilespmem:v56+s0+$0x0], $0xffff;
	v18 =	vmax.f32 v18, v21  }
0x611: {  	v21 =	vld.idx.msk [tilespmem:v23+s0+$0x0], $0xffff;
	v18 =	vmax.f32 v18, v22  }
0x612: {  	v18 =	vmax.f32 v18, v24  }
0x613: {  	s15 =	simm.s32 $0x0;
	v18 =	vmax.f32 v18, v25  }
0x614: {  	v18 =	vmax.f32 v18, v19;
	v19 =	vmov s15  }
0x615: {  	v18 =	vmax.f32 v18, v20;
	v19 =	vshll.u32 v19, $0x4  }
0x616: {  	s14 =	sadd.s32 $0x10, s14;
	v18 =	vmax.f32 v18, v21;
	v19 =	vor.u32 v2, v19  }
0x617: {  	s16 =	rddreg [dreg:$0xb];
	[tilespmem:s14+$0x0] =	vst v18;
	s14 =	simm.s32 $0x7000;
	v18 =	vor.u32 v3, v19  }
0x618: {  	v20 =	vor.u32 v0, v19;
	[hbm4b:s16+s15] =	stream.linear.scatter [tilespmem:s14], [sflag:$0x3], $0x400, $0x38;
	[tilespmem:$0x1F400] =	vst v63  }
0x619: {  	v21 =	vor.u32 v4, v19;
	_ =	swait.ge [sflag:s11], $0x400  }
0x61a: {  	v22 =	vor.u32 v5, v19;
	[sflag:s11] =	ssyncset.done $0x0  }
0x61b: {  	v23 =	vor.u32 v6, v19;
	[sflag:s11] =	ssyncadd.s32 $0xFFFFFC00  }
0x61c: {  	v24 =	vor.u32 v7, v19;
	v18 =	vld.idx.msk [tilespmem:v18+s1+$0x0], $0xffff  }
0x61d: {  	v25 =	vor.u32 v9, v19;
	v20 =	vld.idx.msk [tilespmem:v20+s1+$0x0], $0xffff  }
0x61e: {  	v26 =	vor.u32 v10, v19;
	v21 =	vld.idx.msk [tilespmem:v21+s1+$0x0], $0xffff  }
0x61f: {  	v27 =	vor.u32 v8, v19;
	v22 =	vld.idx.msk [tilespmem:v22+s1+$0x0], $0xffff  }
0x620: {  	v57 =	vor.u32 v11, v19;
	v23 =	vld.idx.msk [tilespmem:v23+s1+$0x0], $0xffff  }
0x621: {  	v58 =	vor.u32 v12, v19;
	v24 =	vld.idx.msk [tilespmem:v24+s1+$0x0], $0xffff  }
0x622: {  	v59 =	vor.u32 v13, v19;
	v25 =	vld.idx.msk [tilespmem:v25+s1+$0x0], $0xffff;
	v18 =	vmax.f32 v20, v18  }
0x623: {  	v20 =	vld.idx.msk [tilespmem:v26+s1+$0x0], $0xffff;
	v26 =	vor.u32 v14, v19;
	v18 =	vmax.f32 v18, v21  }
0x624: {  	v21 =	vld.idx.msk [tilespmem:v27+s1+$0x0], $0xffff;
	v27 =	vor.u32 v15, v19;
	v18 =	vmax.f32 v18, v22  }
0x625: {  	v60 =	vor.u32 v16, v19;
	v22 =	vld.idx.msk [tilespmem:v57+s1+$0x0], $0xffff;
	v18 =	vmax.f32 v18, v23  }
0x626: {  	v19 =	vor.u32 v17, v19;
	v23 =	vld.idx.msk [tilespmem:v58+s1+$0x0], $0xffff;
	v18 =	vmax.f32 v18, v24  }
0x627: {  	v24 =	vld.idx.msk [tilespmem:v59+s1+$0x0], $0xffff;
	v18 =	vmax.f32 v18, v25  }
0x628: {  	v25 =	vld.idx.msk [tilespmem:v26+s1+$0x0], $0xffff;
	v18 =	vmax.f32 v18, v20  }
0x629: {  	s18 =	simm.s32 $0x10;
	v20 =	vld.idx.msk [tilespmem:v27+s1+$0x0], $0xffff;
	v18 =	vmax.f32 v18, v21  }
0x62a: {  	v26 =	vmov s18;
	v21 =	vld.idx.msk [tilespmem:v60+s1+$0x0], $0xffff;
	v18 =	vmax.f32 v18, v22  }
0x62b: {  	v19 =	vld.idx.msk [tilespmem:v19+s1+$0x0], $0xffff;
	v22 =	vshll.u32 v26, $0x4;
	v18 =	vmax.f32 v18, v23  }
0x62c: {  	v22 =	vor.u32 v2, v22;
	v18 =	vmax.f32 v18, v24  }
0x62d: {  	v23 =	vor.u32 v3, v22;
	v18 =	vmax.f32 v18, v25  }
0x62e: {  	v24 =	vor.u32 v0, v22;
	v18 =	vmax.f32 v18, v20  }
0x62f: {  	v20 =	vor.u32 v4, v22;
	v18 =	vmax.f32 v18, v21  }
0x630: {  	v21 =	vor.u32 v5, v22;
	v18 =	vmax.f32 v18, v19  }
0x631: {  	v19 =	vor.u32 v6, v22;
	[tilespmem:s14+$0x0] =	vst v18  }
0x632: {  	v18 =	vld.idx.msk [tilespmem:v23+s1+$0x0], $0xffff;
	v23 =	vor.u32 v7, v22  }
0x633: {  	v25 =	vor.u32 v9, v22;
	v24 =	vld.idx.msk [tilespmem:v24+s1+$0x0], $0xffff  }
0x634: {  	v26 =	vor.u32 v10, v22;
	v20 =	vld.idx.msk [tilespmem:v20+s1+$0x0], $0xffff  }
0x635: {  	v27 =	vor.u32 v8, v22;
	v21 =	vld.idx.msk [tilespmem:v21+s1+$0x0], $0xffff  }
0x636: {  	v61 =	vor.u32 v11, v22;
	v19 =	vld.idx.msk [tilespmem:v19+s1+$0x0], $0xffff  }
0x637: {  	v62 =	vor.u32 v12, v22;
	v23 =	vld.idx.msk [tilespmem:v23+s1+$0x0], $0xffff  }
0x638: {  	v63 =	vor.u32 v13, v22;
	v25 =	vld.idx.msk [tilespmem:v25+s1+$0x0], $0xffff;
	v18 =	vmax.f32 v24, v18  }
0x639: {  	v24 =	vld.idx.msk [tilespmem:v26+s1+$0x0], $0xffff;
	v26 =	vor.u32 v14, v22;
	v18 =	vmax.f32 v18, v20  }
0x63a: {  	v27 =	vld.idx.msk [tilespmem:v27+s1+$0x0], $0xffff;
	v20 =	vor.u32 v15, v22;
	v18 =	vmax.f32 v18, v21  }
0x63b: {  	v28 =	vld.idx.msk [tilespmem:v61+s1+$0x0], $0xffff;
	v21 =	vor.u32 v16, v22;
	v18 =	vmax.f32 v18, v19  }
0x63c: {  	v29 =	vld.idx.msk [tilespmem:v62+s1+$0x0], $0xffff;
	v22 =	vor.u32 v17, v22;
	v19 =	vmax.f32 v18, v23  }
0x63d: {  	v18 =	vld.idx.msk [tilespmem:v63+s1+$0x0], $0xffff;
	v23 =	vmax.f32 v19, v25  }
0x63e: {  	v19 =	vld.idx.msk [tilespmem:v26+s1+$0x0], $0xffff;
	v23 =	vmax.f32 v23, v24  }
0x63f: {  	s19 =	simm.s32 $0x20;
	v20 =	vld.idx.msk [tilespmem:v20+s1+$0x0], $0xffff;
	v23 =	vmax.f32 v23, v27  }
0x640: {  	v21 =	vld.idx.msk [tilespmem:v21+s1+$0x0], $0xffff;
	v24 =	vmov s19;
	v25 =	vmax.f32 v23, v28  }
0x641: {  	s15 =	simm.s32 $0x30;
	v22 =	vld.idx.msk [tilespmem:v22+s1+$0x0], $0xffff;
	v23 =	vshll.u32 v24, $0x4;
	v24 =	vmax.f32 v25, v29  }
.LBB2_36:
0x642: {  	p0 =	sne.s32 s15, $0x3F0;
	v23 =	vor.u32 v2, v23;
	v18 =	vmax.f32 v24, v18  }
0x643: {  	v24 =	vor.u32 v3, v23;
	v18 =	vmax.f32 v18, v19  }
0x644: {  	v19 =	vor.u32 v0, v23;
	v18 =	vmax.f32 v18, v20  }
0x645: {  	v20 =	vor.u32 v4, v23;
	v18 =	vmax.f32 v18, v21  }
0x646: {  	s14 =	sadd.s32 $0x10, s14;
	v21 =	vor.u32 v5, v23;
	v18 =	vmax.f32 v18, v22  }
0x647: {  	v22 =	vor.u32 v6, v23;
	[tilespmem:s14+$0x0] =	vst v18  }
0x648: {  	v18 =	vld.idx.msk [tilespmem:v24+s1+$0x0], $0xffff;
	v24 =	vor.u32 v7, v23  }
0x649: {  	v25 =	vor.u32 v9, v23;
	v19 =	vld.idx.msk [tilespmem:v19+s1+$0x0], $0xffff  }
0x64a: {  	v26 =	vor.u32 v10, v23;
	v20 =	vld.idx.msk [tilespmem:v20+s1+$0x0], $0xffff  }
0x64b: {  	v27 =	vor.u32 v8, v23;
	v21 =	vld.idx.msk [tilespmem:v21+s1+$0x0], $0xffff  }
0x64c: {  	v28 =	vor.u32 v11, v23;
	v22 =	vld.idx.msk [tilespmem:v22+s1+$0x0], $0xffff  }
0x64d: {  	v29 =	vor.u32 v12, v23;
	v24 =	vld.idx.msk [tilespmem:v24+s1+$0x0], $0xffff  }
0x64e: {  	v30 =	vor.u32 v13, v23;
	v25 =	vld.idx.msk [tilespmem:v25+s1+$0x0], $0xffff  }
0x64f: {  	v18 =	vmax.f32 v19, v18;
	v19 =	vor.u32 v14, v23;
	v26 =	vld.idx.msk [tilespmem:v26+s1+$0x0], $0xffff  }
0x650: {  	v18 =	vmax.f32 v18, v20;
	v20 =	vor.u32 v15, v23;
	v27 =	vld.idx.msk [tilespmem:v27+s1+$0x0], $0xffff  }
0x651: {  	v18 =	vmax.f32 v18, v21;
	v21 =	vor.u32 v16, v23;
	v28 =	vld.idx.msk [tilespmem:v28+s1+$0x0], $0xffff  }
0x652: {  	v18 =	vmax.f32 v18, v22;
	v22 =	vor.u32 v17, v23;
	v29 =	vld.idx.msk [tilespmem:v29+s1+$0x0], $0xffff  }
0x653: {  	v23 =	vmax.f32 v18, v24;
	v18 =	vld.idx.msk [tilespmem:v30+s1+$0x0], $0xffff  }
.Ltmp17:
0x654: {  	v23 =	vmax.f32 v23, v25;
	v19 =	vld.idx.msk [tilespmem:v19+s1+$0x0], $0xffff;
	(pc) =	sbr.rel @p0 .LBB2_36-.Ltmp17, $4  }
0x655: {  	v23 =	vmax.f32 v23, v26;
	v20 =	vld.idx.msk [tilespmem:v20+s1+$0x0], $0xffff  }
0x656: {  	v23 =	vmax.f32 v23, v27;
	v21 =	vld.idx.msk [tilespmem:v21+s1+$0x0], $0xffff  }
0x657: {  	v24 =	vmov s15;
	v25 =	vmax.f32 v23, v28;
	v22 =	vld.idx.msk [tilespmem:v22+s1+$0x0], $0xffff  }
0x658: {  	s15 =	sadd.s32 $0x10, s15;
	v23 =	vshll.u32 v24, $0x4;
	v24 =	vmax.f32 v25, v29  }
0x659: {  	v23 =	vor.u32 v2, v23;
	v18 =	vmax.f32 v24, v18  }
0x65a: {  	v24 =	vor.u32 v3, v23;
	v18 =	vmax.f32 v18, v19  }
0x65b: {  	v19 =	vor.u32 v0, v23;
	v18 =	vmax.f32 v18, v20  }
0x65c: {  	v20 =	vor.u32 v4, v23;
	v18 =	vmax.f32 v18, v21  }
0x65d: {  	s14 =	sadd.s32 $0x10, s14;
	v21 =	vor.u32 v5, v23;
	v18 =	vmax.f32 v18, v22  }
0x65e: {  	v22 =	vor.u32 v6, v23;
	[tilespmem:s14+$0x0] =	vst v18  }
0x65f: {  	v18 =	vld.idx.msk [tilespmem:v24+s1+$0x0], $0xffff;
	v24 =	vor.u32 v7, v23  }
0x660: {  	v25 =	vor.u32 v9, v23;
	v19 =	vld.idx.msk [tilespmem:v19+s1+$0x0], $0xffff  }
0x661: {  	v26 =	vor.u32 v10, v23;
	v20 =	vld.idx.msk [tilespmem:v20+s1+$0x0], $0xffff  }
0x662: {  	v27 =	vor.u32 v8, v23;
	v21 =	vld.idx.msk [tilespmem:v21+s1+$0x0], $0xffff  }
0x663: {  	v28 =	vor.u32 v11, v23;
	v22 =	vld.idx.msk [tilespmem:v22+s1+$0x0], $0xffff  }
0x664: {  	v29 =	vor.u32 v12, v23;
	v24 =	vld.idx.msk [tilespmem:v24+s1+$0x0], $0xffff  }
0x665: {  	v30 =	vor.u32 v13, v23;
	v25 =	vld.idx.msk [tilespmem:v25+s1+$0x0], $0xffff;
	v18 =	vmax.f32 v19, v18  }
0x666: {  	v19 =	vld.idx.msk [tilespmem:v26+s1+$0x0], $0xffff;
	v26 =	vor.u32 v14, v23;
	v18 =	vmax.f32 v18, v20  }
0x667: {  	v20 =	vld.idx.msk [tilespmem:v27+s1+$0x0], $0xffff;
	v27 =	vor.u32 v15, v23;
	v18 =	vmax.f32 v18, v21  }
0x668: {  	v56 =	vor.u32 v16, v23;
	v21 =	vld.idx.msk [tilespmem:v28+s1+$0x0], $0xffff;
	v18 =	vmax.f32 v18, v22  }
0x669: {  	v23 =	vor.u32 v17, v23;
	v22 =	vld.idx.msk [tilespmem:v29+s1+$0x0], $0xffff;
	v18 =	vmax.f32 v18, v24  }
0x66a: {  	v24 =	vld.idx.msk [tilespmem:v30+s1+$0x0], $0xffff;
	v18 =	vmax.f32 v18, v25  }
0x66b: {  	v25 =	vld.idx.msk [tilespmem:v26+s1+$0x0], $0xffff;
	v18 =	vmax.f32 v18, v19  }
0x66c: {  	v19 =	vld.idx.msk [tilespmem:v27+s1+$0x0], $0xffff;
	v18 =	vmax.f32 v18, v20  }
0x66d: {  	v20 =	vld.idx.msk [tilespmem:v56+s1+$0x0], $0xffff;
	v18 =	vmax.f32 v18, v21  }
0x66e: {  	v21 =	vld.idx.msk [tilespmem:v23+s1+$0x0], $0xffff;
	v18 =	vmax.f32 v18, v22  }
0x66f: {  	v18 =	vmax.f32 v18, v24  }
0x670: {  	s15 =	simm.s32 $0x0;
	v18 =	vmax.f32 v18, v25  }
0x671: {  	v18 =	vmax.f32 v18, v19;
	v19 =	vmov s15  }
0x672: {  	v18 =	vmax.f32 v18, v20;
	v19 =	vshll.u32 v19, $0x4  }
0x673: {  	s14 =	sadd.s32 $0x10, s14;
	v18 =	vmax.f32 v18, v21;
	v19 =	vor.u32 v2, v19  }
0x674: {  	[tilespmem:s14+$0x0] =	vst v18;
	s14 =	simm.s32 $0x7000;
	v18 =	vor.u32 v3, v19  }
0x675: {  	v20 =	vor.u32 v0, v19;
	[hbm4b:s20+s15] =	stream.linear.scatter [tilespmem:s14], [sflag:$0x3], $0x400, $0x38;
	[tilespmem:$0x1F400] =	vst v63  }
0x676: {  	v21 =	vor.u32 v4, v19;
	_ =	swait.ge [sflag:s11], $0x400  }
0x677: {  	v22 =	vor.u32 v5, v19;
	[sflag:s11] =	ssyncset.done $0x0  }
0x678: {  	v23 =	vor.u32 v6, v19;
	[sflag:s11] =	ssyncadd.s32 $0xFFFFFC00  }
0x679: {  	v24 =	vor.u32 v7, v19;
	v18 =	vld.idx.msk [tilespmem:v18+s2+$0x0], $0xffff  }
0x67a: {  	v25 =	vor.u32 v9, v19;
	v20 =	vld.idx.msk [tilespmem:v20+s2+$0x0], $0xffff  }
0x67b: {  	v26 =	vor.u32 v10, v19;
	v21 =	vld.idx.msk [tilespmem:v21+s2+$0x0], $0xffff  }
0x67c: {  	v27 =	vor.u32 v8, v19;
	v22 =	vld.idx.msk [tilespmem:v22+s2+$0x0], $0xffff  }
0x67d: {  	v57 =	vor.u32 v11, v19;
	v23 =	vld.idx.msk [tilespmem:v23+s2+$0x0], $0xffff  }
0x67e: {  	v58 =	vor.u32 v12, v19;
	v24 =	vld.idx.msk [tilespmem:v24+s2+$0x0], $0xffff  }
0x67f: {  	v59 =	vor.u32 v13, v19;
	v25 =	vld.idx.msk [tilespmem:v25+s2+$0x0], $0xffff;
	v18 =	vmax.f32 v20, v18  }
0x680: {  	v20 =	vld.idx.msk [tilespmem:v26+s2+$0x0], $0xffff;
	v26 =	vor.u32 v14, v19;
	v18 =	vmax.f32 v18, v21  }
0x681: {  	v21 =	vld.idx.msk [tilespmem:v27+s2+$0x0], $0xffff;
	v27 =	vor.u32 v15, v19;
	v18 =	vmax.f32 v18, v22  }
0x682: {  	v60 =	vor.u32 v16, v19;
	v22 =	vld.idx.msk [tilespmem:v57+s2+$0x0], $0xffff;
	v18 =	vmax.f32 v18, v23  }
0x683: {  	v19 =	vor.u32 v17, v19;
	v23 =	vld.idx.msk [tilespmem:v58+s2+$0x0], $0xffff;
	v18 =	vmax.f32 v18, v24  }
0x684: {  	v24 =	vld.idx.msk [tilespmem:v59+s2+$0x0], $0xffff;
	v18 =	vmax.f32 v18, v25  }
0x685: {  	v25 =	vld.idx.msk [tilespmem:v26+s2+$0x0], $0xffff;
	v18 =	vmax.f32 v18, v20  }
0x686: {  	s18 =	simm.s32 $0x10;
	v20 =	vld.idx.msk [tilespmem:v27+s2+$0x0], $0xffff;
	v18 =	vmax.f32 v18, v21  }
0x687: {  	v26 =	vmov s18;
	v21 =	vld.idx.msk [tilespmem:v60+s2+$0x0], $0xffff;
	v18 =	vmax.f32 v18, v22  }
0x688: {  	v19 =	vld.idx.msk [tilespmem:v19+s2+$0x0], $0xffff;
	v22 =	vshll.u32 v26, $0x4;
	v18 =	vmax.f32 v18, v23  }
0x689: {  	v22 =	vor.u32 v2, v22;
	v18 =	vmax.f32 v18, v24  }
0x68a: {  	v23 =	vor.u32 v3, v22;
	v18 =	vmax.f32 v18, v25  }
0x68b: {  	v24 =	vor.u32 v0, v22;
	v18 =	vmax.f32 v18, v20  }
0x68c: {  	v20 =	vor.u32 v4, v22;
	v18 =	vmax.f32 v18, v21  }
0x68d: {  	v21 =	vor.u32 v5, v22;
	v18 =	vmax.f32 v18, v19  }
0x68e: {  	v19 =	vor.u32 v6, v22;
	[tilespmem:s14+$0x0] =	vst v18  }
0x68f: {  	v18 =	vld.idx.msk [tilespmem:v23+s2+$0x0], $0xffff;
	v23 =	vor.u32 v7, v22  }
0x690: {  	v25 =	vor.u32 v9, v22;
	v24 =	vld.idx.msk [tilespmem:v24+s2+$0x0], $0xffff  }
0x691: {  	v26 =	vor.u32 v10, v22;
	v20 =	vld.idx.msk [tilespmem:v20+s2+$0x0], $0xffff  }
0x692: {  	v27 =	vor.u32 v8, v22;
	v21 =	vld.idx.msk [tilespmem:v21+s2+$0x0], $0xffff  }
0x693: {  	v61 =	vor.u32 v11, v22;
	v19 =	vld.idx.msk [tilespmem:v19+s2+$0x0], $0xffff  }
0x694: {  	v62 =	vor.u32 v12, v22;
	v23 =	vld.idx.msk [tilespmem:v23+s2+$0x0], $0xffff  }
0x695: {  	v63 =	vor.u32 v13, v22;
	v25 =	vld.idx.msk [tilespmem:v25+s2+$0x0], $0xffff;
	v18 =	vmax.f32 v24, v18  }
0x696: {  	v24 =	vld.idx.msk [tilespmem:v26+s2+$0x0], $0xffff;
	v26 =	vor.u32 v14, v22;
	v18 =	vmax.f32 v18, v20  }
0x697: {  	v27 =	vld.idx.msk [tilespmem:v27+s2+$0x0], $0xffff;
	v20 =	vor.u32 v15, v22;
	v18 =	vmax.f32 v18, v21  }
0x698: {  	v28 =	vld.idx.msk [tilespmem:v61+s2+$0x0], $0xffff;
	v21 =	vor.u32 v16, v22;
	v18 =	vmax.f32 v18, v19  }
0x699: {  	v29 =	vld.idx.msk [tilespmem:v62+s2+$0x0], $0xffff;
	v22 =	vor.u32 v17, v22;
	v19 =	vmax.f32 v18, v23  }
0x69a: {  	v18 =	vld.idx.msk [tilespmem:v63+s2+$0x0], $0xffff;
	v23 =	vmax.f32 v19, v25  }
0x69b: {  	v19 =	vld.idx.msk [tilespmem:v26+s2+$0x0], $0xffff;
	v23 =	vmax.f32 v23, v24  }
0x69c: {  	s19 =	simm.s32 $0x20;
	v20 =	vld.idx.msk [tilespmem:v20+s2+$0x0], $0xffff;
	v23 =	vmax.f32 v23, v27  }
0x69d: {  	v21 =	vld.idx.msk [tilespmem:v21+s2+$0x0], $0xffff;
	v24 =	vmov s19;
	v25 =	vmax.f32 v23, v28  }
0x69e: {  	s15 =	simm.s32 $0x30;
	v22 =	vld.idx.msk [tilespmem:v22+s2+$0x0], $0xffff;
	v23 =	vshll.u32 v24, $0x4;
	v24 =	vmax.f32 v25, v29  }
.LBB2_38:
0x69f: {  	p0 =	sne.s32 s15, $0x3F0;
	v23 =	vor.u32 v2, v23;
	v18 =	vmax.f32 v24, v18  }
0x6a0: {  	v24 =	vor.u32 v3, v23;
	v18 =	vmax.f32 v18, v19  }
0x6a1: {  	v19 =	vor.u32 v0, v23;
	v18 =	vmax.f32 v18, v20  }
0x6a2: {  	v20 =	vor.u32 v4, v23;
	v18 =	vmax.f32 v18, v21  }
0x6a3: {  	s14 =	sadd.s32 $0x10, s14;
	v21 =	vor.u32 v5, v23;
	v18 =	vmax.f32 v18, v22  }
0x6a4: {  	v22 =	vor.u32 v6, v23;
	[tilespmem:s14+$0x0] =	vst v18  }
0x6a5: {  	v18 =	vld.idx.msk [tilespmem:v24+s2+$0x0], $0xffff;
	v24 =	vor.u32 v7, v23  }
0x6a6: {  	v25 =	vor.u32 v9, v23;
	v19 =	vld.idx.msk [tilespmem:v19+s2+$0x0], $0xffff  }
0x6a7: {  	v26 =	vor.u32 v10, v23;
	v20 =	vld.idx.msk [tilespmem:v20+s2+$0x0], $0xffff  }
0x6a8: {  	v27 =	vor.u32 v8, v23;
	v21 =	vld.idx.msk [tilespmem:v21+s2+$0x0], $0xffff  }
0x6a9: {  	v28 =	vor.u32 v11, v23;
	v22 =	vld.idx.msk [tilespmem:v22+s2+$0x0], $0xffff  }
0x6aa: {  	v29 =	vor.u32 v12, v23;
	v24 =	vld.idx.msk [tilespmem:v24+s2+$0x0], $0xffff  }
0x6ab: {  	v30 =	vor.u32 v13, v23;
	v25 =	vld.idx.msk [tilespmem:v25+s2+$0x0], $0xffff  }
0x6ac: {  	v18 =	vmax.f32 v19, v18;
	v19 =	vor.u32 v14, v23;
	v26 =	vld.idx.msk [tilespmem:v26+s2+$0x0], $0xffff  }
0x6ad: {  	v18 =	vmax.f32 v18, v20;
	v20 =	vor.u32 v15, v23;
	v27 =	vld.idx.msk [tilespmem:v27+s2+$0x0], $0xffff  }
0x6ae: {  	v18 =	vmax.f32 v18, v21;
	v21 =	vor.u32 v16, v23;
	v28 =	vld.idx.msk [tilespmem:v28+s2+$0x0], $0xffff  }
0x6af: {  	v18 =	vmax.f32 v18, v22;
	v22 =	vor.u32 v17, v23;
	v29 =	vld.idx.msk [tilespmem:v29+s2+$0x0], $0xffff  }
0x6b0: {  	v23 =	vmax.f32 v18, v24;
	v18 =	vld.idx.msk [tilespmem:v30+s2+$0x0], $0xffff  }
.Ltmp18:
0x6b1: {  	v23 =	vmax.f32 v23, v25;
	v19 =	vld.idx.msk [tilespmem:v19+s2+$0x0], $0xffff;
	(pc) =	sbr.rel @p0 .LBB2_38-.Ltmp18, $4  }
0x6b2: {  	v23 =	vmax.f32 v23, v26;
	v20 =	vld.idx.msk [tilespmem:v20+s2+$0x0], $0xffff  }
0x6b3: {  	v23 =	vmax.f32 v23, v27;
	v21 =	vld.idx.msk [tilespmem:v21+s2+$0x0], $0xffff  }
0x6b4: {  	v24 =	vmov s15;
	v25 =	vmax.f32 v23, v28;
	v22 =	vld.idx.msk [tilespmem:v22+s2+$0x0], $0xffff  }
0x6b5: {  	s15 =	sadd.s32 $0x10, s15;
	v23 =	vshll.u32 v24, $0x4;
	v24 =	vmax.f32 v25, v29  }
0x6b6: {  	v23 =	vor.u32 v2, v23;
	v18 =	vmax.f32 v24, v18  }
0x6b7: {  	v24 =	vor.u32 v3, v23;
	v18 =	vmax.f32 v18, v19  }
0x6b8: {  	v19 =	vor.u32 v0, v23;
	v18 =	vmax.f32 v18, v20  }
0x6b9: {  	v20 =	vor.u32 v4, v23;
	v18 =	vmax.f32 v18, v21  }
0x6ba: {  	s14 =	sadd.s32 $0x10, s14;
	v21 =	vor.u32 v5, v23;
	v18 =	vmax.f32 v18, v22  }
0x6bb: {  	v22 =	vor.u32 v6, v23;
	[tilespmem:s14+$0x0] =	vst v18  }
0x6bc: {  	v18 =	vld.idx.msk [tilespmem:v24+s2+$0x0], $0xffff;
	v24 =	vor.u32 v7, v23  }
0x6bd: {  	v25 =	vor.u32 v9, v23;
	v19 =	vld.idx.msk [tilespmem:v19+s2+$0x0], $0xffff  }
0x6be: {  	v26 =	vor.u32 v10, v23;
	v20 =	vld.idx.msk [tilespmem:v20+s2+$0x0], $0xffff  }
0x6bf: {  	v27 =	vor.u32 v8, v23;
	v21 =	vld.idx.msk [tilespmem:v21+s2+$0x0], $0xffff  }
0x6c0: {  	v28 =	vor.u32 v11, v23;
	v22 =	vld.idx.msk [tilespmem:v22+s2+$0x0], $0xffff  }
0x6c1: {  	v29 =	vor.u32 v12, v23;
	v24 =	vld.idx.msk [tilespmem:v24+s2+$0x0], $0xffff  }
0x6c2: {  	v30 =	vor.u32 v13, v23;
	v25 =	vld.idx.msk [tilespmem:v25+s2+$0x0], $0xffff;
	v18 =	vmax.f32 v19, v18  }
0x6c3: {  	v19 =	vld.idx.msk [tilespmem:v26+s2+$0x0], $0xffff;
	v26 =	vor.u32 v14, v23;
	v18 =	vmax.f32 v18, v20  }
0x6c4: {  	v20 =	vld.idx.msk [tilespmem:v27+s2+$0x0], $0xffff;
	v27 =	vor.u32 v15, v23;
	v18 =	vmax.f32 v18, v21  }
0x6c5: {  	v56 =	vor.u32 v16, v23;
	v21 =	vld.idx.msk [tilespmem:v28+s2+$0x0], $0xffff;
	v18 =	vmax.f32 v18, v22  }
0x6c6: {  	v23 =	vor.u32 v17, v23;
	v22 =	vld.idx.msk [tilespmem:v29+s2+$0x0], $0xffff;
	v18 =	vmax.f32 v18, v24  }
0x6c7: {  	v24 =	vld.idx.msk [tilespmem:v30+s2+$0x0], $0xffff;
	v18 =	vmax.f32 v18, v25  }
0x6c8: {  	v25 =	vld.idx.msk [tilespmem:v26+s2+$0x0], $0xffff;
	v18 =	vmax.f32 v18, v19  }
0x6c9: {  	v19 =	vld.idx.msk [tilespmem:v27+s2+$0x0], $0xffff;
	v18 =	vmax.f32 v18, v20  }
0x6ca: {  	v20 =	vld.idx.msk [tilespmem:v56+s2+$0x0], $0xffff;
	v18 =	vmax.f32 v18, v21  }
0x6cb: {  	v21 =	vld.idx.msk [tilespmem:v23+s2+$0x0], $0xffff;
	v18 =	vmax.f32 v18, v22  }
0x6cc: {  	v18 =	vmax.f32 v18, v24  }
0x6cd: {  	s15 =	simm.s32 $0x0;
	v18 =	vmax.f32 v18, v25  }
0x6ce: {  	v18 =	vmax.f32 v18, v19;
	v19 =	vmov s15  }
0x6cf: {  	v18 =	vmax.f32 v18, v20;
	v19 =	vshll.u32 v19, $0x4  }
0x6d0: {  	s14 =	sadd.s32 $0x10, s14;
	v18 =	vmax.f32 v18, v21;
	v19 =	vor.u32 v2, v19  }
0x6d1: {  	[tilespmem:s14+$0x0] =	vst v18;
	s14 =	simm.s32 $0x7000;
	v18 =	vor.u32 v3, v19  }
0x6d2: {  	v20 =	vor.u32 v0, v19;
	[hbm4b:s21+s15] =	stream.linear.scatter [tilespmem:s14], [sflag:$0x3], $0x400, $0x38;
	[tilespmem:$0x1F400] =	vst v63  }
0x6d3: {  	v21 =	vor.u32 v4, v19;
	_ =	swait.ge [sflag:s11], $0x400  }
0x6d4: {  	v22 =	vor.u32 v5, v19;
	[sflag:s11] =	ssyncset.done $0x0  }
0x6d5: {  	v23 =	vor.u32 v6, v19;
	[sflag:s11] =	ssyncadd.s32 $0xFFFFFC00  }
0x6d6: {  	v24 =	vor.u32 v7, v19;
	v18 =	vld.idx.msk [tilespmem:v18+s8+$0x0], $0xffff  }
0x6d7: {  	v25 =	vor.u32 v9, v19;
	v20 =	vld.idx.msk [tilespmem:v20+s8+$0x0], $0xffff  }
0x6d8: {  	v26 =	vor.u32 v10, v19;
	v21 =	vld.idx.msk [tilespmem:v21+s8+$0x0], $0xffff  }
0x6d9: {  	v27 =	vor.u32 v8, v19;
	v22 =	vld.idx.msk [tilespmem:v22+s8+$0x0], $0xffff  }
0x6da: {  	v57 =	vor.u32 v11, v19;
	v23 =	vld.idx.msk [tilespmem:v23+s8+$0x0], $0xffff  }
0x6db: {  	v58 =	vor.u32 v12, v19;
	v24 =	vld.idx.msk [tilespmem:v24+s8+$0x0], $0xffff  }
0x6dc: {  	v59 =	vor.u32 v13, v19;
	v25 =	vld.idx.msk [tilespmem:v25+s8+$0x0], $0xffff;
	v18 =	vmax.f32 v20, v18  }
0x6dd: {  	v20 =	vld.idx.msk [tilespmem:v26+s8+$0x0], $0xffff;
	v26 =	vor.u32 v14, v19;
	v18 =	vmax.f32 v18, v21  }
0x6de: {  	v21 =	vld.idx.msk [tilespmem:v27+s8+$0x0], $0xffff;
	v27 =	vor.u32 v15, v19;
	v18 =	vmax.f32 v18, v22  }
0x6df: {  	v60 =	vor.u32 v16, v19;
	v22 =	vld.idx.msk [tilespmem:v57+s8+$0x0], $0xffff;
	v18 =	vmax.f32 v18, v23  }
0x6e0: {  	v19 =	vor.u32 v17, v19;
	v23 =	vld.idx.msk [tilespmem:v58+s8+$0x0], $0xffff;
	v18 =	vmax.f32 v18, v24  }
0x6e1: {  	v24 =	vld.idx.msk [tilespmem:v59+s8+$0x0], $0xffff;
	v18 =	vmax.f32 v18, v25  }
0x6e2: {  	v25 =	vld.idx.msk [tilespmem:v26+s8+$0x0], $0xffff;
	v18 =	vmax.f32 v18, v20  }
0x6e3: {  	s18 =	simm.s32 $0x10;
	v20 =	vld.idx.msk [tilespmem:v27+s8+$0x0], $0xffff;
	v18 =	vmax.f32 v18, v21  }
0x6e4: {  	v26 =	vmov s18;
	v21 =	vld.idx.msk [tilespmem:v60+s8+$0x0], $0xffff;
	v18 =	vmax.f32 v18, v22  }
0x6e5: {  	v19 =	vld.idx.msk [tilespmem:v19+s8+$0x0], $0xffff;
	v22 =	vshll.u32 v26, $0x4;
	v18 =	vmax.f32 v18, v23  }
0x6e6: {  	v22 =	vor.u32 v2, v22;
	v18 =	vmax.f32 v18, v24  }
0x6e7: {  	v23 =	vor.u32 v3, v22;
	v18 =	vmax.f32 v18, v25  }
0x6e8: {  	v24 =	vor.u32 v0, v22;
	v18 =	vmax.f32 v18, v20  }
0x6e9: {  	v20 =	vor.u32 v4, v22;
	v18 =	vmax.f32 v18, v21  }
0x6ea: {  	v21 =	vor.u32 v5, v22;
	v18 =	vmax.f32 v18, v19  }
0x6eb: {  	v19 =	vor.u32 v6, v22;
	[tilespmem:s14+$0x0] =	vst v18  }
0x6ec: {  	v18 =	vld.idx.msk [tilespmem:v23+s8+$0x0], $0xffff;
	v23 =	vor.u32 v7, v22  }
0x6ed: {  	v25 =	vor.u32 v9, v22;
	v24 =	vld.idx.msk [tilespmem:v24+s8+$0x0], $0xffff  }
0x6ee: {  	v26 =	vor.u32 v10, v22;
	v20 =	vld.idx.msk [tilespmem:v20+s8+$0x0], $0xffff  }
0x6ef: {  	v27 =	vor.u32 v8, v22;
	v21 =	vld.idx.msk [tilespmem:v21+s8+$0x0], $0xffff  }
0x6f0: {  	v61 =	vor.u32 v11, v22;
	v19 =	vld.idx.msk [tilespmem:v19+s8+$0x0], $0xffff  }
0x6f1: {  	v62 =	vor.u32 v12, v22;
	v23 =	vld.idx.msk [tilespmem:v23+s8+$0x0], $0xffff  }
0x6f2: {  	v63 =	vor.u32 v13, v22;
	v25 =	vld.idx.msk [tilespmem:v25+s8+$0x0], $0xffff;
	v18 =	vmax.f32 v24, v18  }
0x6f3: {  	v24 =	vld.idx.msk [tilespmem:v26+s8+$0x0], $0xffff;
	v26 =	vor.u32 v14, v22;
	v18 =	vmax.f32 v18, v20  }
0x6f4: {  	v27 =	vld.idx.msk [tilespmem:v27+s8+$0x0], $0xffff;
	v20 =	vor.u32 v15, v22;
	v18 =	vmax.f32 v18, v21  }
0x6f5: {  	v28 =	vld.idx.msk [tilespmem:v61+s8+$0x0], $0xffff;
	v21 =	vor.u32 v16, v22;
	v18 =	vmax.f32 v18, v19  }
0x6f6: {  	v29 =	vld.idx.msk [tilespmem:v62+s8+$0x0], $0xffff;
	v22 =	vor.u32 v17, v22;
	v19 =	vmax.f32 v18, v23  }
0x6f7: {  	v18 =	vld.idx.msk [tilespmem:v63+s8+$0x0], $0xffff;
	v23 =	vmax.f32 v19, v25  }
0x6f8: {  	v19 =	vld.idx.msk [tilespmem:v26+s8+$0x0], $0xffff;
	v23 =	vmax.f32 v23, v24  }
0x6f9: {  	s19 =	simm.s32 $0x20;
	v20 =	vld.idx.msk [tilespmem:v20+s8+$0x0], $0xffff;
	v23 =	vmax.f32 v23, v27  }
0x6fa: {  	v21 =	vld.idx.msk [tilespmem:v21+s8+$0x0], $0xffff;
	v24 =	vmov s19;
	v25 =	vmax.f32 v23, v28  }
0x6fb: {  	s15 =	simm.s32 $0x30;
	v22 =	vld.idx.msk [tilespmem:v22+s8+$0x0], $0xffff;
	v23 =	vshll.u32 v24, $0x4;
	v24 =	vmax.f32 v25, v29  }
.LBB2_40:
0x6fc: {  	p0 =	sne.s32 s15, $0x3F0;
	v23 =	vor.u32 v2, v23;
	v18 =	vmax.f32 v24, v18  }
0x6fd: {  	v24 =	vor.u32 v3, v23;
	v18 =	vmax.f32 v18, v19  }
0x6fe: {  	v19 =	vor.u32 v0, v23;
	v18 =	vmax.f32 v18, v20  }
0x6ff: {  	v20 =	vor.u32 v4, v23;
	v18 =	vmax.f32 v18, v21  }
0x700: {  	s14 =	sadd.s32 $0x10, s14;
	v21 =	vor.u32 v5, v23;
	v18 =	vmax.f32 v18, v22  }
0x701: {  	v22 =	vor.u32 v6, v23;
	[tilespmem:s14+$0x0] =	vst v18  }
0x702: {  	v18 =	vld.idx.msk [tilespmem:v24+s8+$0x0], $0xffff;
	v24 =	vor.u32 v7, v23  }
0x703: {  	v25 =	vor.u32 v9, v23;
	v19 =	vld.idx.msk [tilespmem:v19+s8+$0x0], $0xffff  }
0x704: {  	v26 =	vor.u32 v10, v23;
	v20 =	vld.idx.msk [tilespmem:v20+s8+$0x0], $0xffff  }
0x705: {  	v27 =	vor.u32 v8, v23;
	v21 =	vld.idx.msk [tilespmem:v21+s8+$0x0], $0xffff  }
0x706: {  	v28 =	vor.u32 v11, v23;
	v22 =	vld.idx.msk [tilespmem:v22+s8+$0x0], $0xffff  }
0x707: {  	v29 =	vor.u32 v12, v23;
	v24 =	vld.idx.msk [tilespmem:v24+s8+$0x0], $0xffff  }
0x708: {  	v30 =	vor.u32 v13, v23;
	v25 =	vld.idx.msk [tilespmem:v25+s8+$0x0], $0xffff  }
0x709: {  	v18 =	vmax.f32 v19, v18;
	v19 =	vor.u32 v14, v23;
	v26 =	vld.idx.msk [tilespmem:v26+s8+$0x0], $0xffff  }
0x70a: {  	v18 =	vmax.f32 v18, v20;
	v20 =	vor.u32 v15, v23;
	v27 =	vld.idx.msk [tilespmem:v27+s8+$0x0], $0xffff  }
0x70b: {  	v18 =	vmax.f32 v18, v21;
	v21 =	vor.u32 v16, v23;
	v28 =	vld.idx.msk [tilespmem:v28+s8+$0x0], $0xffff  }
0x70c: {  	v18 =	vmax.f32 v18, v22;
	v22 =	vor.u32 v17, v23;
	v29 =	vld.idx.msk [tilespmem:v29+s8+$0x0], $0xffff  }
0x70d: {  	v23 =	vmax.f32 v18, v24;
	v18 =	vld.idx.msk [tilespmem:v30+s8+$0x0], $0xffff  }
.Ltmp19:
0x70e: {  	v23 =	vmax.f32 v23, v25;
	v19 =	vld.idx.msk [tilespmem:v19+s8+$0x0], $0xffff;
	(pc) =	sbr.rel @p0 .LBB2_40-.Ltmp19, $4  }
0x70f: {  	v23 =	vmax.f32 v23, v26;
	v20 =	vld.idx.msk [tilespmem:v20+s8+$0x0], $0xffff  }
0x710: {  	v23 =	vmax.f32 v23, v27;
	v21 =	vld.idx.msk [tilespmem:v21+s8+$0x0], $0xffff  }
0x711: {  	v24 =	vmov s15;
	v25 =	vmax.f32 v23, v28;
	v22 =	vld.idx.msk [tilespmem:v22+s8+$0x0], $0xffff  }
0x712: {  	s15 =	sadd.s32 $0x10, s15;
	v23 =	vshll.u32 v24, $0x4;
	v24 =	vmax.f32 v25, v29  }
0x713: {  	v23 =	vor.u32 v2, v23;
	v18 =	vmax.f32 v24, v18  }
0x714: {  	v49 =	vor.u32 v3, v23;
	v18 =	vmax.f32 v18, v19  }
0x715: {  	v19 =	vor.u32 v0, v23;
	v18 =	vmax.f32 v18, v20  }
0x716: {  	v50 =	vor.u32 v4, v23;
	v18 =	vmax.f32 v18, v21  }
0x717: {  	s14 =	sadd.s32 $0x10, s14;
	v51 =	vor.u32 v5, v23;
	v18 =	vmax.f32 v18, v22  }
0x718: {  	v52 =	vor.u32 v6, v23;
	[tilespmem:s14+$0x0] =	vst v18  }
0x719: {  	v53 =	vor.u32 v7, v23;
	v18 =	vld.idx.msk [tilespmem:v49+s8+$0x0], $0xffff  }
0x71a: {  	v25 =	vor.u32 v9, v23;
	v19 =	vld.idx.msk [tilespmem:v19+s8+$0x0], $0xffff  }
0x71b: {  	v26 =	vor.u32 v10, v23;
	v20 =	vld.idx.msk [tilespmem:v50+s8+$0x0], $0xffff  }
0x71c: {  	v27 =	vor.u32 v8, v23;
	v21 =	vld.idx.msk [tilespmem:v51+s8+$0x0], $0xffff  }
0x71d: {  	v28 =	vor.u32 v11, v23;
	v22 =	vld.idx.msk [tilespmem:v52+s8+$0x0], $0xffff  }
0x71e: {  	v29 =	vor.u32 v12, v23;
	v24 =	vld.idx.msk [tilespmem:v53+s8+$0x0], $0xffff  }
0x71f: {  	v30 =	vor.u32 v13, v23;
	v25 =	vld.idx.msk [tilespmem:v25+s8+$0x0], $0xffff;
	v18 =	vmax.f32 v19, v18  }
0x720: {  	v54 =	vor.u32 v14, v23;
	v19 =	vld.idx.msk [tilespmem:v26+s8+$0x0], $0xffff;
	v18 =	vmax.f32 v18, v20  }
0x721: {  	v56 =	vor.u32 v15, v23;
	v55 =	vld.idx.msk [tilespmem:v27+s8+$0x0], $0xffff;
	v18 =	vmax.f32 v18, v21  }
0x722: {  	v58 =	vor.u32 v16, v23;
	v57 =	vld.idx.msk [tilespmem:v28+s8+$0x0], $0xffff;
	v18 =	vmax.f32 v18, v22  }
0x723: {  	v23 =	vor.u32 v17, v23;
	v59 =	vld.idx.msk [tilespmem:v29+s8+$0x0], $0xffff;
	v18 =	vmax.f32 v18, v24  }
0x724: {  	v60 =	vld.idx.msk [tilespmem:v30+s8+$0x0], $0xffff;
	v18 =	vmax.f32 v18, v25  }
0x725: {  	v61 =	vld.idx.msk [tilespmem:v54+s8+$0x0], $0xffff;
	v18 =	vmax.f32 v18, v19  }
0x726: {  	v19 =	vld.idx.msk [tilespmem:v56+s8+$0x0], $0xffff;
	v18 =	vmax.f32 v18, v55  }
0x727: {  	v62 =	vld.idx.msk [tilespmem:v58+s8+$0x0], $0xffff;
	v18 =	vmax.f32 v18, v57  }
0x728: {  	v63 =	vld.idx.msk [tilespmem:v23+s8+$0x0], $0xffff;
	v18 =	vmax.f32 v18, v59  }
0x729: {  	v18 =	vmax.f32 v18, v60  }
0x72a: {  	v18 =	vmax.f32 v18, v61  }
0x72b: {  	v18 =	vmax.f32 v18, v19  }
0x72c: {  	s12 =	sadd.s32 $0x1, s12;
	v18 =	vmax.f32 v18, v62  }
0x72d: {  	p0 =	sne.s32 s12, s23;
	s14 =	sadd.s32 $0x10, s14;
	v18 =	vmax.f32 v18, v63  }
.Ltmp20:
0x72e: {  	s19 =	simm.s32 $0x0;
	s15 =	simm.s32 $0x7000;
	[tilespmem:s14+$0x0] =	vst v18;
	(pc) =	sbr.rel @p0 .LBB2_1-.Ltmp20, $4  }
0x72f: {  	[hbm4b:s22+s19] =	stream.linear.scatter [tilespmem:s15], [sflag:$0x3], $0x400, $0x38;
	[tilespmem:$0x1F400] =	vst v63  }
0x730: {  	_ =	swait.ge [sflag:s11], $0x400  }
0x731: {  	[sflag:s11] =	ssyncset.done $0x0  }
0x732: {  	[sflag:s11] =	ssyncadd.s32 $0xFFFFFC00  }
0x733: {  	_ =	sfence.sel $0x180000  }
0x734: {  	[bflag:$0x0] =	sbarrier.arrive $0xFFFF  }
0x735: {  	_ =	strace $0x90000047  }
0x736: {  	s0 =	stileid.u32;
	[bflag:$0x2] =	sbarrier.arrive $0xFFFF  }
0x737: {  	p0 =	sne.s32 s0, $0x0;
	s0 =	rddreg [dreg:$0x1]  }
0x738: {  	s0 =	sadd.s32 @!p0 $0x100000, s0  }
0x739: {  	[sflag:s0] =	ssyncadd.tile.s32 @!p0 $0x1;
	_ =	shalt  }
.Lfunc_end2:
_tile_overlayer_lowered:
.L_overlay_start_2:
0x73a: {  	(tag) =	ssettag $0x2  }
0x73b: {  	s0 =	rddreg [dreg:$0x0];
	s2 =	stileid.u32  }
0x73c: {  	s1 =	rddreg [dreg:$0x1];
	p0 =	sne.s32 s2, $0x0  }
0x73d: {  	s3 =	rddreg [dreg:$0x2];
	[bflag:$0x3] =	sbarrier.arrive $0xFFFF;
	s2 =	simm.s32 @!p0 $0x1C03  }
0x73e: {  	[timem:s3], [sflag:s2] =	dma.local @!p0 [hbm:s0], s1  }
0x73f: {  	s0 =	simm.s32 @!p0 $0x3  }
0x740: {  	_ =	swait.ge @!p0 [sflag:s0], s1  }
0x741: {  	s1 =	ssub.s32 @!p0 $0x0, s1;
	[sflag:s0] =	ssyncset.done @!p0 $0x0  }
0x742: {  	[sflag:s0] =	ssyncadd.s32 @!p0 s1  }
0x743: {  	[bflag:$0x3] =	sbarrier.arrive $0xFFFF  }
0x744: {  	_ =	shalt  }

</sc_bundles>
